<compile_context>
chip_gen: v7x
topology: tpu7x:2x2x1
jax: 0.10.2.dev20260603
libtpu: 0.0.44.dev20260713+nightly
codegen_flags: <defaults>
</compile_context>

<pallas_src>
import functools
import jax
import jax.numpy as jnp
from jax import lax
from jax.experimental import pallas as pl
from jax.experimental.pallas import tpu as pltpu
from jax.experimental.pallas import tpu_sc as plsc

_POOL = 7
_MAX_TOK = 784.0
_MIN_TOK = 196.0

_HWS = ((100, 152), (50, 76), (25, 38), (13, 19))
_BASES = (0, 15200, 19000, 19952)
_TABLE_ROWS = 20224

_NB = 1024
_NOUT = 1000
_PER_WORKER = 32
_K = 16
_NPIX = _POOL * _POOL
_NJ = _NPIX * _K
_CHUNK = 112
_NCHUNK = _NJ // _CHUNK


def _pack_rows(t):
    u = lax.bitcast_convert_type(t.astype(jnp.bfloat16), jnp.uint16)
    u = u.astype(jnp.uint32)
    lo = jnp.concatenate([u[:, 0:16], u[:, 32:48]], axis=1)
    hi = jnp.concatenate([u[:, 16:32], u[:, 48:64]], axis=1)
    return lax.bitcast_convert_type(lo | (hi << 16), jnp.int32)


def _relayout_body(p0, p1, p2, p3, out):
    out[pl.ds(0, 15200), :] = _pack_rows(p0[...].T)
    out[pl.ds(15200, 3800), :] = _pack_rows(p1[...].T)
    out[pl.ds(19000, 952), :] = _pack_rows(p2[...].T)
    out[pl.ds(19952, 248), :] = _pack_rows(p3[...].T)


def _build_table(P0, P1, P2, P3):
    C = P0.shape[0]
    f0 = P0.reshape(C, -1)
    f1 = P1.reshape(C, -1)
    f2 = jnp.pad(P2.reshape(C, -1), ((0, 0), (0, 2)))
    f3 = jnp.pad(P3.reshape(C, -1), ((0, 0), (0, 1)))
    return pl.pallas_call(
        _relayout_body,
        out_shape=jax.ShapeDtypeStruct((_TABLE_ROWS, C // 2), jnp.int32),
    )(f0, f1, f2, f3)


def _params_body(bb_ref, prm_ref):
    bb = bb_ref[...]
    bx1 = bb[:, 0:1]
    by1 = bb[:, 1:2]
    bx2 = bb[:, 2:3]
    by2 = bb[:, 3:4]
    area = (bx2 - bx1) * (by2 - by1)

    choice = jnp.full_like(area, 3.0)
    for lvl in (2, 1, 0):
        h, w = _HWS[lvl]
        tok = area * float(h * w)
        m = (tok < _MAX_TOK) & (tok >= _MIN_TOK)
        choice = jnp.where(m, float(lvl), choice)

    def sel(vals):
        r = jnp.full_like(area, vals[3])
        for lvl in (2, 1, 0):
            r = jnp.where(choice == float(lvl), vals[lvl], r)
        return r

    Hc = sel([float(h) for h, _ in _HWS])
    Wc = sel([float(w) for _, w in _HWS])
    basec = sel([float(b) for b in _BASES])

    x1 = bx1 * Wc - 0.5
    y1 = by1 * Hc - 0.5
    bin_h = (by2 * Hc - 0.5 - y1) / float(_POOL)
    bin_w = (bx2 * Wc - 0.5 - x1) / float(_POOL)

    prm = jnp.concatenate(
        [y1, x1, bin_h, bin_w, Hc - 1.0, Wc - 1.0, Wc, basec], axis=1
    )
    prm_ref[...] = jnp.broadcast_to(prm[:, :, None], prm.shape + (16,))


def _gen_params(bboxes_padded):
    grid = 8
    blk = _NB // grid
    return pl.pallas_call(
        _params_body,
        grid=(grid,),
        in_specs=[pl.BlockSpec((blk, 4), lambda i: (i, 0))],
        out_specs=pl.BlockSpec((blk, 8, 16), lambda i: (i, 0, 0)),
        out_shape=jax.ShapeDtypeStruct((_NB, 8, 16), jnp.float32),
    )(bboxes_padded)


def _sc_body(table_hbm, prm_hbm, out_hbm, prm_v, idx_v, w_v, rows_v, out_v,
             gsem0, gsem1, osem0, osem1):
    wid = lax.axis_index("s") * 2 + lax.axis_index("c")
    base = wid * _PER_WORKER
    gsems = (gsem0, gsem1)
    osems = (osem0, osem1)

    kl = lax.iota(jnp.int32, 16)
    syh = (((kl >> 3) & 1).astype(jnp.float32) * 0.5 + 0.25)
    sxh = (((kl >> 1) & 1).astype(jnp.float32) * 0.5 + 0.25)
    cym = ((kl >> 2) & 1) == 1
    cxm = (kl & 1) == 1

    def corner(v, cmask, em1f, em1i):
        v = jnp.maximum(v, 0.0)
        vli = v.astype(jnp.int32)
        vlf = vli.astype(jnp.float32)
        edge = vlf >= em1f
        lof = jnp.where(edge, em1f, vlf)
        loi = lof.astype(jnp.int32)
        hii = jnp.minimum(loi + 1, em1i)
        frac = jnp.where(edge, 0.0, v - vlf)
        wgt = jnp.where(cmask, frac, 1.0 - frac)
        pos = jnp.where(cmask, hii, loi)
        return pos, wgt

    def fire(b, buf):
        pltpu.sync_copy(prm_hbm.at[b], prm_v.at[buf])
        y1v = prm_v[buf, 0, :]
        x1v = prm_v[buf, 1, :]
        bhv = prm_v[buf, 2, :]
        bwv = prm_v[buf, 3, :]
        hm1f = prm_v[buf, 4, :]
        wm1f = prm_v[buf, 5, :]
        wfv = prm_v[buf, 6, :]
        basef = prm_v[buf, 7, :]
        hm1i = hm1f.astype(jnp.int32)
        wm1i = wm1f.astype(jnp.int32)
        wiv = wfv.astype(jnp.int32)
        basei = basef.astype(jnp.int32)

        def ph_body(ph, c1):
            phf = jnp.full((16,), ph, jnp.int32).astype(jnp.float32)
            yv = y1v + (phf + syh) * bhv
            ypos, wy = corner(yv, cym, hm1f, hm1i)
            yrow = basei + ypos * wiv

            def pw_body(pw, c2):
                pwf = jnp.full((16,), pw, jnp.int32).astype(jnp.float32)
                xv = x1v + (pwf + sxh) * bwv
                xpos, wx = corner(xv, cxm, wm1f, wm1i)
                idx_v[buf, ph, pl.ds(pw * 16, 16)] = yrow + xpos
                w_v[buf, pl.ds((ph * 7 + pw) * 16, 16)] = wy * wx * 0.25
                return c2

            lax.fori_loop(0, _POOL, pw_body, 0)
            return c1

        lax.fori_loop(0, _POOL, ph_body, 0)

        for c in range(_NCHUNK):
            pltpu.async_copy(
                table_hbm.at[idx_v.at[buf, c]],
                rows_v.at[buf, pl.ds(c * _CHUNK, _CHUNK)],
                gsems[buf].at[c],
            )

    def drain_chunk(buf, c):
        pltpu.make_async_copy(
            table_hbm.at[idx_v.at[buf, c]],
            rows_v.at[buf, pl.ds(c * _CHUNK, _CHUNK)],
            gsems[buf].at[c],
        ).wait()

    def drain_out(buf):
        pltpu.make_async_copy(out_v.at[buf], out_hbm.at[base], osems[buf]).wait()

    bufsplat = [jnp.full((16,), 0, jnp.int32), jnp.full((16,), 1, jnp.int32)]
    kl49 = kl * _NPIX

    def compute(b, buf):
        def pix_body(p, carry2):
            r0 = p * _K
            acca = [jnp.zeros((16,), jnp.float32) for _ in range(4)]
            accb = [jnp.zeros((16,), jnp.float32) for _ in range(4)]
            wvec = w_v[buf, pl.ds(r0, _K)]
            for k in range(_K):
                ws = wvec[k]
                accs = acca if (k & 1) == 0 else accb
                for h in range(2):
                    bc = rows_v[buf, r0 + k, pl.ds(h * 32, 32)]
                    va, vb = plsc.unpack(bc, format=plsc.PackFormat.INTERLEAVED)
                    accs[2 * h] = accs[2 * h] + ws * va
                    accs[2 * h + 1] = accs[2 * h + 1] + ws * vb
            for q in range(4):
                plsc.store_scatter(
                    out_v,
                    [bufsplat[buf], kl49 + (q * 16 * _NPIX + p)],
                    acca[q] + accb[q],
                )
            return carry2

        for c in range(_NCHUNK):
            drain_chunk(buf, c)
        lax.fori_loop(0, _NPIX, pix_body, 0)

        @pl.when(b < _NOUT)
        def _():
            pltpu.async_copy(out_v.at[buf], out_hbm.at[b], osems[buf])

    npair = _PER_WORKER // 2
    fire(base, 0)

    def pair_body(g, carry):
        b0 = base + 2 * g
        fire(b0 + 1, 1)

        @pl.when((g > 0) & (b0 - 2 < _NOUT))
        def _():
            drain_out(0)

        compute(b0, 0)

        @pl.when(g < npair - 1)
        def _():
            fire(b0 + 2, 0)

        @pl.when((g > 0) & (b0 - 1 < _NOUT))
        def _():
            drain_out(1)

        compute(b0 + 1, 1)
        return carry

    lax.fori_loop(0, npair, pair_body, 0)
    if True:
        @pl.when(base + _PER_WORKER - 2 < _NOUT)
        def _():
            drain_out(0)

        @pl.when(base + _PER_WORKER - 1 < _NOUT)
        def _():
            drain_out(1)


def _sc_gather(table, prm):
    mesh = plsc.VectorSubcoreMesh(core_axis_name="c", subcore_axis_name="s")
    kern = functools.partial(
        pl.kernel,
        mesh=mesh,
        compiler_params=pltpu.CompilerParams(
            use_tc_tiling_on_sc=False, needs_layout_passes=False
        ),
        out_type=jax.ShapeDtypeStruct((_NOUT, 64 * _NPIX), jnp.float32),
        scratch_types=[
            pltpu.VMEM((2, 8, 16), jnp.float32),
            pltpu.VMEM((2, _NCHUNK, _CHUNK), jnp.int32),
            pltpu.VMEM((2, _NJ), jnp.float32),
            pltpu.VMEM((2, _NJ, 64), jnp.bfloat16),
            pltpu.VMEM((2, 64 * _NPIX), jnp.float32),
            pltpu.SemaphoreType.DMA((_NCHUNK,)),
            pltpu.SemaphoreType.DMA((_NCHUNK,)),
            pltpu.SemaphoreType.DMA,
            pltpu.SemaphoreType.DMA,
        ],
    )(_sc_body)
    table_bf = lax.bitcast_convert_type(table, jnp.bfloat16).reshape(_TABLE_ROWS, 64)
    return kern(table_bf, prm)


def _tc_copy_body(i_ref, o_ref):
    o_ref[...] = i_ref[...]


def _tc_copy(x):
    grid = 5
    blk = _NOUT // grid
    return pl.pallas_call(
        _tc_copy_body,
        grid=(grid,),
        in_specs=[pl.BlockSpec((blk, 64 * _NPIX), lambda i: (i, 0))],
        out_specs=pl.BlockSpec((blk, 64 * _NPIX), lambda i: (i, 0)),
        out_shape=jax.ShapeDtypeStruct((_NOUT, 64 * _NPIX), jnp.float32),
    )(x)


def kernel(bboxes, P0, P1, P2, P3):
    N = bboxes.shape[0]
    table = _build_table(P0, P1, P2, P3)
    bb = jnp.pad(bboxes, ((0, _NB - N), (0, 0)))
    prm = _gen_params(bb)
    out = _tc_copy(_sc_gather(table, prm))
    return out.reshape(_NOUT, 64, _POOL, _POOL)[:N]

# --- scband reference (transcript-rebuilt; emitter-appended) ---
"""Pipeline reference for scband-crop-layer-54674933678552 (READ-ONLY COPY).

The authoritative reference and input builder live on the scoring server;
editing this copy changes nothing except your own understanding.
"""

import jax, jax.numpy as jnp
import numpy as np

POOL = (7, 7)
MAX_TOK = 784
MIN_TOK = MAX_TOK // 4
SR = 2

def _bilinear(P, y, x):
    C, H, W = P.shape
    valid = (y >= -1.0) & (y <= H) & (x >= -1.0) & (x <= W)
    y = jnp.maximum(y, 0.0)
    x = jnp.maximum(x, 0.0)
    yl = jnp.floor(y)
    xl = jnp.floor(x)
    cy = yl >= (H - 1)
    cx = xl >= (W - 1)
    y_low = jnp.where(cy, float(H - 1), yl).astype(jnp.int32)
    x_low = jnp.where(cx, float(W - 1), xl).astype(jnp.int32)
    y_high = jnp.minimum(y_low + 1, H - 1)
    x_high = jnp.minimum(x_low + 1, W - 1)
    ly = jnp.where(cy, 0.0, y - yl)
    lx = jnp.where(cx, 0.0, x - xl)
    hy = 1.0 - ly
    hx = 1.0 - lx
    v1 = P[:, y_low, x_low]
    v2 = P[:, y_low, x_high]
    v3 = P[:, y_high, x_low]
    v4 = P[:, y_high, x_high]
    out = (hy * hx)[None] * v1 + (hy * lx)[None] * v2 + (ly * hx)[None] * v3 + (ly * lx)[None] * v4
    return jnp.where(valid[None], out, 0.0)

def _roi_align(P, boxes, ph, pw, sr):
    # torchvision roi_align, spatial_scale=1.0, aligned=True, fixed sampling_ratio=sr
    x1 = boxes[:, 0] - 0.5
    y1 = boxes[:, 1] - 0.5
    x2 = boxes[:, 2] - 0.5
    y2 = boxes[:, 3] - 0.5
    bin_h = (y2 - y1) / ph
    bin_w = (x2 - x1) / pw
    frac = (jnp.arange(sr) + 0.5) / sr
    ys = y1[:, None, None] + (jnp.arange(ph)[None, :, None] + frac[None, None, :]) * bin_h[:, None, None]
    xs = x1[:, None, None] + (jnp.arange(pw)[None, :, None] + frac[None, None, :]) * bin_w[:, None, None]
    N = boxes.shape[0]
    Y = jnp.broadcast_to(ys[:, :, :, None, None], (N, ph, sr, pw, sr))
    X = jnp.broadcast_to(xs[:, None, None, :, :], (N, ph, sr, pw, sr))
    vals = _bilinear(P, Y, X)
    out = vals.mean(axis=(3, 5))
    return jnp.transpose(out, (1, 0, 2, 3))

def _forward(bboxes, fms):
    fm_areas = jnp.array([float(f.shape[-2] * f.shape[-1]) for f in fms], dtype=bboxes.dtype)
    w = bboxes[:, 2] - bboxes[:, 0]
    h = bboxes[:, 3] - bboxes[:, 1]
    tok = (h * w)[:, None] * fm_areas[None, :]
    mask = (tok < MAX_TOK) & (tok >= MIN_TOK)
    has = jnp.any(mask, axis=1)
    first = jnp.argmax(mask, axis=1)
    choice = jnp.where(has, first, len(fms) - 1)  # -1 in python indexing == last level
    aligned = []
    for f in fms:
        H, W = f.shape[-2], f.shape[-1]
        scale = jnp.array([W, H, W, H], dtype=bboxes.dtype)
        aligned.append(_roi_align(f, bboxes * scale, POOL[0], POOL[1], SR))
    stacked = jnp.stack(aligned)
    return stacked[choice, jnp.arange(bboxes.shape[0])]

def setup_inputs(seed: int = 0):
    key = jax.random.key(seed)
    ks = jax.random.split(key, 8)
    N = 1000
    cx = jax.random.uniform(ks[0], (N,), minval=0.15, maxval=0.85)
    cy = jax.random.uniform(ks[1], (N,), minval=0.15, maxval=0.85)
    bw = jax.random.uniform(ks[2], (N,), minval=0.05, maxval=0.3)
    bh = jax.random.uniform(ks[3], (N,), minval=0.05, maxval=0.3)
    bboxes = jnp.stack([cx - bw / 2, cy - bh / 2, cx + bw / 2, cy + bh / 2], axis=1).astype(jnp.float32)
    P0 = jax.random.normal(ks[4], (64, 100, 152), dtype=jnp.float32)
    P1 = jax.random.normal(ks[5], (64, 50, 76), dtype=jnp.float32)
    P2 = jax.random.normal(ks[6], (64, 25, 38), dtype=jnp.float32)
    P3 = jax.random.normal(ks[7], (64, 13, 19), dtype=jnp.float32)
    return {"bboxes": bboxes, "P0": P0, "P1": P1, "P2": P2, "P3": P3}

def reference(bboxes, P0, P1, P2, P3):
    return _forward(bboxes, [P0, P1, P2, P3])

if __name__ == "__main__":
    import jax
    _d = setup_inputs()
    print(jax.jit(kernel)(*tuple(_d.values())))

</pallas_src>

<mosaic_0001>
#map = affine_map<(d0, d1) -> (0, 0)>
#map1 = affine_map<(d0, d1) -> (0, 0, 0)>
module attributes {stable_mosaic.version = 14 : i64} {
  func.func @_sc_body(%arg0: i32, %arg1: i32, %arg2: memref<20224x64xbf16, #tpu.memory_space<hbm>>, %arg3: memref<1024x8x16xf32, #tpu.memory_space<hbm>>, %arg4: memref<1000x3136xf32, #tpu.memory_space<hbm>>, %arg5: memref<2x8x16xf32, #tpu.memory_space<vmem>>, %arg6: memref<2x7x112xi32, #tpu.memory_space<vmem>>, %arg7: memref<2x784xf32, #tpu.memory_space<vmem>>, %arg8: memref<2x784x64xbf16, #tpu.memory_space<vmem>>, %arg9: memref<2x3136xf32, #tpu.memory_space<vmem>>, %arg10: memref<7x!tpu.dma_semaphore, #tpu.memory_space<semaphore_mem>>, %arg11: memref<7x!tpu.dma_semaphore, #tpu.memory_space<semaphore_mem>>, %arg12: memref<!tpu.dma_semaphore, #tpu.memory_space<semaphore_mem>>, %arg13: memref<!tpu.dma_semaphore, #tpu.memory_space<semaphore_mem>>) attributes {dimension_semantics = [#tpu.dimension_semantics<core_parallel>, #tpu.dimension_semantics<subcore_parallel>], iteration_bounds = array<i64: 2, 16>, scalar_prefetch = 0 : i64, scratch_operands = 9 : i64, tpu.core_type = #tpu.core_type<sc_vector_subcore>, window_params = [{transform_indices = #map}, {transform_indices = #map1}, {transform_indices = #map}]} {
    %mul3A = arith.constant 2 : i32
    %mul3A_0 = arith.muli %arg1, %mul3A : i32
    %add3A = arith.addi %mul3A_0, %arg0 : i32
    %mul3A_1 = arith.constant 32 : i32
    %mul3A_2 = arith.muli %add3A, %mul3A_1 : i32
    %iota3A = tpu.iota {dimensions = array<i32: 0>} : vector<16xi32>
    %shift_right_arithmetic3A = arith.constant 3 : i32
    %shift_right_arithmetic3A_3 = vector.broadcast %shift_right_arithmetic3A : i32 to vector<16xi32>
    %shift_right_arithmetic3A_4 = arith.shrsi %iota3A, %shift_right_arithmetic3A_3 : vector<16xi32>
    %and3A = arith.constant 1 : i32
    %and3A_5 = vector.broadcast %and3A : i32 to vector<16xi32>
    %and3A_6 = arith.andi %shift_right_arithmetic3A_4, %and3A_5 : vector<16xi32>
    %convert_element_type3A = arith.sitofp %and3A_6 : vector<16xi32> to vector<16xf32>
    %mul3A_7 = arith.constant 5.000000e-01 : f32
    %mul3A_8 = vector.broadcast %mul3A_7 : f32 to vector<16xf32>
    %mul3A_9 = arith.mulf %convert_element_type3A, %mul3A_8 : vector<16xf32>
    %add3A_10 = arith.constant 2.500000e-01 : f32
    %add3A_11 = vector.broadcast %add3A_10 : f32 to vector<16xf32>
    %add3A_12 = arith.addf %mul3A_9, %add3A_11 : vector<16xf32>
    %shift_right_arithmetic3A_13 = arith.constant 1 : i32
    %shift_right_arithmetic3A_14 = vector.broadcast %shift_right_arithmetic3A_13 : i32 to vector<16xi32>
    %shift_right_arithmetic3A_15 = arith.shrsi %iota3A, %shift_right_arithmetic3A_14 : vector<16xi32>
    %and3A_16 = arith.constant 1 : i32
    %and3A_17 = vector.broadcast %and3A_16 : i32 to vector<16xi32>
    %and3A_18 = arith.andi %shift_right_arithmetic3A_15, %and3A_17 : vector<16xi32>
    %convert_element_type3A_19 = arith.sitofp %and3A_18 : vector<16xi32> to vector<16xf32>
    %mul3A_20 = arith.constant 5.000000e-01 : f32
    %mul3A_21 = vector.broadcast %mul3A_20 : f32 to vector<16xf32>
    %mul3A_22 = arith.mulf %convert_element_type3A_19, %mul3A_21 : vector<16xf32>
    %add3A_23 = arith.constant 2.500000e-01 : f32
    %add3A_24 = vector.broadcast %add3A_23 : f32 to vector<16xf32>
    %add3A_25 = arith.addf %mul3A_22, %add3A_24 : vector<16xf32>
    %shift_right_arithmetic3A_26 = arith.constant 2 : i32
    %shift_right_arithmetic3A_27 = vector.broadcast %shift_right_arithmetic3A_26 : i32 to vector<16xi32>
    %shift_right_arithmetic3A_28 = arith.shrsi %iota3A, %shift_right_arithmetic3A_27 : vector<16xi32>
    %and3A_29 = arith.constant 1 : i32
    %and3A_30 = vector.broadcast %and3A_29 : i32 to vector<16xi32>
    %and3A_31 = arith.andi %shift_right_arithmetic3A_28, %and3A_30 : vector<16xi32>
    %eq3A = arith.constant 1 : i32
    %eq3A_32 = vector.broadcast %eq3A : i32 to vector<16xi32>
    %eq3A_33 = arith.cmpi eq, %and3A_31, %eq3A_32 : vector<16xi32>
    %and3A_34 = arith.constant 1 : i32
    %and3A_35 = vector.broadcast %and3A_34 : i32 to vector<16xi32>
    %and3A_36 = arith.andi %iota3A, %and3A_35 : vector<16xi32>
    %eq3A_37 = arith.constant 1 : i32
    %eq3A_38 = vector.broadcast %eq3A_37 : i32 to vector<16xi32>
    %eq3A_39 = arith.cmpi eq, %and3A_36, %eq3A_38 : vector<16xi32>
    %broadcast_in_dim3A = arith.constant 0 : i32
    %broadcast_in_dim3A_40 = vector.broadcast %broadcast_in_dim3A : i32 to vector<16xi32>
    %broadcast_in_dim3A_41 = arith.constant 1 : i32
    %broadcast_in_dim3A_42 = vector.broadcast %broadcast_in_dim3A_41 : i32 to vector<16xi32>
    %mul3A_43 = arith.constant 49 : i32
    %mul3A_44 = vector.broadcast %mul3A_43 : i32 to vector<16xi32>
    %mul3A_45 = arith.muli %iota3A, %mul3A_44 : vector<16xi32>
    %run_scoped3A = arith.constant 0 : i32
    "tpu.region"() ({
      %run_scoped3A_234 = tpu.sem_alloc : memref<!tpu.dma_semaphore, #tpu.memory_space<semaphore_mem>>
      %dma_start3A_235 = arith.constant 0 : i32
      %dma_start3A_236 = arith.constant 0 : i32
      %dma_start3A_237 = tpu.memref_slice %arg5[%run_scoped3A, %dma_start3A_235, %dma_start3A_236] : memref<2x8x16xf32, #tpu.memory_space<vmem>> -> memref<1x8x16xf32, #tpu.memory_space<vmem>>
      %dma_start3A_238 = tpu.memref_squeeze %dma_start3A_237 : memref<1x8x16xf32, #tpu.memory_space<vmem>> -> memref<8x16xf32, #tpu.memory_space<vmem>>
      %dma_start3A_239 = arith.constant 0 : i32
      %dma_start3A_240 = arith.constant 0 : i32
      %dma_start3A_241 = tpu.memref_slice %arg3[%mul3A_2, %dma_start3A_239, %dma_start3A_240] : memref<1024x8x16xf32, #tpu.memory_space<hbm>> -> memref<1x8x16xf32, #tpu.memory_space<hbm>>
      %dma_start3A_242 = tpu.memref_squeeze %dma_start3A_241 : memref<1x8x16xf32, #tpu.memory_space<hbm>> -> memref<8x16xf32, #tpu.memory_space<hbm>>
      %dma_start3A_243 = arith.constant 0 : i32
      %dma_start3A_244 = arith.constant 0 : i32
      %dma_start3A_245 = tpu.memref_slice %arg5[%run_scoped3A, %dma_start3A_243, %dma_start3A_244] : memref<2x8x16xf32, #tpu.memory_space<vmem>> -> memref<1x8x16xf32, #tpu.memory_space<vmem>>
      %dma_start3A_246 = tpu.memref_squeeze %dma_start3A_245 : memref<1x8x16xf32, #tpu.memory_space<vmem>> -> memref<8x16xf32, #tpu.memory_space<vmem>>
      %dma_start3A_247 = arith.constant 0 : i32
      %dma_start3A_248 = arith.constant 0 : i32
      %dma_start3A_249 = tpu.memref_slice %arg3[%mul3A_2, %dma_start3A_247, %dma_start3A_248] : memref<1024x8x16xf32, #tpu.memory_space<hbm>> -> memref<1x8x16xf32, #tpu.memory_space<hbm>>
      %dma_start3A_250 = tpu.memref_squeeze %dma_start3A_249 : memref<1x8x16xf32, #tpu.memory_space<hbm>> -> memref<8x16xf32, #tpu.memory_space<hbm>>
      tpu.enqueue_dma source(%dma_start3A_250 : memref<8x16xf32, #tpu.memory_space<hbm>>) target(%dma_start3A_246 : memref<8x16xf32, #tpu.memory_space<vmem>>) target_semaphore(%run_scoped3A_234 : memref<!tpu.dma_semaphore, #tpu.memory_space<semaphore_mem>>)
      %dma_wait3A = arith.constant 0 : i32
      %dma_wait3A_251 = arith.constant 0 : i32
      %dma_wait3A_252 = tpu.memref_slice %arg5[%run_scoped3A, %dma_wait3A, %dma_wait3A_251] : memref<2x8x16xf32, #tpu.memory_space<vmem>> -> memref<1x8x16xf32, #tpu.memory_space<vmem>>
      %dma_wait3A_253 = tpu.memref_squeeze %dma_wait3A_252 : memref<1x8x16xf32, #tpu.memory_space<vmem>> -> memref<8x16xf32, #tpu.memory_space<vmem>>
      %dma_wait3A_254 = arith.constant 0 : i32
      %dma_wait3A_255 = arith.constant 0 : i32
      %dma_wait3A_256 = tpu.memref_slice %arg3[%mul3A_2, %dma_wait3A_254, %dma_wait3A_255] : memref<1024x8x16xf32, #tpu.memory_space<hbm>> -> memref<1x8x16xf32, #tpu.memory_space<hbm>>
      %dma_wait3A_257 = tpu.memref_squeeze %dma_wait3A_256 : memref<1x8x16xf32, #tpu.memory_space<hbm>> -> memref<8x16xf32, #tpu.memory_space<hbm>>
      %dma_wait3A_258 = arith.constant 0 : i32
      %dma_wait3A_259 = arith.constant 0 : i32
      %dma_wait3A_260 = tpu.memref_slice %arg5[%run_scoped3A, %dma_wait3A_258, %dma_wait3A_259] : memref<2x8x16xf32, #tpu.memory_space<vmem>> -> memref<1x8x16xf32, #tpu.memory_space<vmem>>
      %dma_wait3A_261 = tpu.memref_squeeze %dma_wait3A_260 : memref<1x8x16xf32, #tpu.memory_space<vmem>> -> memref<8x16xf32, #tpu.memory_space<vmem>>
      %dma_wait3A_262 = arith.constant 0 : i32
      %dma_wait3A_263 = arith.constant 0 : i32
      %dma_wait3A_264 = tpu.memref_slice %arg3[%mul3A_2, %dma_wait3A_262, %dma_wait3A_263] : memref<1024x8x16xf32, #tpu.memory_space<hbm>> -> memref<1x8x16xf32, #tpu.memory_space<hbm>>
      %dma_wait3A_265 = tpu.memref_squeeze %dma_wait3A_264 : memref<1x8x16xf32, #tpu.memory_space<hbm>> -> memref<8x16xf32, #tpu.memory_space<hbm>>
      tpu.wait_dma2 semaphore(%run_scoped3A_234 : memref<!tpu.dma_semaphore, #tpu.memory_space<semaphore_mem>>) src(%dma_wait3A_265 : memref<8x16xf32, #tpu.memory_space<hbm>>) dst(%dma_wait3A_261 : memref<8x16xf32, #tpu.memory_space<vmem>>)
      tpu.yield
    }) : () -> ()
    %get3A = arith.constant 0 : i32
    %get3A_46 = arith.constant 0 : i32
    %get3A_47 = arith.index_cast %get3A : i32 to index
    %get3A_48 = arith.index_cast %get3A_46 : i32 to index
    %get3A_49 = arith.constant 0 : index
    %get3A_50 = tpu.vector_load %arg5[%get3A_47, %get3A_48, %get3A_49] {strides = array<i32>} : memref<2x8x16xf32, #tpu.memory_space<vmem>>, vector<16xf32>,
    %get3A_51 = arith.constant 0 : i32
    %get3A_52 = arith.constant 1 : i32
    %get3A_53 = arith.index_cast %get3A_51 : i32 to index
    %get3A_54 = arith.index_cast %get3A_52 : i32 to index
    %get3A_55 = arith.constant 0 : index
    %get3A_56 = tpu.vector_load %arg5[%get3A_53, %get3A_54, %get3A_55] {strides = array<i32>} : memref<2x8x16xf32, #tpu.memory_space<vmem>>, vector<16xf32>,
    %get3A_57 = arith.constant 0 : i32
    %get3A_58 = arith.constant 2 : i32
    %get3A_59 = arith.index_cast %get3A_57 : i32 to index
    %get3A_60 = arith.index_cast %get3A_58 : i32 to index
    %get3A_61 = arith.constant 0 : index
    %get3A_62 = tpu.vector_load %arg5[%get3A_59, %get3A_60, %get3A_61] {strides = array<i32>} : memref<2x8x16xf32, #tpu.memory_space<vmem>>, vector<16xf32>,
    %get3A_63 = arith.constant 0 : i32
    %get3A_64 = arith.constant 3 : i32
    %get3A_65 = arith.index_cast %get3A_63 : i32 to index
    %get3A_66 = arith.index_cast %get3A_64 : i32 to index
    %get3A_67 = arith.constant 0 : index
    %get3A_68 = tpu.vector_load %arg5[%get3A_65, %get3A_66, %get3A_67] {strides = array<i32>} : memref<2x8x16xf32, #tpu.memory_space<vmem>>, vector<16xf32>,
    %get3A_69 = arith.constant 0 : i32
    %get3A_70 = arith.constant 4 : i32
    %get3A_71 = arith.index_cast %get3A_69 : i32 to index
    %get3A_72 = arith.index_cast %get3A_70 : i32 to index
    %get3A_73 = arith.constant 0 : index
    %get3A_74 = tpu.vector_load %arg5[%get3A_71, %get3A_72, %get3A_73] {strides = array<i32>} : memref<2x8x16xf32, #tpu.memory_space<vmem>>, vector<16xf32>,
    %get3A_75 = arith.constant 0 : i32
    %get3A_76 = arith.constant 5 : i32
    %get3A_77 = arith.index_cast %get3A_75 : i32 to index
    %get3A_78 = arith.index_cast %get3A_76 : i32 to index
    %get3A_79 = arith.constant 0 : index
    %get3A_80 = tpu.vector_load %arg5[%get3A_77, %get3A_78, %get3A_79] {strides = array<i32>} : memref<2x8x16xf32, #tpu.memory_space<vmem>>, vector<16xf32>,
    %get3A_81 = arith.constant 0 : i32
    %get3A_82 = arith.constant 6 : i32
    %get3A_83 = arith.index_cast %get3A_81 : i32 to index
    %get3A_84 = arith.index_cast %get3A_82 : i32 to index
    %get3A_85 = arith.constant 0 : index
    %get3A_86 = tpu.vector_load %arg5[%get3A_83, %get3A_84, %get3A_85] {strides = array<i32>} : memref<2x8x16xf32, #tpu.memory_space<vmem>>, vector<16xf32>,
    %get3A_87 = arith.constant 0 : i32
    %get3A_88 = arith.constant 7 : i32
    %get3A_89 = arith.index_cast %get3A_87 : i32 to index
    %get3A_90 = arith.index_cast %get3A_88 : i32 to index
    %get3A_91 = arith.constant 0 : index
    %get3A_92 = tpu.vector_load %arg5[%get3A_89, %get3A_90, %get3A_91] {strides = array<i32>} : memref<2x8x16xf32, #tpu.memory_space<vmem>>, vector<16xf32>,
    %convert_element_type3A_93 = arith.fptosi %get3A_74 : vector<16xf32> to vector<16xi32>
    %convert_element_type3A_94 = arith.fptosi %get3A_80 : vector<16xf32> to vector<16xi32>
    %convert_element_type3A_95 = arith.fptosi %get3A_86 : vector<16xf32> to vector<16xi32>
    %convert_element_type3A_96 = arith.fptosi %get3A_92 : vector<16xf32> to vector<16xi32>
    %scan3A = arith.constant 0 : i32
    %scan3A_97 = arith.constant 0 : i32
    %scan3A_98 = arith.constant 7 : i32
    %scan3A_99 = arith.addi %scan3A_97, %scan3A_98 : i32
    %scan3A_100 = arith.constant 1 : i32
    scf.for %scan3A_234 = %scan3A_97 to %scan3A_99 step %scan3A_100  : i32 {
      %broadcast_in_dim3A_235 = vector.broadcast %scan3A_234 : i32 to vector<16xi32>
      %convert_element_type3A_236 = arith.sitofp %broadcast_in_dim3A_235 : vector<16xi32> to vector<16xf32>
      %add3A_237 = arith.addf %convert_element_type3A_236, %add3A_12 : vector<16xf32>
      %mul3A_238 = arith.mulf %add3A_237, %get3A_62 : vector<16xf32>
      %add3A_239 = arith.addf %get3A_50, %mul3A_238 : vector<16xf32>
      %max3A = arith.constant 0.000000e+00 : f32
      %max3A_240 = vector.broadcast %max3A : f32 to vector<16xf32>
      %max3A_241 = arith.maximumf %add3A_239, %max3A_240 : vector<16xf32>
      %convert_element_type3A_242 = arith.fptosi %max3A_241 : vector<16xf32> to vector<16xi32>
      %convert_element_type3A_243 = arith.sitofp %convert_element_type3A_242 : vector<16xi32> to vector<16xf32>
      %ge3A = arith.cmpf oge, %convert_element_type3A_243, %get3A_74 : vector<16xf32>
      %select_n3A = arith.select %ge3A, %get3A_74, %convert_element_type3A_243 : vector<16xi1>, vector<16xf32>
      %convert_element_type3A_244 = arith.fptosi %select_n3A : vector<16xf32> to vector<16xi32>
      %add3A_245 = arith.constant 1 : i32
      %add3A_246 = vector.broadcast %add3A_245 : i32 to vector<16xi32>
      %add3A_247 = arith.addi %convert_element_type3A_244, %add3A_246 : vector<16xi32>
      %min3A = arith.minsi %add3A_247, %convert_element_type3A_93 : vector<16xi32>
      %sub3A_248 = arith.subf %max3A_241, %convert_element_type3A_243 : vector<16xf32>
      %jit3A = arith.constant 0.000000e+00 : f32
      %broadcast_in_dim3A_249 = vector.broadcast %jit3A : f32 to vector<16xf32>
      %select_n3A_250 = arith.select %ge3A, %broadcast_in_dim3A_249, %sub3A_248 : vector<16xi1>, vector<16xf32>
      %sub3A_251 = arith.constant 1.000000e+00 : f32
      %sub3A_252 = vector.broadcast %sub3A_251 : f32 to vector<16xf32>
      %sub3A_253 = arith.subf %sub3A_252, %select_n3A_250 : vector<16xf32>
      %select_n3A_254 = arith.select %eq3A_33, %select_n3A_250, %sub3A_253 : vector<16xi1>, vector<16xf32>
      %select_n3A_255 = arith.select %eq3A_33, %min3A, %convert_element_type3A_244 : vector<16xi1>, vector<16xi32>
      %mul3A_256 = arith.muli %select_n3A_255, %convert_element_type3A_95 : vector<16xi32>
      %add3A_257 = arith.addi %convert_element_type3A_96, %mul3A_256 : vector<16xi32>
      %scan3A_258 = arith.constant 0 : i32
      %scan3A_259 = arith.constant 0 : i32
      %scan3A_260 = arith.constant 7 : i32
      %scan3A_261 = arith.addi %scan3A_259, %scan3A_260 : i32
      %scan3A_262 = arith.constant 1 : i32
      scf.for %scan3A_264 = %scan3A_259 to %scan3A_261 step %scan3A_262  : i32 {
        %broadcast_in_dim3A_265 = vector.broadcast %scan3A_264 : i32 to vector<16xi32>
        %convert_element_type3A_266 = arith.sitofp %broadcast_in_dim3A_265 : vector<16xi32> to vector<16xf32>
        %add3A_267 = arith.addf %convert_element_type3A_266, %add3A_25 : vector<16xf32>
        %mul3A_268 = arith.mulf %add3A_267, %get3A_68 : vector<16xf32>
        %add3A_269 = arith.addf %get3A_56, %mul3A_268 : vector<16xf32>
        %max3A_270 = arith.constant 0.000000e+00 : f32
        %max3A_271 = vector.broadcast %max3A_270 : f32 to vector<16xf32>
        %max3A_272 = arith.maximumf %add3A_269, %max3A_271 : vector<16xf32>
        %convert_element_type3A_273 = arith.fptosi %max3A_272 : vector<16xf32> to vector<16xi32>
        %convert_element_type3A_274 = arith.sitofp %convert_element_type3A_273 : vector<16xi32> to vector<16xf32>
        %ge3A_275 = arith.cmpf oge, %convert_element_type3A_274, %get3A_80 : vector<16xf32>
        %select_n3A_276 = arith.select %ge3A_275, %get3A_80, %convert_element_type3A_274 : vector<16xi1>, vector<16xf32>
        %convert_element_type3A_277 = arith.fptosi %select_n3A_276 : vector<16xf32> to vector<16xi32>
        %add3A_278 = arith.constant 1 : i32
        %add3A_279 = vector.broadcast %add3A_278 : i32 to vector<16xi32>
        %add3A_280 = arith.addi %convert_element_type3A_277, %add3A_279 : vector<16xi32>
        %min3A_281 = arith.minsi %add3A_280, %convert_element_type3A_94 : vector<16xi32>
        %sub3A_282 = arith.subf %max3A_272, %convert_element_type3A_274 : vector<16xf32>
        %jit3A_283 = arith.constant 0.000000e+00 : f32
        %broadcast_in_dim3A_284 = vector.broadcast %jit3A_283 : f32 to vector<16xf32>
        %select_n3A_285 = arith.select %ge3A_275, %broadcast_in_dim3A_284, %sub3A_282 : vector<16xi1>, vector<16xf32>
        %sub3A_286 = arith.constant 1.000000e+00 : f32
        %sub3A_287 = vector.broadcast %sub3A_286 : f32 to vector<16xf32>
        %sub3A_288 = arith.subf %sub3A_287, %select_n3A_285 : vector<16xf32>
        %select_n3A_289 = arith.select %eq3A_39, %select_n3A_285, %sub3A_288 : vector<16xi1>, vector<16xf32>
        %select_n3A_290 = arith.select %eq3A_39, %min3A_281, %convert_element_type3A_277 : vector<16xi1>, vector<16xi32>
        %add3A_291 = arith.addi %add3A_257, %select_n3A_290 : vector<16xi32>
        %mul3A_292 = arith.constant 16 : i32
        %mul3A_293 = arith.muli %scan3A_264, %mul3A_292 : i32
        %swap3A = arith.constant 0 : i32
        %swap3A_294 = arith.index_cast %swap3A : i32 to index
        %swap3A_295 = arith.index_cast %scan3A_234 : i32 to index
        %swap3A_296 = arith.index_cast %mul3A_293 : i32 to index
        %swap3A_297 = tpu.vector_load %arg6[%swap3A_294, %swap3A_295, %swap3A_296] {strides = array<i32>} : memref<2x7x112xi32, #tpu.memory_space<vmem>>, vector<16xi32>,
        tpu.vector_store %arg6[%swap3A_294, %swap3A_295, %swap3A_296], %add3A_291 {strides = array<i32>} : memref<2x7x112xi32, #tpu.memory_space<vmem>>, vector<16xi32>,
        %mul3A_298 = arith.mulf %select_n3A_254, %select_n3A_289 : vector<16xf32>
        %mul3A_299 = arith.constant 2.500000e-01 : f32
        %mul3A_300 = vector.broadcast %mul3A_299 : f32 to vector<16xf32>
        %mul3A_301 = arith.mulf %mul3A_298, %mul3A_300 : vector<16xf32>
        %mul3A_302 = arith.constant 7 : i32
        %mul3A_303 = arith.muli %scan3A_234, %mul3A_302 : i32
        %add3A_304 = arith.addi %mul3A_303, %scan3A_264 : i32
        %mul3A_305 = arith.constant 16 : i32
        %mul3A_306 = arith.muli %add3A_304, %mul3A_305 : i32
        %swap3A_307 = arith.constant 0 : i32
        %swap3A_308 = arith.index_cast %swap3A_307 : i32 to index
        %swap3A_309 = arith.index_cast %mul3A_306 : i32 to index
        %swap3A_310 = tpu.vector_load %arg7[%swap3A_308, %swap3A_309] {strides = array<i32>} : memref<2x784xf32, #tpu.memory_space<vmem>>, vector<16xf32>,
        tpu.vector_store %arg7[%swap3A_308, %swap3A_309], %mul3A_301 {strides = array<i32>} : memref<2x784xf32, #tpu.memory_space<vmem>>, vector<16xf32>,
      }
      %scan3A_263 = arith.constant 7 : i32
    }
    %scan3A_101 = arith.constant 7 : i32
    %dma_start3A = arith.constant 0 : i32
    %dma_start3A_102 = arith.constant 0 : i32
    %dma_start3A_103 = arith.constant 0 : i32
    %dma_start3A_104 = arith.constant 0 : i32
    %dma_start3A_105 = arith.constant 0 : i32
    %dma_start3A_106 = arith.constant 0 : i32
    %dma_start3A_107 = tpu.memref_slice %arg8[%dma_start3A_103, %dma_start3A_105, %dma_start3A_106] : memref<2x784x64xbf16, #tpu.memory_space<vmem>> -> memref<1x112x64xbf16, #tpu.memory_space<vmem>>
    %dma_start3A_108 = tpu.memref_squeeze %dma_start3A_107 : memref<1x112x64xbf16, #tpu.memory_space<vmem>> -> memref<112x64xbf16, #tpu.memory_space<vmem>>
    %dma_start3A_109 = arith.constant 0 : i32
    %dma_start3A_110 = tpu.memref_slice %arg6[%dma_start3A, %dma_start3A_102, %dma_start3A_109] : memref<2x7x112xi32, #tpu.memory_space<vmem>> -> memref<1x1x112xi32, #tpu.memory_space<vmem>>
    %dma_start3A_111 = tpu.memref_squeeze %dma_start3A_110 : memref<1x1x112xi32, #tpu.memory_space<vmem>> -> memref<112xi32, #tpu.memory_space<vmem>>
    %dma_start3A_112 = arith.constant 0 : i32
    %dma_start3A_113 = arith.constant 0 : i32
    %dma_start3A_114 = tpu.memref_slice %arg2[%dma_start3A_112, %dma_start3A_113] : memref<20224x64xbf16, #tpu.memory_space<hbm>> -> memref<20224x64xbf16, #tpu.memory_space<hbm>>
    %dma_start3A_115 = tpu.memref_slice %arg10[%dma_start3A_104] : memref<7x!tpu.dma_semaphore, #tpu.memory_space<semaphore_mem>> -> memref<1x!tpu.dma_semaphore, #tpu.memory_space<semaphore_mem>>
    %dma_start3A_116 = tpu.memref_squeeze %dma_start3A_115 : memref<1x!tpu.dma_semaphore, #tpu.memory_space<semaphore_mem>> -> memref<!tpu.dma_semaphore, #tpu.memory_space<semaphore_mem>>
    tpu.enqueue_indirect_dma source(%dma_start3A_114 : memref<20224x64xbf16, #tpu.memory_space<hbm>>) target(%dma_start3A_108 : memref<112x64xbf16, #tpu.memory_space<vmem>>) offsets(%dma_start3A_111 : memref<112xi32, #tpu.memory_space<vmem>>) semaphore(%dma_start3A_116 : memref<!tpu.dma_semaphore, #tpu.memory_space<semaphore_mem>>)
    %dma_start3A_117 = arith.constant 0 : i32
    %dma_start3A_118 = arith.constant 1 : i32
    %dma_start3A_119 = arith.constant 0 : i32
    %dma_start3A_120 = arith.constant 1 : i32
    %dma_start3A_121 = arith.constant 112 : i32
    %dma_start3A_122 = arith.constant 0 : i32
    %dma_start3A_123 = tpu.memref_slice %arg8[%dma_start3A_119, %dma_start3A_121, %dma_start3A_122] : memref<2x784x64xbf16, #tpu.memory_space<vmem>> -> memref<1x112x64xbf16, #tpu.memory_space<vmem>>
    %dma_start3A_124 = tpu.memref_squeeze %dma_start3A_123 : memref<1x112x64xbf16, #tpu.memory_space<vmem>> -> memref<112x64xbf16, #tpu.memory_space<vmem>>
    %dma_start3A_125 = arith.constant 0 : i32
    %dma_start3A_126 = tpu.memref_slice %arg6[%dma_start3A_117, %dma_start3A_118, %dma_start3A_125] : memref<2x7x112xi32, #tpu.memory_space<vmem>> -> memref<1x1x112xi32, #tpu.memory_space<vmem>>
    %dma_start3A_127 = tpu.memref_squeeze %dma_start3A_126 : memref<1x1x112xi32, #tpu.memory_space<vmem>> -> memref<112xi32, #tpu.memory_space<vmem>>
    %dma_start3A_128 = arith.constant 0 : i32
    %dma_start3A_129 = arith.constant 0 : i32
    %dma_start3A_130 = tpu.memref_slice %arg2[%dma_start3A_128, %dma_start3A_129] : memref<20224x64xbf16, #tpu.memory_space<hbm>> -> memref<20224x64xbf16, #tpu.memory_space<hbm>>
    %dma_start3A_131 = tpu.memref_slice %arg10[%dma_start3A_120] : memref<7x!tpu.dma_semaphore, #tpu.memory_space<semaphore_mem>> -> memref<1x!tpu.dma_semaphore, #tpu.memory_space<semaphore_mem>>
    %dma_start3A_132 = tpu.memref_squeeze %dma_start3A_131 : memref<1x!tpu.dma_semaphore, #tpu.memory_space<semaphore_mem>> -> memref<!tpu.dma_semaphore, #tpu.memory_space<semaphore_mem>>
    tpu.enqueue_indirect_dma source(%dma_start3A_130 : memref<20224x64xbf16, #tpu.memory_space<hbm>>) target(%dma_start3A_124 : memref<112x64xbf16, #tpu.memory_space<vmem>>) offsets(%dma_start3A_127 : memref<112xi32, #tpu.memory_space<vmem>>) semaphore(%dma_start3A_132 : memref<!tpu.dma_semaphore, #tpu.memory_space<semaphore_mem>>)
    %dma_start3A_133 = arith.constant 0 : i32
    %dma_start3A_134 = arith.constant 2 : i32
    %dma_start3A_135 = arith.constant 0 : i32
    %dma_start3A_136 = arith.constant 2 : i32
    %dma_start3A_137 = arith.constant 224 : i32
    %dma_start3A_138 = arith.constant 0 : i32
    %dma_start3A_139 = tpu.memref_slice %arg8[%dma_start3A_135, %dma_start3A_137, %dma_start3A_138] : memref<2x784x64xbf16, #tpu.memory_space<vmem>> -> memref<1x112x64xbf16, #tpu.memory_space<vmem>>
    %dma_start3A_140 = tpu.memref_squeeze %dma_start3A_139 : memref<1x112x64xbf16, #tpu.memory_space<vmem>> -> memref<112x64xbf16, #tpu.memory_space<vmem>>
    %dma_start3A_141 = arith.constant 0 : i32
    %dma_start3A_142 = tpu.memref_slice %arg6[%dma_start3A_133, %dma_start3A_134, %dma_start3A_141] : memref<2x7x112xi32, #tpu.memory_space<vmem>> -> memref<1x1x112xi32, #tpu.memory_space<vmem>>
    %dma_start3A_143 = tpu.memref_squeeze %dma_start3A_142 : memref<1x1x112xi32, #tpu.memory_space<vmem>> -> memref<112xi32, #tpu.memory_space<vmem>>
    %dma_start3A_144 = arith.constant 0 : i32
    %dma_start3A_145 = arith.constant 0 : i32
    %dma_start3A_146 = tpu.memref_slice %arg2[%dma_start3A_144, %dma_start3A_145] : memref<20224x64xbf16, #tpu.memory_space<hbm>> -> memref<20224x64xbf16, #tpu.memory_space<hbm>>
    %dma_start3A_147 = tpu.memref_slice %arg10[%dma_start3A_136] : memref<7x!tpu.dma_semaphore, #tpu.memory_space<semaphore_mem>> -> memref<1x!tpu.dma_semaphore, #tpu.memory_space<semaphore_mem>>
    %dma_start3A_148 = tpu.memref_squeeze %dma_start3A_147 : memref<1x!tpu.dma_semaphore, #tpu.memory_space<semaphore_mem>> -> memref<!tpu.dma_semaphore, #tpu.memory_space<semaphore_mem>>
    tpu.enqueue_indirect_dma source(%dma_start3A_146 : memref<20224x64xbf16, #tpu.memory_space<hbm>>) target(%dma_start3A_140 : memref<112x64xbf16, #tpu.memory_space<vmem>>) offsets(%dma_start3A_143 : memref<112xi32, #tpu.memory_space<vmem>>) semaphore(%dma_start3A_148 : memref<!tpu.dma_semaphore, #tpu.memory_space<semaphore_mem>>)
    %dma_start3A_149 = arith.constant 0 : i32
    %dma_start3A_150 = arith.constant 3 : i32
    %dma_start3A_151 = arith.constant 0 : i32
    %dma_start3A_152 = arith.constant 3 : i32
    %dma_start3A_153 = arith.constant 336 : i32
    %dma_start3A_154 = arith.constant 0 : i32
    %dma_start3A_155 = tpu.memref_slice %arg8[%dma_start3A_151, %dma_start3A_153, %dma_start3A_154] : memref<2x784x64xbf16, #tpu.memory_space<vmem>> -> memref<1x112x64xbf16, #tpu.memory_space<vmem>>
    %dma_start3A_156 = tpu.memref_squeeze %dma_start3A_155 : memref<1x112x64xbf16, #tpu.memory_space<vmem>> -> memref<112x64xbf16, #tpu.memory_space<vmem>>
    %dma_start3A_157 = arith.constant 0 : i32
    %dma_start3A_158 = tpu.memref_slice %arg6[%dma_start3A_149, %dma_start3A_150, %dma_start3A_157] : memref<2x7x112xi32, #tpu.memory_space<vmem>> -> memref<1x1x112xi32, #tpu.memory_space<vmem>>
    %dma_start3A_159 = tpu.memref_squeeze %dma_start3A_158 : memref<1x1x112xi32, #tpu.memory_space<vmem>> -> memref<112xi32, #tpu.memory_space<vmem>>
    %dma_start3A_160 = arith.constant 0 : i32
    %dma_start3A_161 = arith.constant 0 : i32
    %dma_start3A_162 = tpu.memref_slice %arg2[%dma_start3A_160, %dma_start3A_161] : memref<20224x64xbf16, #tpu.memory_space<hbm>> -> memref<20224x64xbf16, #tpu.memory_space<hbm>>
    %dma_start3A_163 = tpu.memref_slice %arg10[%dma_start3A_152] : memref<7x!tpu.dma_semaphore, #tpu.memory_space<semaphore_mem>> -> memref<1x!tpu.dma_semaphore, #tpu.memory_space<semaphore_mem>>
    %dma_start3A_164 = tpu.memref_squeeze %dma_start3A_163 : memref<1x!tpu.dma_semaphore, #tpu.memory_space<semaphore_mem>> -> memref<!tpu.dma_semaphore, #tpu.memory_space<semaphore_mem>>
    tpu.enqueue_indirect_dma source(%dma_start3A_162 : memref<20224x64xbf16, #tpu.memory_space<hbm>>) target(%dma_start3A_156 : memref<112x64xbf16, #tpu.memory_space<vmem>>) offsets(%dma_start3A_159 : memref<112xi32, #tpu.memory_space<vmem>>) semaphore(%dma_start3A_164 : memref<!tpu.dma_semaphore, #tpu.memory_space<semaphore_mem>>)
    %dma_start3A_165 = arith.constant 0 : i32
    %dma_start3A_166 = arith.constant 4 : i32
    %dma_start3A_167 = arith.constant 0 : i32
    %dma_start3A_168 = arith.constant 4 : i32
    %dma_start3A_169 = arith.constant 448 : i32
    %dma_start3A_170 = arith.constant 0 : i32
    %dma_start3A_171 = tpu.memref_slice %arg8[%dma_start3A_167, %dma_start3A_169, %dma_start3A_170] : memref<2x784x64xbf16, #tpu.memory_space<vmem>> -> memref<1x112x64xbf16, #tpu.memory_space<vmem>>
    %dma_start3A_172 = tpu.memref_squeeze %dma_start3A_171 : memref<1x112x64xbf16, #tpu.memory_space<vmem>> -> memref<112x64xbf16, #tpu.memory_space<vmem>>
    %dma_start3A_173 = arith.constant 0 : i32
    %dma_start3A_174 = tpu.memref_slice %arg6[%dma_start3A_165, %dma_start3A_166, %dma_start3A_173] : memref<2x7x112xi32, #tpu.memory_space<vmem>> -> memref<1x1x112xi32, #tpu.memory_space<vmem>>
    %dma_start3A_175 = tpu.memref_squeeze %dma_start3A_174 : memref<1x1x112xi32, #tpu.memory_space<vmem>> -> memref<112xi32, #tpu.memory_space<vmem>>
    %dma_start3A_176 = arith.constant 0 : i32
    %dma_start3A_177 = arith.constant 0 : i32
    %dma_start3A_178 = tpu.memref_slice %arg2[%dma_start3A_176, %dma_start3A_177] : memref<20224x64xbf16, #tpu.memory_space<hbm>> -> memref<20224x64xbf16, #tpu.memory_space<hbm>>
    %dma_start3A_179 = tpu.memref_slice %arg10[%dma_start3A_168] : memref<7x!tpu.dma_semaphore, #tpu.memory_space<semaphore_mem>> -> memref<1x!tpu.dma_semaphore, #tpu.memory_space<semaphore_mem>>
    %dma_start3A_180 = tpu.memref_squeeze %dma_start3A_179 : memref<1x!tpu.dma_semaphore, #tpu.memory_space<semaphore_mem>> -> memref<!tpu.dma_semaphore, #tpu.memory_space<semaphore_mem>>
    tpu.enqueue_indirect_dma source(%dma_start3A_178 : memref<20224x64xbf16, #tpu.memory_space<hbm>>) target(%dma_start3A_172 : memref<112x64xbf16, #tpu.memory_space<vmem>>) offsets(%dma_start3A_175 : memref<112xi32, #tpu.memory_space<vmem>>) semaphore(%dma_start3A_180 : memref<!tpu.dma_semaphore, #tpu.memory_space<semaphore_mem>>)
    %dma_start3A_181 = arith.constant 0 : i32
    %dma_start3A_182 = arith.constant 5 : i32
    %dma_start3A_183 = arith.constant 0 : i32
    %dma_start3A_184 = arith.constant 5 : i32
    %dma_start3A_185 = arith.constant 560 : i32
    %dma_start3A_186 = arith.constant 0 : i32
    %dma_start3A_187 = tpu.memref_slice %arg8[%dma_start3A_183, %dma_start3A_185, %dma_start3A_186] : memref<2x784x64xbf16, #tpu.memory_space<vmem>> -> memref<1x112x64xbf16, #tpu.memory_space<vmem>>
    %dma_start3A_188 = tpu.memref_squeeze %dma_start3A_187 : memref<1x112x64xbf16, #tpu.memory_space<vmem>> -> memref<112x64xbf16, #tpu.memory_space<vmem>>
    %dma_start3A_189 = arith.constant 0 : i32
    %dma_start3A_190 = tpu.memref_slice %arg6[%dma_start3A_181, %dma_start3A_182, %dma_start3A_189] : memref<2x7x112xi32, #tpu.memory_space<vmem>> -> memref<1x1x112xi32, #tpu.memory_space<vmem>>
    %dma_start3A_191 = tpu.memref_squeeze %dma_start3A_190 : memref<1x1x112xi32, #tpu.memory_space<vmem>> -> memref<112xi32, #tpu.memory_space<vmem>>
    %dma_start3A_192 = arith.constant 0 : i32
    %dma_start3A_193 = arith.constant 0 : i32
    %dma_start3A_194 = tpu.memref_slice %arg2[%dma_start3A_192, %dma_start3A_193] : memref<20224x64xbf16, #tpu.memory_space<hbm>> -> memref<20224x64xbf16, #tpu.memory_space<hbm>>
    %dma_start3A_195 = tpu.memref_slice %arg10[%dma_start3A_184] : memref<7x!tpu.dma_semaphore, #tpu.memory_space<semaphore_mem>> -> memref<1x!tpu.dma_semaphore, #tpu.memory_space<semaphore_mem>>
    %dma_start3A_196 = tpu.memref_squeeze %dma_start3A_195 : memref<1x!tpu.dma_semaphore, #tpu.memory_space<semaphore_mem>> -> memref<!tpu.dma_semaphore, #tpu.memory_space<semaphore_mem>>
    tpu.enqueue_indirect_dma source(%dma_start3A_194 : memref<20224x64xbf16, #tpu.memory_space<hbm>>) target(%dma_start3A_188 : memref<112x64xbf16, #tpu.memory_space<vmem>>) offsets(%dma_start3A_191 : memref<112xi32, #tpu.memory_space<vmem>>) semaphore(%dma_start3A_196 : memref<!tpu.dma_semaphore, #tpu.memory_space<semaphore_mem>>)
    %dma_start3A_197 = arith.constant 0 : i32
    %dma_start3A_198 = arith.constant 6 : i32
    %dma_start3A_199 = arith.constant 0 : i32
    %dma_start3A_200 = arith.constant 6 : i32
    %dma_start3A_201 = arith.constant 672 : i32
    %dma_start3A_202 = arith.constant 0 : i32
    %dma_start3A_203 = tpu.memref_slice %arg8[%dma_start3A_199, %dma_start3A_201, %dma_start3A_202] : memref<2x784x64xbf16, #tpu.memory_space<vmem>> -> memref<1x112x64xbf16, #tpu.memory_space<vmem>>
    %dma_start3A_204 = tpu.memref_squeeze %dma_start3A_203 : memref<1x112x64xbf16, #tpu.memory_space<vmem>> -> memref<112x64xbf16, #tpu.memory_space<vmem>>
    %dma_start3A_205 = arith.constant 0 : i32
    %dma_start3A_206 = tpu.memref_slice %arg6[%dma_start3A_197, %dma_start3A_198, %dma_start3A_205] : memref<2x7x112xi32, #tpu.memory_space<vmem>> -> memref<1x1x112xi32, #tpu.memory_space<vmem>>
    %dma_start3A_207 = tpu.memref_squeeze %dma_start3A_206 : memref<1x1x112xi32, #tpu.memory_space<vmem>> -> memref<112xi32, #tpu.memory_space<vmem>>
    %dma_start3A_208 = arith.constant 0 : i32
    %dma_start3A_209 = arith.constant 0 : i32
    %dma_start3A_210 = tpu.memref_slice %arg2[%dma_start3A_208, %dma_start3A_209] : memref<20224x64xbf16, #tpu.memory_space<hbm>> -> memref<20224x64xbf16, #tpu.memory_space<hbm>>
    %dma_start3A_211 = tpu.memref_slice %arg10[%dma_start3A_200] : memref<7x!tpu.dma_semaphore, #tpu.memory_space<semaphore_mem>> -> memref<1x!tpu.dma_semaphore, #tpu.memory_space<semaphore_mem>>
    %dma_start3A_212 = tpu.memref_squeeze %dma_start3A_211 : memref<1x!tpu.dma_semaphore, #tpu.memory_space<semaphore_mem>> -> memref<!tpu.dma_semaphore, #tpu.memory_space<semaphore_mem>>
    tpu.enqueue_indirect_dma source(%dma_start3A_210 : memref<20224x64xbf16, #tpu.memory_space<hbm>>) target(%dma_start3A_204 : memref<112x64xbf16, #tpu.memory_space<vmem>>) offsets(%dma_start3A_207 : memref<112xi32, #tpu.memory_space<vmem>>) semaphore(%dma_start3A_212 : memref<!tpu.dma_semaphore, #tpu.memory_space<semaphore_mem>>)
    %scan3A_213 = arith.constant 0 : i32
    %scan3A_214 = arith.constant 0 : i32
    %scan3A_215 = arith.constant 16 : i32
    %scan3A_216 = arith.addi %scan3A_214, %scan3A_215 : i32
    %scan3A_217 = arith.constant 1 : i32
    scf.for %scan3A_234 = %scan3A_214 to %scan3A_216 step %scan3A_217  : i32 {
      %mul3A_235 = arith.constant 2 : i32
      %mul3A_236 = arith.muli %mul3A_235, %scan3A_234 : i32
      %add3A_237 = arith.addi %mul3A_2, %mul3A_236 : i32
      %add3A_238 = arith.constant 1 : i32
      %add3A_239 = arith.addi %add3A_237, %add3A_238 : i32
      %run_scoped3A_240 = arith.constant 1 : i32
      "tpu.region"() ({
        %run_scoped3A_682 = tpu.sem_alloc : memref<!tpu.dma_semaphore, #tpu.memory_space<semaphore_mem>>
        %dma_start3A_683 = arith.constant 0 : i32
        %dma_start3A_684 = arith.constant 0 : i32
        %dma_start3A_685 = tpu.memref_slice %arg5[%run_scoped3A_240, %dma_start3A_683, %dma_start3A_684] : memref<2x8x16xf32, #tpu.memory_space<vmem>> -> memref<1x8x16xf32, #tpu.memory_space<vmem>>
        %dma_start3A_686 = tpu.memref_squeeze %dma_start3A_685 : memref<1x8x16xf32, #tpu.memory_space<vmem>> -> memref<8x16xf32, #tpu.memory_space<vmem>>
        %dma_start3A_687 = arith.constant 0 : i32
        %dma_start3A_688 = arith.constant 0 : i32
        %dma_start3A_689 = tpu.memref_slice %arg3[%add3A_239, %dma_start3A_687, %dma_start3A_688] : memref<1024x8x16xf32, #tpu.memory_space<hbm>> -> memref<1x8x16xf32, #tpu.memory_space<hbm>>
        %dma_start3A_690 = tpu.memref_squeeze %dma_start3A_689 : memref<1x8x16xf32, #tpu.memory_space<hbm>> -> memref<8x16xf32, #tpu.memory_space<hbm>>
        %dma_start3A_691 = arith.constant 0 : i32
        %dma_start3A_692 = arith.constant 0 : i32
        %dma_start3A_693 = tpu.memref_slice %arg5[%run_scoped3A_240, %dma_start3A_691, %dma_start3A_692] : memref<2x8x16xf32, #tpu.memory_space<vmem>> -> memref<1x8x16xf32, #tpu.memory_space<vmem>>
        %dma_start3A_694 = tpu.memref_squeeze %dma_start3A_693 : memref<1x8x16xf32, #tpu.memory_space<vmem>> -> memref<8x16xf32, #tpu.memory_space<vmem>>
        %dma_start3A_695 = arith.constant 0 : i32
        %dma_start3A_696 = arith.constant 0 : i32
        %dma_start3A_697 = tpu.memref_slice %arg3[%add3A_239, %dma_start3A_695, %dma_start3A_696] : memref<1024x8x16xf32, #tpu.memory_space<hbm>> -> memref<1x8x16xf32, #tpu.memory_space<hbm>>
        %dma_start3A_698 = tpu.memref_squeeze %dma_start3A_697 : memref<1x8x16xf32, #tpu.memory_space<hbm>> -> memref<8x16xf32, #tpu.memory_space<hbm>>
        tpu.enqueue_dma source(%dma_start3A_698 : memref<8x16xf32, #tpu.memory_space<hbm>>) target(%dma_start3A_694 : memref<8x16xf32, #tpu.memory_space<vmem>>) target_semaphore(%run_scoped3A_682 : memref<!tpu.dma_semaphore, #tpu.memory_space<semaphore_mem>>)
        %dma_wait3A_699 = arith.constant 0 : i32
        %dma_wait3A_700 = arith.constant 0 : i32
        %dma_wait3A_701 = tpu.memref_slice %arg5[%run_scoped3A_240, %dma_wait3A_699, %dma_wait3A_700] : memref<2x8x16xf32, #tpu.memory_space<vmem>> -> memref<1x8x16xf32, #tpu.memory_space<vmem>>
        %dma_wait3A_702 = tpu.memref_squeeze %dma_wait3A_701 : memref<1x8x16xf32, #tpu.memory_space<vmem>> -> memref<8x16xf32, #tpu.memory_space<vmem>>
        %dma_wait3A_703 = arith.constant 0 : i32
        %dma_wait3A_704 = arith.constant 0 : i32
        %dma_wait3A_705 = tpu.memref_slice %arg3[%add3A_239, %dma_wait3A_703, %dma_wait3A_704] : memref<1024x8x16xf32, #tpu.memory_space<hbm>> -> memref<1x8x16xf32, #tpu.memory_space<hbm>>
        %dma_wait3A_706 = tpu.memref_squeeze %dma_wait3A_705 : memref<1x8x16xf32, #tpu.memory_space<hbm>> -> memref<8x16xf32, #tpu.memory_space<hbm>>
        %dma_wait3A_707 = arith.constant 0 : i32
        %dma_wait3A_708 = arith.constant 0 : i32
        %dma_wait3A_709 = tpu.memref_slice %arg5[%run_scoped3A_240, %dma_wait3A_707, %dma_wait3A_708] : memref<2x8x16xf32, #tpu.memory_space<vmem>> -> memref<1x8x16xf32, #tpu.memory_space<vmem>>
        %dma_wait3A_710 = tpu.memref_squeeze %dma_wait3A_709 : memref<1x8x16xf32, #tpu.memory_space<vmem>> -> memref<8x16xf32, #tpu.memory_space<vmem>>
        %dma_wait3A_711 = arith.constant 0 : i32
        %dma_wait3A_712 = arith.constant 0 : i32
        %dma_wait3A_713 = tpu.memref_slice %arg3[%add3A_239, %dma_wait3A_711, %dma_wait3A_712] : memref<1024x8x16xf32, #tpu.memory_space<hbm>> -> memref<1x8x16xf32, #tpu.memory_space<hbm>>
        %dma_wait3A_714 = tpu.memref_squeeze %dma_wait3A_713 : memref<1x8x16xf32, #tpu.memory_space<hbm>> -> memref<8x16xf32, #tpu.memory_space<hbm>>
        tpu.wait_dma2 semaphore(%run_scoped3A_682 : memref<!tpu.dma_semaphore, #tpu.memory_space<semaphore_mem>>) src(%dma_wait3A_714 : memref<8x16xf32, #tpu.memory_space<hbm>>) dst(%dma_wait3A_710 : memref<8x16xf32, #tpu.memory_space<vmem>>)
        tpu.yield
      }) : () -> ()
      %get3A_241 = arith.constant 1 : i32
      %get3A_242 = arith.constant 0 : i32
      %get3A_243 = arith.index_cast %get3A_241 : i32 to index
      %get3A_244 = arith.index_cast %get3A_242 : i32 to index
      %get3A_245 = arith.constant 0 : index
      %get3A_246 = tpu.vector_load %arg5[%get3A_243, %get3A_244, %get3A_245] {strides = array<i32>} : memref<2x8x16xf32, #tpu.memory_space<vmem>>, vector<16xf32>,
      %get3A_247 = arith.constant 1 : i32
      %get3A_248 = arith.constant 1 : i32
      %get3A_249 = arith.index_cast %get3A_247 : i32 to index
      %get3A_250 = arith.index_cast %get3A_248 : i32 to index
      %get3A_251 = arith.constant 0 : index
      %get3A_252 = tpu.vector_load %arg5[%get3A_249, %get3A_250, %get3A_251] {strides = array<i32>} : memref<2x8x16xf32, #tpu.memory_space<vmem>>, vector<16xf32>,
      %get3A_253 = arith.constant 1 : i32
      %get3A_254 = arith.constant 2 : i32
      %get3A_255 = arith.index_cast %get3A_253 : i32 to index
      %get3A_256 = arith.index_cast %get3A_254 : i32 to index
      %get3A_257 = arith.constant 0 : index
      %get3A_258 = tpu.vector_load %arg5[%get3A_255, %get3A_256, %get3A_257] {strides = array<i32>} : memref<2x8x16xf32, #tpu.memory_space<vmem>>, vector<16xf32>,
      %get3A_259 = arith.constant 1 : i32
      %get3A_260 = arith.constant 3 : i32
      %get3A_261 = arith.index_cast %get3A_259 : i32 to index
      %get3A_262 = arith.index_cast %get3A_260 : i32 to index
      %get3A_263 = arith.constant 0 : index
      %get3A_264 = tpu.vector_load %arg5[%get3A_261, %get3A_262, %get3A_263] {strides = array<i32>} : memref<2x8x16xf32, #tpu.memory_space<vmem>>, vector<16xf32>,
      %get3A_265 = arith.constant 1 : i32
      %get3A_266 = arith.constant 4 : i32
      %get3A_267 = arith.index_cast %get3A_265 : i32 to index
      %get3A_268 = arith.index_cast %get3A_266 : i32 to index
      %get3A_269 = arith.constant 0 : index
      %get3A_270 = tpu.vector_load %arg5[%get3A_267, %get3A_268, %get3A_269] {strides = array<i32>} : memref<2x8x16xf32, #tpu.memory_space<vmem>>, vector<16xf32>,
      %get3A_271 = arith.constant 1 : i32
      %get3A_272 = arith.constant 5 : i32
      %get3A_273 = arith.index_cast %get3A_271 : i32 to index
      %get3A_274 = arith.index_cast %get3A_272 : i32 to index
      %get3A_275 = arith.constant 0 : index
      %get3A_276 = tpu.vector_load %arg5[%get3A_273, %get3A_274, %get3A_275] {strides = array<i32>} : memref<2x8x16xf32, #tpu.memory_space<vmem>>, vector<16xf32>,
      %get3A_277 = arith.constant 1 : i32
      %get3A_278 = arith.constant 6 : i32
      %get3A_279 = arith.index_cast %get3A_277 : i32 to index
      %get3A_280 = arith.index_cast %get3A_278 : i32 to index
      %get3A_281 = arith.constant 0 : index
      %get3A_282 = tpu.vector_load %arg5[%get3A_279, %get3A_280, %get3A_281] {strides = array<i32>} : memref<2x8x16xf32, #tpu.memory_space<vmem>>, vector<16xf32>,
      %get3A_283 = arith.constant 1 : i32
      %get3A_284 = arith.constant 7 : i32
      %get3A_285 = arith.index_cast %get3A_283 : i32 to index
      %get3A_286 = arith.index_cast %get3A_284 : i32 to index
      %get3A_287 = arith.constant 0 : index
      %get3A_288 = tpu.vector_load %arg5[%get3A_285, %get3A_286, %get3A_287] {strides = array<i32>} : memref<2x8x16xf32, #tpu.memory_space<vmem>>, vector<16xf32>,
      %convert_element_type3A_289 = arith.fptosi %get3A_270 : vector<16xf32> to vector<16xi32>
      %convert_element_type3A_290 = arith.fptosi %get3A_276 : vector<16xf32> to vector<16xi32>
      %convert_element_type3A_291 = arith.fptosi %get3A_282 : vector<16xf32> to vector<16xi32>
      %convert_element_type3A_292 = arith.fptosi %get3A_288 : vector<16xf32> to vector<16xi32>
      %scan3A_293 = arith.constant 0 : i32
      %scan3A_294 = arith.constant 0 : i32
      %scan3A_295 = arith.constant 7 : i32
      %scan3A_296 = arith.addi %scan3A_294, %scan3A_295 : i32
      %scan3A_297 = arith.constant 1 : i32
      scf.for %scan3A_682 = %scan3A_294 to %scan3A_296 step %scan3A_297  : i32 {
        %broadcast_in_dim3A_683 = vector.broadcast %scan3A_682 : i32 to vector<16xi32>
        %convert_element_type3A_684 = arith.sitofp %broadcast_in_dim3A_683 : vector<16xi32> to vector<16xf32>
        %add3A_685 = arith.addf %convert_element_type3A_684, %add3A_12 : vector<16xf32>
        %mul3A_686 = arith.mulf %add3A_685, %get3A_258 : vector<16xf32>
        %add3A_687 = arith.addf %get3A_246, %mul3A_686 : vector<16xf32>
        %max3A = arith.constant 0.000000e+00 : f32
        %max3A_688 = vector.broadcast %max3A : f32 to vector<16xf32>
        %max3A_689 = arith.maximumf %add3A_687, %max3A_688 : vector<16xf32>
        %convert_element_type3A_690 = arith.fptosi %max3A_689 : vector<16xf32> to vector<16xi32>
        %convert_element_type3A_691 = arith.sitofp %convert_element_type3A_690 : vector<16xi32> to vector<16xf32>
        %ge3A = arith.cmpf oge, %convert_element_type3A_691, %get3A_270 : vector<16xf32>
        %select_n3A = arith.select %ge3A, %get3A_270, %convert_element_type3A_691 : vector<16xi1>, vector<16xf32>
        %convert_element_type3A_692 = arith.fptosi %select_n3A : vector<16xf32> to vector<16xi32>
        %add3A_693 = arith.constant 1 : i32
        %add3A_694 = vector.broadcast %add3A_693 : i32 to vector<16xi32>
        %add3A_695 = arith.addi %convert_element_type3A_692, %add3A_694 : vector<16xi32>
        %min3A = arith.minsi %add3A_695, %convert_element_type3A_289 : vector<16xi32>
        %sub3A_696 = arith.subf %max3A_689, %convert_element_type3A_691 : vector<16xf32>
        %jit3A = arith.constant 0.000000e+00 : f32
        %broadcast_in_dim3A_697 = vector.broadcast %jit3A : f32 to vector<16xf32>
        %select_n3A_698 = arith.select %ge3A, %broadcast_in_dim3A_697, %sub3A_696 : vector<16xi1>, vector<16xf32>
        %sub3A_699 = arith.constant 1.000000e+00 : f32
        %sub3A_700 = vector.broadcast %sub3A_699 : f32 to vector<16xf32>
        %sub3A_701 = arith.subf %sub3A_700, %select_n3A_698 : vector<16xf32>
        %select_n3A_702 = arith.select %eq3A_33, %select_n3A_698, %sub3A_701 : vector<16xi1>, vector<16xf32>
        %select_n3A_703 = arith.select %eq3A_33, %min3A, %convert_element_type3A_692 : vector<16xi1>, vector<16xi32>
        %mul3A_704 = arith.muli %select_n3A_703, %convert_element_type3A_291 : vector<16xi32>
        %add3A_705 = arith.addi %convert_element_type3A_292, %mul3A_704 : vector<16xi32>
        %scan3A_706 = arith.constant 0 : i32
        %scan3A_707 = arith.constant 0 : i32
        %scan3A_708 = arith.constant 7 : i32
        %scan3A_709 = arith.addi %scan3A_707, %scan3A_708 : i32
        %scan3A_710 = arith.constant 1 : i32
        scf.for %scan3A_712 = %scan3A_707 to %scan3A_709 step %scan3A_710  : i32 {
          %broadcast_in_dim3A_713 = vector.broadcast %scan3A_712 : i32 to vector<16xi32>
          %convert_element_type3A_714 = arith.sitofp %broadcast_in_dim3A_713 : vector<16xi32> to vector<16xf32>
          %add3A_715 = arith.addf %convert_element_type3A_714, %add3A_25 : vector<16xf32>
          %mul3A_716 = arith.mulf %add3A_715, %get3A_264 : vector<16xf32>
          %add3A_717 = arith.addf %get3A_252, %mul3A_716 : vector<16xf32>
          %max3A_718 = arith.constant 0.000000e+00 : f32
          %max3A_719 = vector.broadcast %max3A_718 : f32 to vector<16xf32>
          %max3A_720 = arith.maximumf %add3A_717, %max3A_719 : vector<16xf32>
          %convert_element_type3A_721 = arith.fptosi %max3A_720 : vector<16xf32> to vector<16xi32>
          %convert_element_type3A_722 = arith.sitofp %convert_element_type3A_721 : vector<16xi32> to vector<16xf32>
          %ge3A_723 = arith.cmpf oge, %convert_element_type3A_722, %get3A_276 : vector<16xf32>
          %select_n3A_724 = arith.select %ge3A_723, %get3A_276, %convert_element_type3A_722 : vector<16xi1>, vector<16xf32>
          %convert_element_type3A_725 = arith.fptosi %select_n3A_724 : vector<16xf32> to vector<16xi32>
          %add3A_726 = arith.constant 1 : i32
          %add3A_727 = vector.broadcast %add3A_726 : i32 to vector<16xi32>
          %add3A_728 = arith.addi %convert_element_type3A_725, %add3A_727 : vector<16xi32>
          %min3A_729 = arith.minsi %add3A_728, %convert_element_type3A_290 : vector<16xi32>
          %sub3A_730 = arith.subf %max3A_720, %convert_element_type3A_722 : vector<16xf32>
          %jit3A_731 = arith.constant 0.000000e+00 : f32
          %broadcast_in_dim3A_732 = vector.broadcast %jit3A_731 : f32 to vector<16xf32>
          %select_n3A_733 = arith.select %ge3A_723, %broadcast_in_dim3A_732, %sub3A_730 : vector<16xi1>, vector<16xf32>
          %sub3A_734 = arith.constant 1.000000e+00 : f32
          %sub3A_735 = vector.broadcast %sub3A_734 : f32 to vector<16xf32>
          %sub3A_736 = arith.subf %sub3A_735, %select_n3A_733 : vector<16xf32>
          %select_n3A_737 = arith.select %eq3A_39, %select_n3A_733, %sub3A_736 : vector<16xi1>, vector<16xf32>
          %select_n3A_738 = arith.select %eq3A_39, %min3A_729, %convert_element_type3A_725 : vector<16xi1>, vector<16xi32>
          %add3A_739 = arith.addi %add3A_705, %select_n3A_738 : vector<16xi32>
          %mul3A_740 = arith.constant 16 : i32
          %mul3A_741 = arith.muli %scan3A_712, %mul3A_740 : i32
          %swap3A = arith.constant 1 : i32
          %swap3A_742 = arith.index_cast %swap3A : i32 to index
          %swap3A_743 = arith.index_cast %scan3A_682 : i32 to index
          %swap3A_744 = arith.index_cast %mul3A_741 : i32 to index
          %swap3A_745 = tpu.vector_load %arg6[%swap3A_742, %swap3A_743, %swap3A_744] {strides = array<i32>} : memref<2x7x112xi32, #tpu.memory_space<vmem>>, vector<16xi32>,
          tpu.vector_store %arg6[%swap3A_742, %swap3A_743, %swap3A_744], %add3A_739 {strides = array<i32>} : memref<2x7x112xi32, #tpu.memory_space<vmem>>, vector<16xi32>,
          %mul3A_746 = arith.mulf %select_n3A_702, %select_n3A_737 : vector<16xf32>
          %mul3A_747 = arith.constant 2.500000e-01 : f32
          %mul3A_748 = vector.broadcast %mul3A_747 : f32 to vector<16xf32>
          %mul3A_749 = arith.mulf %mul3A_746, %mul3A_748 : vector<16xf32>
          %mul3A_750 = arith.constant 7 : i32
          %mul3A_751 = arith.muli %scan3A_682, %mul3A_750 : i32
          %add3A_752 = arith.addi %mul3A_751, %scan3A_712 : i32
          %mul3A_753 = arith.constant 16 : i32
          %mul3A_754 = arith.muli %add3A_752, %mul3A_753 : i32
          %swap3A_755 = arith.constant 1 : i32
          %swap3A_756 = arith.index_cast %swap3A_755 : i32 to index
          %swap3A_757 = arith.index_cast %mul3A_754 : i32 to index
          %swap3A_758 = tpu.vector_load %arg7[%swap3A_756, %swap3A_757] {strides = array<i32>} : memref<2x784xf32, #tpu.memory_space<vmem>>, vector<16xf32>,
          tpu.vector_store %arg7[%swap3A_756, %swap3A_757], %mul3A_749 {strides = array<i32>} : memref<2x784xf32, #tpu.memory_space<vmem>>, vector<16xf32>,
        }
        %scan3A_711 = arith.constant 7 : i32
      }
      %scan3A_298 = arith.constant 7 : i32
      %dma_start3A_299 = arith.constant 1 : i32
      %dma_start3A_300 = arith.constant 0 : i32
      %dma_start3A_301 = arith.constant 1 : i32
      %dma_start3A_302 = arith.constant 0 : i32
      %dma_start3A_303 = arith.constant 0 : i32
      %dma_start3A_304 = arith.constant 0 : i32
      %dma_start3A_305 = tpu.memref_slice %arg8[%dma_start3A_301, %dma_start3A_303, %dma_start3A_304] : memref<2x784x64xbf16, #tpu.memory_space<vmem>> -> memref<1x112x64xbf16, #tpu.memory_space<vmem>>
      %dma_start3A_306 = tpu.memref_squeeze %dma_start3A_305 : memref<1x112x64xbf16, #tpu.memory_space<vmem>> -> memref<112x64xbf16, #tpu.memory_space<vmem>>
      %dma_start3A_307 = arith.constant 0 : i32
      %dma_start3A_308 = tpu.memref_slice %arg6[%dma_start3A_299, %dma_start3A_300, %dma_start3A_307] : memref<2x7x112xi32, #tpu.memory_space<vmem>> -> memref<1x1x112xi32, #tpu.memory_space<vmem>>
      %dma_start3A_309 = tpu.memref_squeeze %dma_start3A_308 : memref<1x1x112xi32, #tpu.memory_space<vmem>> -> memref<112xi32, #tpu.memory_space<vmem>>
      %dma_start3A_310 = arith.constant 0 : i32
      %dma_start3A_311 = arith.constant 0 : i32
      %dma_start3A_312 = tpu.memref_slice %arg2[%dma_start3A_310, %dma_start3A_311] : memref<20224x64xbf16, #tpu.memory_space<hbm>> -> memref<20224x64xbf16, #tpu.memory_space<hbm>>
      %dma_start3A_313 = tpu.memref_slice %arg11[%dma_start3A_302] : memref<7x!tpu.dma_semaphore, #tpu.memory_space<semaphore_mem>> -> memref<1x!tpu.dma_semaphore, #tpu.memory_space<semaphore_mem>>
      %dma_start3A_314 = tpu.memref_squeeze %dma_start3A_313 : memref<1x!tpu.dma_semaphore, #tpu.memory_space<semaphore_mem>> -> memref<!tpu.dma_semaphore, #tpu.memory_space<semaphore_mem>>
      tpu.enqueue_indirect_dma source(%dma_start3A_312 : memref<20224x64xbf16, #tpu.memory_space<hbm>>) target(%dma_start3A_306 : memref<112x64xbf16, #tpu.memory_space<vmem>>) offsets(%dma_start3A_309 : memref<112xi32, #tpu.memory_space<vmem>>) semaphore(%dma_start3A_314 : memref<!tpu.dma_semaphore, #tpu.memory_space<semaphore_mem>>)
      %dma_start3A_315 = arith.constant 1 : i32
      %dma_start3A_316 = arith.constant 1 : i32
      %dma_start3A_317 = arith.constant 1 : i32
      %dma_start3A_318 = arith.constant 1 : i32
      %dma_start3A_319 = arith.constant 112 : i32
      %dma_start3A_320 = arith.constant 0 : i32
      %dma_start3A_321 = tpu.memref_slice %arg8[%dma_start3A_317, %dma_start3A_319, %dma_start3A_320] : memref<2x784x64xbf16, #tpu.memory_space<vmem>> -> memref<1x112x64xbf16, #tpu.memory_space<vmem>>
      %dma_start3A_322 = tpu.memref_squeeze %dma_start3A_321 : memref<1x112x64xbf16, #tpu.memory_space<vmem>> -> memref<112x64xbf16, #tpu.memory_space<vmem>>
      %dma_start3A_323 = arith.constant 0 : i32
      %dma_start3A_324 = tpu.memref_slice %arg6[%dma_start3A_315, %dma_start3A_316, %dma_start3A_323] : memref<2x7x112xi32, #tpu.memory_space<vmem>> -> memref<1x1x112xi32, #tpu.memory_space<vmem>>
      %dma_start3A_325 = tpu.memref_squeeze %dma_start3A_324 : memref<1x1x112xi32, #tpu.memory_space<vmem>> -> memref<112xi32, #tpu.memory_space<vmem>>
      %dma_start3A_326 = arith.constant 0 : i32
      %dma_start3A_327 = arith.constant 0 : i32
      %dma_start3A_328 = tpu.memref_slice %arg2[%dma_start3A_326, %dma_start3A_327] : memref<20224x64xbf16, #tpu.memory_space<hbm>> -> memref<20224x64xbf16, #tpu.memory_space<hbm>>
      %dma_start3A_329 = tpu.memref_slice %arg11[%dma_start3A_318] : memref<7x!tpu.dma_semaphore, #tpu.memory_space<semaphore_mem>> -> memref<1x!tpu.dma_semaphore, #tpu.memory_space<semaphore_mem>>
      %dma_start3A_330 = tpu.memref_squeeze %dma_start3A_329 : memref<1x!tpu.dma_semaphore, #tpu.memory_space<semaphore_mem>> -> memref<!tpu.dma_semaphore, #tpu.memory_space<semaphore_mem>>
      tpu.enqueue_indirect_dma source(%dma_start3A_328 : memref<20224x64xbf16, #tpu.memory_space<hbm>>) target(%dma_start3A_322 : memref<112x64xbf16, #tpu.memory_space<vmem>>) offsets(%dma_start3A_325 : memref<112xi32, #tpu.memory_space<vmem>>) semaphore(%dma_start3A_330 : memref<!tpu.dma_semaphore, #tpu.memory_space<semaphore_mem>>)
      %dma_start3A_331 = arith.constant 1 : i32
      %dma_start3A_332 = arith.constant 2 : i32
      %dma_start3A_333 = arith.constant 1 : i32
      %dma_start3A_334 = arith.constant 2 : i32
      %dma_start3A_335 = arith.constant 224 : i32
      %dma_start3A_336 = arith.constant 0 : i32
      %dma_start3A_337 = tpu.memref_slice %arg8[%dma_start3A_333, %dma_start3A_335, %dma_start3A_336] : memref<2x784x64xbf16, #tpu.memory_space<vmem>> -> memref<1x112x64xbf16, #tpu.memory_space<vmem>>
      %dma_start3A_338 = tpu.memref_squeeze %dma_start3A_337 : memref<1x112x64xbf16, #tpu.memory_space<vmem>> -> memref<112x64xbf16, #tpu.memory_space<vmem>>
      %dma_start3A_339 = arith.constant 0 : i32
      %dma_start3A_340 = tpu.memref_slice %arg6[%dma_start3A_331, %dma_start3A_332, %dma_start3A_339] : memref<2x7x112xi32, #tpu.memory_space<vmem>> -> memref<1x1x112xi32, #tpu.memory_space<vmem>>
      %dma_start3A_341 = tpu.memref_squeeze %dma_start3A_340 : memref<1x1x112xi32, #tpu.memory_space<vmem>> -> memref<112xi32, #tpu.memory_space<vmem>>
      %dma_start3A_342 = arith.constant 0 : i32
      %dma_start3A_343 = arith.constant 0 : i32
      %dma_start3A_344 = tpu.memref_slice %arg2[%dma_start3A_342, %dma_start3A_343] : memref<20224x64xbf16, #tpu.memory_space<hbm>> -> memref<20224x64xbf16, #tpu.memory_space<hbm>>
      %dma_start3A_345 = tpu.memref_slice %arg11[%dma_start3A_334] : memref<7x!tpu.dma_semaphore, #tpu.memory_space<semaphore_mem>> -> memref<1x!tpu.dma_semaphore, #tpu.memory_space<semaphore_mem>>
      %dma_start3A_346 = tpu.memref_squeeze %dma_start3A_345 : memref<1x!tpu.dma_semaphore, #tpu.memory_space<semaphore_mem>> -> memref<!tpu.dma_semaphore, #tpu.memory_space<semaphore_mem>>
      tpu.enqueue_indirect_dma source(%dma_start3A_344 : memref<20224x64xbf16, #tpu.memory_space<hbm>>) target(%dma_start3A_338 : memref<112x64xbf16, #tpu.memory_space<vmem>>) offsets(%dma_start3A_341 : memref<112xi32, #tpu.memory_space<vmem>>) semaphore(%dma_start3A_346 : memref<!tpu.dma_semaphore, #tpu.memory_space<semaphore_mem>>)
      %dma_start3A_347 = arith.constant 1 : i32
      %dma_start3A_348 = arith.constant 3 : i32
      %dma_start3A_349 = arith.constant 1 : i32
      %dma_start3A_350 = arith.constant 3 : i32
      %dma_start3A_351 = arith.constant 336 : i32
      %dma_start3A_352 = arith.constant 0 : i32
      %dma_start3A_353 = tpu.memref_slice %arg8[%dma_start3A_349, %dma_start3A_351, %dma_start3A_352] : memref<2x784x64xbf16, #tpu.memory_space<vmem>> -> memref<1x112x64xbf16, #tpu.memory_space<vmem>>
      %dma_start3A_354 = tpu.memref_squeeze %dma_start3A_353 : memref<1x112x64xbf16, #tpu.memory_space<vmem>> -> memref<112x64xbf16, #tpu.memory_space<vmem>>
      %dma_start3A_355 = arith.constant 0 : i32
      %dma_start3A_356 = tpu.memref_slice %arg6[%dma_start3A_347, %dma_start3A_348, %dma_start3A_355] : memref<2x7x112xi32, #tpu.memory_space<vmem>> -> memref<1x1x112xi32, #tpu.memory_space<vmem>>
      %dma_start3A_357 = tpu.memref_squeeze %dma_start3A_356 : memref<1x1x112xi32, #tpu.memory_space<vmem>> -> memref<112xi32, #tpu.memory_space<vmem>>
      %dma_start3A_358 = arith.constant 0 : i32
      %dma_start3A_359 = arith.constant 0 : i32
      %dma_start3A_360 = tpu.memref_slice %arg2[%dma_start3A_358, %dma_start3A_359] : memref<20224x64xbf16, #tpu.memory_space<hbm>> -> memref<20224x64xbf16, #tpu.memory_space<hbm>>
      %dma_start3A_361 = tpu.memref_slice %arg11[%dma_start3A_350] : memref<7x!tpu.dma_semaphore, #tpu.memory_space<semaphore_mem>> -> memref<1x!tpu.dma_semaphore, #tpu.memory_space<semaphore_mem>>
      %dma_start3A_362 = tpu.memref_squeeze %dma_start3A_361 : memref<1x!tpu.dma_semaphore, #tpu.memory_space<semaphore_mem>> -> memref<!tpu.dma_semaphore, #tpu.memory_space<semaphore_mem>>
      tpu.enqueue_indirect_dma source(%dma_start3A_360 : memref<20224x64xbf16, #tpu.memory_space<hbm>>) target(%dma_start3A_354 : memref<112x64xbf16, #tpu.memory_space<vmem>>) offsets(%dma_start3A_357 : memref<112xi32, #tpu.memory_space<vmem>>) semaphore(%dma_start3A_362 : memref<!tpu.dma_semaphore, #tpu.memory_space<semaphore_mem>>)
      %dma_start3A_363 = arith.constant 1 : i32
      %dma_start3A_364 = arith.constant 4 : i32
      %dma_start3A_365 = arith.constant 1 : i32
      %dma_start3A_366 = arith.constant 4 : i32
      %dma_start3A_367 = arith.constant 448 : i32
      %dma_start3A_368 = arith.constant 0 : i32
      %dma_start3A_369 = tpu.memref_slice %arg8[%dma_start3A_365, %dma_start3A_367, %dma_start3A_368] : memref<2x784x64xbf16, #tpu.memory_space<vmem>> -> memref<1x112x64xbf16, #tpu.memory_space<vmem>>
      %dma_start3A_370 = tpu.memref_squeeze %dma_start3A_369 : memref<1x112x64xbf16, #tpu.memory_space<vmem>> -> memref<112x64xbf16, #tpu.memory_space<vmem>>
      %dma_start3A_371 = arith.constant 0 : i32
      %dma_start3A_372 = tpu.memref_slice %arg6[%dma_start3A_363, %dma_start3A_364, %dma_start3A_371] : memref<2x7x112xi32, #tpu.memory_space<vmem>> -> memref<1x1x112xi32, #tpu.memory_space<vmem>>
      %dma_start3A_373 = tpu.memref_squeeze %dma_start3A_372 : memref<1x1x112xi32, #tpu.memory_space<vmem>> -> memref<112xi32, #tpu.memory_space<vmem>>
      %dma_start3A_374 = arith.constant 0 : i32
      %dma_start3A_375 = arith.constant 0 : i32
      %dma_start3A_376 = tpu.memref_slice %arg2[%dma_start3A_374, %dma_start3A_375] : memref<20224x64xbf16, #tpu.memory_space<hbm>> -> memref<20224x64xbf16, #tpu.memory_space<hbm>>
      %dma_start3A_377 = tpu.memref_slice %arg11[%dma_start3A_366] : memref<7x!tpu.dma_semaphore, #tpu.memory_space<semaphore_mem>> -> memref<1x!tpu.dma_semaphore, #tpu.memory_space<semaphore_mem>>
      %dma_start3A_378 = tpu.memref_squeeze %dma_start3A_377 : memref<1x!tpu.dma_semaphore, #tpu.memory_space<semaphore_mem>> -> memref<!tpu.dma_semaphore, #tpu.memory_space<semaphore_mem>>
      tpu.enqueue_indirect_dma source(%dma_start3A_376 : memref<20224x64xbf16, #tpu.memory_space<hbm>>) target(%dma_start3A_370 : memref<112x64xbf16, #tpu.memory_space<vmem>>) offsets(%dma_start3A_373 : memref<112xi32, #tpu.memory_space<vmem>>) semaphore(%dma_start3A_378 : memref<!tpu.dma_semaphore, #tpu.memory_space<semaphore_mem>>)
      %dma_start3A_379 = arith.constant 1 : i32
      %dma_start3A_380 = arith.constant 5 : i32
      %dma_start3A_381 = arith.constant 1 : i32
      %dma_start3A_382 = arith.constant 5 : i32
      %dma_start3A_383 = arith.constant 560 : i32
      %dma_start3A_384 = arith.constant 0 : i32
      %dma_start3A_385 = tpu.memref_slice %arg8[%dma_start3A_381, %dma_start3A_383, %dma_start3A_384] : memref<2x784x64xbf16, #tpu.memory_space<vmem>> -> memref<1x112x64xbf16, #tpu.memory_space<vmem>>
      %dma_start3A_386 = tpu.memref_squeeze %dma_start3A_385 : memref<1x112x64xbf16, #tpu.memory_space<vmem>> -> memref<112x64xbf16, #tpu.memory_space<vmem>>
      %dma_start3A_387 = arith.constant 0 : i32
      %dma_start3A_388 = tpu.memref_slice %arg6[%dma_start3A_379, %dma_start3A_380, %dma_start3A_387] : memref<2x7x112xi32, #tpu.memory_space<vmem>> -> memref<1x1x112xi32, #tpu.memory_space<vmem>>
      %dma_start3A_389 = tpu.memref_squeeze %dma_start3A_388 : memref<1x1x112xi32, #tpu.memory_space<vmem>> -> memref<112xi32, #tpu.memory_space<vmem>>
      %dma_start3A_390 = arith.constant 0 : i32
      %dma_start3A_391 = arith.constant 0 : i32
      %dma_start3A_392 = tpu.memref_slice %arg2[%dma_start3A_390, %dma_start3A_391] : memref<20224x64xbf16, #tpu.memory_space<hbm>> -> memref<20224x64xbf16, #tpu.memory_space<hbm>>
      %dma_start3A_393 = tpu.memref_slice %arg11[%dma_start3A_382] : memref<7x!tpu.dma_semaphore, #tpu.memory_space<semaphore_mem>> -> memref<1x!tpu.dma_semaphore, #tpu.memory_space<semaphore_mem>>
      %dma_start3A_394 = tpu.memref_squeeze %dma_start3A_393 : memref<1x!tpu.dma_semaphore, #tpu.memory_space<semaphore_mem>> -> memref<!tpu.dma_semaphore, #tpu.memory_space<semaphore_mem>>
      tpu.enqueue_indirect_dma source(%dma_start3A_392 : memref<20224x64xbf16, #tpu.memory_space<hbm>>) target(%dma_start3A_386 : memref<112x64xbf16, #tpu.memory_space<vmem>>) offsets(%dma_start3A_389 : memref<112xi32, #tpu.memory_space<vmem>>) semaphore(%dma_start3A_394 : memref<!tpu.dma_semaphore, #tpu.memory_space<semaphore_mem>>)
      %dma_start3A_395 = arith.constant 1 : i32
      %dma_start3A_396 = arith.constant 6 : i32
      %dma_start3A_397 = arith.constant 1 : i32
      %dma_start3A_398 = arith.constant 6 : i32
      %dma_start3A_399 = arith.constant 672 : i32
      %dma_start3A_400 = arith.constant 0 : i32
      %dma_start3A_401 = tpu.memref_slice %arg8[%dma_start3A_397, %dma_start3A_399, %dma_start3A_400] : memref<2x784x64xbf16, #tpu.memory_space<vmem>> -> memref<1x112x64xbf16, #tpu.memory_space<vmem>>
      %dma_start3A_402 = tpu.memref_squeeze %dma_start3A_401 : memref<1x112x64xbf16, #tpu.memory_space<vmem>> -> memref<112x64xbf16, #tpu.memory_space<vmem>>
      %dma_start3A_403 = arith.constant 0 : i32
      %dma_start3A_404 = tpu.memref_slice %arg6[%dma_start3A_395, %dma_start3A_396, %dma_start3A_403] : memref<2x7x112xi32, #tpu.memory_space<vmem>> -> memref<1x1x112xi32, #tpu.memory_space<vmem>>
      %dma_start3A_405 = tpu.memref_squeeze %dma_start3A_404 : memref<1x1x112xi32, #tpu.memory_space<vmem>> -> memref<112xi32, #tpu.memory_space<vmem>>
      %dma_start3A_406 = arith.constant 0 : i32
      %dma_start3A_407 = arith.constant 0 : i32
      %dma_start3A_408 = tpu.memref_slice %arg2[%dma_start3A_406, %dma_start3A_407] : memref<20224x64xbf16, #tpu.memory_space<hbm>> -> memref<20224x64xbf16, #tpu.memory_space<hbm>>
      %dma_start3A_409 = tpu.memref_slice %arg11[%dma_start3A_398] : memref<7x!tpu.dma_semaphore, #tpu.memory_space<semaphore_mem>> -> memref<1x!tpu.dma_semaphore, #tpu.memory_space<semaphore_mem>>
      %dma_start3A_410 = tpu.memref_squeeze %dma_start3A_409 : memref<1x!tpu.dma_semaphore, #tpu.memory_space<semaphore_mem>> -> memref<!tpu.dma_semaphore, #tpu.memory_space<semaphore_mem>>
      tpu.enqueue_indirect_dma source(%dma_start3A_408 : memref<20224x64xbf16, #tpu.memory_space<hbm>>) target(%dma_start3A_402 : memref<112x64xbf16, #tpu.memory_space<vmem>>) offsets(%dma_start3A_405 : memref<112xi32, #tpu.memory_space<vmem>>) semaphore(%dma_start3A_410 : memref<!tpu.dma_semaphore, #tpu.memory_space<semaphore_mem>>)
      %gt3A = arith.constant 0 : i32
      %gt3A_411 = arith.cmpi sgt, %scan3A_234, %gt3A : i32
      %sub3A_412 = arith.constant 2 : i32
      %sub3A_413 = arith.subi %add3A_237, %sub3A_412 : i32
      %lt3A_414 = arith.constant 1000 : i32
      %lt3A_415 = arith.cmpi slt, %sub3A_413, %lt3A_414 : i32
      %and3A_416 = arith.andi %gt3A_411, %lt3A_415 : i1
      %convert_element_type3A_417 = arith.extui %and3A_416 : i1 to i32
      %cond3A_418 = arith.constant 0 : i32
      %cond3A_419 = arith.cmpi ne, %convert_element_type3A_417, %cond3A_418 : i32
      scf.if %cond3A_419 {
        %dma_wait3A_682 = arith.constant 0 : i32
        %dma_wait3A_683 = arith.constant 0 : i32
        %dma_wait3A_684 = tpu.memref_slice %arg9[%dma_wait3A_682, %dma_wait3A_683] : memref<2x3136xf32, #tpu.memory_space<vmem>> -> memref<1x3136xf32, #tpu.memory_space<vmem>>
        %dma_wait3A_685 = tpu.memref_squeeze %dma_wait3A_684 : memref<1x3136xf32, #tpu.memory_space<vmem>> -> memref<3136xf32, #tpu.memory_space<vmem>>
        %dma_wait3A_686 = arith.constant 0 : i32
        %dma_wait3A_687 = tpu.memref_slice %arg4[%mul3A_2, %dma_wait3A_686] : memref<1000x3136xf32, #tpu.memory_space<hbm>> -> memref<1x3136xf32, #tpu.memory_space<hbm>>
        %dma_wait3A_688 = tpu.memref_squeeze %dma_wait3A_687 : memref<1x3136xf32, #tpu.memory_space<hbm>> -> memref<3136xf32, #tpu.memory_space<hbm>>
        %dma_wait3A_689 = arith.constant 0 : i32
        %dma_wait3A_690 = tpu.memref_slice %arg4[%mul3A_2, %dma_wait3A_689] : memref<1000x3136xf32, #tpu.memory_space<hbm>> -> memref<1x3136xf32, #tpu.memory_space<hbm>>
        %dma_wait3A_691 = tpu.memref_squeeze %dma_wait3A_690 : memref<1x3136xf32, #tpu.memory_space<hbm>> -> memref<3136xf32, #tpu.memory_space<hbm>>
        %dma_wait3A_692 = arith.constant 0 : i32
        %dma_wait3A_693 = tpu.memref_slice %arg9[%dma_wait3A_682, %dma_wait3A_692] : memref<2x3136xf32, #tpu.memory_space<vmem>> -> memref<1x3136xf32, #tpu.memory_space<vmem>>
        %dma_wait3A_694 = tpu.memref_squeeze %dma_wait3A_693 : memref<1x3136xf32, #tpu.memory_space<vmem>> -> memref<3136xf32, #tpu.memory_space<vmem>>
        tpu.wait_dma2 semaphore(%arg12 : memref<!tpu.dma_semaphore, #tpu.memory_space<semaphore_mem>>) src(%dma_wait3A_694 : memref<3136xf32, #tpu.memory_space<vmem>>) dst(%dma_wait3A_691 : memref<3136xf32, #tpu.memory_space<hbm>>)
      } else {
      }
      %dma_wait3A = arith.constant 0 : i32
      %dma_wait3A_420 = arith.constant 0 : i32
      %dma_wait3A_421 = arith.constant 0 : i32
      %dma_wait3A_422 = arith.constant 0 : i32
      %dma_wait3A_423 = arith.constant 0 : i32
      %dma_wait3A_424 = arith.constant 0 : i32
      %dma_wait3A_425 = tpu.memref_slice %arg8[%dma_wait3A_421, %dma_wait3A_423, %dma_wait3A_424] : memref<2x784x64xbf16, #tpu.memory_space<vmem>> -> memref<1x112x64xbf16, #tpu.memory_space<vmem>>
      %dma_wait3A_426 = tpu.memref_squeeze %dma_wait3A_425 : memref<1x112x64xbf16, #tpu.memory_space<vmem>> -> memref<112x64xbf16, #tpu.memory_space<vmem>>
      %dma_wait3A_427 = arith.constant 0 : i32
      %dma_wait3A_428 = tpu.memref_slice %arg6[%dma_wait3A, %dma_wait3A_420, %dma_wait3A_427] : memref<2x7x112xi32, #tpu.memory_space<vmem>> -> memref<1x1x112xi32, #tpu.memory_space<vmem>>
      %dma_wait3A_429 = tpu.memref_squeeze %dma_wait3A_428 : memref<1x1x112xi32, #tpu.memory_space<vmem>> -> memref<112xi32, #tpu.memory_space<vmem>>
      %dma_wait3A_430 = arith.constant 0 : i32
      %dma_wait3A_431 = arith.constant 0 : i32
      %dma_wait3A_432 = tpu.memref_slice %arg2[%dma_wait3A_430, %dma_wait3A_431] : memref<20224x64xbf16, #tpu.memory_space<hbm>> -> memref<20224x64xbf16, #tpu.memory_space<hbm>>
      %dma_wait3A_433 = tpu.memref_slice %arg10[%dma_wait3A_422] : memref<7x!tpu.dma_semaphore, #tpu.memory_space<semaphore_mem>> -> memref<1x!tpu.dma_semaphore, #tpu.memory_space<semaphore_mem>>
      %dma_wait3A_434 = tpu.memref_squeeze %dma_wait3A_433 : memref<1x!tpu.dma_semaphore, #tpu.memory_space<semaphore_mem>> -> memref<!tpu.dma_semaphore, #tpu.memory_space<semaphore_mem>>
      tpu.wait_indirect_dma semaphore(%dma_wait3A_434 : memref<!tpu.dma_semaphore, #tpu.memory_space<semaphore_mem>>) src(%dma_wait3A_432 : memref<20224x64xbf16, #tpu.memory_space<hbm>>) dst(%dma_wait3A_426 : memref<112x64xbf16, #tpu.memory_space<vmem>>)
      %dma_wait3A_435 = arith.constant 0 : i32
      %dma_wait3A_436 = arith.constant 1 : i32
      %dma_wait3A_437 = arith.constant 0 : i32
      %dma_wait3A_438 = arith.constant 1 : i32
      %dma_wait3A_439 = arith.constant 112 : i32
      %dma_wait3A_440 = arith.constant 0 : i32
      %dma_wait3A_441 = tpu.memref_slice %arg8[%dma_wait3A_437, %dma_wait3A_439, %dma_wait3A_440] : memref<2x784x64xbf16, #tpu.memory_space<vmem>> -> memref<1x112x64xbf16, #tpu.memory_space<vmem>>
      %dma_wait3A_442 = tpu.memref_squeeze %dma_wait3A_441 : memref<1x112x64xbf16, #tpu.memory_space<vmem>> -> memref<112x64xbf16, #tpu.memory_space<vmem>>
      %dma_wait3A_443 = arith.constant 0 : i32
      %dma_wait3A_444 = tpu.memref_slice %arg6[%dma_wait3A_435, %dma_wait3A_436, %dma_wait3A_443] : memref<2x7x112xi32, #tpu.memory_space<vmem>> -> memref<1x1x112xi32, #tpu.memory_space<vmem>>
      %dma_wait3A_445 = tpu.memref_squeeze %dma_wait3A_444 : memref<1x1x112xi32, #tpu.memory_space<vmem>> -> memref<112xi32, #tpu.memory_space<vmem>>
      %dma_wait3A_446 = arith.constant 0 : i32
      %dma_wait3A_447 = arith.constant 0 : i32
      %dma_wait3A_448 = tpu.memref_slice %arg2[%dma_wait3A_446, %dma_wait3A_447] : memref<20224x64xbf16, #tpu.memory_space<hbm>> -> memref<20224x64xbf16, #tpu.memory_space<hbm>>
      %dma_wait3A_449 = tpu.memref_slice %arg10[%dma_wait3A_438] : memref<7x!tpu.dma_semaphore, #tpu.memory_space<semaphore_mem>> -> memref<1x!tpu.dma_semaphore, #tpu.memory_space<semaphore_mem>>
      %dma_wait3A_450 = tpu.memref_squeeze %dma_wait3A_449 : memref<1x!tpu.dma_semaphore, #tpu.memory_space<semaphore_mem>> -> memref<!tpu.dma_semaphore, #tpu.memory_space<semaphore_mem>>
      tpu.wait_indirect_dma semaphore(%dma_wait3A_450 : memref<!tpu.dma_semaphore, #tpu.memory_space<semaphore_mem>>) src(%dma_wait3A_448 : memref<20224x64xbf16, #tpu.memory_space<hbm>>) dst(%dma_wait3A_442 : memref<112x64xbf16, #tpu.memory_space<vmem>>)
      %dma_wait3A_451 = arith.constant 0 : i32
      %dma_wait3A_452 = arith.constant 2 : i32
      %dma_wait3A_453 = arith.constant 0 : i32
      %dma_wait3A_454 = arith.constant 2 : i32
      %dma_wait3A_455 = arith.constant 224 : i32
      %dma_wait3A_456 = arith.constant 0 : i32
      %dma_wait3A_457 = tpu.memref_slice %arg8[%dma_wait3A_453, %dma_wait3A_455, %dma_wait3A_456] : memref<2x784x64xbf16, #tpu.memory_space<vmem>> -> memref<1x112x64xbf16, #tpu.memory_space<vmem>>
      %dma_wait3A_458 = tpu.memref_squeeze %dma_wait3A_457 : memref<1x112x64xbf16, #tpu.memory_space<vmem>> -> memref<112x64xbf16, #tpu.memory_space<vmem>>
      %dma_wait3A_459 = arith.constant 0 : i32
      %dma_wait3A_460 = tpu.memref_slice %arg6[%dma_wait3A_451, %dma_wait3A_452, %dma_wait3A_459] : memref<2x7x112xi32, #tpu.memory_space<vmem>> -> memref<1x1x112xi32, #tpu.memory_space<vmem>>
      %dma_wait3A_461 = tpu.memref_squeeze %dma_wait3A_460 : memref<1x1x112xi32, #tpu.memory_space<vmem>> -> memref<112xi32, #tpu.memory_space<vmem>>
      %dma_wait3A_462 = arith.constant 0 : i32
      %dma_wait3A_463 = arith.constant 0 : i32
      %dma_wait3A_464 = tpu.memref_slice %arg2[%dma_wait3A_462, %dma_wait3A_463] : memref<20224x64xbf16, #tpu.memory_space<hbm>> -> memref<20224x64xbf16, #tpu.memory_space<hbm>>
      %dma_wait3A_465 = tpu.memref_slice %arg10[%dma_wait3A_454] : memref<7x!tpu.dma_semaphore, #tpu.memory_space<semaphore_mem>> -> memref<1x!tpu.dma_semaphore, #tpu.memory_space<semaphore_mem>>
      %dma_wait3A_466 = tpu.memref_squeeze %dma_wait3A_465 : memref<1x!tpu.dma_semaphore, #tpu.memory_space<semaphore_mem>> -> memref<!tpu.dma_semaphore, #tpu.memory_space<semaphore_mem>>
      tpu.wait_indirect_dma semaphore(%dma_wait3A_466 : memref<!tpu.dma_semaphore, #tpu.memory_space<semaphore_mem>>) src(%dma_wait3A_464 : memref<20224x64xbf16, #tpu.memory_space<hbm>>) dst(%dma_wait3A_458 : memref<112x64xbf16, #tpu.memory_space<vmem>>)
      %dma_wait3A_467 = arith.constant 0 : i32
      %dma_wait3A_468 = arith.constant 3 : i32
      %dma_wait3A_469 = arith.constant 0 : i32
      %dma_wait3A_470 = arith.constant 3 : i32
      %dma_wait3A_471 = arith.constant 336 : i32
      %dma_wait3A_472 = arith.constant 0 : i32
      %dma_wait3A_473 = tpu.memref_slice %arg8[%dma_wait3A_469, %dma_wait3A_471, %dma_wait3A_472] : memref<2x784x64xbf16, #tpu.memory_space<vmem>> -> memref<1x112x64xbf16, #tpu.memory_space<vmem>>
      %dma_wait3A_474 = tpu.memref_squeeze %dma_wait3A_473 : memref<1x112x64xbf16, #tpu.memory_space<vmem>> -> memref<112x64xbf16, #tpu.memory_space<vmem>>
      %dma_wait3A_475 = arith.constant 0 : i32
      %dma_wait3A_476 = tpu.memref_slice %arg6[%dma_wait3A_467, %dma_wait3A_468, %dma_wait3A_475] : memref<2x7x112xi32, #tpu.memory_space<vmem>> -> memref<1x1x112xi32, #tpu.memory_space<vmem>>
      %dma_wait3A_477 = tpu.memref_squeeze %dma_wait3A_476 : memref<1x1x112xi32, #tpu.memory_space<vmem>> -> memref<112xi32, #tpu.memory_space<vmem>>
      %dma_wait3A_478 = arith.constant 0 : i32
      %dma_wait3A_479 = arith.constant 0 : i32
      %dma_wait3A_480 = tpu.memref_slice %arg2[%dma_wait3A_478, %dma_wait3A_479] : memref<20224x64xbf16, #tpu.memory_space<hbm>> -> memref<20224x64xbf16, #tpu.memory_space<hbm>>
      %dma_wait3A_481 = tpu.memref_slice %arg10[%dma_wait3A_470] : memref<7x!tpu.dma_semaphore, #tpu.memory_space<semaphore_mem>> -> memref<1x!tpu.dma_semaphore, #tpu.memory_space<semaphore_mem>>
      %dma_wait3A_482 = tpu.memref_squeeze %dma_wait3A_481 : memref<1x!tpu.dma_semaphore, #tpu.memory_space<semaphore_mem>> -> memref<!tpu.dma_semaphore, #tpu.memory_space<semaphore_mem>>
      tpu.wait_indirect_dma semaphore(%dma_wait3A_482 : memref<!tpu.dma_semaphore, #tpu.memory_space<semaphore_mem>>) src(%dma_wait3A_480 : memref<20224x64xbf16, #tpu.memory_space<hbm>>) dst(%dma_wait3A_474 : memref<112x64xbf16, #tpu.memory_space<vmem>>)
      %dma_wait3A_483 = arith.constant 0 : i32
      %dma_wait3A_484 = arith.constant 4 : i32
      %dma_wait3A_485 = arith.constant 0 : i32
      %dma_wait3A_486 = arith.constant 4 : i32
      %dma_wait3A_487 = arith.constant 448 : i32
      %dma_wait3A_488 = arith.constant 0 : i32
      %dma_wait3A_489 = tpu.memref_slice %arg8[%dma_wait3A_485, %dma_wait3A_487, %dma_wait3A_488] : memref<2x784x64xbf16, #tpu.memory_space<vmem>> -> memref<1x112x64xbf16, #tpu.memory_space<vmem>>
      %dma_wait3A_490 = tpu.memref_squeeze %dma_wait3A_489 : memref<1x112x64xbf16, #tpu.memory_space<vmem>> -> memref<112x64xbf16, #tpu.memory_space<vmem>>
      %dma_wait3A_491 = arith.constant 0 : i32
      %dma_wait3A_492 = tpu.memref_slice %arg6[%dma_wait3A_483, %dma_wait3A_484, %dma_wait3A_491] : memref<2x7x112xi32, #tpu.memory_space<vmem>> -> memref<1x1x112xi32, #tpu.memory_space<vmem>>
      %dma_wait3A_493 = tpu.memref_squeeze %dma_wait3A_492 : memref<1x1x112xi32, #tpu.memory_space<vmem>> -> memref<112xi32, #tpu.memory_space<vmem>>
      %dma_wait3A_494 = arith.constant 0 : i32
      %dma_wait3A_495 = arith.constant 0 : i32
      %dma_wait3A_496 = tpu.memref_slice %arg2[%dma_wait3A_494, %dma_wait3A_495] : memref<20224x64xbf16, #tpu.memory_space<hbm>> -> memref<20224x64xbf16, #tpu.memory_space<hbm>>
      %dma_wait3A_497 = tpu.memref_slice %arg10[%dma_wait3A_486] : memref<7x!tpu.dma_semaphore, #tpu.memory_space<semaphore_mem>> -> memref<1x!tpu.dma_semaphore, #tpu.memory_space<semaphore_mem>>
      %dma_wait3A_498 = tpu.memref_squeeze %dma_wait3A_497 : memref<1x!tpu.dma_semaphore, #tpu.memory_space<semaphore_mem>> -> memref<!tpu.dma_semaphore, #tpu.memory_space<semaphore_mem>>
      tpu.wait_indirect_dma semaphore(%dma_wait3A_498 : memref<!tpu.dma_semaphore, #tpu.memory_space<semaphore_mem>>) src(%dma_wait3A_496 : memref<20224x64xbf16, #tpu.memory_space<hbm>>) dst(%dma_wait3A_490 : memref<112x64xbf16, #tpu.memory_space<vmem>>)
      %dma_wait3A_499 = arith.constant 0 : i32
      %dma_wait3A_500 = arith.constant 5 : i32
      %dma_wait3A_501 = arith.constant 0 : i32
      %dma_wait3A_502 = arith.constant 5 : i32
      %dma_wait3A_503 = arith.constant 560 : i32
      %dma_wait3A_504 = arith.constant 0 : i32
      %dma_wait3A_505 = tpu.memref_slice %arg8[%dma_wait3A_501, %dma_wait3A_503, %dma_wait3A_504] : memref<2x784x64xbf16, #tpu.memory_space<vmem>> -> memref<1x112x64xbf16, #tpu.memory_space<vmem>>
      %dma_wait3A_506 = tpu.memref_squeeze %dma_wait3A_505 : memref<1x112x64xbf16, #tpu.memory_space<vmem>> -> memref<112x64xbf16, #tpu.memory_space<vmem>>
      %dma_wait3A_507 = arith.constant 0 : i32
      %dma_wait3A_508 = tpu.memref_slice %arg6[%dma_wait3A_499, %dma_wait3A_500, %dma_wait3A_507] : memref<2x7x112xi32, #tpu.memory_space<vmem>> -> memref<1x1x112xi32, #tpu.memory_space<vmem>>
      %dma_wait3A_509 = tpu.memref_squeeze %dma_wait3A_508 : memref<1x1x112xi32, #tpu.memory_space<vmem>> -> memref<112xi32, #tpu.memory_space<vmem>>
      %dma_wait3A_510 = arith.constant 0 : i32
      %dma_wait3A_511 = arith.constant 0 : i32
      %dma_wait3A_512 = tpu.memref_slice %arg2[%dma_wait3A_510, %dma_wait3A_511] : memref<20224x64xbf16, #tpu.memory_space<hbm>> -> memref<20224x64xbf16, #tpu.memory_space<hbm>>
      %dma_wait3A_513 = tpu.memref_slice %arg10[%dma_wait3A_502] : memref<7x!tpu.dma_semaphore, #tpu.memory_space<semaphore_mem>> -> memref<1x!tpu.dma_semaphore, #tpu.memory_space<semaphore_mem>>
      %dma_wait3A_514 = tpu.memref_squeeze %dma_wait3A_513 : memref<1x!tpu.dma_semaphore, #tpu.memory_space<semaphore_mem>> -> memref<!tpu.dma_semaphore, #tpu.memory_space<semaphore_mem>>
      tpu.wait_indirect_dma semaphore(%dma_wait3A_514 : memref<!tpu.dma_semaphore, #tpu.memory_space<semaphore_mem>>) src(%dma_wait3A_512 : memref<20224x64xbf16, #tpu.memory_space<hbm>>) dst(%dma_wait3A_506 : memref<112x64xbf16, #tpu.memory_space<vmem>>)
      %dma_wait3A_515 = arith.constant 0 : i32
      %dma_wait3A_516 = arith.constant 6 : i32
      %dma_wait3A_517 = arith.constant 0 : i32
      %dma_wait3A_518 = arith.constant 6 : i32
      %dma_wait3A_519 = arith.constant 672 : i32
      %dma_wait3A_520 = arith.constant 0 : i32
      %dma_wait3A_521 = tpu.memref_slice %arg8[%dma_wait3A_517, %dma_wait3A_519, %dma_wait3A_520] : memref<2x784x64xbf16, #tpu.memory_space<vmem>> -> memref<1x112x64xbf16, #tpu.memory_space<vmem>>
      %dma_wait3A_522 = tpu.memref_squeeze %dma_wait3A_521 : memref<1x112x64xbf16, #tpu.memory_space<vmem>> -> memref<112x64xbf16, #tpu.memory_space<vmem>>
      %dma_wait3A_523 = arith.constant 0 : i32
      %dma_wait3A_524 = tpu.memref_slice %arg6[%dma_wait3A_515, %dma_wait3A_516, %dma_wait3A_523] : memref<2x7x112xi32, #tpu.memory_space<vmem>> -> memref<1x1x112xi32, #tpu.memory_space<vmem>>
      %dma_wait3A_525 = tpu.memref_squeeze %dma_wait3A_524 : memref<1x1x112xi32, #tpu.memory_space<vmem>> -> memref<112xi32, #tpu.memory_space<vmem>>
      %dma_wait3A_526 = arith.constant 0 : i32
      %dma_wait3A_527 = arith.constant 0 : i32
      %dma_wait3A_528 = tpu.memref_slice %arg2[%dma_wait3A_526, %dma_wait3A_527] : memref<20224x64xbf16, #tpu.memory_space<hbm>> -> memref<20224x64xbf16, #tpu.memory_space<hbm>>
      %dma_wait3A_529 = tpu.memref_slice %arg10[%dma_wait3A_518] : memref<7x!tpu.dma_semaphore, #tpu.memory_space<semaphore_mem>> -> memref<1x!tpu.dma_semaphore, #tpu.memory_space<semaphore_mem>>
      %dma_wait3A_530 = tpu.memref_squeeze %dma_wait3A_529 : memref<1x!tpu.dma_semaphore, #tpu.memory_space<semaphore_mem>> -> memref<!tpu.dma_semaphore, #tpu.memory_space<semaphore_mem>>
      tpu.wait_indirect_dma semaphore(%dma_wait3A_530 : memref<!tpu.dma_semaphore, #tpu.memory_space<semaphore_mem>>) src(%dma_wait3A_528 : memref<20224x64xbf16, #tpu.memory_space<hbm>>) dst(%dma_wait3A_522 : memref<112x64xbf16, #tpu.memory_space<vmem>>)
      %scan3A_531 = arith.constant 0 : i32
      %scan3A_532 = arith.constant 0 : i32
      %scan3A_533 = arith.constant 49 : i32
      %scan3A_534 = arith.addi %scan3A_532, %scan3A_533 : i32
      %scan3A_535 = arith.constant 1 : i32
      scf.for %scan3A_682 = %scan3A_532 to %scan3A_534 step %scan3A_535  : i32 {
        %mul3A_683 = arith.constant 16 : i32
        %mul3A_684 = arith.muli %scan3A_682, %mul3A_683 : i32
        %broadcast_in_dim3A_685 = arith.constant 0.000000e+00 : f32
        %broadcast_in_dim3A_686 = vector.broadcast %broadcast_in_dim3A_685 : f32 to vector<16xf32>
        %broadcast_in_dim3A_687 = arith.constant 0.000000e+00 : f32
        %broadcast_in_dim3A_688 = vector.broadcast %broadcast_in_dim3A_687 : f32 to vector<16xf32>
        %broadcast_in_dim3A_689 = arith.constant 0.000000e+00 : f32
        %broadcast_in_dim3A_690 = vector.broadcast %broadcast_in_dim3A_689 : f32 to vector<16xf32>
        %broadcast_in_dim3A_691 = arith.constant 0.000000e+00 : f32
        %broadcast_in_dim3A_692 = vector.broadcast %broadcast_in_dim3A_691 : f32 to vector<16xf32>
        %broadcast_in_dim3A_693 = arith.constant 0.000000e+00 : f32
        %broadcast_in_dim3A_694 = vector.broadcast %broadcast_in_dim3A_693 : f32 to vector<16xf32>
        %broadcast_in_dim3A_695 = arith.constant 0.000000e+00 : f32
        %broadcast_in_dim3A_696 = vector.broadcast %broadcast_in_dim3A_695 : f32 to vector<16xf32>
        %broadcast_in_dim3A_697 = arith.constant 0.000000e+00 : f32
        %broadcast_in_dim3A_698 = vector.broadcast %broadcast_in_dim3A_697 : f32 to vector<16xf32>
        %broadcast_in_dim3A_699 = arith.constant 0.000000e+00 : f32
        %broadcast_in_dim3A_700 = vector.broadcast %broadcast_in_dim3A_699 : f32 to vector<16xf32>
        %get3A_701 = arith.constant 0 : i32
        %get3A_702 = arith.index_cast %get3A_701 : i32 to index
        %get3A_703 = arith.index_cast %mul3A_684 : i32 to index
        %get3A_704 = tpu.vector_load %arg7[%get3A_702, %get3A_703] {strides = array<i32>} : memref<2x784xf32, #tpu.memory_space<vmem>>, vector<16xf32>,
        %slice3A = vector.extract_strided_slice %get3A_704 {offsets = [0], sizes = [1], strides = [1]} : vector<16xf32> to vector<1xf32>
        %squeeze3A = vector.extract %slice3A[0] : f32 from vector<1xf32>
        %add3A_705 = arith.constant 0 : i32
        %add3A_706 = arith.addi %mul3A_684, %add3A_705 : i32
        %get3A_707 = arith.constant 0 : i32
        %get3A_708 = arith.index_cast %get3A_707 : i32 to index
        %get3A_709 = arith.index_cast %add3A_706 : i32 to index
        %get3A_710 = arith.constant 0 : index
        %get3A_711 = tpu.vector_load %arg8[%get3A_708, %get3A_709, %get3A_710] {strides = array<i32>} : memref<2x784x64xbf16, #tpu.memory_space<vmem>>, vector<32xbf16>,
        %unpack3A = tpu.unpack_subelements %get3A_711, 0 {pack_format = #tpu.pack_format<interleaved>} : vector<32xbf16> -> vector<16xf32>
        %unpack3A_712 = tpu.unpack_subelements %get3A_711, 1 {pack_format = #tpu.pack_format<interleaved>} : vector<32xbf16> -> vector<16xf32>
        %mul3A_713 = vector.broadcast %squeeze3A : f32 to vector<16xf32>
        %mul3A_714 = arith.mulf %mul3A_713, %unpack3A : vector<16xf32>
        %add3A_715 = arith.addf %broadcast_in_dim3A_686, %mul3A_714 : vector<16xf32>
        %mul3A_716 = vector.broadcast %squeeze3A : f32 to vector<16xf32>
        %mul3A_717 = arith.mulf %mul3A_716, %unpack3A_712 : vector<16xf32>
        %add3A_718 = arith.addf %broadcast_in_dim3A_688, %mul3A_717 : vector<16xf32>
        %add3A_719 = arith.constant 0 : i32
        %add3A_720 = arith.addi %mul3A_684, %add3A_719 : i32
        %get3A_721 = arith.constant 0 : i32
        %get3A_722 = arith.index_cast %get3A_721 : i32 to index
        %get3A_723 = arith.index_cast %add3A_720 : i32 to index
        %get3A_724 = arith.constant 32 : index
        %get3A_725 = tpu.vector_load %arg8[%get3A_722, %get3A_723, %get3A_724] {strides = array<i32>} : memref<2x784x64xbf16, #tpu.memory_space<vmem>>, vector<32xbf16>,
        %unpack3A_726 = tpu.unpack_subelements %get3A_725, 0 {pack_format = #tpu.pack_format<interleaved>} : vector<32xbf16> -> vector<16xf32>
        %unpack3A_727 = tpu.unpack_subelements %get3A_725, 1 {pack_format = #tpu.pack_format<interleaved>} : vector<32xbf16> -> vector<16xf32>
        %mul3A_728 = vector.broadcast %squeeze3A : f32 to vector<16xf32>
        %mul3A_729 = arith.mulf %mul3A_728, %unpack3A_726 : vector<16xf32>
        %add3A_730 = arith.addf %broadcast_in_dim3A_690, %mul3A_729 : vector<16xf32>
        %mul3A_731 = vector.broadcast %squeeze3A : f32 to vector<16xf32>
        %mul3A_732 = arith.mulf %mul3A_731, %unpack3A_727 : vector<16xf32>
        %add3A_733 = arith.addf %broadcast_in_dim3A_692, %mul3A_732 : vector<16xf32>
        %slice3A_734 = vector.extract_strided_slice %get3A_704 {offsets = [1], sizes = [1], strides = [1]} : vector<16xf32> to vector<1xf32>
        %squeeze3A_735 = vector.extract %slice3A_734[0] : f32 from vector<1xf32>
        %add3A_736 = arith.constant 1 : i32
        %add3A_737 = arith.addi %mul3A_684, %add3A_736 : i32
        %get3A_738 = arith.constant 0 : i32
        %get3A_739 = arith.index_cast %get3A_738 : i32 to index
        %get3A_740 = arith.index_cast %add3A_737 : i32 to index
        %get3A_741 = arith.constant 0 : index
        %get3A_742 = tpu.vector_load %arg8[%get3A_739, %get3A_740, %get3A_741] {strides = array<i32>} : memref<2x784x64xbf16, #tpu.memory_space<vmem>>, vector<32xbf16>,
        %unpack3A_743 = tpu.unpack_subelements %get3A_742, 0 {pack_format = #tpu.pack_format<interleaved>} : vector<32xbf16> -> vector<16xf32>
        %unpack3A_744 = tpu.unpack_subelements %get3A_742, 1 {pack_format = #tpu.pack_format<interleaved>} : vector<32xbf16> -> vector<16xf32>
        %mul3A_745 = vector.broadcast %squeeze3A_735 : f32 to vector<16xf32>
        %mul3A_746 = arith.mulf %mul3A_745, %unpack3A_743 : vector<16xf32>
        %add3A_747 = arith.addf %broadcast_in_dim3A_694, %mul3A_746 : vector<16xf32>
        %mul3A_748 = vector.broadcast %squeeze3A_735 : f32 to vector<16xf32>
        %mul3A_749 = arith.mulf %mul3A_748, %unpack3A_744 : vector<16xf32>
        %add3A_750 = arith.addf %broadcast_in_dim3A_696, %mul3A_749 : vector<16xf32>
        %add3A_751 = arith.constant 1 : i32
        %add3A_752 = arith.addi %mul3A_684, %add3A_751 : i32
        %get3A_753 = arith.constant 0 : i32
        %get3A_754 = arith.index_cast %get3A_753 : i32 to index
        %get3A_755 = arith.index_cast %add3A_752 : i32 to index
        %get3A_756 = arith.constant 32 : index
        %get3A_757 = tpu.vector_load %arg8[%get3A_754, %get3A_755, %get3A_756] {strides = array<i32>} : memref<2x784x64xbf16, #tpu.memory_space<vmem>>, vector<32xbf16>,
        %unpack3A_758 = tpu.unpack_subelements %get3A_757, 0 {pack_format = #tpu.pack_format<interleaved>} : vector<32xbf16> -> vector<16xf32>
        %unpack3A_759 = tpu.unpack_subelements %get3A_757, 1 {pack_format = #tpu.pack_format<interleaved>} : vector<32xbf16> -> vector<16xf32>
        %mul3A_760 = vector.broadcast %squeeze3A_735 : f32 to vector<16xf32>
        %mul3A_761 = arith.mulf %mul3A_760, %unpack3A_758 : vector<16xf32>
        %add3A_762 = arith.addf %broadcast_in_dim3A_698, %mul3A_761 : vector<16xf32>
        %mul3A_763 = vector.broadcast %squeeze3A_735 : f32 to vector<16xf32>
        %mul3A_764 = arith.mulf %mul3A_763, %unpack3A_759 : vector<16xf32>
        %add3A_765 = arith.addf %broadcast_in_dim3A_700, %mul3A_764 : vector<16xf32>
        %slice3A_766 = vector.extract_strided_slice %get3A_704 {offsets = [2], sizes = [1], strides = [1]} : vector<16xf32> to vector<1xf32>
        %squeeze3A_767 = vector.extract %slice3A_766[0] : f32 from vector<1xf32>
        %add3A_768 = arith.constant 2 : i32
        %add3A_769 = arith.addi %mul3A_684, %add3A_768 : i32
        %get3A_770 = arith.constant 0 : i32
        %get3A_771 = arith.index_cast %get3A_770 : i32 to index
        %get3A_772 = arith.index_cast %add3A_769 : i32 to index
        %get3A_773 = arith.constant 0 : index
        %get3A_774 = tpu.vector_load %arg8[%get3A_771, %get3A_772, %get3A_773] {strides = array<i32>} : memref<2x784x64xbf16, #tpu.memory_space<vmem>>, vector<32xbf16>,
        %unpack3A_775 = tpu.unpack_subelements %get3A_774, 0 {pack_format = #tpu.pack_format<interleaved>} : vector<32xbf16> -> vector<16xf32>
        %unpack3A_776 = tpu.unpack_subelements %get3A_774, 1 {pack_format = #tpu.pack_format<interleaved>} : vector<32xbf16> -> vector<16xf32>
        %mul3A_777 = vector.broadcast %squeeze3A_767 : f32 to vector<16xf32>
        %mul3A_778 = arith.mulf %mul3A_777, %unpack3A_775 : vector<16xf32>
        %add3A_779 = arith.addf %add3A_715, %mul3A_778 : vector<16xf32>
        %mul3A_780 = vector.broadcast %squeeze3A_767 : f32 to vector<16xf32>
        %mul3A_781 = arith.mulf %mul3A_780, %unpack3A_776 : vector<16xf32>
        %add3A_782 = arith.addf %add3A_718, %mul3A_781 : vector<16xf32>
        %add3A_783 = arith.constant 2 : i32
        %add3A_784 = arith.addi %mul3A_684, %add3A_783 : i32
        %get3A_785 = arith.constant 0 : i32
        %get3A_786 = arith.index_cast %get3A_785 : i32 to index
        %get3A_787 = arith.index_cast %add3A_784 : i32 to index
        %get3A_788 = arith.constant 32 : index
        %get3A_789 = tpu.vector_load %arg8[%get3A_786, %get3A_787, %get3A_788] {strides = array<i32>} : memref<2x784x64xbf16, #tpu.memory_space<vmem>>, vector<32xbf16>,
        %unpack3A_790 = tpu.unpack_subelements %get3A_789, 0 {pack_format = #tpu.pack_format<interleaved>} : vector<32xbf16> -> vector<16xf32>
        %unpack3A_791 = tpu.unpack_subelements %get3A_789, 1 {pack_format = #tpu.pack_format<interleaved>} : vector<32xbf16> -> vector<16xf32>
        %mul3A_792 = vector.broadcast %squeeze3A_767 : f32 to vector<16xf32>
        %mul3A_793 = arith.mulf %mul3A_792, %unpack3A_790 : vector<16xf32>
        %add3A_794 = arith.addf %add3A_730, %mul3A_793 : vector<16xf32>
        %mul3A_795 = vector.broadcast %squeeze3A_767 : f32 to vector<16xf32>
        %mul3A_796 = arith.mulf %mul3A_795, %unpack3A_791 : vector<16xf32>
        %add3A_797 = arith.addf %add3A_733, %mul3A_796 : vector<16xf32>
        %slice3A_798 = vector.extract_strided_slice %get3A_704 {offsets = [3], sizes = [1], strides = [1]} : vector<16xf32> to vector<1xf32>
        %squeeze3A_799 = vector.extract %slice3A_798[0] : f32 from vector<1xf32>
        %add3A_800 = arith.constant 3 : i32
        %add3A_801 = arith.addi %mul3A_684, %add3A_800 : i32
        %get3A_802 = arith.constant 0 : i32
        %get3A_803 = arith.index_cast %get3A_802 : i32 to index
        %get3A_804 = arith.index_cast %add3A_801 : i32 to index
        %get3A_805 = arith.constant 0 : index
        %get3A_806 = tpu.vector_load %arg8[%get3A_803, %get3A_804, %get3A_805] {strides = array<i32>} : memref<2x784x64xbf16, #tpu.memory_space<vmem>>, vector<32xbf16>,
        %unpack3A_807 = tpu.unpack_subelements %get3A_806, 0 {pack_format = #tpu.pack_format<interleaved>} : vector<32xbf16> -> vector<16xf32>
        %unpack3A_808 = tpu.unpack_subelements %get3A_806, 1 {pack_format = #tpu.pack_format<interleaved>} : vector<32xbf16> -> vector<16xf32>
        %mul3A_809 = vector.broadcast %squeeze3A_799 : f32 to vector<16xf32>
        %mul3A_810 = arith.mulf %mul3A_809, %unpack3A_807 : vector<16xf32>
        %add3A_811 = arith.addf %add3A_747, %mul3A_810 : vector<16xf32>
        %mul3A_812 = vector.broadcast %squeeze3A_799 : f32 to vector<16xf32>
        %mul3A_813 = arith.mulf %mul3A_812, %unpack3A_808 : vector<16xf32>
        %add3A_814 = arith.addf %add3A_750, %mul3A_813 : vector<16xf32>
        %add3A_815 = arith.constant 3 : i32
        %add3A_816 = arith.addi %mul3A_684, %add3A_815 : i32
        %get3A_817 = arith.constant 0 : i32
        %get3A_818 = arith.index_cast %get3A_817 : i32 to index
        %get3A_819 = arith.index_cast %add3A_816 : i32 to index
        %get3A_820 = arith.constant 32 : index
        %get3A_821 = tpu.vector_load %arg8[%get3A_818, %get3A_819, %get3A_820] {strides = array<i32>} : memref<2x784x64xbf16, #tpu.memory_space<vmem>>, vector<32xbf16>,
        %unpack3A_822 = tpu.unpack_subelements %get3A_821, 0 {pack_format = #tpu.pack_format<interleaved>} : vector<32xbf16> -> vector<16xf32>
        %unpack3A_823 = tpu.unpack_subelements %get3A_821, 1 {pack_format = #tpu.pack_format<interleaved>} : vector<32xbf16> -> vector<16xf32>
        %mul3A_824 = vector.broadcast %squeeze3A_799 : f32 to vector<16xf32>
        %mul3A_825 = arith.mulf %mul3A_824, %unpack3A_822 : vector<16xf32>
        %add3A_826 = arith.addf %add3A_762, %mul3A_825 : vector<16xf32>
        %mul3A_827 = vector.broadcast %squeeze3A_799 : f32 to vector<16xf32>
        %mul3A_828 = arith.mulf %mul3A_827, %unpack3A_823 : vector<16xf32>
        %add3A_829 = arith.addf %add3A_765, %mul3A_828 : vector<16xf32>
        %slice3A_830 = vector.extract_strided_slice %get3A_704 {offsets = [4], sizes = [1], strides = [1]} : vector<16xf32> to vector<1xf32>
        %squeeze3A_831 = vector.extract %slice3A_830[0] : f32 from vector<1xf32>
        %add3A_832 = arith.constant 4 : i32
        %add3A_833 = arith.addi %mul3A_684, %add3A_832 : i32
        %get3A_834 = arith.constant 0 : i32
        %get3A_835 = arith.index_cast %get3A_834 : i32 to index
        %get3A_836 = arith.index_cast %add3A_833 : i32 to index
        %get3A_837 = arith.constant 0 : index
        %get3A_838 = tpu.vector_load %arg8[%get3A_835, %get3A_836, %get3A_837] {strides = array<i32>} : memref<2x784x64xbf16, #tpu.memory_space<vmem>>, vector<32xbf16>,
        %unpack3A_839 = tpu.unpack_subelements %get3A_838, 0 {pack_format = #tpu.pack_format<interleaved>} : vector<32xbf16> -> vector<16xf32>
        %unpack3A_840 = tpu.unpack_subelements %get3A_838, 1 {pack_format = #tpu.pack_format<interleaved>} : vector<32xbf16> -> vector<16xf32>
        %mul3A_841 = vector.broadcast %squeeze3A_831 : f32 to vector<16xf32>
        %mul3A_842 = arith.mulf %mul3A_841, %unpack3A_839 : vector<16xf32>
        %add3A_843 = arith.addf %add3A_779, %mul3A_842 : vector<16xf32>
        %mul3A_844 = vector.broadcast %squeeze3A_831 : f32 to vector<16xf32>
        %mul3A_845 = arith.mulf %mul3A_844, %unpack3A_840 : vector<16xf32>
        %add3A_846 = arith.addf %add3A_782, %mul3A_845 : vector<16xf32>
        %add3A_847 = arith.constant 4 : i32
        %add3A_848 = arith.addi %mul3A_684, %add3A_847 : i32
        %get3A_849 = arith.constant 0 : i32
        %get3A_850 = arith.index_cast %get3A_849 : i32 to index
        %get3A_851 = arith.index_cast %add3A_848 : i32 to index
        %get3A_852 = arith.constant 32 : index
        %get3A_853 = tpu.vector_load %arg8[%get3A_850, %get3A_851, %get3A_852] {strides = array<i32>} : memref<2x784x64xbf16, #tpu.memory_space<vmem>>, vector<32xbf16>,
        %unpack3A_854 = tpu.unpack_subelements %get3A_853, 0 {pack_format = #tpu.pack_format<interleaved>} : vector<32xbf16> -> vector<16xf32>
        %unpack3A_855 = tpu.unpack_subelements %get3A_853, 1 {pack_format = #tpu.pack_format<interleaved>} : vector<32xbf16> -> vector<16xf32>
        %mul3A_856 = vector.broadcast %squeeze3A_831 : f32 to vector<16xf32>
        %mul3A_857 = arith.mulf %mul3A_856, %unpack3A_854 : vector<16xf32>
        %add3A_858 = arith.addf %add3A_794, %mul3A_857 : vector<16xf32>
        %mul3A_859 = vector.broadcast %squeeze3A_831 : f32 to vector<16xf32>
        %mul3A_860 = arith.mulf %mul3A_859, %unpack3A_855 : vector<16xf32>
        %add3A_861 = arith.addf %add3A_797, %mul3A_860 : vector<16xf32>
        %slice3A_862 = vector.extract_strided_slice %get3A_704 {offsets = [5], sizes = [1], strides = [1]} : vector<16xf32> to vector<1xf32>
        %squeeze3A_863 = vector.extract %slice3A_862[0] : f32 from vector<1xf32>
        %add3A_864 = arith.constant 5 : i32
        %add3A_865 = arith.addi %mul3A_684, %add3A_864 : i32
        %get3A_866 = arith.constant 0 : i32
        %get3A_867 = arith.index_cast %get3A_866 : i32 to index
        %get3A_868 = arith.index_cast %add3A_865 : i32 to index
        %get3A_869 = arith.constant 0 : index
        %get3A_870 = tpu.vector_load %arg8[%get3A_867, %get3A_868, %get3A_869] {strides = array<i32>} : memref<2x784x64xbf16, #tpu.memory_space<vmem>>, vector<32xbf16>,
        %unpack3A_871 = tpu.unpack_subelements %get3A_870, 0 {pack_format = #tpu.pack_format<interleaved>} : vector<32xbf16> -> vector<16xf32>
        %unpack3A_872 = tpu.unpack_subelements %get3A_870, 1 {pack_format = #tpu.pack_format<interleaved>} : vector<32xbf16> -> vector<16xf32>
        %mul3A_873 = vector.broadcast %squeeze3A_863 : f32 to vector<16xf32>
        %mul3A_874 = arith.mulf %mul3A_873, %unpack3A_871 : vector<16xf32>
        %add3A_875 = arith.addf %add3A_811, %mul3A_874 : vector<16xf32>
        %mul3A_876 = vector.broadcast %squeeze3A_863 : f32 to vector<16xf32>
        %mul3A_877 = arith.mulf %mul3A_876, %unpack3A_872 : vector<16xf32>
        %add3A_878 = arith.addf %add3A_814, %mul3A_877 : vector<16xf32>
        %add3A_879 = arith.constant 5 : i32
        %add3A_880 = arith.addi %mul3A_684, %add3A_879 : i32
        %get3A_881 = arith.constant 0 : i32
        %get3A_882 = arith.index_cast %get3A_881 : i32 to index
        %get3A_883 = arith.index_cast %add3A_880 : i32 to index
        %get3A_884 = arith.constant 32 : index
        %get3A_885 = tpu.vector_load %arg8[%get3A_882, %get3A_883, %get3A_884] {strides = array<i32>} : memref<2x784x64xbf16, #tpu.memory_space<vmem>>, vector<32xbf16>,
        %unpack3A_886 = tpu.unpack_subelements %get3A_885, 0 {pack_format = #tpu.pack_format<interleaved>} : vector<32xbf16> -> vector<16xf32>
        %unpack3A_887 = tpu.unpack_subelements %get3A_885, 1 {pack_format = #tpu.pack_format<interleaved>} : vector<32xbf16> -> vector<16xf32>
        %mul3A_888 = vector.broadcast %squeeze3A_863 : f32 to vector<16xf32>
        %mul3A_889 = arith.mulf %mul3A_888, %unpack3A_886 : vector<16xf32>
        %add3A_890 = arith.addf %add3A_826, %mul3A_889 : vector<16xf32>
        %mul3A_891 = vector.broadcast %squeeze3A_863 : f32 to vector<16xf32>
        %mul3A_892 = arith.mulf %mul3A_891, %unpack3A_887 : vector<16xf32>
        %add3A_893 = arith.addf %add3A_829, %mul3A_892 : vector<16xf32>
        %slice3A_894 = vector.extract_strided_slice %get3A_704 {offsets = [6], sizes = [1], strides = [1]} : vector<16xf32> to vector<1xf32>
        %squeeze3A_895 = vector.extract %slice3A_894[0] : f32 from vector<1xf32>
        %add3A_896 = arith.constant 6 : i32
        %add3A_897 = arith.addi %mul3A_684, %add3A_896 : i32
        %get3A_898 = arith.constant 0 : i32
        %get3A_899 = arith.index_cast %get3A_898 : i32 to index
        %get3A_900 = arith.index_cast %add3A_897 : i32 to index
        %get3A_901 = arith.constant 0 : index
        %get3A_902 = tpu.vector_load %arg8[%get3A_899, %get3A_900, %get3A_901] {strides = array<i32>} : memref<2x784x64xbf16, #tpu.memory_space<vmem>>, vector<32xbf16>,
        %unpack3A_903 = tpu.unpack_subelements %get3A_902, 0 {pack_format = #tpu.pack_format<interleaved>} : vector<32xbf16> -> vector<16xf32>
        %unpack3A_904 = tpu.unpack_subelements %get3A_902, 1 {pack_format = #tpu.pack_format<interleaved>} : vector<32xbf16> -> vector<16xf32>
        %mul3A_905 = vector.broadcast %squeeze3A_895 : f32 to vector<16xf32>
        %mul3A_906 = arith.mulf %mul3A_905, %unpack3A_903 : vector<16xf32>
        %add3A_907 = arith.addf %add3A_843, %mul3A_906 : vector<16xf32>
        %mul3A_908 = vector.broadcast %squeeze3A_895 : f32 to vector<16xf32>
        %mul3A_909 = arith.mulf %mul3A_908, %unpack3A_904 : vector<16xf32>
        %add3A_910 = arith.addf %add3A_846, %mul3A_909 : vector<16xf32>
        %add3A_911 = arith.constant 6 : i32
        %add3A_912 = arith.addi %mul3A_684, %add3A_911 : i32
        %get3A_913 = arith.constant 0 : i32
        %get3A_914 = arith.index_cast %get3A_913 : i32 to index
        %get3A_915 = arith.index_cast %add3A_912 : i32 to index
        %get3A_916 = arith.constant 32 : index
        %get3A_917 = tpu.vector_load %arg8[%get3A_914, %get3A_915, %get3A_916] {strides = array<i32>} : memref<2x784x64xbf16, #tpu.memory_space<vmem>>, vector<32xbf16>,
        %unpack3A_918 = tpu.unpack_subelements %get3A_917, 0 {pack_format = #tpu.pack_format<interleaved>} : vector<32xbf16> -> vector<16xf32>
        %unpack3A_919 = tpu.unpack_subelements %get3A_917, 1 {pack_format = #tpu.pack_format<interleaved>} : vector<32xbf16> -> vector<16xf32>
        %mul3A_920 = vector.broadcast %squeeze3A_895 : f32 to vector<16xf32>
        %mul3A_921 = arith.mulf %mul3A_920, %unpack3A_918 : vector<16xf32>
        %add3A_922 = arith.addf %add3A_858, %mul3A_921 : vector<16xf32>
        %mul3A_923 = vector.broadcast %squeeze3A_895 : f32 to vector<16xf32>
        %mul3A_924 = arith.mulf %mul3A_923, %unpack3A_919 : vector<16xf32>
        %add3A_925 = arith.addf %add3A_861, %mul3A_924 : vector<16xf32>
        %slice3A_926 = vector.extract_strided_slice %get3A_704 {offsets = [7], sizes = [1], strides = [1]} : vector<16xf32> to vector<1xf32>
        %squeeze3A_927 = vector.extract %slice3A_926[0] : f32 from vector<1xf32>
        %add3A_928 = arith.constant 7 : i32
        %add3A_929 = arith.addi %mul3A_684, %add3A_928 : i32
        %get3A_930 = arith.constant 0 : i32
        %get3A_931 = arith.index_cast %get3A_930 : i32 to index
        %get3A_932 = arith.index_cast %add3A_929 : i32 to index
        %get3A_933 = arith.constant 0 : index
        %get3A_934 = tpu.vector_load %arg8[%get3A_931, %get3A_932, %get3A_933] {strides = array<i32>} : memref<2x784x64xbf16, #tpu.memory_space<vmem>>, vector<32xbf16>,
        %unpack3A_935 = tpu.unpack_subelements %get3A_934, 0 {pack_format = #tpu.pack_format<interleaved>} : vector<32xbf16> -> vector<16xf32>
        %unpack3A_936 = tpu.unpack_subelements %get3A_934, 1 {pack_format = #tpu.pack_format<interleaved>} : vector<32xbf16> -> vector<16xf32>
        %mul3A_937 = vector.broadcast %squeeze3A_927 : f32 to vector<16xf32>
        %mul3A_938 = arith.mulf %mul3A_937, %unpack3A_935 : vector<16xf32>
        %add3A_939 = arith.addf %add3A_875, %mul3A_938 : vector<16xf32>
        %mul3A_940 = vector.broadcast %squeeze3A_927 : f32 to vector<16xf32>
        %mul3A_941 = arith.mulf %mul3A_940, %unpack3A_936 : vector<16xf32>
        %add3A_942 = arith.addf %add3A_878, %mul3A_941 : vector<16xf32>
        %add3A_943 = arith.constant 7 : i32
        %add3A_944 = arith.addi %mul3A_684, %add3A_943 : i32
        %get3A_945 = arith.constant 0 : i32
        %get3A_946 = arith.index_cast %get3A_945 : i32 to index
        %get3A_947 = arith.index_cast %add3A_944 : i32 to index
        %get3A_948 = arith.constant 32 : index
        %get3A_949 = tpu.vector_load %arg8[%get3A_946, %get3A_947, %get3A_948] {strides = array<i32>} : memref<2x784x64xbf16, #tpu.memory_space<vmem>>, vector<32xbf16>,
        %unpack3A_950 = tpu.unpack_subelements %get3A_949, 0 {pack_format = #tpu.pack_format<interleaved>} : vector<32xbf16> -> vector<16xf32>
        %unpack3A_951 = tpu.unpack_subelements %get3A_949, 1 {pack_format = #tpu.pack_format<interleaved>} : vector<32xbf16> -> vector<16xf32>
        %mul3A_952 = vector.broadcast %squeeze3A_927 : f32 to vector<16xf32>
        %mul3A_953 = arith.mulf %mul3A_952, %unpack3A_950 : vector<16xf32>
        %add3A_954 = arith.addf %add3A_890, %mul3A_953 : vector<16xf32>
        %mul3A_955 = vector.broadcast %squeeze3A_927 : f32 to vector<16xf32>
        %mul3A_956 = arith.mulf %mul3A_955, %unpack3A_951 : vector<16xf32>
        %add3A_957 = arith.addf %add3A_893, %mul3A_956 : vector<16xf32>
        %slice3A_958 = vector.extract_strided_slice %get3A_704 {offsets = [8], sizes = [1], strides = [1]} : vector<16xf32> to vector<1xf32>
        %squeeze3A_959 = vector.extract %slice3A_958[0] : f32 from vector<1xf32>
        %add3A_960 = arith.constant 8 : i32
        %add3A_961 = arith.addi %mul3A_684, %add3A_960 : i32
        %get3A_962 = arith.constant 0 : i32
        %get3A_963 = arith.index_cast %get3A_962 : i32 to index
        %get3A_964 = arith.index_cast %add3A_961 : i32 to index
        %get3A_965 = arith.constant 0 : index
        %get3A_966 = tpu.vector_load %arg8[%get3A_963, %get3A_964, %get3A_965] {strides = array<i32>} : memref<2x784x64xbf16, #tpu.memory_space<vmem>>, vector<32xbf16>,
        %unpack3A_967 = tpu.unpack_subelements %get3A_966, 0 {pack_format = #tpu.pack_format<interleaved>} : vector<32xbf16> -> vector<16xf32>
        %unpack3A_968 = tpu.unpack_subelements %get3A_966, 1 {pack_format = #tpu.pack_format<interleaved>} : vector<32xbf16> -> vector<16xf32>
        %mul3A_969 = vector.broadcast %squeeze3A_959 : f32 to vector<16xf32>
        %mul3A_970 = arith.mulf %mul3A_969, %unpack3A_967 : vector<16xf32>
        %add3A_971 = arith.addf %add3A_907, %mul3A_970 : vector<16xf32>
        %mul3A_972 = vector.broadcast %squeeze3A_959 : f32 to vector<16xf32>
        %mul3A_973 = arith.mulf %mul3A_972, %unpack3A_968 : vector<16xf32>
        %add3A_974 = arith.addf %add3A_910, %mul3A_973 : vector<16xf32>
        %add3A_975 = arith.constant 8 : i32
        %add3A_976 = arith.addi %mul3A_684, %add3A_975 : i32
        %get3A_977 = arith.constant 0 : i32
        %get3A_978 = arith.index_cast %get3A_977 : i32 to index
        %get3A_979 = arith.index_cast %add3A_976 : i32 to index
        %get3A_980 = arith.constant 32 : index
        %get3A_981 = tpu.vector_load %arg8[%get3A_978, %get3A_979, %get3A_980] {strides = array<i32>} : memref<2x784x64xbf16, #tpu.memory_space<vmem>>, vector<32xbf16>,
        %unpack3A_982 = tpu.unpack_subelements %get3A_981, 0 {pack_format = #tpu.pack_format<interleaved>} : vector<32xbf16> -> vector<16xf32>
        %unpack3A_983 = tpu.unpack_subelements %get3A_981, 1 {pack_format = #tpu.pack_format<interleaved>} : vector<32xbf16> -> vector<16xf32>
        %mul3A_984 = vector.broadcast %squeeze3A_959 : f32 to vector<16xf32>
        %mul3A_985 = arith.mulf %mul3A_984, %unpack3A_982 : vector<16xf32>
        %add3A_986 = arith.addf %add3A_922, %mul3A_985 : vector<16xf32>
        %mul3A_987 = vector.broadcast %squeeze3A_959 : f32 to vector<16xf32>
        %mul3A_988 = arith.mulf %mul3A_987, %unpack3A_983 : vector<16xf32>
        %add3A_989 = arith.addf %add3A_925, %mul3A_988 : vector<16xf32>
        %slice3A_990 = vector.extract_strided_slice %get3A_704 {offsets = [9], sizes = [1], strides = [1]} : vector<16xf32> to vector<1xf32>
        %squeeze3A_991 = vector.extract %slice3A_990[0] : f32 from vector<1xf32>
        %add3A_992 = arith.constant 9 : i32
        %add3A_993 = arith.addi %mul3A_684, %add3A_992 : i32
        %get3A_994 = arith.constant 0 : i32
        %get3A_995 = arith.index_cast %get3A_994 : i32 to index
        %get3A_996 = arith.index_cast %add3A_993 : i32 to index
        %get3A_997 = arith.constant 0 : index
        %get3A_998 = tpu.vector_load %arg8[%get3A_995, %get3A_996, %get3A_997] {strides = array<i32>} : memref<2x784x64xbf16, #tpu.memory_space<vmem>>, vector<32xbf16>,
        %unpack3A_999 = tpu.unpack_subelements %get3A_998, 0 {pack_format = #tpu.pack_format<interleaved>} : vector<32xbf16> -> vector<16xf32>
        %unpack3A_1000 = tpu.unpack_subelements %get3A_998, 1 {pack_format = #tpu.pack_format<interleaved>} : vector<32xbf16> -> vector<16xf32>
        %mul3A_1001 = vector.broadcast %squeeze3A_991 : f32 to vector<16xf32>
        %mul3A_1002 = arith.mulf %mul3A_1001, %unpack3A_999 : vector<16xf32>
        %add3A_1003 = arith.addf %add3A_939, %mul3A_1002 : vector<16xf32>
        %mul3A_1004 = vector.broadcast %squeeze3A_991 : f32 to vector<16xf32>
        %mul3A_1005 = arith.mulf %mul3A_1004, %unpack3A_1000 : vector<16xf32>
        %add3A_1006 = arith.addf %add3A_942, %mul3A_1005 : vector<16xf32>
        %add3A_1007 = arith.constant 9 : i32
        %add3A_1008 = arith.addi %mul3A_684, %add3A_1007 : i32
        %get3A_1009 = arith.constant 0 : i32
        %get3A_1010 = arith.index_cast %get3A_1009 : i32 to index
        %get3A_1011 = arith.index_cast %add3A_1008 : i32 to index
        %get3A_1012 = arith.constant 32 : index
        %get3A_1013 = tpu.vector_load %arg8[%get3A_1010, %get3A_1011, %get3A_1012] {strides = array<i32>} : memref<2x784x64xbf16, #tpu.memory_space<vmem>>, vector<32xbf16>,
        %unpack3A_1014 = tpu.unpack_subelements %get3A_1013, 0 {pack_format = #tpu.pack_format<interleaved>} : vector<32xbf16> -> vector<16xf32>
        %unpack3A_1015 = tpu.unpack_subelements %get3A_1013, 1 {pack_format = #tpu.pack_format<interleaved>} : vector<32xbf16> -> vector<16xf32>
        %mul3A_1016 = vector.broadcast %squeeze3A_991 : f32 to vector<16xf32>
        %mul3A_1017 = arith.mulf %mul3A_1016, %unpack3A_1014 : vector<16xf32>
        %add3A_1018 = arith.addf %add3A_954, %mul3A_1017 : vector<16xf32>
        %mul3A_1019 = vector.broadcast %squeeze3A_991 : f32 to vector<16xf32>
        %mul3A_1020 = arith.mulf %mul3A_1019, %unpack3A_1015 : vector<16xf32>
        %add3A_1021 = arith.addf %add3A_957, %mul3A_1020 : vector<16xf32>
        %slice3A_1022 = vector.extract_strided_slice %get3A_704 {offsets = [10], sizes = [1], strides = [1]} : vector<16xf32> to vector<1xf32>
        %squeeze3A_1023 = vector.extract %slice3A_1022[0] : f32 from vector<1xf32>
        %add3A_1024 = arith.constant 10 : i32
        %add3A_1025 = arith.addi %mul3A_684, %add3A_1024 : i32
        %get3A_1026 = arith.constant 0 : i32
        %get3A_1027 = arith.index_cast %get3A_1026 : i32 to index
        %get3A_1028 = arith.index_cast %add3A_1025 : i32 to index
        %get3A_1029 = arith.constant 0 : index
        %get3A_1030 = tpu.vector_load %arg8[%get3A_1027, %get3A_1028, %get3A_1029] {strides = array<i32>} : memref<2x784x64xbf16, #tpu.memory_space<vmem>>, vector<32xbf16>,
        %unpack3A_1031 = tpu.unpack_subelements %get3A_1030, 0 {pack_format = #tpu.pack_format<interleaved>} : vector<32xbf16> -> vector<16xf32>
        %unpack3A_1032 = tpu.unpack_subelements %get3A_1030, 1 {pack_format = #tpu.pack_format<interleaved>} : vector<32xbf16> -> vector<16xf32>
        %mul3A_1033 = vector.broadcast %squeeze3A_1023 : f32 to vector<16xf32>
        %mul3A_1034 = arith.mulf %mul3A_1033, %unpack3A_1031 : vector<16xf32>
        %add3A_1035 = arith.addf %add3A_971, %mul3A_1034 : vector<16xf32>
        %mul3A_1036 = vector.broadcast %squeeze3A_1023 : f32 to vector<16xf32>
        %mul3A_1037 = arith.mulf %mul3A_1036, %unpack3A_1032 : vector<16xf32>
        %add3A_1038 = arith.addf %add3A_974, %mul3A_1037 : vector<16xf32>
        %add3A_1039 = arith.constant 10 : i32
        %add3A_1040 = arith.addi %mul3A_684, %add3A_1039 : i32
        %get3A_1041 = arith.constant 0 : i32
        %get3A_1042 = arith.index_cast %get3A_1041 : i32 to index
        %get3A_1043 = arith.index_cast %add3A_1040 : i32 to index
        %get3A_1044 = arith.constant 32 : index
        %get3A_1045 = tpu.vector_load %arg8[%get3A_1042, %get3A_1043, %get3A_1044] {strides = array<i32>} : memref<2x784x64xbf16, #tpu.memory_space<vmem>>, vector<32xbf16>,
        %unpack3A_1046 = tpu.unpack_subelements %get3A_1045, 0 {pack_format = #tpu.pack_format<interleaved>} : vector<32xbf16> -> vector<16xf32>
        %unpack3A_1047 = tpu.unpack_subelements %get3A_1045, 1 {pack_format = #tpu.pack_format<interleaved>} : vector<32xbf16> -> vector<16xf32>
        %mul3A_1048 = vector.broadcast %squeeze3A_1023 : f32 to vector<16xf32>
        %mul3A_1049 = arith.mulf %mul3A_1048, %unpack3A_1046 : vector<16xf32>
        %add3A_1050 = arith.addf %add3A_986, %mul3A_1049 : vector<16xf32>
        %mul3A_1051 = vector.broadcast %squeeze3A_1023 : f32 to vector<16xf32>
        %mul3A_1052 = arith.mulf %mul3A_1051, %unpack3A_1047 : vector<16xf32>
        %add3A_1053 = arith.addf %add3A_989, %mul3A_1052 : vector<16xf32>
        %slice3A_1054 = vector.extract_strided_slice %get3A_704 {offsets = [11], sizes = [1], strides = [1]} : vector<16xf32> to vector<1xf32>
        %squeeze3A_1055 = vector.extract %slice3A_1054[0] : f32 from vector<1xf32>
        %add3A_1056 = arith.constant 11 : i32
        %add3A_1057 = arith.addi %mul3A_684, %add3A_1056 : i32
        %get3A_1058 = arith.constant 0 : i32
        %get3A_1059 = arith.index_cast %get3A_1058 : i32 to index
        %get3A_1060 = arith.index_cast %add3A_1057 : i32 to index
        %get3A_1061 = arith.constant 0 : index
        %get3A_1062 = tpu.vector_load %arg8[%get3A_1059, %get3A_1060, %get3A_1061] {strides = array<i32>} : memref<2x784x64xbf16, #tpu.memory_space<vmem>>, vector<32xbf16>,
        %unpack3A_1063 = tpu.unpack_subelements %get3A_1062, 0 {pack_format = #tpu.pack_format<interleaved>} : vector<32xbf16> -> vector<16xf32>
        %unpack3A_1064 = tpu.unpack_subelements %get3A_1062, 1 {pack_format = #tpu.pack_format<interleaved>} : vector<32xbf16> -> vector<16xf32>
        %mul3A_1065 = vector.broadcast %squeeze3A_1055 : f32 to vector<16xf32>
        %mul3A_1066 = arith.mulf %mul3A_1065, %unpack3A_1063 : vector<16xf32>
        %add3A_1067 = arith.addf %add3A_1003, %mul3A_1066 : vector<16xf32>
        %mul3A_1068 = vector.broadcast %squeeze3A_1055 : f32 to vector<16xf32>
        %mul3A_1069 = arith.mulf %mul3A_1068, %unpack3A_1064 : vector<16xf32>
        %add3A_1070 = arith.addf %add3A_1006, %mul3A_1069 : vector<16xf32>
        %add3A_1071 = arith.constant 11 : i32
        %add3A_1072 = arith.addi %mul3A_684, %add3A_1071 : i32
        %get3A_1073 = arith.constant 0 : i32
        %get3A_1074 = arith.index_cast %get3A_1073 : i32 to index
        %get3A_1075 = arith.index_cast %add3A_1072 : i32 to index
        %get3A_1076 = arith.constant 32 : index
        %get3A_1077 = tpu.vector_load %arg8[%get3A_1074, %get3A_1075, %get3A_1076] {strides = array<i32>} : memref<2x784x64xbf16, #tpu.memory_space<vmem>>, vector<32xbf16>,
        %unpack3A_1078 = tpu.unpack_subelements %get3A_1077, 0 {pack_format = #tpu.pack_format<interleaved>} : vector<32xbf16> -> vector<16xf32>
        %unpack3A_1079 = tpu.unpack_subelements %get3A_1077, 1 {pack_format = #tpu.pack_format<interleaved>} : vector<32xbf16> -> vector<16xf32>
        %mul3A_1080 = vector.broadcast %squeeze3A_1055 : f32 to vector<16xf32>
        %mul3A_1081 = arith.mulf %mul3A_1080, %unpack3A_1078 : vector<16xf32>
        %add3A_1082 = arith.addf %add3A_1018, %mul3A_1081 : vector<16xf32>
        %mul3A_1083 = vector.broadcast %squeeze3A_1055 : f32 to vector<16xf32>
        %mul3A_1084 = arith.mulf %mul3A_1083, %unpack3A_1079 : vector<16xf32>
        %add3A_1085 = arith.addf %add3A_1021, %mul3A_1084 : vector<16xf32>
        %slice3A_1086 = vector.extract_strided_slice %get3A_704 {offsets = [12], sizes = [1], strides = [1]} : vector<16xf32> to vector<1xf32>
        %squeeze3A_1087 = vector.extract %slice3A_1086[0] : f32 from vector<1xf32>
        %add3A_1088 = arith.constant 12 : i32
        %add3A_1089 = arith.addi %mul3A_684, %add3A_1088 : i32
        %get3A_1090 = arith.constant 0 : i32
        %get3A_1091 = arith.index_cast %get3A_1090 : i32 to index
        %get3A_1092 = arith.index_cast %add3A_1089 : i32 to index
        %get3A_1093 = arith.constant 0 : index
        %get3A_1094 = tpu.vector_load %arg8[%get3A_1091, %get3A_1092, %get3A_1093] {strides = array<i32>} : memref<2x784x64xbf16, #tpu.memory_space<vmem>>, vector<32xbf16>,
        %unpack3A_1095 = tpu.unpack_subelements %get3A_1094, 0 {pack_format = #tpu.pack_format<interleaved>} : vector<32xbf16> -> vector<16xf32>
        %unpack3A_1096 = tpu.unpack_subelements %get3A_1094, 1 {pack_format = #tpu.pack_format<interleaved>} : vector<32xbf16> -> vector<16xf32>
        %mul3A_1097 = vector.broadcast %squeeze3A_1087 : f32 to vector<16xf32>
        %mul3A_1098 = arith.mulf %mul3A_1097, %unpack3A_1095 : vector<16xf32>
        %add3A_1099 = arith.addf %add3A_1035, %mul3A_1098 : vector<16xf32>
        %mul3A_1100 = vector.broadcast %squeeze3A_1087 : f32 to vector<16xf32>
        %mul3A_1101 = arith.mulf %mul3A_1100, %unpack3A_1096 : vector<16xf32>
        %add3A_1102 = arith.addf %add3A_1038, %mul3A_1101 : vector<16xf32>
        %add3A_1103 = arith.constant 12 : i32
        %add3A_1104 = arith.addi %mul3A_684, %add3A_1103 : i32
        %get3A_1105 = arith.constant 0 : i32
        %get3A_1106 = arith.index_cast %get3A_1105 : i32 to index
        %get3A_1107 = arith.index_cast %add3A_1104 : i32 to index
        %get3A_1108 = arith.constant 32 : index
        %get3A_1109 = tpu.vector_load %arg8[%get3A_1106, %get3A_1107, %get3A_1108] {strides = array<i32>} : memref<2x784x64xbf16, #tpu.memory_space<vmem>>, vector<32xbf16>,
        %unpack3A_1110 = tpu.unpack_subelements %get3A_1109, 0 {pack_format = #tpu.pack_format<interleaved>} : vector<32xbf16> -> vector<16xf32>
        %unpack3A_1111 = tpu.unpack_subelements %get3A_1109, 1 {pack_format = #tpu.pack_format<interleaved>} : vector<32xbf16> -> vector<16xf32>
        %mul3A_1112 = vector.broadcast %squeeze3A_1087 : f32 to vector<16xf32>
        %mul3A_1113 = arith.mulf %mul3A_1112, %unpack3A_1110 : vector<16xf32>
        %add3A_1114 = arith.addf %add3A_1050, %mul3A_1113 : vector<16xf32>
        %mul3A_1115 = vector.broadcast %squeeze3A_1087 : f32 to vector<16xf32>
        %mul3A_1116 = arith.mulf %mul3A_1115, %unpack3A_1111 : vector<16xf32>
        %add3A_1117 = arith.addf %add3A_1053, %mul3A_1116 : vector<16xf32>
        %slice3A_1118 = vector.extract_strided_slice %get3A_704 {offsets = [13], sizes = [1], strides = [1]} : vector<16xf32> to vector<1xf32>
        %squeeze3A_1119 = vector.extract %slice3A_1118[0] : f32 from vector<1xf32>
        %add3A_1120 = arith.constant 13 : i32
        %add3A_1121 = arith.addi %mul3A_684, %add3A_1120 : i32
        %get3A_1122 = arith.constant 0 : i32
        %get3A_1123 = arith.index_cast %get3A_1122 : i32 to index
        %get3A_1124 = arith.index_cast %add3A_1121 : i32 to index
        %get3A_1125 = arith.constant 0 : index
        %get3A_1126 = tpu.vector_load %arg8[%get3A_1123, %get3A_1124, %get3A_1125] {strides = array<i32>} : memref<2x784x64xbf16, #tpu.memory_space<vmem>>, vector<32xbf16>,
        %unpack3A_1127 = tpu.unpack_subelements %get3A_1126, 0 {pack_format = #tpu.pack_format<interleaved>} : vector<32xbf16> -> vector<16xf32>
        %unpack3A_1128 = tpu.unpack_subelements %get3A_1126, 1 {pack_format = #tpu.pack_format<interleaved>} : vector<32xbf16> -> vector<16xf32>
        %mul3A_1129 = vector.broadcast %squeeze3A_1119 : f32 to vector<16xf32>
        %mul3A_1130 = arith.mulf %mul3A_1129, %unpack3A_1127 : vector<16xf32>
        %add3A_1131 = arith.addf %add3A_1067, %mul3A_1130 : vector<16xf32>
        %mul3A_1132 = vector.broadcast %squeeze3A_1119 : f32 to vector<16xf32>
        %mul3A_1133 = arith.mulf %mul3A_1132, %unpack3A_1128 : vector<16xf32>
        %add3A_1134 = arith.addf %add3A_1070, %mul3A_1133 : vector<16xf32>
        %add3A_1135 = arith.constant 13 : i32
        %add3A_1136 = arith.addi %mul3A_684, %add3A_1135 : i32
        %get3A_1137 = arith.constant 0 : i32
        %get3A_1138 = arith.index_cast %get3A_1137 : i32 to index
        %get3A_1139 = arith.index_cast %add3A_1136 : i32 to index
        %get3A_1140 = arith.constant 32 : index
        %get3A_1141 = tpu.vector_load %arg8[%get3A_1138, %get3A_1139, %get3A_1140] {strides = array<i32>} : memref<2x784x64xbf16, #tpu.memory_space<vmem>>, vector<32xbf16>,
        %unpack3A_1142 = tpu.unpack_subelements %get3A_1141, 0 {pack_format = #tpu.pack_format<interleaved>} : vector<32xbf16> -> vector<16xf32>
        %unpack3A_1143 = tpu.unpack_subelements %get3A_1141, 1 {pack_format = #tpu.pack_format<interleaved>} : vector<32xbf16> -> vector<16xf32>
        %mul3A_1144 = vector.broadcast %squeeze3A_1119 : f32 to vector<16xf32>
        %mul3A_1145 = arith.mulf %mul3A_1144, %unpack3A_1142 : vector<16xf32>
        %add3A_1146 = arith.addf %add3A_1082, %mul3A_1145 : vector<16xf32>
        %mul3A_1147 = vector.broadcast %squeeze3A_1119 : f32 to vector<16xf32>
        %mul3A_1148 = arith.mulf %mul3A_1147, %unpack3A_1143 : vector<16xf32>
        %add3A_1149 = arith.addf %add3A_1085, %mul3A_1148 : vector<16xf32>
        %slice3A_1150 = vector.extract_strided_slice %get3A_704 {offsets = [14], sizes = [1], strides = [1]} : vector<16xf32> to vector<1xf32>
        %squeeze3A_1151 = vector.extract %slice3A_1150[0] : f32 from vector<1xf32>
        %add3A_1152 = arith.constant 14 : i32
        %add3A_1153 = arith.addi %mul3A_684, %add3A_1152 : i32
        %get3A_1154 = arith.constant 0 : i32
        %get3A_1155 = arith.index_cast %get3A_1154 : i32 to index
        %get3A_1156 = arith.index_cast %add3A_1153 : i32 to index
        %get3A_1157 = arith.constant 0 : index
        %get3A_1158 = tpu.vector_load %arg8[%get3A_1155, %get3A_1156, %get3A_1157] {strides = array<i32>} : memref<2x784x64xbf16, #tpu.memory_space<vmem>>, vector<32xbf16>,
        %unpack3A_1159 = tpu.unpack_subelements %get3A_1158, 0 {pack_format = #tpu.pack_format<interleaved>} : vector<32xbf16> -> vector<16xf32>
        %unpack3A_1160 = tpu.unpack_subelements %get3A_1158, 1 {pack_format = #tpu.pack_format<interleaved>} : vector<32xbf16> -> vector<16xf32>
        %mul3A_1161 = vector.broadcast %squeeze3A_1151 : f32 to vector<16xf32>
        %mul3A_1162 = arith.mulf %mul3A_1161, %unpack3A_1159 : vector<16xf32>
        %add3A_1163 = arith.addf %add3A_1099, %mul3A_1162 : vector<16xf32>
        %mul3A_1164 = vector.broadcast %squeeze3A_1151 : f32 to vector<16xf32>
        %mul3A_1165 = arith.mulf %mul3A_1164, %unpack3A_1160 : vector<16xf32>
        %add3A_1166 = arith.addf %add3A_1102, %mul3A_1165 : vector<16xf32>
        %add3A_1167 = arith.constant 14 : i32
        %add3A_1168 = arith.addi %mul3A_684, %add3A_1167 : i32
        %get3A_1169 = arith.constant 0 : i32
        %get3A_1170 = arith.index_cast %get3A_1169 : i32 to index
        %get3A_1171 = arith.index_cast %add3A_1168 : i32 to index
        %get3A_1172 = arith.constant 32 : index
        %get3A_1173 = tpu.vector_load %arg8[%get3A_1170, %get3A_1171, %get3A_1172] {strides = array<i32>} : memref<2x784x64xbf16, #tpu.memory_space<vmem>>, vector<32xbf16>,
        %unpack3A_1174 = tpu.unpack_subelements %get3A_1173, 0 {pack_format = #tpu.pack_format<interleaved>} : vector<32xbf16> -> vector<16xf32>
        %unpack3A_1175 = tpu.unpack_subelements %get3A_1173, 1 {pack_format = #tpu.pack_format<interleaved>} : vector<32xbf16> -> vector<16xf32>
        %mul3A_1176 = vector.broadcast %squeeze3A_1151 : f32 to vector<16xf32>
        %mul3A_1177 = arith.mulf %mul3A_1176, %unpack3A_1174 : vector<16xf32>
        %add3A_1178 = arith.addf %add3A_1114, %mul3A_1177 : vector<16xf32>
        %mul3A_1179 = vector.broadcast %squeeze3A_1151 : f32 to vector<16xf32>
        %mul3A_1180 = arith.mulf %mul3A_1179, %unpack3A_1175 : vector<16xf32>
        %add3A_1181 = arith.addf %add3A_1117, %mul3A_1180 : vector<16xf32>
        %slice3A_1182 = vector.extract_strided_slice %get3A_704 {offsets = [15], sizes = [1], strides = [1]} : vector<16xf32> to vector<1xf32>
        %squeeze3A_1183 = vector.extract %slice3A_1182[0] : f32 from vector<1xf32>
        %add3A_1184 = arith.constant 15 : i32
        %add3A_1185 = arith.addi %mul3A_684, %add3A_1184 : i32
        %get3A_1186 = arith.constant 0 : i32
        %get3A_1187 = arith.index_cast %get3A_1186 : i32 to index
        %get3A_1188 = arith.index_cast %add3A_1185 : i32 to index
        %get3A_1189 = arith.constant 0 : index
        %get3A_1190 = tpu.vector_load %arg8[%get3A_1187, %get3A_1188, %get3A_1189] {strides = array<i32>} : memref<2x784x64xbf16, #tpu.memory_space<vmem>>, vector<32xbf16>,
        %unpack3A_1191 = tpu.unpack_subelements %get3A_1190, 0 {pack_format = #tpu.pack_format<interleaved>} : vector<32xbf16> -> vector<16xf32>
        %unpack3A_1192 = tpu.unpack_subelements %get3A_1190, 1 {pack_format = #tpu.pack_format<interleaved>} : vector<32xbf16> -> vector<16xf32>
        %mul3A_1193 = vector.broadcast %squeeze3A_1183 : f32 to vector<16xf32>
        %mul3A_1194 = arith.mulf %mul3A_1193, %unpack3A_1191 : vector<16xf32>
        %add3A_1195 = arith.addf %add3A_1131, %mul3A_1194 : vector<16xf32>
        %mul3A_1196 = vector.broadcast %squeeze3A_1183 : f32 to vector<16xf32>
        %mul3A_1197 = arith.mulf %mul3A_1196, %unpack3A_1192 : vector<16xf32>
        %add3A_1198 = arith.addf %add3A_1134, %mul3A_1197 : vector<16xf32>
        %add3A_1199 = arith.constant 15 : i32
        %add3A_1200 = arith.addi %mul3A_684, %add3A_1199 : i32
        %get3A_1201 = arith.constant 0 : i32
        %get3A_1202 = arith.index_cast %get3A_1201 : i32 to index
        %get3A_1203 = arith.index_cast %add3A_1200 : i32 to index
        %get3A_1204 = arith.constant 32 : index
        %get3A_1205 = tpu.vector_load %arg8[%get3A_1202, %get3A_1203, %get3A_1204] {strides = array<i32>} : memref<2x784x64xbf16, #tpu.memory_space<vmem>>, vector<32xbf16>,
        %unpack3A_1206 = tpu.unpack_subelements %get3A_1205, 0 {pack_format = #tpu.pack_format<interleaved>} : vector<32xbf16> -> vector<16xf32>
        %unpack3A_1207 = tpu.unpack_subelements %get3A_1205, 1 {pack_format = #tpu.pack_format<interleaved>} : vector<32xbf16> -> vector<16xf32>
        %mul3A_1208 = vector.broadcast %squeeze3A_1183 : f32 to vector<16xf32>
        %mul3A_1209 = arith.mulf %mul3A_1208, %unpack3A_1206 : vector<16xf32>
        %add3A_1210 = arith.addf %add3A_1146, %mul3A_1209 : vector<16xf32>
        %mul3A_1211 = vector.broadcast %squeeze3A_1183 : f32 to vector<16xf32>
        %mul3A_1212 = arith.mulf %mul3A_1211, %unpack3A_1207 : vector<16xf32>
        %add3A_1213 = arith.addf %add3A_1149, %mul3A_1212 : vector<16xf32>
        %add3A_1214 = arith.constant 0 : i32
        %add3A_1215 = arith.addi %add3A_1214, %scan3A_682 : i32
        %add3A_1216 = vector.broadcast %add3A_1215 : i32 to vector<16xi32>
        %add3A_1217 = arith.addi %mul3A_45, %add3A_1216 : vector<16xi32>
        %add3A_1218 = arith.addf %add3A_1163, %add3A_1195 : vector<16xf32>
        tpu.vector_store_idx %arg9[%broadcast_in_dim3A_40, %add3A_1217], %add3A_1218 : memref<2x3136xf32, #tpu.memory_space<vmem>>[vector<16xi32>, vector<16xi32>], vector<16xf32>,
        %add3A_1219 = arith.constant 784 : i32
        %add3A_1220 = arith.addi %add3A_1219, %scan3A_682 : i32
        %add3A_1221 = vector.broadcast %add3A_1220 : i32 to vector<16xi32>
        %add3A_1222 = arith.addi %mul3A_45, %add3A_1221 : vector<16xi32>
        %add3A_1223 = arith.addf %add3A_1166, %add3A_1198 : vector<16xf32>
        tpu.vector_store_idx %arg9[%broadcast_in_dim3A_40, %add3A_1222], %add3A_1223 : memref<2x3136xf32, #tpu.memory_space<vmem>>[vector<16xi32>, vector<16xi32>], vector<16xf32>,
        %add3A_1224 = arith.constant 1568 : i32
        %add3A_1225 = arith.addi %add3A_1224, %scan3A_682 : i32
        %add3A_1226 = vector.broadcast %add3A_1225 : i32 to vector<16xi32>
        %add3A_1227 = arith.addi %mul3A_45, %add3A_1226 : vector<16xi32>
        %add3A_1228 = arith.addf %add3A_1178, %add3A_1210 : vector<16xf32>
        tpu.vector_store_idx %arg9[%broadcast_in_dim3A_40, %add3A_1227], %add3A_1228 : memref<2x3136xf32, #tpu.memory_space<vmem>>[vector<16xi32>, vector<16xi32>], vector<16xf32>,
        %add3A_1229 = arith.constant 2352 : i32
        %add3A_1230 = arith.addi %add3A_1229, %scan3A_682 : i32
        %add3A_1231 = vector.broadcast %add3A_1230 : i32 to vector<16xi32>
        %add3A_1232 = arith.addi %mul3A_45, %add3A_1231 : vector<16xi32>
        %add3A_1233 = arith.addf %add3A_1181, %add3A_1213 : vector<16xf32>
        tpu.vector_store_idx %arg9[%broadcast_in_dim3A_40, %add3A_1232], %add3A_1233 : memref<2x3136xf32, #tpu.memory_space<vmem>>[vector<16xi32>, vector<16xi32>], vector<16xf32>,
      }
      %scan3A_536 = arith.constant 49 : i32
      %lt3A_537 = arith.constant 1000 : i32
      %lt3A_538 = arith.cmpi slt, %add3A_237, %lt3A_537 : i32
      %convert_element_type3A_539 = arith.extui %lt3A_538 : i1 to i32
      %cond3A_540 = arith.constant 0 : i32
      %cond3A_541 = arith.cmpi ne, %convert_element_type3A_539, %cond3A_540 : i32
      scf.if %cond3A_541 {
        %dma_start3A_682 = arith.constant 0 : i32
        %dma_start3A_683 = arith.constant 0 : i32
        %dma_start3A_684 = tpu.memref_slice %arg9[%dma_start3A_682, %dma_start3A_683] : memref<2x3136xf32, #tpu.memory_space<vmem>> -> memref<1x3136xf32, #tpu.memory_space<vmem>>
        %dma_start3A_685 = tpu.memref_squeeze %dma_start3A_684 : memref<1x3136xf32, #tpu.memory_space<vmem>> -> memref<3136xf32, #tpu.memory_space<vmem>>
        %dma_start3A_686 = arith.constant 0 : i32
        %dma_start3A_687 = tpu.memref_slice %arg4[%add3A_237, %dma_start3A_686] : memref<1000x3136xf32, #tpu.memory_space<hbm>> -> memref<1x3136xf32, #tpu.memory_space<hbm>>
        %dma_start3A_688 = tpu.memref_squeeze %dma_start3A_687 : memref<1x3136xf32, #tpu.memory_space<hbm>> -> memref<3136xf32, #tpu.memory_space<hbm>>
        %dma_start3A_689 = arith.constant 0 : i32
        %dma_start3A_690 = tpu.memref_slice %arg4[%add3A_237, %dma_start3A_689] : memref<1000x3136xf32, #tpu.memory_space<hbm>> -> memref<1x3136xf32, #tpu.memory_space<hbm>>
        %dma_start3A_691 = tpu.memref_squeeze %dma_start3A_690 : memref<1x3136xf32, #tpu.memory_space<hbm>> -> memref<3136xf32, #tpu.memory_space<hbm>>
        %dma_start3A_692 = arith.constant 0 : i32
        %dma_start3A_693 = tpu.memref_slice %arg9[%dma_start3A_682, %dma_start3A_692] : memref<2x3136xf32, #tpu.memory_space<vmem>> -> memref<1x3136xf32, #tpu.memory_space<vmem>>
        %dma_start3A_694 = tpu.memref_squeeze %dma_start3A_693 : memref<1x3136xf32, #tpu.memory_space<vmem>> -> memref<3136xf32, #tpu.memory_space<vmem>>
        tpu.enqueue_dma source(%dma_start3A_694 : memref<3136xf32, #tpu.memory_space<vmem>>) target(%dma_start3A_691 : memref<3136xf32, #tpu.memory_space<hbm>>) target_semaphore(%arg12 : memref<!tpu.dma_semaphore, #tpu.memory_space<semaphore_mem>>)
      } else {
      }
      %lt3A_542 = arith.constant 15 : i32
      %lt3A_543 = arith.cmpi slt, %scan3A_234, %lt3A_542 : i32
      %convert_element_type3A_544 = arith.extui %lt3A_543 : i1 to i32
      %cond3A_545 = arith.constant 0 : i32
      %cond3A_546 = arith.cmpi ne, %convert_element_type3A_544, %cond3A_545 : i32
      scf.if %cond3A_546 {
        %add3A_682 = arith.constant 2 : i32
        %add3A_683 = arith.addi %add3A_237, %add3A_682 : i32
        %run_scoped3A_684 = arith.constant 0 : i32
        "tpu.region"() ({
          %run_scoped3A_855 = tpu.sem_alloc : memref<!tpu.dma_semaphore, #tpu.memory_space<semaphore_mem>>
          %dma_start3A_856 = arith.constant 0 : i32
          %dma_start3A_857 = arith.constant 0 : i32
          %dma_start3A_858 = tpu.memref_slice %arg5[%run_scoped3A_684, %dma_start3A_856, %dma_start3A_857] : memref<2x8x16xf32, #tpu.memory_space<vmem>> -> memref<1x8x16xf32, #tpu.memory_space<vmem>>
          %dma_start3A_859 = tpu.memref_squeeze %dma_start3A_858 : memref<1x8x16xf32, #tpu.memory_space<vmem>> -> memref<8x16xf32, #tpu.memory_space<vmem>>
          %dma_start3A_860 = arith.constant 0 : i32
          %dma_start3A_861 = arith.constant 0 : i32
          %dma_start3A_862 = tpu.memref_slice %arg3[%add3A_683, %dma_start3A_860, %dma_start3A_861] : memref<1024x8x16xf32, #tpu.memory_space<hbm>> -> memref<1x8x16xf32, #tpu.memory_space<hbm>>
          %dma_start3A_863 = tpu.memref_squeeze %dma_start3A_862 : memref<1x8x16xf32, #tpu.memory_space<hbm>> -> memref<8x16xf32, #tpu.memory_space<hbm>>
          %dma_start3A_864 = arith.constant 0 : i32
          %dma_start3A_865 = arith.constant 0 : i32
          %dma_start3A_866 = tpu.memref_slice %arg5[%run_scoped3A_684, %dma_start3A_864, %dma_start3A_865] : memref<2x8x16xf32, #tpu.memory_space<vmem>> -> memref<1x8x16xf32, #tpu.memory_space<vmem>>
          %dma_start3A_867 = tpu.memref_squeeze %dma_start3A_866 : memref<1x8x16xf32, #tpu.memory_space<vmem>> -> memref<8x16xf32, #tpu.memory_space<vmem>>
          %dma_start3A_868 = arith.constant 0 : i32
          %dma_start3A_869 = arith.constant 0 : i32
          %dma_start3A_870 = tpu.memref_slice %arg3[%add3A_683, %dma_start3A_868, %dma_start3A_869] : memref<1024x8x16xf32, #tpu.memory_space<hbm>> -> memref<1x8x16xf32, #tpu.memory_space<hbm>>
          %dma_start3A_871 = tpu.memref_squeeze %dma_start3A_870 : memref<1x8x16xf32, #tpu.memory_space<hbm>> -> memref<8x16xf32, #tpu.memory_space<hbm>>
          tpu.enqueue_dma source(%dma_start3A_871 : memref<8x16xf32, #tpu.memory_space<hbm>>) target(%dma_start3A_867 : memref<8x16xf32, #tpu.memory_space<vmem>>) target_semaphore(%run_scoped3A_855 : memref<!tpu.dma_semaphore, #tpu.memory_space<semaphore_mem>>)
          %dma_wait3A_872 = arith.constant 0 : i32
          %dma_wait3A_873 = arith.constant 0 : i32
          %dma_wait3A_874 = tpu.memref_slice %arg5[%run_scoped3A_684, %dma_wait3A_872, %dma_wait3A_873] : memref<2x8x16xf32, #tpu.memory_space<vmem>> -> memref<1x8x16xf32, #tpu.memory_space<vmem>>
          %dma_wait3A_875 = tpu.memref_squeeze %dma_wait3A_874 : memref<1x8x16xf32, #tpu.memory_space<vmem>> -> memref<8x16xf32, #tpu.memory_space<vmem>>
          %dma_wait3A_876 = arith.constant 0 : i32
          %dma_wait3A_877 = arith.constant 0 : i32
          %dma_wait3A_878 = tpu.memref_slice %arg3[%add3A_683, %dma_wait3A_876, %dma_wait3A_877] : memref<1024x8x16xf32, #tpu.memory_space<hbm>> -> memref<1x8x16xf32, #tpu.memory_space<hbm>>
          %dma_wait3A_879 = tpu.memref_squeeze %dma_wait3A_878 : memref<1x8x16xf32, #tpu.memory_space<hbm>> -> memref<8x16xf32, #tpu.memory_space<hbm>>
          %dma_wait3A_880 = arith.constant 0 : i32
          %dma_wait3A_881 = arith.constant 0 : i32
          %dma_wait3A_882 = tpu.memref_slice %arg5[%run_scoped3A_684, %dma_wait3A_880, %dma_wait3A_881] : memref<2x8x16xf32, #tpu.memory_space<vmem>> -> memref<1x8x16xf32, #tpu.memory_space<vmem>>
          %dma_wait3A_883 = tpu.memref_squeeze %dma_wait3A_882 : memref<1x8x16xf32, #tpu.memory_space<vmem>> -> memref<8x16xf32, #tpu.memory_space<vmem>>
          %dma_wait3A_884 = arith.constant 0 : i32
          %dma_wait3A_885 = arith.constant 0 : i32
          %dma_wait3A_886 = tpu.memref_slice %arg3[%add3A_683, %dma_wait3A_884, %dma_wait3A_885] : memref<1024x8x16xf32, #tpu.memory_space<hbm>> -> memref<1x8x16xf32, #tpu.memory_space<hbm>>
          %dma_wait3A_887 = tpu.memref_squeeze %dma_wait3A_886 : memref<1x8x16xf32, #tpu.memory_space<hbm>> -> memref<8x16xf32, #tpu.memory_space<hbm>>
          tpu.wait_dma2 semaphore(%run_scoped3A_855 : memref<!tpu.dma_semaphore, #tpu.memory_space<semaphore_mem>>) src(%dma_wait3A_887 : memref<8x16xf32, #tpu.memory_space<hbm>>) dst(%dma_wait3A_883 : memref<8x16xf32, #tpu.memory_space<vmem>>)
          tpu.yield
        }) : () -> ()
        %get3A_685 = arith.constant 0 : i32
        %get3A_686 = arith.constant 0 : i32
        %get3A_687 = arith.index_cast %get3A_685 : i32 to index
        %get3A_688 = arith.index_cast %get3A_686 : i32 to index
        %get3A_689 = arith.constant 0 : index
        %get3A_690 = tpu.vector_load %arg5[%get3A_687, %get3A_688, %get3A_689] {strides = array<i32>} : memref<2x8x16xf32, #tpu.memory_space<vmem>>, vector<16xf32>,
        %get3A_691 = arith.constant 0 : i32
        %get3A_692 = arith.constant 1 : i32
        %get3A_693 = arith.index_cast %get3A_691 : i32 to index
        %get3A_694 = arith.index_cast %get3A_692 : i32 to index
        %get3A_695 = arith.constant 0 : index
        %get3A_696 = tpu.vector_load %arg5[%get3A_693, %get3A_694, %get3A_695] {strides = array<i32>} : memref<2x8x16xf32, #tpu.memory_space<vmem>>, vector<16xf32>,
        %get3A_697 = arith.constant 0 : i32
        %get3A_698 = arith.constant 2 : i32
        %get3A_699 = arith.index_cast %get3A_697 : i32 to index
        %get3A_700 = arith.index_cast %get3A_698 : i32 to index
        %get3A_701 = arith.constant 0 : index
        %get3A_702 = tpu.vector_load %arg5[%get3A_699, %get3A_700, %get3A_701] {strides = array<i32>} : memref<2x8x16xf32, #tpu.memory_space<vmem>>, vector<16xf32>,
        %get3A_703 = arith.constant 0 : i32
        %get3A_704 = arith.constant 3 : i32
        %get3A_705 = arith.index_cast %get3A_703 : i32 to index
        %get3A_706 = arith.index_cast %get3A_704 : i32 to index
        %get3A_707 = arith.constant 0 : index
        %get3A_708 = tpu.vector_load %arg5[%get3A_705, %get3A_706, %get3A_707] {strides = array<i32>} : memref<2x8x16xf32, #tpu.memory_space<vmem>>, vector<16xf32>,
        %get3A_709 = arith.constant 0 : i32
        %get3A_710 = arith.constant 4 : i32
        %get3A_711 = arith.index_cast %get3A_709 : i32 to index
        %get3A_712 = arith.index_cast %get3A_710 : i32 to index
        %get3A_713 = arith.constant 0 : index
        %get3A_714 = tpu.vector_load %arg5[%get3A_711, %get3A_712, %get3A_713] {strides = array<i32>} : memref<2x8x16xf32, #tpu.memory_space<vmem>>, vector<16xf32>,
        %get3A_715 = arith.constant 0 : i32
        %get3A_716 = arith.constant 5 : i32
        %get3A_717 = arith.index_cast %get3A_715 : i32 to index
        %get3A_718 = arith.index_cast %get3A_716 : i32 to index
        %get3A_719 = arith.constant 0 : index
        %get3A_720 = tpu.vector_load %arg5[%get3A_717, %get3A_718, %get3A_719] {strides = array<i32>} : memref<2x8x16xf32, #tpu.memory_space<vmem>>, vector<16xf32>,
        %get3A_721 = arith.constant 0 : i32
        %get3A_722 = arith.constant 6 : i32
        %get3A_723 = arith.index_cast %get3A_721 : i32 to index
        %get3A_724 = arith.index_cast %get3A_722 : i32 to index
        %get3A_725 = arith.constant 0 : index
        %get3A_726 = tpu.vector_load %arg5[%get3A_723, %get3A_724, %get3A_725] {strides = array<i32>} : memref<2x8x16xf32, #tpu.memory_space<vmem>>, vector<16xf32>,
        %get3A_727 = arith.constant 0 : i32
        %get3A_728 = arith.constant 7 : i32
        %get3A_729 = arith.index_cast %get3A_727 : i32 to index
        %get3A_730 = arith.index_cast %get3A_728 : i32 to index
        %get3A_731 = arith.constant 0 : index
        %get3A_732 = tpu.vector_load %arg5[%get3A_729, %get3A_730, %get3A_731] {strides = array<i32>} : memref<2x8x16xf32, #tpu.memory_space<vmem>>, vector<16xf32>,
        %convert_element_type3A_733 = arith.fptosi %get3A_714 : vector<16xf32> to vector<16xi32>
        %convert_element_type3A_734 = arith.fptosi %get3A_720 : vector<16xf32> to vector<16xi32>
        %convert_element_type3A_735 = arith.fptosi %get3A_726 : vector<16xf32> to vector<16xi32>
        %convert_element_type3A_736 = arith.fptosi %get3A_732 : vector<16xf32> to vector<16xi32>
        %scan3A_737 = arith.constant 0 : i32
        %scan3A_738 = arith.constant 0 : i32
        %scan3A_739 = arith.constant 7 : i32
        %scan3A_740 = arith.addi %scan3A_738, %scan3A_739 : i32
        %scan3A_741 = arith.constant 1 : i32
        scf.for %scan3A_855 = %scan3A_738 to %scan3A_740 step %scan3A_741  : i32 {
          %broadcast_in_dim3A_856 = vector.broadcast %scan3A_855 : i32 to vector<16xi32>
          %convert_element_type3A_857 = arith.sitofp %broadcast_in_dim3A_856 : vector<16xi32> to vector<16xf32>
          %add3A_858 = arith.addf %convert_element_type3A_857, %add3A_12 : vector<16xf32>
          %mul3A_859 = arith.mulf %add3A_858, %get3A_702 : vector<16xf32>
          %add3A_860 = arith.addf %get3A_690, %mul3A_859 : vector<16xf32>
          %max3A = arith.constant 0.000000e+00 : f32
          %max3A_861 = vector.broadcast %max3A : f32 to vector<16xf32>
          %max3A_862 = arith.maximumf %add3A_860, %max3A_861 : vector<16xf32>
          %convert_element_type3A_863 = arith.fptosi %max3A_862 : vector<16xf32> to vector<16xi32>
          %convert_element_type3A_864 = arith.sitofp %convert_element_type3A_863 : vector<16xi32> to vector<16xf32>
          %ge3A = arith.cmpf oge, %convert_element_type3A_864, %get3A_714 : vector<16xf32>
          %select_n3A = arith.select %ge3A, %get3A_714, %convert_element_type3A_864 : vector<16xi1>, vector<16xf32>
          %convert_element_type3A_865 = arith.fptosi %select_n3A : vector<16xf32> to vector<16xi32>
          %add3A_866 = arith.constant 1 : i32
          %add3A_867 = vector.broadcast %add3A_866 : i32 to vector<16xi32>
          %add3A_868 = arith.addi %convert_element_type3A_865, %add3A_867 : vector<16xi32>
          %min3A = arith.minsi %add3A_868, %convert_element_type3A_733 : vector<16xi32>
          %sub3A_869 = arith.subf %max3A_862, %convert_element_type3A_864 : vector<16xf32>
          %jit3A = arith.constant 0.000000e+00 : f32
          %broadcast_in_dim3A_870 = vector.broadcast %jit3A : f32 to vector<16xf32>
          %select_n3A_871 = arith.select %ge3A, %broadcast_in_dim3A_870, %sub3A_869 : vector<16xi1>, vector<16xf32>
          %sub3A_872 = arith.constant 1.000000e+00 : f32
          %sub3A_873 = vector.broadcast %sub3A_872 : f32 to vector<16xf32>
          %sub3A_874 = arith.subf %sub3A_873, %select_n3A_871 : vector<16xf32>
          %select_n3A_875 = arith.select %eq3A_33, %select_n3A_871, %sub3A_874 : vector<16xi1>, vector<16xf32>
          %select_n3A_876 = arith.select %eq3A_33, %min3A, %convert_element_type3A_865 : vector<16xi1>, vector<16xi32>
          %mul3A_877 = arith.muli %select_n3A_876, %convert_element_type3A_735 : vector<16xi32>
          %add3A_878 = arith.addi %convert_element_type3A_736, %mul3A_877 : vector<16xi32>
          %scan3A_879 = arith.constant 0 : i32
          %scan3A_880 = arith.constant 0 : i32
          %scan3A_881 = arith.constant 7 : i32
          %scan3A_882 = arith.addi %scan3A_880, %scan3A_881 : i32
          %scan3A_883 = arith.constant 1 : i32
          scf.for %scan3A_885 = %scan3A_880 to %scan3A_882 step %scan3A_883  : i32 {
            %broadcast_in_dim3A_886 = vector.broadcast %scan3A_885 : i32 to vector<16xi32>
            %convert_element_type3A_887 = arith.sitofp %broadcast_in_dim3A_886 : vector<16xi32> to vector<16xf32>
            %add3A_888 = arith.addf %convert_element_type3A_887, %add3A_25 : vector<16xf32>
            %mul3A_889 = arith.mulf %add3A_888, %get3A_708 : vector<16xf32>
            %add3A_890 = arith.addf %get3A_696, %mul3A_889 : vector<16xf32>
            %max3A_891 = arith.constant 0.000000e+00 : f32
            %max3A_892 = vector.broadcast %max3A_891 : f32 to vector<16xf32>
            %max3A_893 = arith.maximumf %add3A_890, %max3A_892 : vector<16xf32>
            %convert_element_type3A_894 = arith.fptosi %max3A_893 : vector<16xf32> to vector<16xi32>
            %convert_element_type3A_895 = arith.sitofp %convert_element_type3A_894 : vector<16xi32> to vector<16xf32>
            %ge3A_896 = arith.cmpf oge, %convert_element_type3A_895, %get3A_720 : vector<16xf32>
            %select_n3A_897 = arith.select %ge3A_896, %get3A_720, %convert_element_type3A_895 : vector<16xi1>, vector<16xf32>
            %convert_element_type3A_898 = arith.fptosi %select_n3A_897 : vector<16xf32> to vector<16xi32>
            %add3A_899 = arith.constant 1 : i32
            %add3A_900 = vector.broadcast %add3A_899 : i32 to vector<16xi32>
            %add3A_901 = arith.addi %convert_element_type3A_898, %add3A_900 : vector<16xi32>
            %min3A_902 = arith.minsi %add3A_901, %convert_element_type3A_734 : vector<16xi32>
            %sub3A_903 = arith.subf %max3A_893, %convert_element_type3A_895 : vector<16xf32>
            %jit3A_904 = arith.constant 0.000000e+00 : f32
            %broadcast_in_dim3A_905 = vector.broadcast %jit3A_904 : f32 to vector<16xf32>
            %select_n3A_906 = arith.select %ge3A_896, %broadcast_in_dim3A_905, %sub3A_903 : vector<16xi1>, vector<16xf32>
            %sub3A_907 = arith.constant 1.000000e+00 : f32
            %sub3A_908 = vector.broadcast %sub3A_907 : f32 to vector<16xf32>
            %sub3A_909 = arith.subf %sub3A_908, %select_n3A_906 : vector<16xf32>
            %select_n3A_910 = arith.select %eq3A_39, %select_n3A_906, %sub3A_909 : vector<16xi1>, vector<16xf32>
            %select_n3A_911 = arith.select %eq3A_39, %min3A_902, %convert_element_type3A_898 : vector<16xi1>, vector<16xi32>
            %add3A_912 = arith.addi %add3A_878, %select_n3A_911 : vector<16xi32>
            %mul3A_913 = arith.constant 16 : i32
            %mul3A_914 = arith.muli %scan3A_885, %mul3A_913 : i32
            %swap3A = arith.constant 0 : i32
            %swap3A_915 = arith.index_cast %swap3A : i32 to index
            %swap3A_916 = arith.index_cast %scan3A_855 : i32 to index
            %swap3A_917 = arith.index_cast %mul3A_914 : i32 to index
            %swap3A_918 = tpu.vector_load %arg6[%swap3A_915, %swap3A_916, %swap3A_917] {strides = array<i32>} : memref<2x7x112xi32, #tpu.memory_space<vmem>>, vector<16xi32>,
            tpu.vector_store %arg6[%swap3A_915, %swap3A_916, %swap3A_917], %add3A_912 {strides = array<i32>} : memref<2x7x112xi32, #tpu.memory_space<vmem>>, vector<16xi32>,
            %mul3A_919 = arith.mulf %select_n3A_875, %select_n3A_910 : vector<16xf32>
            %mul3A_920 = arith.constant 2.500000e-01 : f32
            %mul3A_921 = vector.broadcast %mul3A_920 : f32 to vector<16xf32>
            %mul3A_922 = arith.mulf %mul3A_919, %mul3A_921 : vector<16xf32>
            %mul3A_923 = arith.constant 7 : i32
            %mul3A_924 = arith.muli %scan3A_855, %mul3A_923 : i32
            %add3A_925 = arith.addi %mul3A_924, %scan3A_885 : i32
            %mul3A_926 = arith.constant 16 : i32
            %mul3A_927 = arith.muli %add3A_925, %mul3A_926 : i32
            %swap3A_928 = arith.constant 0 : i32
            %swap3A_929 = arith.index_cast %swap3A_928 : i32 to index
            %swap3A_930 = arith.index_cast %mul3A_927 : i32 to index
            %swap3A_931 = tpu.vector_load %arg7[%swap3A_929, %swap3A_930] {strides = array<i32>} : memref<2x784xf32, #tpu.memory_space<vmem>>, vector<16xf32>,
            tpu.vector_store %arg7[%swap3A_929, %swap3A_930], %mul3A_922 {strides = array<i32>} : memref<2x784xf32, #tpu.memory_space<vmem>>, vector<16xf32>,
          }
          %scan3A_884 = arith.constant 7 : i32
        }
        %scan3A_742 = arith.constant 7 : i32
        %dma_start3A_743 = arith.constant 0 : i32
        %dma_start3A_744 = arith.constant 0 : i32
        %dma_start3A_745 = arith.constant 0 : i32
        %dma_start3A_746 = arith.constant 0 : i32
        %dma_start3A_747 = arith.constant 0 : i32
        %dma_start3A_748 = arith.constant 0 : i32
        %dma_start3A_749 = tpu.memref_slice %arg8[%dma_start3A_745, %dma_start3A_747, %dma_start3A_748] : memref<2x784x64xbf16, #tpu.memory_space<vmem>> -> memref<1x112x64xbf16, #tpu.memory_space<vmem>>
        %dma_start3A_750 = tpu.memref_squeeze %dma_start3A_749 : memref<1x112x64xbf16, #tpu.memory_space<vmem>> -> memref<112x64xbf16, #tpu.memory_space<vmem>>
        %dma_start3A_751 = arith.constant 0 : i32
        %dma_start3A_752 = tpu.memref_slice %arg6[%dma_start3A_743, %dma_start3A_744, %dma_start3A_751] : memref<2x7x112xi32, #tpu.memory_space<vmem>> -> memref<1x1x112xi32, #tpu.memory_space<vmem>>
        %dma_start3A_753 = tpu.memref_squeeze %dma_start3A_752 : memref<1x1x112xi32, #tpu.memory_space<vmem>> -> memref<112xi32, #tpu.memory_space<vmem>>
        %dma_start3A_754 = arith.constant 0 : i32
        %dma_start3A_755 = arith.constant 0 : i32
        %dma_start3A_756 = tpu.memref_slice %arg2[%dma_start3A_754, %dma_start3A_755] : memref<20224x64xbf16, #tpu.memory_space<hbm>> -> memref<20224x64xbf16, #tpu.memory_space<hbm>>
        %dma_start3A_757 = tpu.memref_slice %arg10[%dma_start3A_746] : memref<7x!tpu.dma_semaphore, #tpu.memory_space<semaphore_mem>> -> memref<1x!tpu.dma_semaphore, #tpu.memory_space<semaphore_mem>>
        %dma_start3A_758 = tpu.memref_squeeze %dma_start3A_757 : memref<1x!tpu.dma_semaphore, #tpu.memory_space<semaphore_mem>> -> memref<!tpu.dma_semaphore, #tpu.memory_space<semaphore_mem>>
        tpu.enqueue_indirect_dma source(%dma_start3A_756 : memref<20224x64xbf16, #tpu.memory_space<hbm>>) target(%dma_start3A_750 : memref<112x64xbf16, #tpu.memory_space<vmem>>) offsets(%dma_start3A_753 : memref<112xi32, #tpu.memory_space<vmem>>) semaphore(%dma_start3A_758 : memref<!tpu.dma_semaphore, #tpu.memory_space<semaphore_mem>>)
        %dma_start3A_759 = arith.constant 0 : i32
        %dma_start3A_760 = arith.constant 1 : i32
        %dma_start3A_761 = arith.constant 0 : i32
        %dma_start3A_762 = arith.constant 1 : i32
        %dma_start3A_763 = arith.constant 112 : i32
        %dma_start3A_764 = arith.constant 0 : i32
        %dma_start3A_765 = tpu.memref_slice %arg8[%dma_start3A_761, %dma_start3A_763, %dma_start3A_764] : memref<2x784x64xbf16, #tpu.memory_space<vmem>> -> memref<1x112x64xbf16, #tpu.memory_space<vmem>>
        %dma_start3A_766 = tpu.memref_squeeze %dma_start3A_765 : memref<1x112x64xbf16, #tpu.memory_space<vmem>> -> memref<112x64xbf16, #tpu.memory_space<vmem>>
        %dma_start3A_767 = arith.constant 0 : i32
        %dma_start3A_768 = tpu.memref_slice %arg6[%dma_start3A_759, %dma_start3A_760, %dma_start3A_767] : memref<2x7x112xi32, #tpu.memory_space<vmem>> -> memref<1x1x112xi32, #tpu.memory_space<vmem>>
        %dma_start3A_769 = tpu.memref_squeeze %dma_start3A_768 : memref<1x1x112xi32, #tpu.memory_space<vmem>> -> memref<112xi32, #tpu.memory_space<vmem>>
        %dma_start3A_770 = arith.constant 0 : i32
        %dma_start3A_771 = arith.constant 0 : i32
        %dma_start3A_772 = tpu.memref_slice %arg2[%dma_start3A_770, %dma_start3A_771] : memref<20224x64xbf16, #tpu.memory_space<hbm>> -> memref<20224x64xbf16, #tpu.memory_space<hbm>>
        %dma_start3A_773 = tpu.memref_slice %arg10[%dma_start3A_762] : memref<7x!tpu.dma_semaphore, #tpu.memory_space<semaphore_mem>> -> memref<1x!tpu.dma_semaphore, #tpu.memory_space<semaphore_mem>>
        %dma_start3A_774 = tpu.memref_squeeze %dma_start3A_773 : memref<1x!tpu.dma_semaphore, #tpu.memory_space<semaphore_mem>> -> memref<!tpu.dma_semaphore, #tpu.memory_space<semaphore_mem>>
        tpu.enqueue_indirect_dma source(%dma_start3A_772 : memref<20224x64xbf16, #tpu.memory_space<hbm>>) target(%dma_start3A_766 : memref<112x64xbf16, #tpu.memory_space<vmem>>) offsets(%dma_start3A_769 : memref<112xi32, #tpu.memory_space<vmem>>) semaphore(%dma_start3A_774 : memref<!tpu.dma_semaphore, #tpu.memory_space<semaphore_mem>>)
        %dma_start3A_775 = arith.constant 0 : i32
        %dma_start3A_776 = arith.constant 2 : i32
        %dma_start3A_777 = arith.constant 0 : i32
        %dma_start3A_778 = arith.constant 2 : i32
        %dma_start3A_779 = arith.constant 224 : i32
        %dma_start3A_780 = arith.constant 0 : i32
        %dma_start3A_781 = tpu.memref_slice %arg8[%dma_start3A_777, %dma_start3A_779, %dma_start3A_780] : memref<2x784x64xbf16, #tpu.memory_space<vmem>> -> memref<1x112x64xbf16, #tpu.memory_space<vmem>>
        %dma_start3A_782 = tpu.memref_squeeze %dma_start3A_781 : memref<1x112x64xbf16, #tpu.memory_space<vmem>> -> memref<112x64xbf16, #tpu.memory_space<vmem>>
        %dma_start3A_783 = arith.constant 0 : i32
        %dma_start3A_784 = tpu.memref_slice %arg6[%dma_start3A_775, %dma_start3A_776, %dma_start3A_783] : memref<2x7x112xi32, #tpu.memory_space<vmem>> -> memref<1x1x112xi32, #tpu.memory_space<vmem>>
        %dma_start3A_785 = tpu.memref_squeeze %dma_start3A_784 : memref<1x1x112xi32, #tpu.memory_space<vmem>> -> memref<112xi32, #tpu.memory_space<vmem>>
        %dma_start3A_786 = arith.constant 0 : i32
        %dma_start3A_787 = arith.constant 0 : i32
        %dma_start3A_788 = tpu.memref_slice %arg2[%dma_start3A_786, %dma_start3A_787] : memref<20224x64xbf16, #tpu.memory_space<hbm>> -> memref<20224x64xbf16, #tpu.memory_space<hbm>>
        %dma_start3A_789 = tpu.memref_slice %arg10[%dma_start3A_778] : memref<7x!tpu.dma_semaphore, #tpu.memory_space<semaphore_mem>> -> memref<1x!tpu.dma_semaphore, #tpu.memory_space<semaphore_mem>>
        %dma_start3A_790 = tpu.memref_squeeze %dma_start3A_789 : memref<1x!tpu.dma_semaphore, #tpu.memory_space<semaphore_mem>> -> memref<!tpu.dma_semaphore, #tpu.memory_space<semaphore_mem>>
        tpu.enqueue_indirect_dma source(%dma_start3A_788 : memref<20224x64xbf16, #tpu.memory_space<hbm>>) target(%dma_start3A_782 : memref<112x64xbf16, #tpu.memory_space<vmem>>) offsets(%dma_start3A_785 : memref<112xi32, #tpu.memory_space<vmem>>) semaphore(%dma_start3A_790 : memref<!tpu.dma_semaphore, #tpu.memory_space<semaphore_mem>>)
        %dma_start3A_791 = arith.constant 0 : i32
        %dma_start3A_792 = arith.constant 3 : i32
        %dma_start3A_793 = arith.constant 0 : i32
        %dma_start3A_794 = arith.constant 3 : i32
        %dma_start3A_795 = arith.constant 336 : i32
        %dma_start3A_796 = arith.constant 0 : i32
        %dma_start3A_797 = tpu.memref_slice %arg8[%dma_start3A_793, %dma_start3A_795, %dma_start3A_796] : memref<2x784x64xbf16, #tpu.memory_space<vmem>> -> memref<1x112x64xbf16, #tpu.memory_space<vmem>>
        %dma_start3A_798 = tpu.memref_squeeze %dma_start3A_797 : memref<1x112x64xbf16, #tpu.memory_space<vmem>> -> memref<112x64xbf16, #tpu.memory_space<vmem>>
        %dma_start3A_799 = arith.constant 0 : i32
        %dma_start3A_800 = tpu.memref_slice %arg6[%dma_start3A_791, %dma_start3A_792, %dma_start3A_799] : memref<2x7x112xi32, #tpu.memory_space<vmem>> -> memref<1x1x112xi32, #tpu.memory_space<vmem>>
        %dma_start3A_801 = tpu.memref_squeeze %dma_start3A_800 : memref<1x1x112xi32, #tpu.memory_space<vmem>> -> memref<112xi32, #tpu.memory_space<vmem>>
        %dma_start3A_802 = arith.constant 0 : i32
        %dma_start3A_803 = arith.constant 0 : i32
        %dma_start3A_804 = tpu.memref_slice %arg2[%dma_start3A_802, %dma_start3A_803] : memref<20224x64xbf16, #tpu.memory_space<hbm>> -> memref<20224x64xbf16, #tpu.memory_space<hbm>>
        %dma_start3A_805 = tpu.memref_slice %arg10[%dma_start3A_794] : memref<7x!tpu.dma_semaphore, #tpu.memory_space<semaphore_mem>> -> memref<1x!tpu.dma_semaphore, #tpu.memory_space<semaphore_mem>>
        %dma_start3A_806 = tpu.memref_squeeze %dma_start3A_805 : memref<1x!tpu.dma_semaphore, #tpu.memory_space<semaphore_mem>> -> memref<!tpu.dma_semaphore, #tpu.memory_space<semaphore_mem>>
        tpu.enqueue_indirect_dma source(%dma_start3A_804 : memref<20224x64xbf16, #tpu.memory_space<hbm>>) target(%dma_start3A_798 : memref<112x64xbf16, #tpu.memory_space<vmem>>) offsets(%dma_start3A_801 : memref<112xi32, #tpu.memory_space<vmem>>) semaphore(%dma_start3A_806 : memref<!tpu.dma_semaphore, #tpu.memory_space<semaphore_mem>>)
        %dma_start3A_807 = arith.constant 0 : i32
        %dma_start3A_808 = arith.constant 4 : i32
        %dma_start3A_809 = arith.constant 0 : i32
        %dma_start3A_810 = arith.constant 4 : i32
        %dma_start3A_811 = arith.constant 448 : i32
        %dma_start3A_812 = arith.constant 0 : i32
        %dma_start3A_813 = tpu.memref_slice %arg8[%dma_start3A_809, %dma_start3A_811, %dma_start3A_812] : memref<2x784x64xbf16, #tpu.memory_space<vmem>> -> memref<1x112x64xbf16, #tpu.memory_space<vmem>>
        %dma_start3A_814 = tpu.memref_squeeze %dma_start3A_813 : memref<1x112x64xbf16, #tpu.memory_space<vmem>> -> memref<112x64xbf16, #tpu.memory_space<vmem>>
        %dma_start3A_815 = arith.constant 0 : i32
        %dma_start3A_816 = tpu.memref_slice %arg6[%dma_start3A_807, %dma_start3A_808, %dma_start3A_815] : memref<2x7x112xi32, #tpu.memory_space<vmem>> -> memref<1x1x112xi32, #tpu.memory_space<vmem>>
        %dma_start3A_817 = tpu.memref_squeeze %dma_start3A_816 : memref<1x1x112xi32, #tpu.memory_space<vmem>> -> memref<112xi32, #tpu.memory_space<vmem>>
        %dma_start3A_818 = arith.constant 0 : i32
        %dma_start3A_819 = arith.constant 0 : i32
        %dma_start3A_820 = tpu.memref_slice %arg2[%dma_start3A_818, %dma_start3A_819] : memref<20224x64xbf16, #tpu.memory_space<hbm>> -> memref<20224x64xbf16, #tpu.memory_space<hbm>>
        %dma_start3A_821 = tpu.memref_slice %arg10[%dma_start3A_810] : memref<7x!tpu.dma_semaphore, #tpu.memory_space<semaphore_mem>> -> memref<1x!tpu.dma_semaphore, #tpu.memory_space<semaphore_mem>>
        %dma_start3A_822 = tpu.memref_squeeze %dma_start3A_821 : memref<1x!tpu.dma_semaphore, #tpu.memory_space<semaphore_mem>> -> memref<!tpu.dma_semaphore, #tpu.memory_space<semaphore_mem>>
        tpu.enqueue_indirect_dma source(%dma_start3A_820 : memref<20224x64xbf16, #tpu.memory_space<hbm>>) target(%dma_start3A_814 : memref<112x64xbf16, #tpu.memory_space<vmem>>) offsets(%dma_start3A_817 : memref<112xi32, #tpu.memory_space<vmem>>) semaphore(%dma_start3A_822 : memref<!tpu.dma_semaphore, #tpu.memory_space<semaphore_mem>>)
        %dma_start3A_823 = arith.constant 0 : i32
        %dma_start3A_824 = arith.constant 5 : i32
        %dma_start3A_825 = arith.constant 0 : i32
        %dma_start3A_826 = arith.constant 5 : i32
        %dma_start3A_827 = arith.constant 560 : i32
        %dma_start3A_828 = arith.constant 0 : i32
        %dma_start3A_829 = tpu.memref_slice %arg8[%dma_start3A_825, %dma_start3A_827, %dma_start3A_828] : memref<2x784x64xbf16, #tpu.memory_space<vmem>> -> memref<1x112x64xbf16, #tpu.memory_space<vmem>>
        %dma_start3A_830 = tpu.memref_squeeze %dma_start3A_829 : memref<1x112x64xbf16, #tpu.memory_space<vmem>> -> memref<112x64xbf16, #tpu.memory_space<vmem>>
        %dma_start3A_831 = arith.constant 0 : i32
        %dma_start3A_832 = tpu.memref_slice %arg6[%dma_start3A_823, %dma_start3A_824, %dma_start3A_831] : memref<2x7x112xi32, #tpu.memory_space<vmem>> -> memref<1x1x112xi32, #tpu.memory_space<vmem>>
        %dma_start3A_833 = tpu.memref_squeeze %dma_start3A_832 : memref<1x1x112xi32, #tpu.memory_space<vmem>> -> memref<112xi32, #tpu.memory_space<vmem>>
        %dma_start3A_834 = arith.constant 0 : i32
        %dma_start3A_835 = arith.constant 0 : i32
        %dma_start3A_836 = tpu.memref_slice %arg2[%dma_start3A_834, %dma_start3A_835] : memref<20224x64xbf16, #tpu.memory_space<hbm>> -> memref<20224x64xbf16, #tpu.memory_space<hbm>>
        %dma_start3A_837 = tpu.memref_slice %arg10[%dma_start3A_826] : memref<7x!tpu.dma_semaphore, #tpu.memory_space<semaphore_mem>> -> memref<1x!tpu.dma_semaphore, #tpu.memory_space<semaphore_mem>>
        %dma_start3A_838 = tpu.memref_squeeze %dma_start3A_837 : memref<1x!tpu.dma_semaphore, #tpu.memory_space<semaphore_mem>> -> memref<!tpu.dma_semaphore, #tpu.memory_space<semaphore_mem>>
        tpu.enqueue_indirect_dma source(%dma_start3A_836 : memref<20224x64xbf16, #tpu.memory_space<hbm>>) target(%dma_start3A_830 : memref<112x64xbf16, #tpu.memory_space<vmem>>) offsets(%dma_start3A_833 : memref<112xi32, #tpu.memory_space<vmem>>) semaphore(%dma_start3A_838 : memref<!tpu.dma_semaphore, #tpu.memory_space<semaphore_mem>>)
        %dma_start3A_839 = arith.constant 0 : i32
        %dma_start3A_840 = arith.constant 6 : i32
        %dma_start3A_841 = arith.constant 0 : i32
        %dma_start3A_842 = arith.constant 6 : i32
        %dma_start3A_843 = arith.constant 672 : i32
        %dma_start3A_844 = arith.constant 0 : i32
        %dma_start3A_845 = tpu.memref_slice %arg8[%dma_start3A_841, %dma_start3A_843, %dma_start3A_844] : memref<2x784x64xbf16, #tpu.memory_space<vmem>> -> memref<1x112x64xbf16, #tpu.memory_space<vmem>>
        %dma_start3A_846 = tpu.memref_squeeze %dma_start3A_845 : memref<1x112x64xbf16, #tpu.memory_space<vmem>> -> memref<112x64xbf16, #tpu.memory_space<vmem>>
        %dma_start3A_847 = arith.constant 0 : i32
        %dma_start3A_848 = tpu.memref_slice %arg6[%dma_start3A_839, %dma_start3A_840, %dma_start3A_847] : memref<2x7x112xi32, #tpu.memory_space<vmem>> -> memref<1x1x112xi32, #tpu.memory_space<vmem>>
        %dma_start3A_849 = tpu.memref_squeeze %dma_start3A_848 : memref<1x1x112xi32, #tpu.memory_space<vmem>> -> memref<112xi32, #tpu.memory_space<vmem>>
        %dma_start3A_850 = arith.constant 0 : i32
        %dma_start3A_851 = arith.constant 0 : i32
        %dma_start3A_852 = tpu.memref_slice %arg2[%dma_start3A_850, %dma_start3A_851] : memref<20224x64xbf16, #tpu.memory_space<hbm>> -> memref<20224x64xbf16, #tpu.memory_space<hbm>>
        %dma_start3A_853 = tpu.memref_slice %arg10[%dma_start3A_842] : memref<7x!tpu.dma_semaphore, #tpu.memory_space<semaphore_mem>> -> memref<1x!tpu.dma_semaphore, #tpu.memory_space<semaphore_mem>>
        %dma_start3A_854 = tpu.memref_squeeze %dma_start3A_853 : memref<1x!tpu.dma_semaphore, #tpu.memory_space<semaphore_mem>> -> memref<!tpu.dma_semaphore, #tpu.memory_space<semaphore_mem>>
        tpu.enqueue_indirect_dma source(%dma_start3A_852 : memref<20224x64xbf16, #tpu.memory_space<hbm>>) target(%dma_start3A_846 : memref<112x64xbf16, #tpu.memory_space<vmem>>) offsets(%dma_start3A_849 : memref<112xi32, #tpu.memory_space<vmem>>) semaphore(%dma_start3A_854 : memref<!tpu.dma_semaphore, #tpu.memory_space<semaphore_mem>>)
      } else {
      }
      %gt3A_547 = arith.constant 0 : i32
      %gt3A_548 = arith.cmpi sgt, %scan3A_234, %gt3A_547 : i32
      %sub3A_549 = arith.constant 1 : i32
      %sub3A_550 = arith.subi %add3A_237, %sub3A_549 : i32
      %lt3A_551 = arith.constant 1000 : i32
      %lt3A_552 = arith.cmpi slt, %sub3A_550, %lt3A_551 : i32
      %and3A_553 = arith.andi %gt3A_548, %lt3A_552 : i1
      %convert_element_type3A_554 = arith.extui %and3A_553 : i1 to i32
      %cond3A_555 = arith.constant 0 : i32
      %cond3A_556 = arith.cmpi ne, %convert_element_type3A_554, %cond3A_555 : i32
      scf.if %cond3A_556 {
        %dma_wait3A_682 = arith.constant 1 : i32
        %dma_wait3A_683 = arith.constant 0 : i32
        %dma_wait3A_684 = tpu.memref_slice %arg9[%dma_wait3A_682, %dma_wait3A_683] : memref<2x3136xf32, #tpu.memory_space<vmem>> -> memref<1x3136xf32, #tpu.memory_space<vmem>>
        %dma_wait3A_685 = tpu.memref_squeeze %dma_wait3A_684 : memref<1x3136xf32, #tpu.memory_space<vmem>> -> memref<3136xf32, #tpu.memory_space<vmem>>
        %dma_wait3A_686 = arith.constant 0 : i32
        %dma_wait3A_687 = tpu.memref_slice %arg4[%mul3A_2, %dma_wait3A_686] : memref<1000x3136xf32, #tpu.memory_space<hbm>> -> memref<1x3136xf32, #tpu.memory_space<hbm>>
        %dma_wait3A_688 = tpu.memref_squeeze %dma_wait3A_687 : memref<1x3136xf32, #tpu.memory_space<hbm>> -> memref<3136xf32, #tpu.memory_space<hbm>>
        %dma_wait3A_689 = arith.constant 0 : i32
        %dma_wait3A_690 = tpu.memref_slice %arg4[%mul3A_2, %dma_wait3A_689] : memref<1000x3136xf32, #tpu.memory_space<hbm>> -> memref<1x3136xf32, #tpu.memory_space<hbm>>
        %dma_wait3A_691 = tpu.memref_squeeze %dma_wait3A_690 : memref<1x3136xf32, #tpu.memory_space<hbm>> -> memref<3136xf32, #tpu.memory_space<hbm>>
        %dma_wait3A_692 = arith.constant 0 : i32
        %dma_wait3A_693 = tpu.memref_slice %arg9[%dma_wait3A_682, %dma_wait3A_692] : memref<2x3136xf32, #tpu.memory_space<vmem>> -> memref<1x3136xf32, #tpu.memory_space<vmem>>
        %dma_wait3A_694 = tpu.memref_squeeze %dma_wait3A_693 : memref<1x3136xf32, #tpu.memory_space<vmem>> -> memref<3136xf32, #tpu.memory_space<vmem>>
        tpu.wait_dma2 semaphore(%arg13 : memref<!tpu.dma_semaphore, #tpu.memory_space<semaphore_mem>>) src(%dma_wait3A_694 : memref<3136xf32, #tpu.memory_space<vmem>>) dst(%dma_wait3A_691 : memref<3136xf32, #tpu.memory_space<hbm>>)
      } else {
      }
      %add3A_557 = arith.constant 1 : i32
      %add3A_558 = arith.addi %add3A_237, %add3A_557 : i32
      %dma_wait3A_559 = arith.constant 1 : i32
      %dma_wait3A_560 = arith.constant 0 : i32
      %dma_wait3A_561 = arith.constant 1 : i32
      %dma_wait3A_562 = arith.constant 0 : i32
      %dma_wait3A_563 = arith.constant 0 : i32
      %dma_wait3A_564 = arith.constant 0 : i32
      %dma_wait3A_565 = tpu.memref_slice %arg8[%dma_wait3A_561, %dma_wait3A_563, %dma_wait3A_564] : memref<2x784x64xbf16, #tpu.memory_space<vmem>> -> memref<1x112x64xbf16, #tpu.memory_space<vmem>>
      %dma_wait3A_566 = tpu.memref_squeeze %dma_wait3A_565 : memref<1x112x64xbf16, #tpu.memory_space<vmem>> -> memref<112x64xbf16, #tpu.memory_space<vmem>>
      %dma_wait3A_567 = arith.constant 0 : i32
      %dma_wait3A_568 = tpu.memref_slice %arg6[%dma_wait3A_559, %dma_wait3A_560, %dma_wait3A_567] : memref<2x7x112xi32, #tpu.memory_space<vmem>> -> memref<1x1x112xi32, #tpu.memory_space<vmem>>
      %dma_wait3A_569 = tpu.memref_squeeze %dma_wait3A_568 : memref<1x1x112xi32, #tpu.memory_space<vmem>> -> memref<112xi32, #tpu.memory_space<vmem>>
      %dma_wait3A_570 = arith.constant 0 : i32
      %dma_wait3A_571 = arith.constant 0 : i32
      %dma_wait3A_572 = tpu.memref_slice %arg2[%dma_wait3A_570, %dma_wait3A_571] : memref<20224x64xbf16, #tpu.memory_space<hbm>> -> memref<20224x64xbf16, #tpu.memory_space<hbm>>
      %dma_wait3A_573 = tpu.memref_slice %arg11[%dma_wait3A_562] : memref<7x!tpu.dma_semaphore, #tpu.memory_space<semaphore_mem>> -> memref<1x!tpu.dma_semaphore, #tpu.memory_space<semaphore_mem>>
      %dma_wait3A_574 = tpu.memref_squeeze %dma_wait3A_573 : memref<1x!tpu.dma_semaphore, #tpu.memory_space<semaphore_mem>> -> memref<!tpu.dma_semaphore, #tpu.memory_space<semaphore_mem>>
      tpu.wait_indirect_dma semaphore(%dma_wait3A_574 : memref<!tpu.dma_semaphore, #tpu.memory_space<semaphore_mem>>) src(%dma_wait3A_572 : memref<20224x64xbf16, #tpu.memory_space<hbm>>) dst(%dma_wait3A_566 : memref<112x64xbf16, #tpu.memory_space<vmem>>)
      %dma_wait3A_575 = arith.constant 1 : i32
      %dma_wait3A_576 = arith.constant 1 : i32
      %dma_wait3A_577 = arith.constant 1 : i32
      %dma_wait3A_578 = arith.constant 1 : i32
      %dma_wait3A_579 = arith.constant 112 : i32
      %dma_wait3A_580 = arith.constant 0 : i32
      %dma_wait3A_581 = tpu.memref_slice %arg8[%dma_wait3A_577, %dma_wait3A_579, %dma_wait3A_580] : memref<2x784x64xbf16, #tpu.memory_space<vmem>> -> memref<1x112x64xbf16, #tpu.memory_space<vmem>>
      %dma_wait3A_582 = tpu.memref_squeeze %dma_wait3A_581 : memref<1x112x64xbf16, #tpu.memory_space<vmem>> -> memref<112x64xbf16, #tpu.memory_space<vmem>>
      %dma_wait3A_583 = arith.constant 0 : i32
      %dma_wait3A_584 = tpu.memref_slice %arg6[%dma_wait3A_575, %dma_wait3A_576, %dma_wait3A_583] : memref<2x7x112xi32, #tpu.memory_space<vmem>> -> memref<1x1x112xi32, #tpu.memory_space<vmem>>
      %dma_wait3A_585 = tpu.memref_squeeze %dma_wait3A_584 : memref<1x1x112xi32, #tpu.memory_space<vmem>> -> memref<112xi32, #tpu.memory_space<vmem>>
      %dma_wait3A_586 = arith.constant 0 : i32
      %dma_wait3A_587 = arith.constant 0 : i32
      %dma_wait3A_588 = tpu.memref_slice %arg2[%dma_wait3A_586, %dma_wait3A_587] : memref<20224x64xbf16, #tpu.memory_space<hbm>> -> memref<20224x64xbf16, #tpu.memory_space<hbm>>
      %dma_wait3A_589 = tpu.memref_slice %arg11[%dma_wait3A_578] : memref<7x!tpu.dma_semaphore, #tpu.memory_space<semaphore_mem>> -> memref<1x!tpu.dma_semaphore, #tpu.memory_space<semaphore_mem>>
      %dma_wait3A_590 = tpu.memref_squeeze %dma_wait3A_589 : memref<1x!tpu.dma_semaphore, #tpu.memory_space<semaphore_mem>> -> memref<!tpu.dma_semaphore, #tpu.memory_space<semaphore_mem>>
      tpu.wait_indirect_dma semaphore(%dma_wait3A_590 : memref<!tpu.dma_semaphore, #tpu.memory_space<semaphore_mem>>) src(%dma_wait3A_588 : memref<20224x64xbf16, #tpu.memory_space<hbm>>) dst(%dma_wait3A_582 : memref<112x64xbf16, #tpu.memory_space<vmem>>)
      %dma_wait3A_591 = arith.constant 1 : i32
      %dma_wait3A_592 = arith.constant 2 : i32
      %dma_wait3A_593 = arith.constant 1 : i32
      %dma_wait3A_594 = arith.constant 2 : i32
      %dma_wait3A_595 = arith.constant 224 : i32
      %dma_wait3A_596 = arith.constant 0 : i32
      %dma_wait3A_597 = tpu.memref_slice %arg8[%dma_wait3A_593, %dma_wait3A_595, %dma_wait3A_596] : memref<2x784x64xbf16, #tpu.memory_space<vmem>> -> memref<1x112x64xbf16, #tpu.memory_space<vmem>>
      %dma_wait3A_598 = tpu.memref_squeeze %dma_wait3A_597 : memref<1x112x64xbf16, #tpu.memory_space<vmem>> -> memref<112x64xbf16, #tpu.memory_space<vmem>>
      %dma_wait3A_599 = arith.constant 0 : i32
      %dma_wait3A_600 = tpu.memref_slice %arg6[%dma_wait3A_591, %dma_wait3A_592, %dma_wait3A_599] : memref<2x7x112xi32, #tpu.memory_space<vmem>> -> memref<1x1x112xi32, #tpu.memory_space<vmem>>
      %dma_wait3A_601 = tpu.memref_squeeze %dma_wait3A_600 : memref<1x1x112xi32, #tpu.memory_space<vmem>> -> memref<112xi32, #tpu.memory_space<vmem>>
      %dma_wait3A_602 = arith.constant 0 : i32
      %dma_wait3A_603 = arith.constant 0 : i32
      %dma_wait3A_604 = tpu.memref_slice %arg2[%dma_wait3A_602, %dma_wait3A_603] : memref<20224x64xbf16, #tpu.memory_space<hbm>> -> memref<20224x64xbf16, #tpu.memory_space<hbm>>
      %dma_wait3A_605 = tpu.memref_slice %arg11[%dma_wait3A_594] : memref<7x!tpu.dma_semaphore, #tpu.memory_space<semaphore_mem>> -> memref<1x!tpu.dma_semaphore, #tpu.memory_space<semaphore_mem>>
      %dma_wait3A_606 = tpu.memref_squeeze %dma_wait3A_605 : memref<1x!tpu.dma_semaphore, #tpu.memory_space<semaphore_mem>> -> memref<!tpu.dma_semaphore, #tpu.memory_space<semaphore_mem>>
      tpu.wait_indirect_dma semaphore(%dma_wait3A_606 : memref<!tpu.dma_semaphore, #tpu.memory_space<semaphore_mem>>) src(%dma_wait3A_604 : memref<20224x64xbf16, #tpu.memory_space<hbm>>) dst(%dma_wait3A_598 : memref<112x64xbf16, #tpu.memory_space<vmem>>)
      %dma_wait3A_607 = arith.constant 1 : i32
      %dma_wait3A_608 = arith.constant 3 : i32
      %dma_wait3A_609 = arith.constant 1 : i32
      %dma_wait3A_610 = arith.constant 3 : i32
      %dma_wait3A_611 = arith.constant 336 : i32
      %dma_wait3A_612 = arith.constant 0 : i32
      %dma_wait3A_613 = tpu.memref_slice %arg8[%dma_wait3A_609, %dma_wait3A_611, %dma_wait3A_612] : memref<2x784x64xbf16, #tpu.memory_space<vmem>> -> memref<1x112x64xbf16, #tpu.memory_space<vmem>>
      %dma_wait3A_614 = tpu.memref_squeeze %dma_wait3A_613 : memref<1x112x64xbf16, #tpu.memory_space<vmem>> -> memref<112x64xbf16, #tpu.memory_space<vmem>>
      %dma_wait3A_615 = arith.constant 0 : i32
      %dma_wait3A_616 = tpu.memref_slice %arg6[%dma_wait3A_607, %dma_wait3A_608, %dma_wait3A_615] : memref<2x7x112xi32, #tpu.memory_space<vmem>> -> memref<1x1x112xi32, #tpu.memory_space<vmem>>
      %dma_wait3A_617 = tpu.memref_squeeze %dma_wait3A_616 : memref<1x1x112xi32, #tpu.memory_space<vmem>> -> memref<112xi32, #tpu.memory_space<vmem>>
      %dma_wait3A_618 = arith.constant 0 : i32
      %dma_wait3A_619 = arith.constant 0 : i32
      %dma_wait3A_620 = tpu.memref_slice %arg2[%dma_wait3A_618, %dma_wait3A_619] : memref<20224x64xbf16, #tpu.memory_space<hbm>> -> memref<20224x64xbf16, #tpu.memory_space<hbm>>
      %dma_wait3A_621 = tpu.memref_slice %arg11[%dma_wait3A_610] : memref<7x!tpu.dma_semaphore, #tpu.memory_space<semaphore_mem>> -> memref<1x!tpu.dma_semaphore, #tpu.memory_space<semaphore_mem>>
      %dma_wait3A_622 = tpu.memref_squeeze %dma_wait3A_621 : memref<1x!tpu.dma_semaphore, #tpu.memory_space<semaphore_mem>> -> memref<!tpu.dma_semaphore, #tpu.memory_space<semaphore_mem>>
      tpu.wait_indirect_dma semaphore(%dma_wait3A_622 : memref<!tpu.dma_semaphore, #tpu.memory_space<semaphore_mem>>) src(%dma_wait3A_620 : memref<20224x64xbf16, #tpu.memory_space<hbm>>) dst(%dma_wait3A_614 : memref<112x64xbf16, #tpu.memory_space<vmem>>)
      %dma_wait3A_623 = arith.constant 1 : i32
      %dma_wait3A_624 = arith.constant 4 : i32
      %dma_wait3A_625 = arith.constant 1 : i32
      %dma_wait3A_626 = arith.constant 4 : i32
      %dma_wait3A_627 = arith.constant 448 : i32
      %dma_wait3A_628 = arith.constant 0 : i32
      %dma_wait3A_629 = tpu.memref_slice %arg8[%dma_wait3A_625, %dma_wait3A_627, %dma_wait3A_628] : memref<2x784x64xbf16, #tpu.memory_space<vmem>> -> memref<1x112x64xbf16, #tpu.memory_space<vmem>>
      %dma_wait3A_630 = tpu.memref_squeeze %dma_wait3A_629 : memref<1x112x64xbf16, #tpu.memory_space<vmem>> -> memref<112x64xbf16, #tpu.memory_space<vmem>>
      %dma_wait3A_631 = arith.constant 0 : i32
      %dma_wait3A_632 = tpu.memref_slice %arg6[%dma_wait3A_623, %dma_wait3A_624, %dma_wait3A_631] : memref<2x7x112xi32, #tpu.memory_space<vmem>> -> memref<1x1x112xi32, #tpu.memory_space<vmem>>
      %dma_wait3A_633 = tpu.memref_squeeze %dma_wait3A_632 : memref<1x1x112xi32, #tpu.memory_space<vmem>> -> memref<112xi32, #tpu.memory_space<vmem>>
      %dma_wait3A_634 = arith.constant 0 : i32
      %dma_wait3A_635 = arith.constant 0 : i32
      %dma_wait3A_636 = tpu.memref_slice %arg2[%dma_wait3A_634, %dma_wait3A_635] : memref<20224x64xbf16, #tpu.memory_space<hbm>> -> memref<20224x64xbf16, #tpu.memory_space<hbm>>
      %dma_wait3A_637 = tpu.memref_slice %arg11[%dma_wait3A_626] : memref<7x!tpu.dma_semaphore, #tpu.memory_space<semaphore_mem>> -> memref<1x!tpu.dma_semaphore, #tpu.memory_space<semaphore_mem>>
      %dma_wait3A_638 = tpu.memref_squeeze %dma_wait3A_637 : memref<1x!tpu.dma_semaphore, #tpu.memory_space<semaphore_mem>> -> memref<!tpu.dma_semaphore, #tpu.memory_space<semaphore_mem>>
      tpu.wait_indirect_dma semaphore(%dma_wait3A_638 : memref<!tpu.dma_semaphore, #tpu.memory_space<semaphore_mem>>) src(%dma_wait3A_636 : memref<20224x64xbf16, #tpu.memory_space<hbm>>) dst(%dma_wait3A_630 : memref<112x64xbf16, #tpu.memory_space<vmem>>)
      %dma_wait3A_639 = arith.constant 1 : i32
      %dma_wait3A_640 = arith.constant 5 : i32
      %dma_wait3A_641 = arith.constant 1 : i32
      %dma_wait3A_642 = arith.constant 5 : i32
      %dma_wait3A_643 = arith.constant 560 : i32
      %dma_wait3A_644 = arith.constant 0 : i32
      %dma_wait3A_645 = tpu.memref_slice %arg8[%dma_wait3A_641, %dma_wait3A_643, %dma_wait3A_644] : memref<2x784x64xbf16, #tpu.memory_space<vmem>> -> memref<1x112x64xbf16, #tpu.memory_space<vmem>>
      %dma_wait3A_646 = tpu.memref_squeeze %dma_wait3A_645 : memref<1x112x64xbf16, #tpu.memory_space<vmem>> -> memref<112x64xbf16, #tpu.memory_space<vmem>>
      %dma_wait3A_647 = arith.constant 0 : i32
      %dma_wait3A_648 = tpu.memref_slice %arg6[%dma_wait3A_639, %dma_wait3A_640, %dma_wait3A_647] : memref<2x7x112xi32, #tpu.memory_space<vmem>> -> memref<1x1x112xi32, #tpu.memory_space<vmem>>
      %dma_wait3A_649 = tpu.memref_squeeze %dma_wait3A_648 : memref<1x1x112xi32, #tpu.memory_space<vmem>> -> memref<112xi32, #tpu.memory_space<vmem>>
      %dma_wait3A_650 = arith.constant 0 : i32
      %dma_wait3A_651 = arith.constant 0 : i32
      %dma_wait3A_652 = tpu.memref_slice %arg2[%dma_wait3A_650, %dma_wait3A_651] : memref<20224x64xbf16, #tpu.memory_space<hbm>> -> memref<20224x64xbf16, #tpu.memory_space<hbm>>
      %dma_wait3A_653 = tpu.memref_slice %arg11[%dma_wait3A_642] : memref<7x!tpu.dma_semaphore, #tpu.memory_space<semaphore_mem>> -> memref<1x!tpu.dma_semaphore, #tpu.memory_space<semaphore_mem>>
      %dma_wait3A_654 = tpu.memref_squeeze %dma_wait3A_653 : memref<1x!tpu.dma_semaphore, #tpu.memory_space<semaphore_mem>> -> memref<!tpu.dma_semaphore, #tpu.memory_space<semaphore_mem>>
      tpu.wait_indirect_dma semaphore(%dma_wait3A_654 : memref<!tpu.dma_semaphore, #tpu.memory_space<semaphore_mem>>) src(%dma_wait3A_652 : memref<20224x64xbf16, #tpu.memory_space<hbm>>) dst(%dma_wait3A_646 : memref<112x64xbf16, #tpu.memory_space<vmem>>)
      %dma_wait3A_655 = arith.constant 1 : i32
      %dma_wait3A_656 = arith.constant 6 : i32
      %dma_wait3A_657 = arith.constant 1 : i32
      %dma_wait3A_658 = arith.constant 6 : i32
      %dma_wait3A_659 = arith.constant 672 : i32
      %dma_wait3A_660 = arith.constant 0 : i32
      %dma_wait3A_661 = tpu.memref_slice %arg8[%dma_wait3A_657, %dma_wait3A_659, %dma_wait3A_660] : memref<2x784x64xbf16, #tpu.memory_space<vmem>> -> memref<1x112x64xbf16, #tpu.memory_space<vmem>>
      %dma_wait3A_662 = tpu.memref_squeeze %dma_wait3A_661 : memref<1x112x64xbf16, #tpu.memory_space<vmem>> -> memref<112x64xbf16, #tpu.memory_space<vmem>>
      %dma_wait3A_663 = arith.constant 0 : i32
      %dma_wait3A_664 = tpu.memref_slice %arg6[%dma_wait3A_655, %dma_wait3A_656, %dma_wait3A_663] : memref<2x7x112xi32, #tpu.memory_space<vmem>> -> memref<1x1x112xi32, #tpu.memory_space<vmem>>
      %dma_wait3A_665 = tpu.memref_squeeze %dma_wait3A_664 : memref<1x1x112xi32, #tpu.memory_space<vmem>> -> memref<112xi32, #tpu.memory_space<vmem>>
      %dma_wait3A_666 = arith.constant 0 : i32
      %dma_wait3A_667 = arith.constant 0 : i32
      %dma_wait3A_668 = tpu.memref_slice %arg2[%dma_wait3A_666, %dma_wait3A_667] : memref<20224x64xbf16, #tpu.memory_space<hbm>> -> memref<20224x64xbf16, #tpu.memory_space<hbm>>
      %dma_wait3A_669 = tpu.memref_slice %arg11[%dma_wait3A_658] : memref<7x!tpu.dma_semaphore, #tpu.memory_space<semaphore_mem>> -> memref<1x!tpu.dma_semaphore, #tpu.memory_space<semaphore_mem>>
      %dma_wait3A_670 = tpu.memref_squeeze %dma_wait3A_669 : memref<1x!tpu.dma_semaphore, #tpu.memory_space<semaphore_mem>> -> memref<!tpu.dma_semaphore, #tpu.memory_space<semaphore_mem>>
      tpu.wait_indirect_dma semaphore(%dma_wait3A_670 : memref<!tpu.dma_semaphore, #tpu.memory_space<semaphore_mem>>) src(%dma_wait3A_668 : memref<20224x64xbf16, #tpu.memory_space<hbm>>) dst(%dma_wait3A_662 : memref<112x64xbf16, #tpu.memory_space<vmem>>)
      %scan3A_671 = arith.constant 0 : i32
      %scan3A_672 = arith.constant 0 : i32
      %scan3A_673 = arith.constant 49 : i32
      %scan3A_674 = arith.addi %scan3A_672, %scan3A_673 : i32
      %scan3A_675 = arith.constant 1 : i32
      scf.for %scan3A_682 = %scan3A_672 to %scan3A_674 step %scan3A_675  : i32 {
        %mul3A_683 = arith.constant 16 : i32
        %mul3A_684 = arith.muli %scan3A_682, %mul3A_683 : i32
        %broadcast_in_dim3A_685 = arith.constant 0.000000e+00 : f32
        %broadcast_in_dim3A_686 = vector.broadcast %broadcast_in_dim3A_685 : f32 to vector<16xf32>
        %broadcast_in_dim3A_687 = arith.constant 0.000000e+00 : f32
        %broadcast_in_dim3A_688 = vector.broadcast %broadcast_in_dim3A_687 : f32 to vector<16xf32>
        %broadcast_in_dim3A_689 = arith.constant 0.000000e+00 : f32
        %broadcast_in_dim3A_690 = vector.broadcast %broadcast_in_dim3A_689 : f32 to vector<16xf32>
        %broadcast_in_dim3A_691 = arith.constant 0.000000e+00 : f32
        %broadcast_in_dim3A_692 = vector.broadcast %broadcast_in_dim3A_691 : f32 to vector<16xf32>
        %broadcast_in_dim3A_693 = arith.constant 0.000000e+00 : f32
        %broadcast_in_dim3A_694 = vector.broadcast %broadcast_in_dim3A_693 : f32 to vector<16xf32>
        %broadcast_in_dim3A_695 = arith.constant 0.000000e+00 : f32
        %broadcast_in_dim3A_696 = vector.broadcast %broadcast_in_dim3A_695 : f32 to vector<16xf32>
        %broadcast_in_dim3A_697 = arith.constant 0.000000e+00 : f32
        %broadcast_in_dim3A_698 = vector.broadcast %broadcast_in_dim3A_697 : f32 to vector<16xf32>
        %broadcast_in_dim3A_699 = arith.constant 0.000000e+00 : f32
        %broadcast_in_dim3A_700 = vector.broadcast %broadcast_in_dim3A_699 : f32 to vector<16xf32>
        %get3A_701 = arith.constant 1 : i32
        %get3A_702 = arith.index_cast %get3A_701 : i32 to index
        %get3A_703 = arith.index_cast %mul3A_684 : i32 to index
        %get3A_704 = tpu.vector_load %arg7[%get3A_702, %get3A_703] {strides = array<i32>} : memref<2x784xf32, #tpu.memory_space<vmem>>, vector<16xf32>,
        %slice3A = vector.extract_strided_slice %get3A_704 {offsets = [0], sizes = [1], strides = [1]} : vector<16xf32> to vector<1xf32>
        %squeeze3A = vector.extract %slice3A[0] : f32 from vector<1xf32>
        %add3A_705 = arith.constant 0 : i32
        %add3A_706 = arith.addi %mul3A_684, %add3A_705 : i32
        %get3A_707 = arith.constant 1 : i32
        %get3A_708 = arith.index_cast %get3A_707 : i32 to index
        %get3A_709 = arith.index_cast %add3A_706 : i32 to index
        %get3A_710 = arith.constant 0 : index
        %get3A_711 = tpu.vector_load %arg8[%get3A_708, %get3A_709, %get3A_710] {strides = array<i32>} : memref<2x784x64xbf16, #tpu.memory_space<vmem>>, vector<32xbf16>,
        %unpack3A = tpu.unpack_subelements %get3A_711, 0 {pack_format = #tpu.pack_format<interleaved>} : vector<32xbf16> -> vector<16xf32>
        %unpack3A_712 = tpu.unpack_subelements %get3A_711, 1 {pack_format = #tpu.pack_format<interleaved>} : vector<32xbf16> -> vector<16xf32>
        %mul3A_713 = vector.broadcast %squeeze3A : f32 to vector<16xf32>
        %mul3A_714 = arith.mulf %mul3A_713, %unpack3A : vector<16xf32>
        %add3A_715 = arith.addf %broadcast_in_dim3A_686, %mul3A_714 : vector<16xf32>
        %mul3A_716 = vector.broadcast %squeeze3A : f32 to vector<16xf32>
        %mul3A_717 = arith.mulf %mul3A_716, %unpack3A_712 : vector<16xf32>
        %add3A_718 = arith.addf %broadcast_in_dim3A_688, %mul3A_717 : vector<16xf32>
        %add3A_719 = arith.constant 0 : i32
        %add3A_720 = arith.addi %mul3A_684, %add3A_719 : i32
        %get3A_721 = arith.constant 1 : i32
        %get3A_722 = arith.index_cast %get3A_721 : i32 to index
        %get3A_723 = arith.index_cast %add3A_720 : i32 to index
        %get3A_724 = arith.constant 32 : index
        %get3A_725 = tpu.vector_load %arg8[%get3A_722, %get3A_723, %get3A_724] {strides = array<i32>} : memref<2x784x64xbf16, #tpu.memory_space<vmem>>, vector<32xbf16>,
        %unpack3A_726 = tpu.unpack_subelements %get3A_725, 0 {pack_format = #tpu.pack_format<interleaved>} : vector<32xbf16> -> vector<16xf32>
        %unpack3A_727 = tpu.unpack_subelements %get3A_725, 1 {pack_format = #tpu.pack_format<interleaved>} : vector<32xbf16> -> vector<16xf32>
        %mul3A_728 = vector.broadcast %squeeze3A : f32 to vector<16xf32>
        %mul3A_729 = arith.mulf %mul3A_728, %unpack3A_726 : vector<16xf32>
        %add3A_730 = arith.addf %broadcast_in_dim3A_690, %mul3A_729 : vector<16xf32>
        %mul3A_731 = vector.broadcast %squeeze3A : f32 to vector<16xf32>
        %mul3A_732 = arith.mulf %mul3A_731, %unpack3A_727 : vector<16xf32>
        %add3A_733 = arith.addf %broadcast_in_dim3A_692, %mul3A_732 : vector<16xf32>
        %slice3A_734 = vector.extract_strided_slice %get3A_704 {offsets = [1], sizes = [1], strides = [1]} : vector<16xf32> to vector<1xf32>
        %squeeze3A_735 = vector.extract %slice3A_734[0] : f32 from vector<1xf32>
        %add3A_736 = arith.constant 1 : i32
        %add3A_737 = arith.addi %mul3A_684, %add3A_736 : i32
        %get3A_738 = arith.constant 1 : i32
        %get3A_739 = arith.index_cast %get3A_738 : i32 to index
        %get3A_740 = arith.index_cast %add3A_737 : i32 to index
        %get3A_741 = arith.constant 0 : index
        %get3A_742 = tpu.vector_load %arg8[%get3A_739, %get3A_740, %get3A_741] {strides = array<i32>} : memref<2x784x64xbf16, #tpu.memory_space<vmem>>, vector<32xbf16>,
        %unpack3A_743 = tpu.unpack_subelements %get3A_742, 0 {pack_format = #tpu.pack_format<interleaved>} : vector<32xbf16> -> vector<16xf32>
        %unpack3A_744 = tpu.unpack_subelements %get3A_742, 1 {pack_format = #tpu.pack_format<interleaved>} : vector<32xbf16> -> vector<16xf32>
        %mul3A_745 = vector.broadcast %squeeze3A_735 : f32 to vector<16xf32>
        %mul3A_746 = arith.mulf %mul3A_745, %unpack3A_743 : vector<16xf32>
        %add3A_747 = arith.addf %broadcast_in_dim3A_694, %mul3A_746 : vector<16xf32>
        %mul3A_748 = vector.broadcast %squeeze3A_735 : f32 to vector<16xf32>
        %mul3A_749 = arith.mulf %mul3A_748, %unpack3A_744 : vector<16xf32>
        %add3A_750 = arith.addf %broadcast_in_dim3A_696, %mul3A_749 : vector<16xf32>
        %add3A_751 = arith.constant 1 : i32
        %add3A_752 = arith.addi %mul3A_684, %add3A_751 : i32
        %get3A_753 = arith.constant 1 : i32
        %get3A_754 = arith.index_cast %get3A_753 : i32 to index
        %get3A_755 = arith.index_cast %add3A_752 : i32 to index
        %get3A_756 = arith.constant 32 : index
        %get3A_757 = tpu.vector_load %arg8[%get3A_754, %get3A_755, %get3A_756] {strides = array<i32>} : memref<2x784x64xbf16, #tpu.memory_space<vmem>>, vector<32xbf16>,
        %unpack3A_758 = tpu.unpack_subelements %get3A_757, 0 {pack_format = #tpu.pack_format<interleaved>} : vector<32xbf16> -> vector<16xf32>
        %unpack3A_759 = tpu.unpack_subelements %get3A_757, 1 {pack_format = #tpu.pack_format<interleaved>} : vector<32xbf16> -> vector<16xf32>
        %mul3A_760 = vector.broadcast %squeeze3A_735 : f32 to vector<16xf32>
        %mul3A_761 = arith.mulf %mul3A_760, %unpack3A_758 : vector<16xf32>
        %add3A_762 = arith.addf %broadcast_in_dim3A_698, %mul3A_761 : vector<16xf32>
        %mul3A_763 = vector.broadcast %squeeze3A_735 : f32 to vector<16xf32>
        %mul3A_764 = arith.mulf %mul3A_763, %unpack3A_759 : vector<16xf32>
        %add3A_765 = arith.addf %broadcast_in_dim3A_700, %mul3A_764 : vector<16xf32>
        %slice3A_766 = vector.extract_strided_slice %get3A_704 {offsets = [2], sizes = [1], strides = [1]} : vector<16xf32> to vector<1xf32>
        %squeeze3A_767 = vector.extract %slice3A_766[0] : f32 from vector<1xf32>
        %add3A_768 = arith.constant 2 : i32
        %add3A_769 = arith.addi %mul3A_684, %add3A_768 : i32
        %get3A_770 = arith.constant 1 : i32
        %get3A_771 = arith.index_cast %get3A_770 : i32 to index
        %get3A_772 = arith.index_cast %add3A_769 : i32 to index
        %get3A_773 = arith.constant 0 : index
        %get3A_774 = tpu.vector_load %arg8[%get3A_771, %get3A_772, %get3A_773] {strides = array<i32>} : memref<2x784x64xbf16, #tpu.memory_space<vmem>>, vector<32xbf16>,
        %unpack3A_775 = tpu.unpack_subelements %get3A_774, 0 {pack_format = #tpu.pack_format<interleaved>} : vector<32xbf16> -> vector<16xf32>
        %unpack3A_776 = tpu.unpack_subelements %get3A_774, 1 {pack_format = #tpu.pack_format<interleaved>} : vector<32xbf16> -> vector<16xf32>
        %mul3A_777 = vector.broadcast %squeeze3A_767 : f32 to vector<16xf32>
        %mul3A_778 = arith.mulf %mul3A_777, %unpack3A_775 : vector<16xf32>
        %add3A_779 = arith.addf %add3A_715, %mul3A_778 : vector<16xf32>
        %mul3A_780 = vector.broadcast %squeeze3A_767 : f32 to vector<16xf32>
        %mul3A_781 = arith.mulf %mul3A_780, %unpack3A_776 : vector<16xf32>
        %add3A_782 = arith.addf %add3A_718, %mul3A_781 : vector<16xf32>
        %add3A_783 = arith.constant 2 : i32
        %add3A_784 = arith.addi %mul3A_684, %add3A_783 : i32
        %get3A_785 = arith.constant 1 : i32
        %get3A_786 = arith.index_cast %get3A_785 : i32 to index
        %get3A_787 = arith.index_cast %add3A_784 : i32 to index
        %get3A_788 = arith.constant 32 : index
        %get3A_789 = tpu.vector_load %arg8[%get3A_786, %get3A_787, %get3A_788] {strides = array<i32>} : memref<2x784x64xbf16, #tpu.memory_space<vmem>>, vector<32xbf16>,
        %unpack3A_790 = tpu.unpack_subelements %get3A_789, 0 {pack_format = #tpu.pack_format<interleaved>} : vector<32xbf16> -> vector<16xf32>
        %unpack3A_791 = tpu.unpack_subelements %get3A_789, 1 {pack_format = #tpu.pack_format<interleaved>} : vector<32xbf16> -> vector<16xf32>
        %mul3A_792 = vector.broadcast %squeeze3A_767 : f32 to vector<16xf32>
        %mul3A_793 = arith.mulf %mul3A_792, %unpack3A_790 : vector<16xf32>
        %add3A_794 = arith.addf %add3A_730, %mul3A_793 : vector<16xf32>
        %mul3A_795 = vector.broadcast %squeeze3A_767 : f32 to vector<16xf32>
        %mul3A_796 = arith.mulf %mul3A_795, %unpack3A_791 : vector<16xf32>
        %add3A_797 = arith.addf %add3A_733, %mul3A_796 : vector<16xf32>
        %slice3A_798 = vector.extract_strided_slice %get3A_704 {offsets = [3], sizes = [1], strides = [1]} : vector<16xf32> to vector<1xf32>
        %squeeze3A_799 = vector.extract %slice3A_798[0] : f32 from vector<1xf32>
        %add3A_800 = arith.constant 3 : i32
        %add3A_801 = arith.addi %mul3A_684, %add3A_800 : i32
        %get3A_802 = arith.constant 1 : i32
        %get3A_803 = arith.index_cast %get3A_802 : i32 to index
        %get3A_804 = arith.index_cast %add3A_801 : i32 to index
        %get3A_805 = arith.constant 0 : index
        %get3A_806 = tpu.vector_load %arg8[%get3A_803, %get3A_804, %get3A_805] {strides = array<i32>} : memref<2x784x64xbf16, #tpu.memory_space<vmem>>, vector<32xbf16>,
        %unpack3A_807 = tpu.unpack_subelements %get3A_806, 0 {pack_format = #tpu.pack_format<interleaved>} : vector<32xbf16> -> vector<16xf32>
        %unpack3A_808 = tpu.unpack_subelements %get3A_806, 1 {pack_format = #tpu.pack_format<interleaved>} : vector<32xbf16> -> vector<16xf32>
        %mul3A_809 = vector.broadcast %squeeze3A_799 : f32 to vector<16xf32>
        %mul3A_810 = arith.mulf %mul3A_809, %unpack3A_807 : vector<16xf32>
        %add3A_811 = arith.addf %add3A_747, %mul3A_810 : vector<16xf32>
        %mul3A_812 = vector.broadcast %squeeze3A_799 : f32 to vector<16xf32>
        %mul3A_813 = arith.mulf %mul3A_812, %unpack3A_808 : vector<16xf32>
        %add3A_814 = arith.addf %add3A_750, %mul3A_813 : vector<16xf32>
        %add3A_815 = arith.constant 3 : i32
        %add3A_816 = arith.addi %mul3A_684, %add3A_815 : i32
        %get3A_817 = arith.constant 1 : i32
        %get3A_818 = arith.index_cast %get3A_817 : i32 to index
        %get3A_819 = arith.index_cast %add3A_816 : i32 to index
        %get3A_820 = arith.constant 32 : index
        %get3A_821 = tpu.vector_load %arg8[%get3A_818, %get3A_819, %get3A_820] {strides = array<i32>} : memref<2x784x64xbf16, #tpu.memory_space<vmem>>, vector<32xbf16>,
        %unpack3A_822 = tpu.unpack_subelements %get3A_821, 0 {pack_format = #tpu.pack_format<interleaved>} : vector<32xbf16> -> vector<16xf32>
        %unpack3A_823 = tpu.unpack_subelements %get3A_821, 1 {pack_format = #tpu.pack_format<interleaved>} : vector<32xbf16> -> vector<16xf32>
        %mul3A_824 = vector.broadcast %squeeze3A_799 : f32 to vector<16xf32>
        %mul3A_825 = arith.mulf %mul3A_824, %unpack3A_822 : vector<16xf32>
        %add3A_826 = arith.addf %add3A_762, %mul3A_825 : vector<16xf32>
        %mul3A_827 = vector.broadcast %squeeze3A_799 : f32 to vector<16xf32>
        %mul3A_828 = arith.mulf %mul3A_827, %unpack3A_823 : vector<16xf32>
        %add3A_829 = arith.addf %add3A_765, %mul3A_828 : vector<16xf32>
        %slice3A_830 = vector.extract_strided_slice %get3A_704 {offsets = [4], sizes = [1], strides = [1]} : vector<16xf32> to vector<1xf32>
        %squeeze3A_831 = vector.extract %slice3A_830[0] : f32 from vector<1xf32>
        %add3A_832 = arith.constant 4 : i32
        %add3A_833 = arith.addi %mul3A_684, %add3A_832 : i32
        %get3A_834 = arith.constant 1 : i32
        %get3A_835 = arith.index_cast %get3A_834 : i32 to index
        %get3A_836 = arith.index_cast %add3A_833 : i32 to index
        %get3A_837 = arith.constant 0 : index
        %get3A_838 = tpu.vector_load %arg8[%get3A_835, %get3A_836, %get3A_837] {strides = array<i32>} : memref<2x784x64xbf16, #tpu.memory_space<vmem>>, vector<32xbf16>,
        %unpack3A_839 = tpu.unpack_subelements %get3A_838, 0 {pack_format = #tpu.pack_format<interleaved>} : vector<32xbf16> -> vector<16xf32>
        %unpack3A_840 = tpu.unpack_subelements %get3A_838, 1 {pack_format = #tpu.pack_format<interleaved>} : vector<32xbf16> -> vector<16xf32>
        %mul3A_841 = vector.broadcast %squeeze3A_831 : f32 to vector<16xf32>
        %mul3A_842 = arith.mulf %mul3A_841, %unpack3A_839 : vector<16xf32>
        %add3A_843 = arith.addf %add3A_779, %mul3A_842 : vector<16xf32>
        %mul3A_844 = vector.broadcast %squeeze3A_831 : f32 to vector<16xf32>
        %mul3A_845 = arith.mulf %mul3A_844, %unpack3A_840 : vector<16xf32>
        %add3A_846 = arith.addf %add3A_782, %mul3A_845 : vector<16xf32>
        %add3A_847 = arith.constant 4 : i32
        %add3A_848 = arith.addi %mul3A_684, %add3A_847 : i32
        %get3A_849 = arith.constant 1 : i32
        %get3A_850 = arith.index_cast %get3A_849 : i32 to index
        %get3A_851 = arith.index_cast %add3A_848 : i32 to index
        %get3A_852 = arith.constant 32 : index
        %get3A_853 = tpu.vector_load %arg8[%get3A_850, %get3A_851, %get3A_852] {strides = array<i32>} : memref<2x784x64xbf16, #tpu.memory_space<vmem>>, vector<32xbf16>,
        %unpack3A_854 = tpu.unpack_subelements %get3A_853, 0 {pack_format = #tpu.pack_format<interleaved>} : vector<32xbf16> -> vector<16xf32>
        %unpack3A_855 = tpu.unpack_subelements %get3A_853, 1 {pack_format = #tpu.pack_format<interleaved>} : vector<32xbf16> -> vector<16xf32>
        %mul3A_856 = vector.broadcast %squeeze3A_831 : f32 to vector<16xf32>
        %mul3A_857 = arith.mulf %mul3A_856, %unpack3A_854 : vector<16xf32>
        %add3A_858 = arith.addf %add3A_794, %mul3A_857 : vector<16xf32>
        %mul3A_859 = vector.broadcast %squeeze3A_831 : f32 to vector<16xf32>
        %mul3A_860 = arith.mulf %mul3A_859, %unpack3A_855 : vector<16xf32>
        %add3A_861 = arith.addf %add3A_797, %mul3A_860 : vector<16xf32>
        %slice3A_862 = vector.extract_strided_slice %get3A_704 {offsets = [5], sizes = [1], strides = [1]} : vector<16xf32> to vector<1xf32>
        %squeeze3A_863 = vector.extract %slice3A_862[0] : f32 from vector<1xf32>
        %add3A_864 = arith.constant 5 : i32
        %add3A_865 = arith.addi %mul3A_684, %add3A_864 : i32
        %get3A_866 = arith.constant 1 : i32
        %get3A_867 = arith.index_cast %get3A_866 : i32 to index
        %get3A_868 = arith.index_cast %add3A_865 : i32 to index
        %get3A_869 = arith.constant 0 : index
        %get3A_870 = tpu.vector_load %arg8[%get3A_867, %get3A_868, %get3A_869] {strides = array<i32>} : memref<2x784x64xbf16, #tpu.memory_space<vmem>>, vector<32xbf16>,
        %unpack3A_871 = tpu.unpack_subelements %get3A_870, 0 {pack_format = #tpu.pack_format<interleaved>} : vector<32xbf16> -> vector<16xf32>
        %unpack3A_872 = tpu.unpack_subelements %get3A_870, 1 {pack_format = #tpu.pack_format<interleaved>} : vector<32xbf16> -> vector<16xf32>
        %mul3A_873 = vector.broadcast %squeeze3A_863 : f32 to vector<16xf32>
        %mul3A_874 = arith.mulf %mul3A_873, %unpack3A_871 : vector<16xf32>
        %add3A_875 = arith.addf %add3A_811, %mul3A_874 : vector<16xf32>
        %mul3A_876 = vector.broadcast %squeeze3A_863 : f32 to vector<16xf32>
        %mul3A_877 = arith.mulf %mul3A_876, %unpack3A_872 : vector<16xf32>
        %add3A_878 = arith.addf %add3A_814, %mul3A_877 : vector<16xf32>
        %add3A_879 = arith.constant 5 : i32
        %add3A_880 = arith.addi %mul3A_684, %add3A_879 : i32
        %get3A_881 = arith.constant 1 : i32
        %get3A_882 = arith.index_cast %get3A_881 : i32 to index
        %get3A_883 = arith.index_cast %add3A_880 : i32 to index
        %get3A_884 = arith.constant 32 : index
        %get3A_885 = tpu.vector_load %arg8[%get3A_882, %get3A_883, %get3A_884] {strides = array<i32>} : memref<2x784x64xbf16, #tpu.memory_space<vmem>>, vector<32xbf16>,
        %unpack3A_886 = tpu.unpack_subelements %get3A_885, 0 {pack_format = #tpu.pack_format<interleaved>} : vector<32xbf16> -> vector<16xf32>
        %unpack3A_887 = tpu.unpack_subelements %get3A_885, 1 {pack_format = #tpu.pack_format<interleaved>} : vector<32xbf16> -> vector<16xf32>
        %mul3A_888 = vector.broadcast %squeeze3A_863 : f32 to vector<16xf32>
        %mul3A_889 = arith.mulf %mul3A_888, %unpack3A_886 : vector<16xf32>
        %add3A_890 = arith.addf %add3A_826, %mul3A_889 : vector<16xf32>
        %mul3A_891 = vector.broadcast %squeeze3A_863 : f32 to vector<16xf32>
        %mul3A_892 = arith.mulf %mul3A_891, %unpack3A_887 : vector<16xf32>
        %add3A_893 = arith.addf %add3A_829, %mul3A_892 : vector<16xf32>
        %slice3A_894 = vector.extract_strided_slice %get3A_704 {offsets = [6], sizes = [1], strides = [1]} : vector<16xf32> to vector<1xf32>
        %squeeze3A_895 = vector.extract %slice3A_894[0] : f32 from vector<1xf32>
        %add3A_896 = arith.constant 6 : i32
        %add3A_897 = arith.addi %mul3A_684, %add3A_896 : i32
        %get3A_898 = arith.constant 1 : i32
        %get3A_899 = arith.index_cast %get3A_898 : i32 to index
        %get3A_900 = arith.index_cast %add3A_897 : i32 to index
        %get3A_901 = arith.constant 0 : index
        %get3A_902 = tpu.vector_load %arg8[%get3A_899, %get3A_900, %get3A_901] {strides = array<i32>} : memref<2x784x64xbf16, #tpu.memory_space<vmem>>, vector<32xbf16>,
        %unpack3A_903 = tpu.unpack_subelements %get3A_902, 0 {pack_format = #tpu.pack_format<interleaved>} : vector<32xbf16> -> vector<16xf32>
        %unpack3A_904 = tpu.unpack_subelements %get3A_902, 1 {pack_format = #tpu.pack_format<interleaved>} : vector<32xbf16> -> vector<16xf32>
        %mul3A_905 = vector.broadcast %squeeze3A_895 : f32 to vector<16xf32>
        %mul3A_906 = arith.mulf %mul3A_905, %unpack3A_903 : vector<16xf32>
        %add3A_907 = arith.addf %add3A_843, %mul3A_906 : vector<16xf32>
        %mul3A_908 = vector.broadcast %squeeze3A_895 : f32 to vector<16xf32>
        %mul3A_909 = arith.mulf %mul3A_908, %unpack3A_904 : vector<16xf32>
        %add3A_910 = arith.addf %add3A_846, %mul3A_909 : vector<16xf32>
        %add3A_911 = arith.constant 6 : i32
        %add3A_912 = arith.addi %mul3A_684, %add3A_911 : i32
        %get3A_913 = arith.constant 1 : i32
        %get3A_914 = arith.index_cast %get3A_913 : i32 to index
        %get3A_915 = arith.index_cast %add3A_912 : i32 to index
        %get3A_916 = arith.constant 32 : index
        %get3A_917 = tpu.vector_load %arg8[%get3A_914, %get3A_915, %get3A_916] {strides = array<i32>} : memref<2x784x64xbf16, #tpu.memory_space<vmem>>, vector<32xbf16>,
        %unpack3A_918 = tpu.unpack_subelements %get3A_917, 0 {pack_format = #tpu.pack_format<interleaved>} : vector<32xbf16> -> vector<16xf32>
        %unpack3A_919 = tpu.unpack_subelements %get3A_917, 1 {pack_format = #tpu.pack_format<interleaved>} : vector<32xbf16> -> vector<16xf32>
        %mul3A_920 = vector.broadcast %squeeze3A_895 : f32 to vector<16xf32>
        %mul3A_921 = arith.mulf %mul3A_920, %unpack3A_918 : vector<16xf32>
        %add3A_922 = arith.addf %add3A_858, %mul3A_921 : vector<16xf32>
        %mul3A_923 = vector.broadcast %squeeze3A_895 : f32 to vector<16xf32>
        %mul3A_924 = arith.mulf %mul3A_923, %unpack3A_919 : vector<16xf32>
        %add3A_925 = arith.addf %add3A_861, %mul3A_924 : vector<16xf32>
        %slice3A_926 = vector.extract_strided_slice %get3A_704 {offsets = [7], sizes = [1], strides = [1]} : vector<16xf32> to vector<1xf32>
        %squeeze3A_927 = vector.extract %slice3A_926[0] : f32 from vector<1xf32>
        %add3A_928 = arith.constant 7 : i32
        %add3A_929 = arith.addi %mul3A_684, %add3A_928 : i32
        %get3A_930 = arith.constant 1 : i32
        %get3A_931 = arith.index_cast %get3A_930 : i32 to index
        %get3A_932 = arith.index_cast %add3A_929 : i32 to index
        %get3A_933 = arith.constant 0 : index
        %get3A_934 = tpu.vector_load %arg8[%get3A_931, %get3A_932, %get3A_933] {strides = array<i32>} : memref<2x784x64xbf16, #tpu.memory_space<vmem>>, vector<32xbf16>,
        %unpack3A_935 = tpu.unpack_subelements %get3A_934, 0 {pack_format = #tpu.pack_format<interleaved>} : vector<32xbf16> -> vector<16xf32>
        %unpack3A_936 = tpu.unpack_subelements %get3A_934, 1 {pack_format = #tpu.pack_format<interleaved>} : vector<32xbf16> -> vector<16xf32>
        %mul3A_937 = vector.broadcast %squeeze3A_927 : f32 to vector<16xf32>
        %mul3A_938 = arith.mulf %mul3A_937, %unpack3A_935 : vector<16xf32>
        %add3A_939 = arith.addf %add3A_875, %mul3A_938 : vector<16xf32>
        %mul3A_940 = vector.broadcast %squeeze3A_927 : f32 to vector<16xf32>
        %mul3A_941 = arith.mulf %mul3A_940, %unpack3A_936 : vector<16xf32>
        %add3A_942 = arith.addf %add3A_878, %mul3A_941 : vector<16xf32>
        %add3A_943 = arith.constant 7 : i32
        %add3A_944 = arith.addi %mul3A_684, %add3A_943 : i32
        %get3A_945 = arith.constant 1 : i32
        %get3A_946 = arith.index_cast %get3A_945 : i32 to index
        %get3A_947 = arith.index_cast %add3A_944 : i32 to index
        %get3A_948 = arith.constant 32 : index
        %get3A_949 = tpu.vector_load %arg8[%get3A_946, %get3A_947, %get3A_948] {strides = array<i32>} : memref<2x784x64xbf16, #tpu.memory_space<vmem>>, vector<32xbf16>,
        %unpack3A_950 = tpu.unpack_subelements %get3A_949, 0 {pack_format = #tpu.pack_format<interleaved>} : vector<32xbf16> -> vector<16xf32>
        %unpack3A_951 = tpu.unpack_subelements %get3A_949, 1 {pack_format = #tpu.pack_format<interleaved>} : vector<32xbf16> -> vector<16xf32>
        %mul3A_952 = vector.broadcast %squeeze3A_927 : f32 to vector<16xf32>
        %mul3A_953 = arith.mulf %mul3A_952, %unpack3A_950 : vector<16xf32>
        %add3A_954 = arith.addf %add3A_890, %mul3A_953 : vector<16xf32>
        %mul3A_955 = vector.broadcast %squeeze3A_927 : f32 to vector<16xf32>
        %mul3A_956 = arith.mulf %mul3A_955, %unpack3A_951 : vector<16xf32>
        %add3A_957 = arith.addf %add3A_893, %mul3A_956 : vector<16xf32>
        %slice3A_958 = vector.extract_strided_slice %get3A_704 {offsets = [8], sizes = [1], strides = [1]} : vector<16xf32> to vector<1xf32>
        %squeeze3A_959 = vector.extract %slice3A_958[0] : f32 from vector<1xf32>
        %add3A_960 = arith.constant 8 : i32
        %add3A_961 = arith.addi %mul3A_684, %add3A_960 : i32
        %get3A_962 = arith.constant 1 : i32
        %get3A_963 = arith.index_cast %get3A_962 : i32 to index
        %get3A_964 = arith.index_cast %add3A_961 : i32 to index
        %get3A_965 = arith.constant 0 : index
        %get3A_966 = tpu.vector_load %arg8[%get3A_963, %get3A_964, %get3A_965] {strides = array<i32>} : memref<2x784x64xbf16, #tpu.memory_space<vmem>>, vector<32xbf16>,
        %unpack3A_967 = tpu.unpack_subelements %get3A_966, 0 {pack_format = #tpu.pack_format<interleaved>} : vector<32xbf16> -> vector<16xf32>
        %unpack3A_968 = tpu.unpack_subelements %get3A_966, 1 {pack_format = #tpu.pack_format<interleaved>} : vector<32xbf16> -> vector<16xf32>
        %mul3A_969 = vector.broadcast %squeeze3A_959 : f32 to vector<16xf32>
        %mul3A_970 = arith.mulf %mul3A_969, %unpack3A_967 : vector<16xf32>
        %add3A_971 = arith.addf %add3A_907, %mul3A_970 : vector<16xf32>
        %mul3A_972 = vector.broadcast %squeeze3A_959 : f32 to vector<16xf32>
        %mul3A_973 = arith.mulf %mul3A_972, %unpack3A_968 : vector<16xf32>
        %add3A_974 = arith.addf %add3A_910, %mul3A_973 : vector<16xf32>
        %add3A_975 = arith.constant 8 : i32
        %add3A_976 = arith.addi %mul3A_684, %add3A_975 : i32
        %get3A_977 = arith.constant 1 : i32
        %get3A_978 = arith.index_cast %get3A_977 : i32 to index
        %get3A_979 = arith.index_cast %add3A_976 : i32 to index
        %get3A_980 = arith.constant 32 : index
        %get3A_981 = tpu.vector_load %arg8[%get3A_978, %get3A_979, %get3A_980] {strides = array<i32>} : memref<2x784x64xbf16, #tpu.memory_space<vmem>>, vector<32xbf16>,
        %unpack3A_982 = tpu.unpack_subelements %get3A_981, 0 {pack_format = #tpu.pack_format<interleaved>} : vector<32xbf16> -> vector<16xf32>
        %unpack3A_983 = tpu.unpack_subelements %get3A_981, 1 {pack_format = #tpu.pack_format<interleaved>} : vector<32xbf16> -> vector<16xf32>
        %mul3A_984 = vector.broadcast %squeeze3A_959 : f32 to vector<16xf32>
        %mul3A_985 = arith.mulf %mul3A_984, %unpack3A_982 : vector<16xf32>
        %add3A_986 = arith.addf %add3A_922, %mul3A_985 : vector<16xf32>
        %mul3A_987 = vector.broadcast %squeeze3A_959 : f32 to vector<16xf32>
        %mul3A_988 = arith.mulf %mul3A_987, %unpack3A_983 : vector<16xf32>
        %add3A_989 = arith.addf %add3A_925, %mul3A_988 : vector<16xf32>
        %slice3A_990 = vector.extract_strided_slice %get3A_704 {offsets = [9], sizes = [1], strides = [1]} : vector<16xf32> to vector<1xf32>
        %squeeze3A_991 = vector.extract %slice3A_990[0] : f32 from vector<1xf32>
        %add3A_992 = arith.constant 9 : i32
        %add3A_993 = arith.addi %mul3A_684, %add3A_992 : i32
        %get3A_994 = arith.constant 1 : i32
        %get3A_995 = arith.index_cast %get3A_994 : i32 to index
        %get3A_996 = arith.index_cast %add3A_993 : i32 to index
        %get3A_997 = arith.constant 0 : index
        %get3A_998 = tpu.vector_load %arg8[%get3A_995, %get3A_996, %get3A_997] {strides = array<i32>} : memref<2x784x64xbf16, #tpu.memory_space<vmem>>, vector<32xbf16>,
        %unpack3A_999 = tpu.unpack_subelements %get3A_998, 0 {pack_format = #tpu.pack_format<interleaved>} : vector<32xbf16> -> vector<16xf32>
        %unpack3A_1000 = tpu.unpack_subelements %get3A_998, 1 {pack_format = #tpu.pack_format<interleaved>} : vector<32xbf16> -> vector<16xf32>
        %mul3A_1001 = vector.broadcast %squeeze3A_991 : f32 to vector<16xf32>
        %mul3A_1002 = arith.mulf %mul3A_1001, %unpack3A_999 : vector<16xf32>
        %add3A_1003 = arith.addf %add3A_939, %mul3A_1002 : vector<16xf32>
        %mul3A_1004 = vector.broadcast %squeeze3A_991 : f32 to vector<16xf32>
        %mul3A_1005 = arith.mulf %mul3A_1004, %unpack3A_1000 : vector<16xf32>
        %add3A_1006 = arith.addf %add3A_942, %mul3A_1005 : vector<16xf32>
        %add3A_1007 = arith.constant 9 : i32
        %add3A_1008 = arith.addi %mul3A_684, %add3A_1007 : i32
        %get3A_1009 = arith.constant 1 : i32
        %get3A_1010 = arith.index_cast %get3A_1009 : i32 to index
        %get3A_1011 = arith.index_cast %add3A_1008 : i32 to index
        %get3A_1012 = arith.constant 32 : index
        %get3A_1013 = tpu.vector_load %arg8[%get3A_1010, %get3A_1011, %get3A_1012] {strides = array<i32>} : memref<2x784x64xbf16, #tpu.memory_space<vmem>>, vector<32xbf16>,
        %unpack3A_1014 = tpu.unpack_subelements %get3A_1013, 0 {pack_format = #tpu.pack_format<interleaved>} : vector<32xbf16> -> vector<16xf32>
        %unpack3A_1015 = tpu.unpack_subelements %get3A_1013, 1 {pack_format = #tpu.pack_format<interleaved>} : vector<32xbf16> -> vector<16xf32>
        %mul3A_1016 = vector.broadcast %squeeze3A_991 : f32 to vector<16xf32>
        %mul3A_1017 = arith.mulf %mul3A_1016, %unpack3A_1014 : vector<16xf32>
        %add3A_1018 = arith.addf %add3A_954, %mul3A_1017 : vector<16xf32>
        %mul3A_1019 = vector.broadcast %squeeze3A_991 : f32 to vector<16xf32>
        %mul3A_1020 = arith.mulf %mul3A_1019, %unpack3A_1015 : vector<16xf32>
        %add3A_1021 = arith.addf %add3A_957, %mul3A_1020 : vector<16xf32>
        %slice3A_1022 = vector.extract_strided_slice %get3A_704 {offsets = [10], sizes = [1], strides = [1]} : vector<16xf32> to vector<1xf32>
        %squeeze3A_1023 = vector.extract %slice3A_1022[0] : f32 from vector<1xf32>
        %add3A_1024 = arith.constant 10 : i32
        %add3A_1025 = arith.addi %mul3A_684, %add3A_1024 : i32
        %get3A_1026 = arith.constant 1 : i32
        %get3A_1027 = arith.index_cast %get3A_1026 : i32 to index
        %get3A_1028 = arith.index_cast %add3A_1025 : i32 to index
        %get3A_1029 = arith.constant 0 : index
        %get3A_1030 = tpu.vector_load %arg8[%get3A_1027, %get3A_1028, %get3A_1029] {strides = array<i32>} : memref<2x784x64xbf16, #tpu.memory_space<vmem>>, vector<32xbf16>,
        %unpack3A_1031 = tpu.unpack_subelements %get3A_1030, 0 {pack_format = #tpu.pack_format<interleaved>} : vector<32xbf16> -> vector<16xf32>
        %unpack3A_1032 = tpu.unpack_subelements %get3A_1030, 1 {pack_format = #tpu.pack_format<interleaved>} : vector<32xbf16> -> vector<16xf32>
        %mul3A_1033 = vector.broadcast %squeeze3A_1023 : f32 to vector<16xf32>
        %mul3A_1034 = arith.mulf %mul3A_1033, %unpack3A_1031 : vector<16xf32>
        %add3A_1035 = arith.addf %add3A_971, %mul3A_1034 : vector<16xf32>
        %mul3A_1036 = vector.broadcast %squeeze3A_1023 : f32 to vector<16xf32>
        %mul3A_1037 = arith.mulf %mul3A_1036, %unpack3A_1032 : vector<16xf32>
        %add3A_1038 = arith.addf %add3A_974, %mul3A_1037 : vector<16xf32>
        %add3A_1039 = arith.constant 10 : i32
        %add3A_1040 = arith.addi %mul3A_684, %add3A_1039 : i32
        %get3A_1041 = arith.constant 1 : i32
        %get3A_1042 = arith.index_cast %get3A_1041 : i32 to index
        %get3A_1043 = arith.index_cast %add3A_1040 : i32 to index
        %get3A_1044 = arith.constant 32 : index
        %get3A_1045 = tpu.vector_load %arg8[%get3A_1042, %get3A_1043, %get3A_1044] {strides = array<i32>} : memref<2x784x64xbf16, #tpu.memory_space<vmem>>, vector<32xbf16>,
        %unpack3A_1046 = tpu.unpack_subelements %get3A_1045, 0 {pack_format = #tpu.pack_format<interleaved>} : vector<32xbf16> -> vector<16xf32>
        %unpack3A_1047 = tpu.unpack_subelements %get3A_1045, 1 {pack_format = #tpu.pack_format<interleaved>} : vector<32xbf16> -> vector<16xf32>
        %mul3A_1048 = vector.broadcast %squeeze3A_1023 : f32 to vector<16xf32>
        %mul3A_1049 = arith.mulf %mul3A_1048, %unpack3A_1046 : vector<16xf32>
        %add3A_1050 = arith.addf %add3A_986, %mul3A_1049 : vector<16xf32>
        %mul3A_1051 = vector.broadcast %squeeze3A_1023 : f32 to vector<16xf32>
        %mul3A_1052 = arith.mulf %mul3A_1051, %unpack3A_1047 : vector<16xf32>
        %add3A_1053 = arith.addf %add3A_989, %mul3A_1052 : vector<16xf32>
        %slice3A_1054 = vector.extract_strided_slice %get3A_704 {offsets = [11], sizes = [1], strides = [1]} : vector<16xf32> to vector<1xf32>
        %squeeze3A_1055 = vector.extract %slice3A_1054[0] : f32 from vector<1xf32>
        %add3A_1056 = arith.constant 11 : i32
        %add3A_1057 = arith.addi %mul3A_684, %add3A_1056 : i32
        %get3A_1058 = arith.constant 1 : i32
        %get3A_1059 = arith.index_cast %get3A_1058 : i32 to index
        %get3A_1060 = arith.index_cast %add3A_1057 : i32 to index
        %get3A_1061 = arith.constant 0 : index
        %get3A_1062 = tpu.vector_load %arg8[%get3A_1059, %get3A_1060, %get3A_1061] {strides = array<i32>} : memref<2x784x64xbf16, #tpu.memory_space<vmem>>, vector<32xbf16>,
        %unpack3A_1063 = tpu.unpack_subelements %get3A_1062, 0 {pack_format = #tpu.pack_format<interleaved>} : vector<32xbf16> -> vector<16xf32>
        %unpack3A_1064 = tpu.unpack_subelements %get3A_1062, 1 {pack_format = #tpu.pack_format<interleaved>} : vector<32xbf16> -> vector<16xf32>
        %mul3A_1065 = vector.broadcast %squeeze3A_1055 : f32 to vector<16xf32>
        %mul3A_1066 = arith.mulf %mul3A_1065, %unpack3A_1063 : vector<16xf32>
        %add3A_1067 = arith.addf %add3A_1003, %mul3A_1066 : vector<16xf32>
        %mul3A_1068 = vector.broadcast %squeeze3A_1055 : f32 to vector<16xf32>
        %mul3A_1069 = arith.mulf %mul3A_1068, %unpack3A_1064 : vector<16xf32>
        %add3A_1070 = arith.addf %add3A_1006, %mul3A_1069 : vector<16xf32>
        %add3A_1071 = arith.constant 11 : i32
        %add3A_1072 = arith.addi %mul3A_684, %add3A_1071 : i32
        %get3A_1073 = arith.constant 1 : i32
        %get3A_1074 = arith.index_cast %get3A_1073 : i32 to index
        %get3A_1075 = arith.index_cast %add3A_1072 : i32 to index
        %get3A_1076 = arith.constant 32 : index
        %get3A_1077 = tpu.vector_load %arg8[%get3A_1074, %get3A_1075, %get3A_1076] {strides = array<i32>} : memref<2x784x64xbf16, #tpu.memory_space<vmem>>, vector<32xbf16>,
        %unpack3A_1078 = tpu.unpack_subelements %get3A_1077, 0 {pack_format = #tpu.pack_format<interleaved>} : vector<32xbf16> -> vector<16xf32>
        %unpack3A_1079 = tpu.unpack_subelements %get3A_1077, 1 {pack_format = #tpu.pack_format<interleaved>} : vector<32xbf16> -> vector<16xf32>
        %mul3A_1080 = vector.broadcast %squeeze3A_1055 : f32 to vector<16xf32>
        %mul3A_1081 = arith.mulf %mul3A_1080, %unpack3A_1078 : vector<16xf32>
        %add3A_1082 = arith.addf %add3A_1018, %mul3A_1081 : vector<16xf32>
        %mul3A_1083 = vector.broadcast %squeeze3A_1055 : f32 to vector<16xf32>
        %mul3A_1084 = arith.mulf %mul3A_1083, %unpack3A_1079 : vector<16xf32>
        %add3A_1085 = arith.addf %add3A_1021, %mul3A_1084 : vector<16xf32>
        %slice3A_1086 = vector.extract_strided_slice %get3A_704 {offsets = [12], sizes = [1], strides = [1]} : vector<16xf32> to vector<1xf32>
        %squeeze3A_1087 = vector.extract %slice3A_1086[0] : f32 from vector<1xf32>
        %add3A_1088 = arith.constant 12 : i32
        %add3A_1089 = arith.addi %mul3A_684, %add3A_1088 : i32
        %get3A_1090 = arith.constant 1 : i32
        %get3A_1091 = arith.index_cast %get3A_1090 : i32 to index
        %get3A_1092 = arith.index_cast %add3A_1089 : i32 to index
        %get3A_1093 = arith.constant 0 : index
        %get3A_1094 = tpu.vector_load %arg8[%get3A_1091, %get3A_1092, %get3A_1093] {strides = array<i32>} : memref<2x784x64xbf16, #tpu.memory_space<vmem>>, vector<32xbf16>,
        %unpack3A_1095 = tpu.unpack_subelements %get3A_1094, 0 {pack_format = #tpu.pack_format<interleaved>} : vector<32xbf16> -> vector<16xf32>
        %unpack3A_1096 = tpu.unpack_subelements %get3A_1094, 1 {pack_format = #tpu.pack_format<interleaved>} : vector<32xbf16> -> vector<16xf32>
        %mul3A_1097 = vector.broadcast %squeeze3A_1087 : f32 to vector<16xf32>
        %mul3A_1098 = arith.mulf %mul3A_1097, %unpack3A_1095 : vector<16xf32>
        %add3A_1099 = arith.addf %add3A_1035, %mul3A_1098 : vector<16xf32>
        %mul3A_1100 = vector.broadcast %squeeze3A_1087 : f32 to vector<16xf32>
        %mul3A_1101 = arith.mulf %mul3A_1100, %unpack3A_1096 : vector<16xf32>
        %add3A_1102 = arith.addf %add3A_1038, %mul3A_1101 : vector<16xf32>
        %add3A_1103 = arith.constant 12 : i32
        %add3A_1104 = arith.addi %mul3A_684, %add3A_1103 : i32
        %get3A_1105 = arith.constant 1 : i32
        %get3A_1106 = arith.index_cast %get3A_1105 : i32 to index
        %get3A_1107 = arith.index_cast %add3A_1104 : i32 to index
        %get3A_1108 = arith.constant 32 : index
        %get3A_1109 = tpu.vector_load %arg8[%get3A_1106, %get3A_1107, %get3A_1108] {strides = array<i32>} : memref<2x784x64xbf16, #tpu.memory_space<vmem>>, vector<32xbf16>,
        %unpack3A_1110 = tpu.unpack_subelements %get3A_1109, 0 {pack_format = #tpu.pack_format<interleaved>} : vector<32xbf16> -> vector<16xf32>
        %unpack3A_1111 = tpu.unpack_subelements %get3A_1109, 1 {pack_format = #tpu.pack_format<interleaved>} : vector<32xbf16> -> vector<16xf32>
        %mul3A_1112 = vector.broadcast %squeeze3A_1087 : f32 to vector<16xf32>
        %mul3A_1113 = arith.mulf %mul3A_1112, %unpack3A_1110 : vector<16xf32>
        %add3A_1114 = arith.addf %add3A_1050, %mul3A_1113 : vector<16xf32>
        %mul3A_1115 = vector.broadcast %squeeze3A_1087 : f32 to vector<16xf32>
        %mul3A_1116 = arith.mulf %mul3A_1115, %unpack3A_1111 : vector<16xf32>
        %add3A_1117 = arith.addf %add3A_1053, %mul3A_1116 : vector<16xf32>
        %slice3A_1118 = vector.extract_strided_slice %get3A_704 {offsets = [13], sizes = [1], strides = [1]} : vector<16xf32> to vector<1xf32>
        %squeeze3A_1119 = vector.extract %slice3A_1118[0] : f32 from vector<1xf32>
        %add3A_1120 = arith.constant 13 : i32
        %add3A_1121 = arith.addi %mul3A_684, %add3A_1120 : i32
        %get3A_1122 = arith.constant 1 : i32
        %get3A_1123 = arith.index_cast %get3A_1122 : i32 to index
        %get3A_1124 = arith.index_cast %add3A_1121 : i32 to index
        %get3A_1125 = arith.constant 0 : index
        %get3A_1126 = tpu.vector_load %arg8[%get3A_1123, %get3A_1124, %get3A_1125] {strides = array<i32>} : memref<2x784x64xbf16, #tpu.memory_space<vmem>>, vector<32xbf16>,
        %unpack3A_1127 = tpu.unpack_subelements %get3A_1126, 0 {pack_format = #tpu.pack_format<interleaved>} : vector<32xbf16> -> vector<16xf32>
        %unpack3A_1128 = tpu.unpack_subelements %get3A_1126, 1 {pack_format = #tpu.pack_format<interleaved>} : vector<32xbf16> -> vector<16xf32>
        %mul3A_1129 = vector.broadcast %squeeze3A_1119 : f32 to vector<16xf32>
        %mul3A_1130 = arith.mulf %mul3A_1129, %unpack3A_1127 : vector<16xf32>
        %add3A_1131 = arith.addf %add3A_1067, %mul3A_1130 : vector<16xf32>
        %mul3A_1132 = vector.broadcast %squeeze3A_1119 : f32 to vector<16xf32>
        %mul3A_1133 = arith.mulf %mul3A_1132, %unpack3A_1128 : vector<16xf32>
        %add3A_1134 = arith.addf %add3A_1070, %mul3A_1133 : vector<16xf32>
        %add3A_1135 = arith.constant 13 : i32
        %add3A_1136 = arith.addi %mul3A_684, %add3A_1135 : i32
        %get3A_1137 = arith.constant 1 : i32
        %get3A_1138 = arith.index_cast %get3A_1137 : i32 to index
        %get3A_1139 = arith.index_cast %add3A_1136 : i32 to index
        %get3A_1140 = arith.constant 32 : index
        %get3A_1141 = tpu.vector_load %arg8[%get3A_1138, %get3A_1139, %get3A_1140] {strides = array<i32>} : memref<2x784x64xbf16, #tpu.memory_space<vmem>>, vector<32xbf16>,
        %unpack3A_1142 = tpu.unpack_subelements %get3A_1141, 0 {pack_format = #tpu.pack_format<interleaved>} : vector<32xbf16> -> vector<16xf32>
        %unpack3A_1143 = tpu.unpack_subelements %get3A_1141, 1 {pack_format = #tpu.pack_format<interleaved>} : vector<32xbf16> -> vector<16xf32>
        %mul3A_1144 = vector.broadcast %squeeze3A_1119 : f32 to vector<16xf32>
        %mul3A_1145 = arith.mulf %mul3A_1144, %unpack3A_1142 : vector<16xf32>
        %add3A_1146 = arith.addf %add3A_1082, %mul3A_1145 : vector<16xf32>
        %mul3A_1147 = vector.broadcast %squeeze3A_1119 : f32 to vector<16xf32>
        %mul3A_1148 = arith.mulf %mul3A_1147, %unpack3A_1143 : vector<16xf32>
        %add3A_1149 = arith.addf %add3A_1085, %mul3A_1148 : vector<16xf32>
        %slice3A_1150 = vector.extract_strided_slice %get3A_704 {offsets = [14], sizes = [1], strides = [1]} : vector<16xf32> to vector<1xf32>
        %squeeze3A_1151 = vector.extract %slice3A_1150[0] : f32 from vector<1xf32>
        %add3A_1152 = arith.constant 14 : i32
        %add3A_1153 = arith.addi %mul3A_684, %add3A_1152 : i32
        %get3A_1154 = arith.constant 1 : i32
        %get3A_1155 = arith.index_cast %get3A_1154 : i32 to index
        %get3A_1156 = arith.index_cast %add3A_1153 : i32 to index
        %get3A_1157 = arith.constant 0 : index
        %get3A_1158 = tpu.vector_load %arg8[%get3A_1155, %get3A_1156, %get3A_1157] {strides = array<i32>} : memref<2x784x64xbf16, #tpu.memory_space<vmem>>, vector<32xbf16>,
        %unpack3A_1159 = tpu.unpack_subelements %get3A_1158, 0 {pack_format = #tpu.pack_format<interleaved>} : vector<32xbf16> -> vector<16xf32>
        %unpack3A_1160 = tpu.unpack_subelements %get3A_1158, 1 {pack_format = #tpu.pack_format<interleaved>} : vector<32xbf16> -> vector<16xf32>
        %mul3A_1161 = vector.broadcast %squeeze3A_1151 : f32 to vector<16xf32>
        %mul3A_1162 = arith.mulf %mul3A_1161, %unpack3A_1159 : vector<16xf32>
        %add3A_1163 = arith.addf %add3A_1099, %mul3A_1162 : vector<16xf32>
        %mul3A_1164 = vector.broadcast %squeeze3A_1151 : f32 to vector<16xf32>
        %mul3A_1165 = arith.mulf %mul3A_1164, %unpack3A_1160 : vector<16xf32>
        %add3A_1166 = arith.addf %add3A_1102, %mul3A_1165 : vector<16xf32>
        %add3A_1167 = arith.constant 14 : i32
        %add3A_1168 = arith.addi %mul3A_684, %add3A_1167 : i32
        %get3A_1169 = arith.constant 1 : i32
        %get3A_1170 = arith.index_cast %get3A_1169 : i32 to index
        %get3A_1171 = arith.index_cast %add3A_1168 : i32 to index
        %get3A_1172 = arith.constant 32 : index
        %get3A_1173 = tpu.vector_load %arg8[%get3A_1170, %get3A_1171, %get3A_1172] {strides = array<i32>} : memref<2x784x64xbf16, #tpu.memory_space<vmem>>, vector<32xbf16>,
        %unpack3A_1174 = tpu.unpack_subelements %get3A_1173, 0 {pack_format = #tpu.pack_format<interleaved>} : vector<32xbf16> -> vector<16xf32>
        %unpack3A_1175 = tpu.unpack_subelements %get3A_1173, 1 {pack_format = #tpu.pack_format<interleaved>} : vector<32xbf16> -> vector<16xf32>
        %mul3A_1176 = vector.broadcast %squeeze3A_1151 : f32 to vector<16xf32>
        %mul3A_1177 = arith.mulf %mul3A_1176, %unpack3A_1174 : vector<16xf32>
        %add3A_1178 = arith.addf %add3A_1114, %mul3A_1177 : vector<16xf32>
        %mul3A_1179 = vector.broadcast %squeeze3A_1151 : f32 to vector<16xf32>
        %mul3A_1180 = arith.mulf %mul3A_1179, %unpack3A_1175 : vector<16xf32>
        %add3A_1181 = arith.addf %add3A_1117, %mul3A_1180 : vector<16xf32>
        %slice3A_1182 = vector.extract_strided_slice %get3A_704 {offsets = [15], sizes = [1], strides = [1]} : vector<16xf32> to vector<1xf32>
        %squeeze3A_1183 = vector.extract %slice3A_1182[0] : f32 from vector<1xf32>
        %add3A_1184 = arith.constant 15 : i32
        %add3A_1185 = arith.addi %mul3A_684, %add3A_1184 : i32
        %get3A_1186 = arith.constant 1 : i32
        %get3A_1187 = arith.index_cast %get3A_1186 : i32 to index
        %get3A_1188 = arith.index_cast %add3A_1185 : i32 to index
        %get3A_1189 = arith.constant 0 : index
        %get3A_1190 = tpu.vector_load %arg8[%get3A_1187, %get3A_1188, %get3A_1189] {strides = array<i32>} : memref<2x784x64xbf16, #tpu.memory_space<vmem>>, vector<32xbf16>,
        %unpack3A_1191 = tpu.unpack_subelements %get3A_1190, 0 {pack_format = #tpu.pack_format<interleaved>} : vector<32xbf16> -> vector<16xf32>
        %unpack3A_1192 = tpu.unpack_subelements %get3A_1190, 1 {pack_format = #tpu.pack_format<interleaved>} : vector<32xbf16> -> vector<16xf32>
        %mul3A_1193 = vector.broadcast %squeeze3A_1183 : f32 to vector<16xf32>
        %mul3A_1194 = arith.mulf %mul3A_1193, %unpack3A_1191 : vector<16xf32>
        %add3A_1195 = arith.addf %add3A_1131, %mul3A_1194 : vector<16xf32>
        %mul3A_1196 = vector.broadcast %squeeze3A_1183 : f32 to vector<16xf32>
        %mul3A_1197 = arith.mulf %mul3A_1196, %unpack3A_1192 : vector<16xf32>
        %add3A_1198 = arith.addf %add3A_1134, %mul3A_1197 : vector<16xf32>
        %add3A_1199 = arith.constant 15 : i32
        %add3A_1200 = arith.addi %mul3A_684, %add3A_1199 : i32
        %get3A_1201 = arith.constant 1 : i32
        %get3A_1202 = arith.index_cast %get3A_1201 : i32 to index
        %get3A_1203 = arith.index_cast %add3A_1200 : i32 to index
        %get3A_1204 = arith.constant 32 : index
        %get3A_1205 = tpu.vector_load %arg8[%get3A_1202, %get3A_1203, %get3A_1204] {strides = array<i32>} : memref<2x784x64xbf16, #tpu.memory_space<vmem>>, vector<32xbf16>,
        %unpack3A_1206 = tpu.unpack_subelements %get3A_1205, 0 {pack_format = #tpu.pack_format<interleaved>} : vector<32xbf16> -> vector<16xf32>
        %unpack3A_1207 = tpu.unpack_subelements %get3A_1205, 1 {pack_format = #tpu.pack_format<interleaved>} : vector<32xbf16> -> vector<16xf32>
        %mul3A_1208 = vector.broadcast %squeeze3A_1183 : f32 to vector<16xf32>
        %mul3A_1209 = arith.mulf %mul3A_1208, %unpack3A_1206 : vector<16xf32>
        %add3A_1210 = arith.addf %add3A_1146, %mul3A_1209 : vector<16xf32>
        %mul3A_1211 = vector.broadcast %squeeze3A_1183 : f32 to vector<16xf32>
        %mul3A_1212 = arith.mulf %mul3A_1211, %unpack3A_1207 : vector<16xf32>
        %add3A_1213 = arith.addf %add3A_1149, %mul3A_1212 : vector<16xf32>
        %add3A_1214 = arith.constant 0 : i32
        %add3A_1215 = arith.addi %add3A_1214, %scan3A_682 : i32
        %add3A_1216 = vector.broadcast %add3A_1215 : i32 to vector<16xi32>
        %add3A_1217 = arith.addi %mul3A_45, %add3A_1216 : vector<16xi32>
        %add3A_1218 = arith.addf %add3A_1163, %add3A_1195 : vector<16xf32>
        tpu.vector_store_idx %arg9[%broadcast_in_dim3A_42, %add3A_1217], %add3A_1218 : memref<2x3136xf32, #tpu.memory_space<vmem>>[vector<16xi32>, vector<16xi32>], vector<16xf32>,
        %add3A_1219 = arith.constant 784 : i32
        %add3A_1220 = arith.addi %add3A_1219, %scan3A_682 : i32
        %add3A_1221 = vector.broadcast %add3A_1220 : i32 to vector<16xi32>
        %add3A_1222 = arith.addi %mul3A_45, %add3A_1221 : vector<16xi32>
        %add3A_1223 = arith.addf %add3A_1166, %add3A_1198 : vector<16xf32>
        tpu.vector_store_idx %arg9[%broadcast_in_dim3A_42, %add3A_1222], %add3A_1223 : memref<2x3136xf32, #tpu.memory_space<vmem>>[vector<16xi32>, vector<16xi32>], vector<16xf32>,
        %add3A_1224 = arith.constant 1568 : i32
        %add3A_1225 = arith.addi %add3A_1224, %scan3A_682 : i32
        %add3A_1226 = vector.broadcast %add3A_1225 : i32 to vector<16xi32>
        %add3A_1227 = arith.addi %mul3A_45, %add3A_1226 : vector<16xi32>
        %add3A_1228 = arith.addf %add3A_1178, %add3A_1210 : vector<16xf32>
        tpu.vector_store_idx %arg9[%broadcast_in_dim3A_42, %add3A_1227], %add3A_1228 : memref<2x3136xf32, #tpu.memory_space<vmem>>[vector<16xi32>, vector<16xi32>], vector<16xf32>,
        %add3A_1229 = arith.constant 2352 : i32
        %add3A_1230 = arith.addi %add3A_1229, %scan3A_682 : i32
        %add3A_1231 = vector.broadcast %add3A_1230 : i32 to vector<16xi32>
        %add3A_1232 = arith.addi %mul3A_45, %add3A_1231 : vector<16xi32>
        %add3A_1233 = arith.addf %add3A_1181, %add3A_1213 : vector<16xf32>
        tpu.vector_store_idx %arg9[%broadcast_in_dim3A_42, %add3A_1232], %add3A_1233 : memref<2x3136xf32, #tpu.memory_space<vmem>>[vector<16xi32>, vector<16xi32>], vector<16xf32>,
      }
      %scan3A_676 = arith.constant 49 : i32
      %lt3A_677 = arith.constant 1000 : i32
      %lt3A_678 = arith.cmpi slt, %add3A_558, %lt3A_677 : i32
      %convert_element_type3A_679 = arith.extui %lt3A_678 : i1 to i32
      %cond3A_680 = arith.constant 0 : i32
      %cond3A_681 = arith.cmpi ne, %convert_element_type3A_679, %cond3A_680 : i32
      scf.if %cond3A_681 {
        %dma_start3A_682 = arith.constant 1 : i32
        %dma_start3A_683 = arith.constant 0 : i32
        %dma_start3A_684 = tpu.memref_slice %arg9[%dma_start3A_682, %dma_start3A_683] : memref<2x3136xf32, #tpu.memory_space<vmem>> -> memref<1x3136xf32, #tpu.memory_space<vmem>>
        %dma_start3A_685 = tpu.memref_squeeze %dma_start3A_684 : memref<1x3136xf32, #tpu.memory_space<vmem>> -> memref<3136xf32, #tpu.memory_space<vmem>>
        %dma_start3A_686 = arith.constant 0 : i32
        %dma_start3A_687 = tpu.memref_slice %arg4[%add3A_558, %dma_start3A_686] : memref<1000x3136xf32, #tpu.memory_space<hbm>> -> memref<1x3136xf32, #tpu.memory_space<hbm>>
        %dma_start3A_688 = tpu.memref_squeeze %dma_start3A_687 : memref<1x3136xf32, #tpu.memory_space<hbm>> -> memref<3136xf32, #tpu.memory_space<hbm>>
        %dma_start3A_689 = arith.constant 0 : i32
        %dma_start3A_690 = tpu.memref_slice %arg4[%add3A_558, %dma_start3A_689] : memref<1000x3136xf32, #tpu.memory_space<hbm>> -> memref<1x3136xf32, #tpu.memory_space<hbm>>
        %dma_start3A_691 = tpu.memref_squeeze %dma_start3A_690 : memref<1x3136xf32, #tpu.memory_space<hbm>> -> memref<3136xf32, #tpu.memory_space<hbm>>
        %dma_start3A_692 = arith.constant 0 : i32
        %dma_start3A_693 = tpu.memref_slice %arg9[%dma_start3A_682, %dma_start3A_692] : memref<2x3136xf32, #tpu.memory_space<vmem>> -> memref<1x3136xf32, #tpu.memory_space<vmem>>
        %dma_start3A_694 = tpu.memref_squeeze %dma_start3A_693 : memref<1x3136xf32, #tpu.memory_space<vmem>> -> memref<3136xf32, #tpu.memory_space<vmem>>
        tpu.enqueue_dma source(%dma_start3A_694 : memref<3136xf32, #tpu.memory_space<vmem>>) target(%dma_start3A_691 : memref<3136xf32, #tpu.memory_space<hbm>>) target_semaphore(%arg13 : memref<!tpu.dma_semaphore, #tpu.memory_space<semaphore_mem>>)
      } else {
      }
    }
    %scan3A_218 = arith.constant 16 : i32
    %add3A_219 = arith.constant 32 : i32
    %add3A_220 = arith.addi %mul3A_2, %add3A_219 : i32
    %sub3A = arith.constant 2 : i32
    %sub3A_221 = arith.subi %add3A_220, %sub3A : i32
    %lt3A = arith.constant 1000 : i32
    %lt3A_222 = arith.cmpi slt, %sub3A_221, %lt3A : i32
    %convert_element_type3A_223 = arith.extui %lt3A_222 : i1 to i32
    %cond3A = arith.constant 0 : i32
    %cond3A_224 = arith.cmpi ne, %convert_element_type3A_223, %cond3A : i32
    scf.if %cond3A_224 {
      %dma_wait3A = arith.constant 0 : i32
      %dma_wait3A_234 = arith.constant 0 : i32
      %dma_wait3A_235 = tpu.memref_slice %arg9[%dma_wait3A, %dma_wait3A_234] : memref<2x3136xf32, #tpu.memory_space<vmem>> -> memref<1x3136xf32, #tpu.memory_space<vmem>>
      %dma_wait3A_236 = tpu.memref_squeeze %dma_wait3A_235 : memref<1x3136xf32, #tpu.memory_space<vmem>> -> memref<3136xf32, #tpu.memory_space<vmem>>
      %dma_wait3A_237 = arith.constant 0 : i32
      %dma_wait3A_238 = tpu.memref_slice %arg4[%mul3A_2, %dma_wait3A_237] : memref<1000x3136xf32, #tpu.memory_space<hbm>> -> memref<1x3136xf32, #tpu.memory_space<hbm>>
      %dma_wait3A_239 = tpu.memref_squeeze %dma_wait3A_238 : memref<1x3136xf32, #tpu.memory_space<hbm>> -> memref<3136xf32, #tpu.memory_space<hbm>>
      %dma_wait3A_240 = arith.constant 0 : i32
      %dma_wait3A_241 = tpu.memref_slice %arg4[%mul3A_2, %dma_wait3A_240] : memref<1000x3136xf32, #tpu.memory_space<hbm>> -> memref<1x3136xf32, #tpu.memory_space<hbm>>
      %dma_wait3A_242 = tpu.memref_squeeze %dma_wait3A_241 : memref<1x3136xf32, #tpu.memory_space<hbm>> -> memref<3136xf32, #tpu.memory_space<hbm>>
      %dma_wait3A_243 = arith.constant 0 : i32
      %dma_wait3A_244 = tpu.memref_slice %arg9[%dma_wait3A, %dma_wait3A_243] : memref<2x3136xf32, #tpu.memory_space<vmem>> -> memref<1x3136xf32, #tpu.memory_space<vmem>>
      %dma_wait3A_245 = tpu.memref_squeeze %dma_wait3A_244 : memref<1x3136xf32, #tpu.memory_space<vmem>> -> memref<3136xf32, #tpu.memory_space<vmem>>
      tpu.wait_dma2 semaphore(%arg12 : memref<!tpu.dma_semaphore, #tpu.memory_space<semaphore_mem>>) src(%dma_wait3A_245 : memref<3136xf32, #tpu.memory_space<vmem>>) dst(%dma_wait3A_242 : memref<3136xf32, #tpu.memory_space<hbm>>)
    } else {
    }
    %add3A_225 = arith.constant 32 : i32
    %add3A_226 = arith.addi %mul3A_2, %add3A_225 : i32
    %sub3A_227 = arith.constant 1 : i32
    %sub3A_228 = arith.subi %add3A_226, %sub3A_227 : i32
    %lt3A_229 = arith.constant 1000 : i32
    %lt3A_230 = arith.cmpi slt, %sub3A_228, %lt3A_229 : i32
    %convert_element_type3A_231 = arith.extui %lt3A_230 : i1 to i32
    %cond3A_232 = arith.constant 0 : i32
    %cond3A_233 = arith.cmpi ne, %convert_element_type3A_231, %cond3A_232 : i32
    scf.if %cond3A_233 {
      %dma_wait3A = arith.constant 1 : i32
      %dma_wait3A_234 = arith.constant 0 : i32
      %dma_wait3A_235 = tpu.memref_slice %arg9[%dma_wait3A, %dma_wait3A_234] : memref<2x3136xf32, #tpu.memory_space<vmem>> -> memref<1x3136xf32, #tpu.memory_space<vmem>>
      %dma_wait3A_236 = tpu.memref_squeeze %dma_wait3A_235 : memref<1x3136xf32, #tpu.memory_space<vmem>> -> memref<3136xf32, #tpu.memory_space<vmem>>
      %dma_wait3A_237 = arith.constant 0 : i32
      %dma_wait3A_238 = tpu.memref_slice %arg4[%mul3A_2, %dma_wait3A_237] : memref<1000x3136xf32, #tpu.memory_space<hbm>> -> memref<1x3136xf32, #tpu.memory_space<hbm>>
      %dma_wait3A_239 = tpu.memref_squeeze %dma_wait3A_238 : memref<1x3136xf32, #tpu.memory_space<hbm>> -> memref<3136xf32, #tpu.memory_space<hbm>>
      %dma_wait3A_240 = arith.constant 0 : i32
      %dma_wait3A_241 = tpu.memref_slice %arg4[%mul3A_2, %dma_wait3A_240] : memref<1000x3136xf32, #tpu.memory_space<hbm>> -> memref<1x3136xf32, #tpu.memory_space<hbm>>
      %dma_wait3A_242 = tpu.memref_squeeze %dma_wait3A_241 : memref<1x3136xf32, #tpu.memory_space<hbm>> -> memref<3136xf32, #tpu.memory_space<hbm>>
      %dma_wait3A_243 = arith.constant 0 : i32
      %dma_wait3A_244 = tpu.memref_slice %arg9[%dma_wait3A, %dma_wait3A_243] : memref<2x3136xf32, #tpu.memory_space<vmem>> -> memref<1x3136xf32, #tpu.memory_space<vmem>>
      %dma_wait3A_245 = tpu.memref_squeeze %dma_wait3A_244 : memref<1x3136xf32, #tpu.memory_space<vmem>> -> memref<3136xf32, #tpu.memory_space<vmem>>
      tpu.wait_dma2 semaphore(%arg13 : memref<!tpu.dma_semaphore, #tpu.memory_space<semaphore_mem>>) src(%dma_wait3A_245 : memref<3136xf32, #tpu.memory_space<vmem>>) dst(%dma_wait3A_242 : memref<3136xf32, #tpu.memory_space<hbm>>)
    } else {
    }
    return
  }
}

module attributes {stable_mosaic.version = 14 : i64} {
  func.func @_params_body(%arg0: i32, %arg1: memref<128x4xf32, #tpu.memory_space<vmem>>, %arg2: memref<128x8x16xf32, #tpu.memory_space<vmem>>) attributes {dimension_semantics = [#tpu.dimension_semantics<arbitrary>], iteration_bounds = array<i64: 8>, scalar_prefetch = 0 : i64, scratch_operands = 0 : i64, tpu.core_type = #tpu.core_type<tc>, window_params = [{transform_indices = @transform_0, window_bounds = array<i64: 128, 4>}, {transform_indices = @transform_1, window_bounds = array<i64: 128, 8, 16>}]} {
    %get3A = arith.constant 0 : index
    %get3A_0 = arith.constant 0 : index
    %get3A_1 = vector.load %arg1[%get3A, %get3A_0] : memref<128x4xf32, #tpu.memory_space<vmem>>, vector<128x4xf32>
    %slice3A = vector.extract_strided_slice %get3A_1 {offsets = [0, 0], sizes = [128, 1], strides = [1, 1]} : vector<128x4xf32> to vector<128x1xf32>
    %slice3A_2 = vector.extract_strided_slice %get3A_1 {offsets = [0, 1], sizes = [128, 1], strides = [1, 1]} : vector<128x4xf32> to vector<128x1xf32>
    %slice3A_3 = vector.extract_strided_slice %get3A_1 {offsets = [0, 2], sizes = [128, 1], strides = [1, 1]} : vector<128x4xf32> to vector<128x1xf32>
    %slice3A_4 = vector.extract_strided_slice %get3A_1 {offsets = [0, 3], sizes = [128, 1], strides = [1, 1]} : vector<128x4xf32> to vector<128x1xf32>
    %sub3A = arith.subf %slice3A_3, %slice3A : vector<128x1xf32>
    %sub3A_5 = arith.subf %slice3A_4, %slice3A_2 : vector<128x1xf32>
    %mul3A = arith.mulf %sub3A, %sub3A_5 : vector<128x1xf32>
    %broadcast_in_dim3A = arith.constant 3.000000e+00 : f32
    %broadcast_in_dim3A_6 = vector.broadcast %broadcast_in_dim3A : f32 to vector<128x1xf32>
    %mul3A_7 = arith.constant 9.500000e+02 : f32
    %mul3A_8 = vector.broadcast %mul3A_7 : f32 to vector<128x1xf32>
    %mul3A_9 = arith.mulf %mul3A, %mul3A_8 : vector<128x1xf32>
    %lt3A = arith.constant 7.840000e+02 : f32
    %lt3A_10 = vector.broadcast %lt3A : f32 to vector<128x1xf32>
    %lt3A_11 = arith.cmpf olt, %mul3A_9, %lt3A_10 : vector<128x1xf32>
    %ge3A = arith.constant 1.960000e+02 : f32
    %ge3A_12 = vector.broadcast %ge3A : f32 to vector<128x1xf32>
    %ge3A_13 = arith.cmpf oge, %mul3A_9, %ge3A_12 : vector<128x1xf32>
    %and3A = arith.andi %lt3A_11, %ge3A_13 : vector<128x1xi1>
    %jit3A = arith.constant 2.000000e+00 : f32
    %broadcast_in_dim3A_14 = vector.broadcast %jit3A : f32 to vector<128x1xf32>
    %select_n3A = arith.select %and3A, %broadcast_in_dim3A_14, %broadcast_in_dim3A_6 : vector<128x1xi1>, vector<128x1xf32>
    %mul3A_15 = arith.constant 3.800000e+03 : f32
    %mul3A_16 = vector.broadcast %mul3A_15 : f32 to vector<128x1xf32>
    %mul3A_17 = arith.mulf %mul3A, %mul3A_16 : vector<128x1xf32>
    %lt3A_18 = arith.constant 7.840000e+02 : f32
    %lt3A_19 = vector.broadcast %lt3A_18 : f32 to vector<128x1xf32>
    %lt3A_20 = arith.cmpf olt, %mul3A_17, %lt3A_19 : vector<128x1xf32>
    %ge3A_21 = arith.constant 1.960000e+02 : f32
    %ge3A_22 = vector.broadcast %ge3A_21 : f32 to vector<128x1xf32>
    %ge3A_23 = arith.cmpf oge, %mul3A_17, %ge3A_22 : vector<128x1xf32>
    %and3A_24 = arith.andi %lt3A_20, %ge3A_23 : vector<128x1xi1>
    %jit3A_25 = arith.constant 1.000000e+00 : f32
    %broadcast_in_dim3A_26 = vector.broadcast %jit3A_25 : f32 to vector<128x1xf32>
    %select_n3A_27 = arith.select %and3A_24, %broadcast_in_dim3A_26, %select_n3A : vector<128x1xi1>, vector<128x1xf32>
    %mul3A_28 = arith.constant 1.520000e+04 : f32
    %mul3A_29 = vector.broadcast %mul3A_28 : f32 to vector<128x1xf32>
    %mul3A_30 = arith.mulf %mul3A, %mul3A_29 : vector<128x1xf32>
    %lt3A_31 = arith.constant 7.840000e+02 : f32
    %lt3A_32 = vector.broadcast %lt3A_31 : f32 to vector<128x1xf32>
    %lt3A_33 = arith.cmpf olt, %mul3A_30, %lt3A_32 : vector<128x1xf32>
    %ge3A_34 = arith.constant 1.960000e+02 : f32
    %ge3A_35 = vector.broadcast %ge3A_34 : f32 to vector<128x1xf32>
    %ge3A_36 = arith.cmpf oge, %mul3A_30, %ge3A_35 : vector<128x1xf32>
    %and3A_37 = arith.andi %lt3A_33, %ge3A_36 : vector<128x1xi1>
    %jit3A_38 = arith.constant 0.000000e+00 : f32
    %broadcast_in_dim3A_39 = vector.broadcast %jit3A_38 : f32 to vector<128x1xf32>
    %select_n3A_40 = arith.select %and3A_37, %broadcast_in_dim3A_39, %select_n3A_27 : vector<128x1xi1>, vector<128x1xf32>
    %broadcast_in_dim3A_41 = arith.constant 1.300000e+01 : f32
    %broadcast_in_dim3A_42 = vector.broadcast %broadcast_in_dim3A_41 : f32 to vector<128x1xf32>
    %eq3A = arith.constant 2.000000e+00 : f32
    %eq3A_43 = vector.broadcast %eq3A : f32 to vector<128x1xf32>
    %eq3A_44 = arith.cmpf oeq, %select_n3A_40, %eq3A_43 : vector<128x1xf32>
    %jit3A_45 = arith.constant 2.500000e+01 : f32
    %broadcast_in_dim3A_46 = vector.broadcast %jit3A_45 : f32 to vector<128x1xf32>
    %select_n3A_47 = arith.select %eq3A_44, %broadcast_in_dim3A_46, %broadcast_in_dim3A_42 : vector<128x1xi1>, vector<128x1xf32>
    %eq3A_48 = arith.constant 1.000000e+00 : f32
    %eq3A_49 = vector.broadcast %eq3A_48 : f32 to vector<128x1xf32>
    %eq3A_50 = arith.cmpf oeq, %select_n3A_40, %eq3A_49 : vector<128x1xf32>
    %jit3A_51 = arith.constant 5.000000e+01 : f32
    %broadcast_in_dim3A_52 = vector.broadcast %jit3A_51 : f32 to vector<128x1xf32>
    %select_n3A_53 = arith.select %eq3A_50, %broadcast_in_dim3A_52, %select_n3A_47 : vector<128x1xi1>, vector<128x1xf32>
    %eq3A_54 = arith.constant 0.000000e+00 : f32
    %eq3A_55 = vector.broadcast %eq3A_54 : f32 to vector<128x1xf32>
    %eq3A_56 = arith.cmpf oeq, %select_n3A_40, %eq3A_55 : vector<128x1xf32>
    %jit3A_57 = arith.constant 1.000000e+02 : f32
    %broadcast_in_dim3A_58 = vector.broadcast %jit3A_57 : f32 to vector<128x1xf32>
    %select_n3A_59 = arith.select %eq3A_56, %broadcast_in_dim3A_58, %select_n3A_53 : vector<128x1xi1>, vector<128x1xf32>
    %broadcast_in_dim3A_60 = arith.constant 1.900000e+01 : f32
    %broadcast_in_dim3A_61 = vector.broadcast %broadcast_in_dim3A_60 : f32 to vector<128x1xf32>
    %eq3A_62 = arith.constant 2.000000e+00 : f32
    %eq3A_63 = vector.broadcast %eq3A_62 : f32 to vector<128x1xf32>
    %eq3A_64 = arith.cmpf oeq, %select_n3A_40, %eq3A_63 : vector<128x1xf32>
    %jit3A_65 = arith.constant 3.800000e+01 : f32
    %broadcast_in_dim3A_66 = vector.broadcast %jit3A_65 : f32 to vector<128x1xf32>
    %select_n3A_67 = arith.select %eq3A_64, %broadcast_in_dim3A_66, %broadcast_in_dim3A_61 : vector<128x1xi1>, vector<128x1xf32>
    %eq3A_68 = arith.constant 1.000000e+00 : f32
    %eq3A_69 = vector.broadcast %eq3A_68 : f32 to vector<128x1xf32>
    %eq3A_70 = arith.cmpf oeq, %select_n3A_40, %eq3A_69 : vector<128x1xf32>
    %jit3A_71 = arith.constant 7.600000e+01 : f32
    %broadcast_in_dim3A_72 = vector.broadcast %jit3A_71 : f32 to vector<128x1xf32>
    %select_n3A_73 = arith.select %eq3A_70, %broadcast_in_dim3A_72, %select_n3A_67 : vector<128x1xi1>, vector<128x1xf32>
    %eq3A_74 = arith.constant 0.000000e+00 : f32
    %eq3A_75 = vector.broadcast %eq3A_74 : f32 to vector<128x1xf32>
    %eq3A_76 = arith.cmpf oeq, %select_n3A_40, %eq3A_75 : vector<128x1xf32>
    %jit3A_77 = arith.constant 1.520000e+02 : f32
    %broadcast_in_dim3A_78 = vector.broadcast %jit3A_77 : f32 to vector<128x1xf32>
    %select_n3A_79 = arith.select %eq3A_76, %broadcast_in_dim3A_78, %select_n3A_73 : vector<128x1xi1>, vector<128x1xf32>
    %broadcast_in_dim3A_80 = arith.constant 1.995200e+04 : f32
    %broadcast_in_dim3A_81 = vector.broadcast %broadcast_in_dim3A_80 : f32 to vector<128x1xf32>
    %eq3A_82 = arith.constant 2.000000e+00 : f32
    %eq3A_83 = vector.broadcast %eq3A_82 : f32 to vector<128x1xf32>
    %eq3A_84 = arith.cmpf oeq, %select_n3A_40, %eq3A_83 : vector<128x1xf32>
    %jit3A_85 = arith.constant 1.900000e+04 : f32
    %broadcast_in_dim3A_86 = vector.broadcast %jit3A_85 : f32 to vector<128x1xf32>
    %select_n3A_87 = arith.select %eq3A_84, %broadcast_in_dim3A_86, %broadcast_in_dim3A_81 : vector<128x1xi1>, vector<128x1xf32>
    %eq3A_88 = arith.constant 1.000000e+00 : f32
    %eq3A_89 = vector.broadcast %eq3A_88 : f32 to vector<128x1xf32>
    %eq3A_90 = arith.cmpf oeq, %select_n3A_40, %eq3A_89 : vector<128x1xf32>
    %jit3A_91 = arith.constant 1.520000e+04 : f32
    %broadcast_in_dim3A_92 = vector.broadcast %jit3A_91 : f32 to vector<128x1xf32>
    %select_n3A_93 = arith.select %eq3A_90, %broadcast_in_dim3A_92, %select_n3A_87 : vector<128x1xi1>, vector<128x1xf32>
    %eq3A_94 = arith.constant 0.000000e+00 : f32
    %eq3A_95 = vector.broadcast %eq3A_94 : f32 to vector<128x1xf32>
    %eq3A_96 = arith.cmpf oeq, %select_n3A_40, %eq3A_95 : vector<128x1xf32>
    %jit3A_97 = arith.constant 0.000000e+00 : f32
    %broadcast_in_dim3A_98 = vector.broadcast %jit3A_97 : f32 to vector<128x1xf32>
    %select_n3A_99 = arith.select %eq3A_96, %broadcast_in_dim3A_98, %select_n3A_93 : vector<128x1xi1>, vector<128x1xf32>
    %mul3A_100 = arith.mulf %slice3A, %select_n3A_79 : vector<128x1xf32>
    %sub3A_101 = arith.constant 5.000000e-01 : f32
    %sub3A_102 = vector.broadcast %sub3A_101 : f32 to vector<128x1xf32>
    %sub3A_103 = arith.subf %mul3A_100, %sub3A_102 : vector<128x1xf32>
    %mul3A_104 = arith.mulf %slice3A_2, %select_n3A_59 : vector<128x1xf32>
    %sub3A_105 = arith.constant 5.000000e-01 : f32
    %sub3A_106 = vector.broadcast %sub3A_105 : f32 to vector<128x1xf32>
    %sub3A_107 = arith.subf %mul3A_104, %sub3A_106 : vector<128x1xf32>
    %mul3A_108 = arith.mulf %slice3A_4, %select_n3A_59 : vector<128x1xf32>
    %sub3A_109 = arith.constant 5.000000e-01 : f32
    %sub3A_110 = vector.broadcast %sub3A_109 : f32 to vector<128x1xf32>
    %sub3A_111 = arith.subf %mul3A_108, %sub3A_110 : vector<128x1xf32>
    %sub3A_112 = arith.subf %sub3A_111, %sub3A_107 : vector<128x1xf32>
    %div3A = arith.constant 7.000000e+00 : f32
    %div3A_113 = vector.broadcast %div3A : f32 to vector<128x1xf32>
    %div3A_114 = arith.divf %sub3A_112, %div3A_113 : vector<128x1xf32>
    %mul3A_115 = arith.mulf %slice3A_3, %select_n3A_79 : vector<128x1xf32>
    %sub3A_116 = arith.constant 5.000000e-01 : f32
    %sub3A_117 = vector.broadcast %sub3A_116 : f32 to vector<128x1xf32>
    %sub3A_118 = arith.subf %mul3A_115, %sub3A_117 : vector<128x1xf32>
    %sub3A_119 = arith.subf %sub3A_118, %sub3A_103 : vector<128x1xf32>
    %div3A_120 = arith.constant 7.000000e+00 : f32
    %div3A_121 = vector.broadcast %div3A_120 : f32 to vector<128x1xf32>
    %div3A_122 = arith.divf %sub3A_119, %div3A_121 : vector<128x1xf32>
    %sub3A_123 = arith.constant 1.000000e+00 : f32
    %sub3A_124 = vector.broadcast %sub3A_123 : f32 to vector<128x1xf32>
    %sub3A_125 = arith.subf %select_n3A_59, %sub3A_124 : vector<128x1xf32>
    %sub3A_126 = arith.constant 1.000000e+00 : f32
    %sub3A_127 = vector.broadcast %sub3A_126 : f32 to vector<128x1xf32>
    %sub3A_128 = arith.subf %select_n3A_79, %sub3A_127 : vector<128x1xf32>
    %concatenate3A = tpu.concatenate %sub3A_107, %sub3A_103, %div3A_114, %div3A_122, %sub3A_125, %sub3A_128, %select_n3A_79, %select_n3A_99 in 1 : vector<128x1xf32>, vector<128x1xf32>, vector<128x1xf32>, vector<128x1xf32>, vector<128x1xf32>, vector<128x1xf32>, vector<128x1xf32>, vector<128x1xf32> -> vector<128x8xf32>
    %broadcast_in_dim3A_129 = vector.shape_cast %concatenate3A : vector<128x8xf32> to vector<128x8x1xf32>
    %broadcast_in_dim3A_130 = vector.shape_cast %broadcast_in_dim3A_129 : vector<128x8x1xf32> to vector<128x8x1xf32>
    %broadcast_in_dim3A_131 = vector.broadcast %broadcast_in_dim3A_130 : vector<128x8x1xf32> to vector<128x8x16xf32>
    %swap3A = arith.constant 0 : index
    %swap3A_132 = arith.constant 0 : index
    %swap3A_133 = arith.constant 0 : index
    %swap3A_134 = vector.load %arg2[%swap3A, %swap3A_132, %swap3A_133] : memref<128x8x16xf32, #tpu.memory_space<vmem>>, vector<128x8x16xf32>
    tpu.vector_store %arg2[%swap3A, %swap3A_132, %swap3A_133], %broadcast_in_dim3A_131 {strides = array<i32>} : memref<128x8x16xf32, #tpu.memory_space<vmem>>, vector<128x8x16xf32>,
    return
  }
  func.func @transform_0(%arg0: i32) -> (i32, i32) {
    %c0_i32 = arith.constant 0 : i32
    %c0_i32_0 = arith.constant 0 : i32
    return %arg0, %c0_i32 : i32, i32
  }
  func.func @transform_1(%arg0: i32) -> (i32, i32, i32) {
    %c0_i32 = arith.constant 0 : i32
    %c0_i32_0 = arith.constant 0 : i32
    %c0_i32_1 = arith.constant 0 : i32
    return %arg0, %c0_i32, %c0_i32_0 : i32, i32, i32
  }
}

module attributes {stable_mosaic.version = 14 : i64} {
  func.func @_relayout_body(%arg0: memref<64x15200xf32, #tpu.memory_space<vmem>>, %arg1: memref<64x3800xf32, #tpu.memory_space<vmem>>, %arg2: memref<64x952xf32, #tpu.memory_space<vmem>>, %arg3: memref<64x248xf32, #tpu.memory_space<vmem>>, %arg4: memref<20224x32xi32, #tpu.memory_space<vmem>>) attributes {dimension_semantics = [], scalar_prefetch = 0 : i64, scratch_operands = 0 : i64, tpu.core_type = #tpu.core_type<tc>} {
    %get3A = arith.constant 0 : index
    %get3A_0 = arith.constant 0 : index
    %get3A_1 = vector.load %arg0[%get3A, %get3A_0] : memref<64x15200xf32, #tpu.memory_space<vmem>>, vector<64x15200xf32>
    %transpose3A = tpu.transpose %get3A_1, [1, 0] : vector<64x15200xf32> -> vector<15200x64xf32>
    %convert_element_type3A = arith.truncf %transpose3A : vector<15200x64xf32> to vector<15200x64xbf16>
    %bitcast_convert_type3A = tpu.bitcast %convert_element_type3A : vector<15200x64xbf16> -> vector<15200x64xi16>
    %convert_element_type3A_2 = arith.extui %bitcast_convert_type3A : vector<15200x64xi16> to vector<15200x64xi32>
    %slice3A = vector.extract_strided_slice %convert_element_type3A_2 {offsets = [0, 0], sizes = [15200, 16], strides = [1, 1]} : vector<15200x64xi32> to vector<15200x16xi32>
    %slice3A_3 = vector.extract_strided_slice %convert_element_type3A_2 {offsets = [0, 32], sizes = [15200, 16], strides = [1, 1]} : vector<15200x64xi32> to vector<15200x16xi32>
    %concatenate3A = tpu.concatenate %slice3A, %slice3A_3 in 1 : vector<15200x16xi32>, vector<15200x16xi32> -> vector<15200x32xi32>
    %slice3A_4 = vector.extract_strided_slice %convert_element_type3A_2 {offsets = [0, 16], sizes = [15200, 16], strides = [1, 1]} : vector<15200x64xi32> to vector<15200x16xi32>
    %slice3A_5 = vector.extract_strided_slice %convert_element_type3A_2 {offsets = [0, 48], sizes = [15200, 16], strides = [1, 1]} : vector<15200x64xi32> to vector<15200x16xi32>
    %concatenate3A_6 = tpu.concatenate %slice3A_4, %slice3A_5 in 1 : vector<15200x16xi32>, vector<15200x16xi32> -> vector<15200x32xi32>
    %shift_left3A = arith.constant 16 : i32
    %shift_left3A_7 = vector.broadcast %shift_left3A : i32 to vector<15200x32xi32>
    %shift_left3A_8 = arith.shli %concatenate3A_6, %shift_left3A_7 : vector<15200x32xi32>
    %or3A = arith.ori %concatenate3A, %shift_left3A_8 : vector<15200x32xi32>
    %bitcast_convert_type3A_9 = tpu.bitcast %or3A : vector<15200x32xi32> -> vector<15200x32xi32>
    %swap3A = arith.constant 0 : index
    %swap3A_10 = arith.constant 0 : index
    %swap3A_11 = vector.load %arg4[%swap3A, %swap3A_10] : memref<20224x32xi32, #tpu.memory_space<vmem>>, vector<15200x32xi32>
    tpu.vector_store %arg4[%swap3A, %swap3A_10], %bitcast_convert_type3A_9 {strides = array<i32>} : memref<20224x32xi32, #tpu.memory_space<vmem>>, vector<15200x32xi32>,
    %get3A_12 = arith.constant 0 : index
    %get3A_13 = arith.constant 0 : index
    %get3A_14 = vector.load %arg1[%get3A_12, %get3A_13] : memref<64x3800xf32, #tpu.memory_space<vmem>>, vector<64x3800xf32>
    %transpose3A_15 = tpu.transpose %get3A_14, [1, 0] : vector<64x3800xf32> -> vector<3800x64xf32>
    %convert_element_type3A_16 = arith.truncf %transpose3A_15 : vector<3800x64xf32> to vector<3800x64xbf16>
    %bitcast_convert_type3A_17 = tpu.bitcast %convert_element_type3A_16 : vector<3800x64xbf16> -> vector<3800x64xi16>
    %convert_element_type3A_18 = arith.extui %bitcast_convert_type3A_17 : vector<3800x64xi16> to vector<3800x64xi32>
    %slice3A_19 = vector.extract_strided_slice %convert_element_type3A_18 {offsets = [0, 0], sizes = [3800, 16], strides = [1, 1]} : vector<3800x64xi32> to vector<3800x16xi32>
    %slice3A_20 = vector.extract_strided_slice %convert_element_type3A_18 {offsets = [0, 32], sizes = [3800, 16], strides = [1, 1]} : vector<3800x64xi32> to vector<3800x16xi32>
    %concatenate3A_21 = tpu.concatenate %slice3A_19, %slice3A_20 in 1 : vector<3800x16xi32>, vector<3800x16xi32> -> vector<3800x32xi32>
    %slice3A_22 = vector.extract_strided_slice %convert_element_type3A_18 {offsets = [0, 16], sizes = [3800, 16], strides = [1, 1]} : vector<3800x64xi32> to vector<3800x16xi32>
    %slice3A_23 = vector.extract_strided_slice %convert_element_type3A_18 {offsets = [0, 48], sizes = [3800, 16], strides = [1, 1]} : vector<3800x64xi32> to vector<3800x16xi32>
    %concatenate3A_24 = tpu.concatenate %slice3A_22, %slice3A_23 in 1 : vector<3800x16xi32>, vector<3800x16xi32> -> vector<3800x32xi32>
    %shift_left3A_25 = arith.constant 16 : i32
    %shift_left3A_26 = vector.broadcast %shift_left3A_25 : i32 to vector<3800x32xi32>
    %shift_left3A_27 = arith.shli %concatenate3A_24, %shift_left3A_26 : vector<3800x32xi32>
    %or3A_28 = arith.ori %concatenate3A_21, %shift_left3A_27 : vector<3800x32xi32>
    %bitcast_convert_type3A_29 = tpu.bitcast %or3A_28 : vector<3800x32xi32> -> vector<3800x32xi32>
    %swap3A_30 = arith.constant 15200 : index
    %swap3A_31 = arith.constant 0 : index
    %swap3A_32 = vector.load %arg4[%swap3A_30, %swap3A_31] : memref<20224x32xi32, #tpu.memory_space<vmem>>, vector<3800x32xi32>
    tpu.vector_store %arg4[%swap3A_30, %swap3A_31], %bitcast_convert_type3A_29 {strides = array<i32>} : memref<20224x32xi32, #tpu.memory_space<vmem>>, vector<3800x32xi32>,
    %get3A_33 = arith.constant 0 : index
    %get3A_34 = arith.constant 0 : index
    %get3A_35 = vector.load %arg2[%get3A_33, %get3A_34] : memref<64x952xf32, #tpu.memory_space<vmem>>, vector<64x952xf32>
    %transpose3A_36 = tpu.transpose %get3A_35, [1, 0] : vector<64x952xf32> -> vector<952x64xf32>
    %convert_element_type3A_37 = arith.truncf %transpose3A_36 : vector<952x64xf32> to vector<952x64xbf16>
    %bitcast_convert_type3A_38 = tpu.bitcast %convert_element_type3A_37 : vector<952x64xbf16> -> vector<952x64xi16>
    %convert_element_type3A_39 = arith.extui %bitcast_convert_type3A_38 : vector<952x64xi16> to vector<952x64xi32>
    %slice3A_40 = vector.extract_strided_slice %convert_element_type3A_39 {offsets = [0, 0], sizes = [952, 16], strides = [1, 1]} : vector<952x64xi32> to vector<952x16xi32>
    %slice3A_41 = vector.extract_strided_slice %convert_element_type3A_39 {offsets = [0, 32], sizes = [952, 16], strides = [1, 1]} : vector<952x64xi32> to vector<952x16xi32>
    %concatenate3A_42 = tpu.concatenate %slice3A_40, %slice3A_41 in 1 : vector<952x16xi32>, vector<952x16xi32> -> vector<952x32xi32>
    %slice3A_43 = vector.extract_strided_slice %convert_element_type3A_39 {offsets = [0, 16], sizes = [952, 16], strides = [1, 1]} : vector<952x64xi32> to vector<952x16xi32>
    %slice3A_44 = vector.extract_strided_slice %convert_element_type3A_39 {offsets = [0, 48], sizes = [952, 16], strides = [1, 1]} : vector<952x64xi32> to vector<952x16xi32>
    %concatenate3A_45 = tpu.concatenate %slice3A_43, %slice3A_44 in 1 : vector<952x16xi32>, vector<952x16xi32> -> vector<952x32xi32>
    %shift_left3A_46 = arith.constant 16 : i32
    %shift_left3A_47 = vector.broadcast %shift_left3A_46 : i32 to vector<952x32xi32>
    %shift_left3A_48 = arith.shli %concatenate3A_45, %shift_left3A_47 : vector<952x32xi32>
    %or3A_49 = arith.ori %concatenate3A_42, %shift_left3A_48 : vector<952x32xi32>
    %bitcast_convert_type3A_50 = tpu.bitcast %or3A_49 : vector<952x32xi32> -> vector<952x32xi32>
    %swap3A_51 = arith.constant 19000 : index
    %swap3A_52 = arith.constant 0 : index
    %swap3A_53 = vector.load %arg4[%swap3A_51, %swap3A_52] : memref<20224x32xi32, #tpu.memory_space<vmem>>, vector<952x32xi32>
    tpu.vector_store %arg4[%swap3A_51, %swap3A_52], %bitcast_convert_type3A_50 {strides = array<i32>} : memref<20224x32xi32, #tpu.memory_space<vmem>>, vector<952x32xi32>,
    %get3A_54 = arith.constant 0 : index
    %get3A_55 = arith.constant 0 : index
    %get3A_56 = vector.load %arg3[%get3A_54, %get3A_55] : memref<64x248xf32, #tpu.memory_space<vmem>>, vector<64x248xf32>
    %transpose3A_57 = tpu.transpose %get3A_56, [1, 0] : vector<64x248xf32> -> vector<248x64xf32>
    %convert_element_type3A_58 = arith.truncf %transpose3A_57 : vector<248x64xf32> to vector<248x64xbf16>
    %bitcast_convert_type3A_59 = tpu.bitcast %convert_element_type3A_58 : vector<248x64xbf16> -> vector<248x64xi16>
    %convert_element_type3A_60 = arith.extui %bitcast_convert_type3A_59 : vector<248x64xi16> to vector<248x64xi32>
    %slice3A_61 = vector.extract_strided_slice %convert_element_type3A_60 {offsets = [0, 0], sizes = [248, 16], strides = [1, 1]} : vector<248x64xi32> to vector<248x16xi32>
    %slice3A_62 = vector.extract_strided_slice %convert_element_type3A_60 {offsets = [0, 32], sizes = [248, 16], strides = [1, 1]} : vector<248x64xi32> to vector<248x16xi32>
    %concatenate3A_63 = tpu.concatenate %slice3A_61, %slice3A_62 in 1 : vector<248x16xi32>, vector<248x16xi32> -> vector<248x32xi32>
    %slice3A_64 = vector.extract_strided_slice %convert_element_type3A_60 {offsets = [0, 16], sizes = [248, 16], strides = [1, 1]} : vector<248x64xi32> to vector<248x16xi32>
    %slice3A_65 = vector.extract_strided_slice %convert_element_type3A_60 {offsets = [0, 48], sizes = [248, 16], strides = [1, 1]} : vector<248x64xi32> to vector<248x16xi32>
    %concatenate3A_66 = tpu.concatenate %slice3A_64, %slice3A_65 in 1 : vector<248x16xi32>, vector<248x16xi32> -> vector<248x32xi32>
    %shift_left3A_67 = arith.constant 16 : i32
    %shift_left3A_68 = vector.broadcast %shift_left3A_67 : i32 to vector<248x32xi32>
    %shift_left3A_69 = arith.shli %concatenate3A_66, %shift_left3A_68 : vector<248x32xi32>
    %or3A_70 = arith.ori %concatenate3A_63, %shift_left3A_69 : vector<248x32xi32>
    %bitcast_convert_type3A_71 = tpu.bitcast %or3A_70 : vector<248x32xi32> -> vector<248x32xi32>
    %swap3A_72 = arith.constant 19952 : index
    %swap3A_73 = arith.constant 0 : index
    %swap3A_74 = vector.load %arg4[%swap3A_72, %swap3A_73] : memref<20224x32xi32, #tpu.memory_space<vmem>>, vector<248x32xi32>
    tpu.vector_store %arg4[%swap3A_72, %swap3A_73], %bitcast_convert_type3A_71 {strides = array<i32>} : memref<20224x32xi32, #tpu.memory_space<vmem>>, vector<248x32xi32>,
    return
  }
}

module attributes {stable_mosaic.version = 14 : i64} {
  func.func @_tc_copy_body(%arg0: i32, %arg1: memref<200x3136xf32, #tpu.memory_space<vmem>>, %arg2: memref<200x3136xf32, #tpu.memory_space<vmem>>) attributes {dimension_semantics = [#tpu.dimension_semantics<arbitrary>], iteration_bounds = array<i64: 5>, scalar_prefetch = 0 : i64, scratch_operands = 0 : i64, tpu.core_type = #tpu.core_type<tc>, window_params = [{transform_indices = @transform_0, window_bounds = array<i64: 200, 3136>}, {transform_indices = @transform_1, window_bounds = array<i64: 200, 3136>}]} {
    %get3A = arith.constant 0 : index
    %get3A_0 = arith.constant 0 : index
    %get3A_1 = vector.load %arg1[%get3A, %get3A_0] : memref<200x3136xf32, #tpu.memory_space<vmem>>, vector<200x3136xf32>
    %swap3A = arith.constant 0 : index
    %swap3A_2 = arith.constant 0 : index
    %swap3A_3 = vector.load %arg2[%swap3A, %swap3A_2] : memref<200x3136xf32, #tpu.memory_space<vmem>>, vector<200x3136xf32>
    tpu.vector_store %arg2[%swap3A, %swap3A_2], %get3A_1 {strides = array<i32>} : memref<200x3136xf32, #tpu.memory_space<vmem>>, vector<200x3136xf32>,
    return
  }
  func.func @transform_0(%arg0: i32) -> (i32, i32) {
    %c0_i32 = arith.constant 0 : i32
    %c0_i32_0 = arith.constant 0 : i32
    return %arg0, %c0_i32 : i32, i32
  }
  func.func @transform_1(%arg0: i32) -> (i32, i32) {
    %c0_i32 = arith.constant 0 : i32
    %c0_i32_0 = arith.constant 0 : i32
    return %arg0, %c0_i32 : i32, i32
  }
}

</mosaic_0001>

<sc_bundles>
// kernel: kernel.6.cloned.1.call-start
scs
__scs_entry_jumppad:
0x0: {  	(pc) =	sbr.rel $0x88, $3  }
0x1: {  	(tag) =	ssettag $0x0;
	lr =	simm.s32 $0x1  }
0x2: {  	[smem:$0x3F9C] =	sst lr;
	_ =	strace $0xD0000000  }
0x3: {  	_ = 	snop  }
0x4: {  	_ = 	snop  }
0x5: {  	_ = 	snop  }
0x6: {  	_ = 	snop  }
0x7: {  	_ = 	snop  }
__scs_overlays_trampoline_lowered:
0x8: {  	[smem:$0x3FAB] =	sst s0  }
0x9: {  	[smem:$0x3FAC] =	sst s1  }
0xa: {  	[smem:$0x3FAD] =	sst s2  }
0xb: {  	[smem:$0x3FAE] =	sst s3  }
0xc: {  	[smem:$0x3FAF] =	sst s4  }
0xd: {  	[smem:$0x3FB0] =	sst s5  }
0xe: {  	[smem:$0x3FB1] =	sst s6  }
0xf: {  	[smem:$0x3FB2] =	sst s7  }
0x10: {  	[smem:$0x3FB3] =	sst s8  }
0x11: {  	[smem:$0x3FB4] =	sst s9;
	s0 =	simm.s32 @!p0 $0x0  }
0x12: {  	s1 =	sld [smem:$0x3F9A];
	s0 =	simm.s32 @p0 $0x1  }
0x13: {  	[smem:$0x3FB5] =	sst s0;
	s0 =	simm.s32 @!p1 $0x0  }
0x14: {  	s2 =	sld [smem:$0x3F99];
	s0 =	simm.s32 @p1 $0x1  }
0x15: {  	[smem:$0x3FB6] =	sst s0;
	s0 =	simm.s32 @!p2 $0x0  }
0x16: {  	s3 =	sld [smem:$0x3FDB];
	s0 =	simm.s32 @p2 $0x1  }
0x17: {  	s4 =	simm.s32 $0x1BF5;
	[smem:$0x3FB8] =	sst s0  }
0x18: {  	s0 =	sld [smem:$0x3F9B];
	_ =	swait.ge [sflag:s4], $0x0  }
0x19: {  	s7 =	sld [smem:$0x3F9C]  }
0x1a: {  	s8 =	sadd.s32 $0xFFFFE003, lr  }
0x1b: {  	s9 =	sadd.s32 $0xFFFFFEF7, lr;
	s5 =	simm.s32 $0xFFFFFFFF;
	p2 =	slt.u32 s8, $0xFFFFF086  }
0x1c: {  	p1 =	slt.u32 s9, $0xF7A;
	s5 =	simm.s32 @!p2 $0x0  }
0x1d: {  	s5 =	simm.s32 @p1 $0x1;
	p0 =	seq.s32 s7, s2  }
0x1e: {  	s7 =	smul.u32 @!p0 $0xF7A, s2;
	p2 =	seq.s32 @!p0 s5, $0x0  }
0x1f: {  	s9 =	smul.u32 $0xF7A, s1;
	s8 =	simm.s32 @!p0 $0x1BF5;
	p2 =	por !p2, p0  }
0x20: {  	[sflag:s8] =	ssyncset.s32 @!p0 $0xFFFFF086;
	s6 =	sadd.s32 @!p0 s3, s7;
	s7 =	simm.s32 @!p0 $0x108  }
0x21: {  	s3 =	sadd.s32 s3, s9;
	s6 =	sadd.s32 @!p0 $0x88, s6;
	s7 =	simm.s32 @p2 $0x1082  }
0x22: {  	[simem:s7], [sflag:s8] =	dma.local @!p0 [hbm:s6], $0xF7A  }
0x23: {  	s9 =	sor.u32 $0xD0000000, s2;
	s6 =	simm.s32 $0x108;
	_ =	swait.ge @!p0 [sflag:s8], $0x0  }
0x24: {  	s3 =	sadd.s32 $0x88, s3;
	s6 =	simm.s32 @!p1 $0x1082;
	[sflag:s4] =	ssyncset.s32 $0xFFFFF086  }
0x25: {  	[simem:s6], [sflag:s4] =	dma.local [hbm:s3], $0xF7A  }
0x26: {  	[smem:$0x3F9C] =	sst s1;
	(tag) =	ssettag s2;
	_ =	strace s9  }
0x27: {  	s1 =	sld [smem:$0x3FAC]  }
0x28: {  	s2 =	sld [smem:$0x3FAD]  }
0x29: {  	s4 =	sld [smem:$0x3FAF]  }
0x2a: {  	p0 =	seq.s32 s5, $0x0;
	s5 =	sld [smem:$0x3FB0]  }
0x2b: {  	s6 =	sld [smem:$0x3FB1]  }
0x2c: {  	s7 =	sld [smem:$0x3FB2]  }
0x2d: {  	s3 =	simm.s32 $0x108;
	s8 =	sld [smem:$0x3FB3]  }
0x2e: {  	s3 =	simm.s32 @!p0 $0x1082;
	s9 =	sld [smem:$0x3FB4]  }
0x2f: {  	lr =	sadd.s32 s0, s3;
	s0 =	sld [smem:$0x3FAB]  }
0x30: {  	s3 =	sld [smem:$0x3FAE]  }
0x31: {  	[smem:$0x3FB7] =	sst s10  }
0x32: {  	s10 =	sld [smem:$0x3FB5];
	_ =	sdelay $0x3  }
0x33: {  	p0 =	seq.s32 s10, $0x1;
	s10 =	sld [smem:$0x3FB7];
	_ =	sdelay $0x3  }
0x34: {  	[smem:$0x3FB7] =	sst s10  }
0x35: {  	s10 =	sld [smem:$0x3FB6];
	_ =	sdelay $0x3  }
0x36: {  	p1 =	seq.s32 s10, $0x1;
	s10 =	sld [smem:$0x3FB7];
	_ =	sdelay $0x3  }
0x37: {  	[smem:$0x3FB7] =	sst s10  }
0x38: {  	s10 =	sld [smem:$0x3FB8]  }
0x39: {  	_ = 	snop;
	(pc) =	sbr.ind lr, $3  }
0x3a: {  	_ = 	snop  }
0x3b: {  	_ = 	snop  }
0x3c: {  	p2 =	seq.s32 s10, $0x1;
	s10 =	sld [smem:$0x3FB7]  }
0x3d: {  	_ =	shalt  }
0x3e: {  	_ =	shalt  }
0x3f: {  	_ =	shalt  }
0x40: {  	_ =	shalt  }
0x41: {  	_ =	shalt  }
0x42: {  	_ =	shalt  }
0x43: {  	_ =	shalt  }
0x44: {  	_ =	shalt  }
0x45: {  	_ =	shalt  }
0x46: {  	_ =	shalt  }
0x47: {  	_ =	shalt  }
0x48: {  	_ =	shalt  }
0x49: {  	_ =	shalt  }
0x4a: {  	_ =	shalt  }
0x4b: {  	_ =	shalt  }
0x4c: {  	_ =	shalt  }
0x4d: {  	_ =	shalt  }
0x4e: {  	_ =	shalt  }
0x4f: {  	_ =	shalt  }
0x50: {  	_ =	shalt  }
0x51: {  	_ =	shalt  }
0x52: {  	_ =	shalt  }
0x53: {  	_ =	shalt  }
0x54: {  	_ =	shalt  }
0x55: {  	_ =	shalt  }
0x56: {  	_ =	shalt  }
0x57: {  	_ =	shalt  }
0x58: {  	_ =	shalt  }
0x59: {  	_ =	shalt  }
0x5a: {  	_ =	shalt  }
0x5b: {  	_ =	shalt  }
0x5c: {  	_ =	shalt  }
0x5d: {  	_ =	shalt  }
0x5e: {  	_ =	shalt  }
0x5f: {  	_ =	shalt  }
0x60: {  	_ =	shalt  }
0x61: {  	_ =	shalt  }
0x62: {  	_ =	shalt  }
0x63: {  	_ =	shalt  }
0x64: {  	_ =	shalt  }
0x65: {  	_ =	shalt  }
0x66: {  	_ =	shalt  }
0x67: {  	_ =	shalt  }
0x68: {  	_ =	shalt  }
0x69: {  	_ =	shalt  }
0x6a: {  	_ =	shalt  }
0x6b: {  	_ =	shalt  }
0x6c: {  	_ =	shalt  }
0x6d: {  	_ =	shalt  }
0x6e: {  	_ =	shalt  }
0x6f: {  	_ =	shalt  }
0x70: {  	_ =	shalt  }
0x71: {  	_ =	shalt  }
0x72: {  	_ =	shalt  }
0x73: {  	_ =	shalt  }
0x74: {  	_ =	shalt  }
0x75: {  	_ =	shalt  }
0x76: {  	_ =	shalt  }
0x77: {  	_ =	shalt  }
0x78: {  	_ =	shalt  }
0x79: {  	_ =	shalt  }
0x7a: {  	_ =	shalt  }
0x7b: {  	_ =	shalt  }
0x7c: {  	_ =	shalt  }
0x7d: {  	_ =	shalt  }
0x7e: {  	_ =	shalt  }
0x7f: {  	_ =	shalt  }
0x80: {  	_ =	shalt  }
0x81: {  	_ =	shalt  }
0x82: {  	_ =	shalt  }
0x83: {  	_ =	shalt  }
0x84: {  	_ =	shalt  }
0x85: {  	_ =	shalt  }
0x86: {  	_ =	shalt  }
0x87: {  	_ =	shalt  }
.Lfunc_end0:
.L_simem_size_0:
called_computation_lowered:
.L_overlay_start_0:
0x88: {  	s2 =	sld [smem:$0x3FD9]  }
0x89: {  	s3 =	sld [smem:$0x3FFE];
	_ =	sdelay $0x1  }
0x8a: {  	s1 =	srdreg.scid  }
0x8b: {  	s0 =	sand.u32 $0x1, s1  }
0x8c: {  	s17 =	sshll.u32 s0, $0xA;
	s2 =	sadd.s32 s3, s2  }
0x8d: {  	s2 =	sadd.s32 s2, s17  }
0x8e: {  	[smem:$0x3FC3] =	sst s2  }
0x8f: {  	_ = 	snop  }
0x90: {  	s2 =	sld [smem:$0x3FD0];
	(tm) =	ssettm $0x1  }
0x91: {  	s18 =	sld [smem:$0x3FFB];
	_ =	sdelay $0x3  }
0x92: {  	_ =	strace s18  }
0x93: {  	s3 =	sld [smem:$0x3FFC];
	_ =	sdelay $0x3  }
0x94: {  	_ =	strace s3  }
0x95: {  	s3 =	sld [smem:$0x3FFD];
	_ =	sdelay $0x3  }
0x96: {  	_ =	strace s3  }
0x97: {  	_ =	strace $0x8FFFFFFF  }
0x98: {  	s19 =	sld [smem:$0x3FDB];
	_ =	sdelay $0x1  }
0x99: {  	s4 =	simm.s32 $_scs_section_size  }
0x9a: {  	s5 =	simm.s32 $_size__tile_overlayer_lowered;
	s6 =	simm.s32 $_tile_overlayer_lowered  }
0x9b: {  	s22 =	simm.s32 $0x1BFF;
	s21 =	sshll.u32 s6, $0x1;
	s3 =	sadd.s32 s4, s19  }
0x9c: {  	s7 =	simm.s32 $0x0;
	s20 =	sshll.u32 s5, $0x1;
	s5 =	sadd.s32 s21, s3  }
0x9d: {  	[timem:s7], [sflag:s22] =	dma.local [hbm:s5], s20  }
0x9e: {  	_ =	swait.ge [sflag:s22], s20  }
0x9f: {  	s4 =	ssub.s32 $0x0, s20;
	[sflag:s22] =	ssyncset.done $0x0  }
0xa0: {  	[sflag:s22] =	ssyncadd.s32 s4;
	_ =	sdelay $0x1  }
0xa1: {  	s23 =	simm.s32 $0x1B8B  }
0xa2: {  	_ =	swait.ge [sflag:s23], $0x1  }
0xa3: {  	[sflag:s23] =	ssyncset.done $0x0  }
0xa4: {  	s25 =	simm.s32 $0x1B8E;
	s24 =	sld [smem:$0x3FFE];
	[sflag:s23] =	ssyncadd.s32 $0xFFFFFFFF  }
0xa5: {  	s26 =	simm.s32 $execute0_lowered;
	[smem:$0x3FD2] =	sst s25  }
0xa6: {  	s5 =	sshll.u32 s26, $0x1;
	_ =	strace $0x80000046;
	[dreg:$0x1] =	wrdreg $0xFFFFFFFF  }
0xa7: {  	s28 =	simm.s32 $_size_execute0_lowered;
	s3 =	sadd.s32 s3, s5;
	[dreg:$0x0] =	wrdreg $0x0  }
0xa8: {  	s5 =	sshll.u32 s28, $0x1;
	[dreg:$0x2] =	wrdreg s3  }
0xa9: {  	[dreg:$0x3] =	wrdreg s5  }
0xaa: {  	[dreg:$0x4] =	wrdreg $0xC0  }
0xab: {  	_ =	task [dreg:s7], $0x5FFFF  }
0xac: {  	[dreg:$0x1] =	wrdreg $0xFFFFFFFF  }
0xad: {  	[dreg:$0x0] =	wrdreg $0x60  }
0xae: {  	[dreg:$0x2] =	wrdreg s2  }
0xaf: {  	[dreg:$0x3] =	wrdreg s24  }
0xb0: {  	[dreg:$0x4] =	wrdreg $0x9  }
0xb1: {  	_ =	task.clear_ibuf [dreg:s7], $0x5FFFF;
	_ =	strace $0x90000046  }
0xb2: {  	s29 =	simm.s32 $0x9;
	_ =	strace $0x80000048  }
0xb3: {  	_ =	swait.ge [sflag:s29], $0x1  }
0xb4: {  	[sflag:s29] =	ssyncadd.s32 $0xFFFFFFFF  }
0xb5: {  	_ =	strace $0x90000048  }
0xb6: {  	_ =	sfence  }
0xb7: {  	s30 =	sld [smem:$0x0];
	_ =	sdelay $0x2  }
0xb8: {  	s31 =	sshll.u32 s1, $0xD;
	s1 =	sshrl.u32 s1, $0x2  }
0xb9: {  	s3 =	sand.u32 $0x4000, s31;
	s1 =	sadd.s32 s1, s30  }
0xba: {  	s0 =	sor.u32 s3, s0;
	s1 =	sshll.u32 s1, $0x11  }
0xbb: {  	s0 =	sor.u32 s1, s0  }
0xbc: {  	s0 =	sadd.s32 $0x8F2B, s0  }
0xbd: {  	[sflag:s0] =	ssyncadd.remote.s32 $0x1  }
0xbe: {  	_ =	sfence.sel $0xFFFF  }
0xbf: {  	[dreg:$0x0] =	wrdreg $0xFFFFFFFF;
	(pc) =	sbr.abs _section_cstart, $3  }
0xc0: {  	[dreg:$0x1] =	wrdreg $0xFFFFFFFF  }
0xc1: {  	_ =	task.clear_ibuf [dreg:s7], $0x2FFFF;
	_ =	strace $0x9FFFFFFF  }
0xc2: {  	(tm) =	ssettm $0x7FFFFFFF  }
0xc3: {  	_ =	shalt  }
tec
execute0_lowered:
.L_overlay_start_1:
0x0: {  	(tag) =	ssettag $0x1  }
0x1: {  	s1 =	rddreg [dreg:$0x0]  }
0x2: {  	s0 =	rddreg [dreg:$0x1];
	s2 =	simm.s32 $0x0  }
0x3: {  	s23 =	srdreg.scid;
	s4 =	stileid.u32;
	s10 =	simm.s32 $0x11  }
0x4: {  	s11 =	simm.s32 $0x70;
	s17 =	simm.s32 $0x1;
	s18 =	simm.s32 $0x2  }
0x5: {  	v1 =	vimm.f32 $7.500000000e-01;
	s19 =	simm.s32 $0x3;
	s20 =	simm.s32 $0x4;
	s21 =	simm.s32 $0x5  }
0x6: {  	vm0 =	vcmask $0x1F00;
	vm1 =	vcmask $0x2F20;
	vm2 =	vcmask $0xF00;
	s22 =	simm.s32 $0x6;
	s8 =	simm.s32 $0x9;
	s28 =	simm.s32 $0xB  }
0x7: {  	s29 =	simm.s32 $0xC;
	s30 =	simm.s32 $0xD;
	s31 =	simm.s32 $0xE;
	v0 =	vsel vm0, $0x3E800000, v1;
	vm0 =	vmor vm2, vm1;
	vm1 =	vcmask $0x700  }
0x8: {  	[smem:$0x7FF] =	sst s2;
	s2 =	sand.u32 $0x1, s23;
	s5 =	sshll.u32 s4, $0x6;
	vm2 =	vcmask $0x300;
	v1 =	vsel vm1, $0x3E800000, v1;
	vm1 =	vcmask $0xB08  }
0x9: {  	vm3 =	vcmask $0x1710;
	s4 =	sadd.s32 $0xE00, s0;
	s6 =	sadd.s32 $0x4E00, s0;
	s0 =	sadd.s32 $0xE20, s0;
	vm1 =	vmor vm2, vm1;
	vm2 =	vcmask $0x1310  }
0xa: {  	v2 =	vlaneseq.u32;
	s23 =	simm.s32 $0x7;
	s3 =	ssub.s32 $0x2, s2;
	s2 =	sshll.u32 s2, $0x5;
	vm1 =	vmor vm1, vm2;
	vm2 =	vcmask $0x1B18  }
0xb: {  	_ =	strace $0x80000047;
	s7 =	sshrl.u32 s3, $0x1;
	s5 =	sor.u32 s2, s5;
	v1 =	vsel vm3, $0x3E800000, v1;
	vm1 =	vmor vm1, vm2;
	vm2 =	vcmask $0x2320  }
0xc: {  	[dreg:$0x4] =	wrdreg s0;
	vm3 =	vcmask $0x2720;
	s24 =	ssub.s32 s3, s7;
	s25 =	sshll.u32 s5, $0x4;
	vm1 =	vmor vm1, vm2;
	vm2 =	vcmask $0x2B28  }
0xd: {  	p0 =	sgt.u32 s5, $0x3C9;
	v1 =	vsel vm3, $0x3E800000, v1;
	s3 =	sadd.s32 s4, s25;
	s26 =	smax.u32 s24, $0x1;
	vm1 =	vmor vm1, vm2;
	vm2 =	vcmask $0x3330  }
0xe: {  	vm3 =	vcmask $0x3730;
	s24 =	simm.s32 $0xD140;
	s25 =	simm.s32 $0x8;
	[dreg:$0x3] =	wrdreg s3;
	vm1 =	vmor vm1, vm2;
	vm2 =	vcmask $0x3B38  }
0xf: {  	v2 =	vmul.u32 $0x31, v2;
	v1 =	vsel vm3, $0x3E800000, v1;
	[dreg:$0x5] =	wrdreg s26;
	s26 =	simm.s32 $0xA;
	s3 =	simm.s32 $0x0;
	vm1 =	vmor vm1, vm2  }
.LBB2_1:
0x10: {  	[dreg:$0x6] =	wrdreg s3  }
0x11: {  	s0 =	simm.s32 $0x0;
	s2 =	rddreg [dreg:$0x3]  }
0x12: {  	[tilespmem:s0], [sflag:$0x11] =	stream.linear.gather [hbm4b:s2+s0], $0x80, $0x38;
	[tilespmem:$0xE9C0] =	vst v63  }
0x13: {  	_ =	swait.ge [sflag:s10], $0x80  }
0x14: {  	[sflag:s10] =	ssyncset.done $0x0  }
0x15: {  	[sflag:s10] =	ssyncadd.s32 $0xFFFFFF80  }
0x16: {  	v3 =	vld [tilespmem:$0x40]  }
0x17: {  	v4 =	vld [tilespmem:$0x50]  }
0x18: {  	v10 =	vld [tilespmem:$0x60]  }
0x19: {  	v11 =	vld [tilespmem:$0x70];
	_ =	sdelay $0x3  }
0x1a: {  	v5 =	vld [tilespmem:$0x0];
	v7 =	vtrunc.f32 v3;
	v8 =	vtrunc.f32 v4  }
0x1b: {  	v6 =	vld [tilespmem:$0x10];
	v12 =	vtrunc.f32 v10;
	v13 =	vtrunc.f32 v11  }
0x1c: {  	v9 =	vld [tilespmem:$0x20];
	v7 =	vcvt.f32.s32 v7;
	v8 =	vcvt.f32.s32 v8  }
0x1d: {  	s3 =	simm.s32 $0x0;
	s0 =	simm.s32 $0x720;
	s2 =	simm.s32 $0x100;
	v10 =	vld [tilespmem:$0x30];
	v11 =	vcvt.f32.s32 v12;
	v12 =	vcvt.f32.s32 v13  }
.LBB2_2:
0x1e: {  	v13 =	vmov s3  }
0x1f: {  	v13 =	vcvt.s32.f32 v13;
	_ =	sdelay $0x1  }
0x20: {  	v13 =	vbroadcast v13, $0x0;
	_ =	sdelay $0x1  }
0x21: {  	s7 =	simm.s32 $0x0;
	v13 =	vadd.f32 v0, v13  }
0x22: {  	v14 =	vmov s7  }
0x23: {  	v14 =	vcvt.s32.f32 v14;
	v13 =	vmul.f32 v13, v9;
	_ =	sdelay $0x1  }
0x24: {  	v14 =	vbroadcast v14, $0x0;
	v13 =	vadd.f32 v13, v5;
	_ =	sdelay $0x1  }
0x25: {  	v14 =	vadd.f32 v1, v14;
	v13 =	vmax.f32 v13, $0.0e+00  }
0x26: {  	v15 =	vtrunc.f32 v13  }
0x27: {  	v14 =	vmul.f32 v14, v10;
	v15 =	vcvt.f32.s32 v15  }
0x28: {  	s14 =	simm.s32 $0x1  }
0x29: {  	v17 =	vmov s14;
	v14 =	vadd.f32 v14, v6;
	v15 =	vcvt.s32.f32 v15  }
0x2a: {  	v17 =	vcvt.s32.f32 v17  }
0x2b: {  	v14 =	vmax.f32 v14, $0.0e+00;
	vm2 =	vle.f32 v3, v15;
	v13 =	vsub.f32 v13, v15  }
0x2c: {  	v16 =	vsel vm2, v3, v15;
	v15 =	vbroadcast v17, $0x0;
	v17 =	vtrunc.f32 v14  }
0x2d: {  	v16 =	vtrunc.f32 v16;
	v17 =	vcvt.f32.s32 v17;
	v13 =	vsel vm2, $0x0, v13  }
0x2e: {  	v16 =	vcvt.f32.s32 v16;
	v15 =	vadd.f32 v1, v15;
	v19 =	vsub.f32 $1.000000000e+00, v13  }
0x2f: {  	v17 =	vcvt.s32.f32 v17  }
0x30: {  	s15 =	simm.s32 $0x2;
	v18 =	vadd.s32 $0x1, v16;
	v15 =	vmul.f32 v15, v10;
	v13 =	vsel vm0, v19, v13  }
0x31: {  	v19 =	vmov s15;
	vm2 =	vlt.s32 v18, v7;
	v14 =	vsub.f32 v14, v17  }
0x32: {  	v18 =	vsel vm2, v18, v7;
	vm2 =	vle.f32 v4, v17;
	v15 =	vadd.f32 v15, v6  }
0x33: {  	v20 =	vsel vm2, v4, v17;
	v16 =	vsel vm0, v16, v18;
	v17 =	vcvt.s32.f32 v19  }
0x34: {  	v14 =	vsel vm2, $0x0, v14;
	v18 =	vtrunc.f32 v20;
	v15 =	vmax.f32 v15, $0.0e+00  }
0x35: {  	v20 =	vsub.f32 $1.000000000e+00, v14;
	v18 =	vcvt.f32.s32 v18;
	v19 =	vtrunc.f32 v15  }
0x36: {  	v17 =	vbroadcast v17, $0x0;
	v19 =	vcvt.f32.s32 v19  }
0x37: {  	v16 =	vmul.u32 v11, v16;
	v14 =	vsel vm1, v20, v14;
	v21 =	vadd.s32 $0x1, v18  }
0x38: {  	v17 =	vadd.f32 v1, v17;
	vm2 =	vlt.s32 v21, v8;
	v19 =	vcvt.s32.f32 v19  }
0x39: {  	v62 =	vmul.f32 v14, v13;
	v14 =	vadd.s32 v12, v16;
	v20 =	vsel vm2, v21, v8  }
0x3a: {  	s16 =	simm.s32 $0x3;
	v16 =	vmul.f32 v17, v10;
	v17 =	vsel vm1, v18, v20;
	vm2 =	vle.f32 v4, v19  }
0x3b: {  	v20 =	vmul.f32 $2.500000000e-01, v62;
	v18 =	vmov s16;
	v17 =	vadd.s32 v17, v14  }
0x3c: {  	v15 =	vsub.f32 v15, v19;
	v16 =	vadd.f32 v16, v6;
	v63 =	vsel vm2, v4, v19;
	[tilespmem:s2+$0x0] =	vst v17  }
0x3d: {  	s12 =	simm.s32 $0x4;
	s9 =	smov.u32 s2;
	s7 =	smov.u32 s0;
	v17 =	vcvt.s32.f32 v18;
	v18 =	vtrunc.f32 v63;
	[tilespmem:s0+$0x0] =	vst v20  }
.LBB2_3:
0x3e: {  	p1 =	sne.s32 s12, $0x6;
	v19 =	vmax.f32 v16, $0.0e+00;
	v16 =	vcvt.f32.s32 v18;
	v15 =	vsel vm2, $0x0, v15  }
0x3f: {  	v17 =	vbroadcast v17, $0x0;
	v18 =	vtrunc.f32 v19;
	v20 =	vsub.f32 $1.000000000e+00, v15  }
0x40: {  	v18 =	vcvt.f32.s32 v18;
	v21 =	vadd.s32 $0x1, v16  }
0x41: {  	v17 =	vadd.f32 v1, v17;
	vm2 =	vlt.s32 v21, v8;
	v15 =	vsel vm1, v20, v15  }
.Ltmp0:
0x42: {  	v18 =	vcvt.s32.f32 v18;
	v20 =	vsel vm2, v21, v8;
	v15 =	vmul.f32 v15, v13;
	(pc) =	sbr.rel @p1 .LBB2_3-.Ltmp0, $4  }
0x43: {  	v21 =	vmov s12;
	v17 =	vmul.f32 v17, v10;
	v16 =	vsel vm1, v16, v20  }
0x44: {  	s9 =	sadd.s32 $0x10, s9;
	vm2 =	vle.f32 v4, v18;
	v20 =	vadd.s32 v16, v14;
	v22 =	vmul.f32 $2.500000000e-01, v15  }
0x45: {  	s7 =	sadd.s32 $0x10, s7;
	v15 =	vsub.f32 v19, v18;
	v16 =	vadd.f32 v17, v6;
	v23 =	vsel vm2, v4, v18;
	[tilespmem:s9+$0x0] =	vst v20  }
0x46: {  	s12 =	sadd.s32 $0x1, s12;
	v17 =	vcvt.s32.f32 v21;
	v18 =	vtrunc.f32 v23;
	[tilespmem:s7+$0x0] =	vst v22  }
0x47: {  	_ = 	snop  }
0x48: {  	v17 =	vbroadcast v17, $0x0;
	_ =	sdelay $0x1  }
0x49: {  	v17 =	vadd.f32 v1, v17;
	_ =	sdelay $0x1  }
0x4a: {  	v17 =	vmul.f32 v17, v10  }
0x4b: {  	v16 =	vmax.f32 v16, $0.0e+00  }
0x4c: {  	v18 =	vcvt.f32.s32 v18;
	v19 =	vtrunc.f32 v16;
	v17 =	vadd.f32 v17, v6  }
0x4d: {  	v15 =	vsel vm2, $0x0, v15;
	v19 =	vcvt.f32.s32 v19  }
0x4e: {  	v20 =	vsub.f32 $1.000000000e+00, v15;
	v21 =	vadd.s32 $0x1, v18;
	v17 =	vmax.f32 v17, $0.0e+00  }
0x4f: {  	vm2 =	vlt.s32 v21, v8;
	v19 =	vcvt.s32.f32 v19;
	v22 =	vtrunc.f32 v17  }
0x50: {  	v15 =	vsel vm1, v20, v15;
	v21 =	vsel vm2, v21, v8;
	v57 =	vcvt.f32.s32 v22  }
0x51: {  	v15 =	vmul.f32 v15, v13;
	vm2 =	vle.f32 v4, v19;
	v16 =	vsub.f32 v16, v19  }
0x52: {  	v18 =	vsel vm1, v18, v21;
	v19 =	vsel vm2, v4, v19;
	v20 =	vcvt.s32.f32 v57  }
0x53: {  	v18 =	vadd.s32 v18, v14;
	v19 =	vtrunc.f32 v19;
	v16 =	vsel vm2, $0x0, v16  }
0x54: {  	v19 =	vcvt.f32.s32 v19;
	v58 =	vsub.f32 $1.000000000e+00, v16;
	vm2 =	vle.f32 v4, v20  }
0x55: {  	v15 =	vmul.f32 $2.500000000e-01, v15;
	v17 =	vsub.f32 v17, v20;
	v20 =	vsel vm2, v4, v20  }
0x56: {  	v16 =	vsel vm1, v58, v16;
	v59 =	vadd.s32 $0x1, v19;
	v20 =	vtrunc.f32 v20  }
0x57: {  	s9 =	sadd.s32 $0x10, s9;
	v16 =	vmul.f32 v16, v13;
	v17 =	vsel vm2, $0x0, v17;
	v20 =	vcvt.f32.s32 v20  }
0x58: {  	s7 =	sadd.s32 $0x10, s7;
	[tilespmem:s9+$0x0] =	vst v18;
	vm2 =	vlt.s32 v59, v8;
	v60 =	vsub.f32 $1.000000000e+00, v17  }
0x59: {  	s3 =	sadd.s32 $0x1, s3;
	[tilespmem:s7+$0x0] =	vst v15;
	v15 =	vmul.f32 $2.500000000e-01, v16;
	v21 =	vsel vm2, v59, v8;
	v61 =	vadd.s32 $0x1, v20  }
0x5a: {  	p1 =	sne.s32 s3, $0x7;
	v19 =	vsel vm1, v19, v21;
	v17 =	vsel vm1, v60, v17;
	vm2 =	vlt.s32 v61, v8  }
.Ltmp1:
0x5b: {  	s9 =	sadd.s32 $0x10, s9;
	v62 =	vadd.s32 v19, v14;
	v13 =	vmul.f32 v17, v13;
	v63 =	vsel vm2, v61, v8;
	(pc) =	sbr.rel @p1 .LBB2_2-.Ltmp1, $4  }
0x5c: {  	s7 =	sadd.s32 $0x10, s7;
	[tilespmem:s9+$0x0] =	vst v62;
	v16 =	vsel vm1, v20, v63  }
0x5d: {  	s9 =	sadd.s32 $0x10, s9;
	[tilespmem:s7+$0x0] =	vst v15;
	v13 =	vmul.f32 $2.500000000e-01, v13;
	v14 =	vadd.s32 v16, v14  }
0x5e: {  	s7 =	sadd.s32 $0x10, s7;
	[tilespmem:s9+$0x0] =	vst v14  }
0x5f: {  	s0 =	sadd.s32 $0x70, s0;
	s2 =	sadd.s32 $0x70, s2;
	[tilespmem:s7+$0x0] =	vst v13  }
0x60: {  	s0 =	simm.s32 $0x100;
	s2 =	simm.s32 $0xD40  }
0x61: {  	[tilespmem:s2], [sflag:$0x1] =	stream.indirect.gather [hbm4b:s1+s11], $0x20, s0, s11, $0xb8;
	[tilespmem:$0xE9C0] =	vst v63  }
0x62: {  	s13 =	simm.s32 $0x170;
	s14 =	simm.s32 $0x1B40  }
0x63: {  	[tilespmem:s14], [sflag:$0x2] =	stream.indirect.gather [hbm4b:s1+s11], $0x20, s13, s11, $0xb8;
	[tilespmem:$0xE9C0] =	vst v63  }
0x64: {  	s15 =	simm.s32 $0x1E0;
	s16 =	simm.s32 $0x2940  }
0x65: {  	[tilespmem:s16], [sflag:$0x3] =	stream.indirect.gather [hbm4b:s1+s11], $0x20, s15, s11, $0xb8;
	[tilespmem:$0xE9C0] =	vst v63  }
0x66: {  	s3 =	simm.s32 $0x250;
	s7 =	simm.s32 $0x3740  }
0x67: {  	[tilespmem:s7], [sflag:$0x4] =	stream.indirect.gather [hbm4b:s1+s11], $0x20, s3, s11, $0xb8;
	[tilespmem:$0xE9C0] =	vst v63  }
0x68: {  	s9 =	simm.s32 $0x2C0;
	s12 =	simm.s32 $0x4540  }
0x69: {  	[tilespmem:s12], [sflag:$0x5] =	stream.indirect.gather [hbm4b:s1+s11], $0x20, s9, s11, $0xb8;
	[tilespmem:$0xE9C0] =	vst v63  }
0x6a: {  	s0 =	simm.s32 $0x0;
	s13 =	simm.s32 $0x330;
	s14 =	simm.s32 $0x5340  }
0x6b: {  	[tilespmem:s14], [sflag:$0x6] =	stream.indirect.gather [hbm4b:s1+s11], $0x20, s13, s11, $0xb8;
	[tilespmem:$0xE9C0] =	vst v63  }
0x6c: {  	s2 =	simm.s32 $0x0;
	s15 =	simm.s32 $0x3A0;
	s16 =	simm.s32 $0x6140  }
0x6d: {  	[tilespmem:s16], [sflag:$0x7] =	stream.indirect.gather [hbm4b:s1+s11], $0x20, s15, s11, $0xb8;
	[tilespmem:$0xE9C0] =	vst v63  }
.LBB2_6:
0x6e: {  	s3 =	sshll.u32 s2, $0x1  }
0x6f: {  	s7 =	sadd.s32 s5, s3  }
0x70: {  	s3 =	sor.u32 $0x1, s7  }
0x71: {  	s9 =	sshll.u32 s3, $0x4  }
0x72: {  	s9 =	sand.u32 $0x1FFFFFF0, s9  }
0x73: {  	s12 =	simm.s32 $0x80;
	s9 =	sadd.s32 s4, s9  }
0x74: {  	[tilespmem:s12], [sflag:$0x11] =	stream.linear.gather [hbm4b:s9+s0], $0x80, $0x38;
	[tilespmem:$0xE9C0] =	vst v63  }
0x75: {  	_ =	swait.ge [sflag:s10], $0x80  }
0x76: {  	[sflag:s10] =	ssyncset.done $0x0  }
0x77: {  	[sflag:s10] =	ssyncadd.s32 $0xFFFFFF80  }
0x78: {  	v3 =	vld [tilespmem:$0xC0]  }
0x79: {  	v4 =	vld [tilespmem:$0xD0]  }
0x7a: {  	v10 =	vld [tilespmem:$0xE0]  }
0x7b: {  	v11 =	vld [tilespmem:$0xF0];
	_ =	sdelay $0x3  }
0x7c: {  	v5 =	vld [tilespmem:$0x80];
	v7 =	vtrunc.f32 v3;
	v8 =	vtrunc.f32 v4  }
0x7d: {  	v6 =	vld [tilespmem:$0x90];
	v12 =	vtrunc.f32 v10;
	v13 =	vtrunc.f32 v11  }
0x7e: {  	v9 =	vld [tilespmem:$0xA0];
	v7 =	vcvt.f32.s32 v7;
	v8 =	vcvt.f32.s32 v8  }
0x7f: {  	s14 =	simm.s32 $0xA30;
	s15 =	simm.s32 $0x410;
	s13 =	simm.s32 $0x0;
	v10 =	vld [tilespmem:$0xB0];
	v11 =	vcvt.f32.s32 v12;
	v12 =	vcvt.f32.s32 v13  }
.LBB2_7:
0x80: {  	v13 =	vmov s13  }
0x81: {  	v13 =	vcvt.s32.f32 v13;
	_ =	sdelay $0x1  }
0x82: {  	v13 =	vbroadcast v13, $0x0;
	_ =	sdelay $0x1  }
0x83: {  	s9 =	simm.s32 $0x0;
	v13 =	vadd.f32 v0, v13  }
0x84: {  	v14 =	vmov s9  }
0x85: {  	v14 =	vcvt.s32.f32 v14;
	v13 =	vmul.f32 v13, v9;
	_ =	sdelay $0x1  }
0x86: {  	v14 =	vbroadcast v14, $0x0;
	v13 =	vadd.f32 v13, v5;
	_ =	sdelay $0x1  }
0x87: {  	v14 =	vadd.f32 v1, v14;
	v13 =	vmax.f32 v13, $0.0e+00  }
0x88: {  	v15 =	vtrunc.f32 v13  }
0x89: {  	v14 =	vmul.f32 v14, v10;
	v15 =	vcvt.f32.s32 v15  }
0x8a: {  	s16 =	simm.s32 $0x1  }
0x8b: {  	v17 =	vmov s16;
	v14 =	vadd.f32 v14, v6;
	v15 =	vcvt.s32.f32 v15  }
0x8c: {  	v17 =	vcvt.s32.f32 v17  }
0x8d: {  	v14 =	vmax.f32 v14, $0.0e+00;
	vm2 =	vle.f32 v3, v15;
	v13 =	vsub.f32 v13, v15  }
0x8e: {  	v16 =	vsel vm2, v3, v15;
	v15 =	vbroadcast v17, $0x0;
	v17 =	vtrunc.f32 v14  }
0x8f: {  	v16 =	vtrunc.f32 v16;
	v17 =	vcvt.f32.s32 v17;
	v13 =	vsel vm2, $0x0, v13  }
0x90: {  	v16 =	vcvt.f32.s32 v16;
	v15 =	vadd.f32 v1, v15;
	v19 =	vsub.f32 $1.000000000e+00, v13  }
0x91: {  	v17 =	vcvt.s32.f32 v17  }
0x92: {  	s12 =	simm.s32 $0x2;
	v18 =	vadd.s32 $0x1, v16;
	v15 =	vmul.f32 v15, v10;
	v13 =	vsel vm0, v19, v13  }
0x93: {  	v19 =	vmov s12;
	vm2 =	vlt.s32 v18, v7;
	v14 =	vsub.f32 v14, v17  }
0x94: {  	v18 =	vsel vm2, v18, v7;
	vm2 =	vle.f32 v4, v17;
	v15 =	vadd.f32 v15, v6  }
0x95: {  	v20 =	vsel vm2, v4, v17;
	v16 =	vsel vm0, v16, v18;
	v17 =	vcvt.s32.f32 v19  }
0x96: {  	v14 =	vsel vm2, $0x0, v14;
	v18 =	vtrunc.f32 v20;
	v15 =	vmax.f32 v15, $0.0e+00  }
0x97: {  	v20 =	vsub.f32 $1.000000000e+00, v14;
	v18 =	vcvt.f32.s32 v18;
	v19 =	vtrunc.f32 v15  }
0x98: {  	v17 =	vbroadcast v17, $0x0;
	v19 =	vcvt.f32.s32 v19  }
0x99: {  	v16 =	vmul.u32 v11, v16;
	v14 =	vsel vm1, v20, v14;
	v21 =	vadd.s32 $0x1, v18  }
0x9a: {  	v17 =	vadd.f32 v1, v17;
	vm2 =	vlt.s32 v21, v8;
	v19 =	vcvt.s32.f32 v19  }
0x9b: {  	v62 =	vmul.f32 v14, v13;
	v14 =	vadd.s32 v12, v16;
	v20 =	vsel vm2, v21, v8  }
0x9c: {  	s16 =	simm.s32 $0x3;
	v16 =	vmul.f32 v17, v10;
	v17 =	vsel vm1, v18, v20;
	vm2 =	vle.f32 v4, v19  }
0x9d: {  	v20 =	vmul.f32 $2.500000000e-01, v62;
	v18 =	vmov s16;
	v17 =	vadd.s32 v17, v14  }
0x9e: {  	v15 =	vsub.f32 v15, v19;
	v16 =	vadd.f32 v16, v6;
	v63 =	vsel vm2, v4, v19;
	[tilespmem:s15+$0x0] =	vst v17  }
0x9f: {  	s9 =	smov.u32 s14;
	s12 =	smov.u32 s15;
	s16 =	simm.s32 $0x4;
	v17 =	vcvt.s32.f32 v18;
	v18 =	vtrunc.f32 v63;
	[tilespmem:s14+$0x0] =	vst v20  }
.LBB2_8:
0xa0: {  	p1 =	sne.s32 s16, $0x6;
	v19 =	vmax.f32 v16, $0.0e+00;
	v16 =	vcvt.f32.s32 v18;
	v15 =	vsel vm2, $0x0, v15  }
0xa1: {  	v17 =	vbroadcast v17, $0x0;
	v18 =	vtrunc.f32 v19;
	v20 =	vsub.f32 $1.000000000e+00, v15  }
0xa2: {  	v18 =	vcvt.f32.s32 v18;
	v21 =	vadd.s32 $0x1, v16  }
0xa3: {  	v17 =	vadd.f32 v1, v17;
	vm2 =	vlt.s32 v21, v8;
	v15 =	vsel vm1, v20, v15  }
.Ltmp2:
0xa4: {  	v18 =	vcvt.s32.f32 v18;
	v20 =	vsel vm2, v21, v8;
	v15 =	vmul.f32 v15, v13;
	(pc) =	sbr.rel @p1 .LBB2_8-.Ltmp2, $4  }
0xa5: {  	v21 =	vmov s16;
	v17 =	vmul.f32 v17, v10;
	v16 =	vsel vm1, v16, v20  }
0xa6: {  	s12 =	sadd.s32 $0x10, s12;
	vm2 =	vle.f32 v4, v18;
	v20 =	vadd.s32 v16, v14;
	v22 =	vmul.f32 $2.500000000e-01, v15  }
0xa7: {  	s9 =	sadd.s32 $0x10, s9;
	v15 =	vsub.f32 v19, v18;
	v16 =	vadd.f32 v17, v6;
	v23 =	vsel vm2, v4, v18;
	[tilespmem:s12+$0x0] =	vst v20  }
0xa8: {  	s16 =	sadd.s32 $0x1, s16;
	v17 =	vcvt.s32.f32 v21;
	v18 =	vtrunc.f32 v23;
	[tilespmem:s9+$0x0] =	vst v22  }
0xa9: {  	_ = 	snop  }
0xaa: {  	v17 =	vbroadcast v17, $0x0;
	_ =	sdelay $0x1  }
0xab: {  	v17 =	vadd.f32 v1, v17;
	_ =	sdelay $0x1  }
0xac: {  	v17 =	vmul.f32 v17, v10  }
0xad: {  	v16 =	vmax.f32 v16, $0.0e+00  }
0xae: {  	v18 =	vcvt.f32.s32 v18;
	v19 =	vtrunc.f32 v16;
	v17 =	vadd.f32 v17, v6  }
0xaf: {  	v15 =	vsel vm2, $0x0, v15;
	v19 =	vcvt.f32.s32 v19  }
0xb0: {  	v20 =	vsub.f32 $1.000000000e+00, v15;
	v21 =	vadd.s32 $0x1, v18;
	v17 =	vmax.f32 v17, $0.0e+00  }
0xb1: {  	vm2 =	vlt.s32 v21, v8;
	v19 =	vcvt.s32.f32 v19;
	v22 =	vtrunc.f32 v17  }
0xb2: {  	v15 =	vsel vm1, v20, v15;
	v21 =	vsel vm2, v21, v8;
	v57 =	vcvt.f32.s32 v22  }
0xb3: {  	v15 =	vmul.f32 v15, v13;
	vm2 =	vle.f32 v4, v19;
	v16 =	vsub.f32 v16, v19  }
0xb4: {  	v18 =	vsel vm1, v18, v21;
	v19 =	vsel vm2, v4, v19;
	v20 =	vcvt.s32.f32 v57  }
0xb5: {  	v18 =	vadd.s32 v18, v14;
	v19 =	vtrunc.f32 v19;
	v16 =	vsel vm2, $0x0, v16  }
0xb6: {  	v19 =	vcvt.f32.s32 v19;
	v58 =	vsub.f32 $1.000000000e+00, v16;
	vm2 =	vle.f32 v4, v20  }
0xb7: {  	v15 =	vmul.f32 $2.500000000e-01, v15;
	v17 =	vsub.f32 v17, v20;
	v20 =	vsel vm2, v4, v20  }
0xb8: {  	v16 =	vsel vm1, v58, v16;
	v59 =	vadd.s32 $0x1, v19;
	v20 =	vtrunc.f32 v20  }
0xb9: {  	s12 =	sadd.s32 $0x10, s12;
	v16 =	vmul.f32 v16, v13;
	v17 =	vsel vm2, $0x0, v17;
	v20 =	vcvt.f32.s32 v20  }
0xba: {  	s9 =	sadd.s32 $0x10, s9;
	[tilespmem:s12+$0x0] =	vst v18;
	vm2 =	vlt.s32 v59, v8;
	v60 =	vsub.f32 $1.000000000e+00, v17  }
0xbb: {  	s13 =	sadd.s32 $0x1, s13;
	[tilespmem:s9+$0x0] =	vst v15;
	v15 =	vmul.f32 $2.500000000e-01, v16;
	v21 =	vsel vm2, v59, v8;
	v61 =	vadd.s32 $0x1, v20  }
0xbc: {  	p1 =	sne.s32 s13, $0x7;
	v19 =	vsel vm1, v19, v21;
	v17 =	vsel vm1, v60, v17;
	vm2 =	vlt.s32 v61, v8  }
.Ltmp3:
0xbd: {  	s12 =	sadd.s32 $0x10, s12;
	v62 =	vadd.s32 v19, v14;
	v13 =	vmul.f32 v17, v13;
	v63 =	vsel vm2, v61, v8;
	(pc) =	sbr.rel @p1 .LBB2_7-.Ltmp3, $4  }
0xbe: {  	s9 =	sadd.s32 $0x10, s9;
	[tilespmem:s12+$0x0] =	vst v62;
	v16 =	vsel vm1, v20, v63  }
0xbf: {  	s12 =	sadd.s32 $0x10, s12;
	[tilespmem:s9+$0x0] =	vst v15;
	v13 =	vmul.f32 $2.500000000e-01, v13;
	v14 =	vadd.s32 v16, v14  }
0xc0: {  	s9 =	sadd.s32 $0x10, s9;
	[tilespmem:s12+$0x0] =	vst v14  }
0xc1: {  	s14 =	sadd.s32 $0x70, s14;
	s15 =	sadd.s32 $0x70, s15;
	[tilespmem:s9+$0x0] =	vst v13  }
0xc2: {  	s9 =	simm.s32 $0x410;
	s12 =	simm.s32 $0x6F40  }
0xc3: {  	[tilespmem:s12], [sflag:$0x8] =	stream.indirect.gather [hbm4b:s1+s11], $0x20, s9, s11, $0xb8;
	[tilespmem:$0xE9C0] =	vst v63  }
0xc4: {  	s13 =	simm.s32 $0x480;
	s14 =	simm.s32 $0x7D40  }
0xc5: {  	[tilespmem:s14], [sflag:$0x9] =	stream.indirect.gather [hbm4b:s1+s11], $0x20, s13, s11, $0xb8;
	[tilespmem:$0xE9C0] =	vst v63  }
0xc6: {  	s15 =	simm.s32 $0x4F0;
	s16 =	simm.s32 $0x8B40;
	p1 =	sne.s32 s2, $0x0  }
0xc7: {  	[tilespmem:s16], [sflag:$0xA] =	stream.indirect.gather [hbm4b:s1+s11], $0x20, s15, s11, $0xb8;
	[tilespmem:$0xE9C0] =	vst v63  }
0xc8: {  	p2 =	slt.u32 s7, $0x3E9;
	s13 =	simm.s32 $0x560;
	s14 =	simm.s32 $0x9940  }
0xc9: {  	[tilespmem:s14], [sflag:$0xB] =	stream.indirect.gather [hbm4b:s1+s11], $0x20, s13, s11, $0xb8;
	[tilespmem:$0xE9C0] =	vst v63  }
0xca: {  	p1 =	por !p1, !p2;
	s15 =	simm.s32 $0x5D0;
	s16 =	simm.s32 $0xA740  }
0xcb: {  	[tilespmem:s16], [sflag:$0xC] =	stream.indirect.gather [hbm4b:s1+s11], $0x20, s15, s11, $0xb8;
	[tilespmem:$0xE9C0] =	vst v63  }
0xcc: {  	p2 =	por !p1, !p1;
	s13 =	simm.s32 $0x640;
	s14 =	simm.s32 $0xB540  }
0xcd: {  	[tilespmem:s14], [sflag:$0xD] =	stream.indirect.gather [hbm4b:s1+s11], $0x20, s13, s11, $0xb8;
	[tilespmem:$0xE9C0] =	vst v63  }
0xce: {  	s9 =	simm.s32 @p2 $0xF;
	s15 =	simm.s32 $0x6B0;
	s16 =	simm.s32 $0xC340  }
0xcf: {  	[tilespmem:s16], [sflag:$0xE] =	stream.indirect.gather [hbm4b:s1+s11], $0x20, s15, s11, $0xb8;
	[tilespmem:$0xE9C0] =	vst v63  }
0xd0: {  	_ =	swait.ge @p2 [sflag:s9], $0xC40  }
0xd1: {  	[sflag:s9] =	ssyncset.done @p2 $0x0  }
0xd2: {  	[sflag:s9] =	ssyncadd.s32 @p2 $0xFFFFF3C0  }
0xd3: {  	_ =	swait.ge [sflag:s17], $0xE00  }
0xd4: {  	[sflag:s17] =	ssyncset.done $0x0  }
0xd5: {  	[sflag:s17] =	ssyncadd.s32 $0xFFFFF200  }
0xd6: {  	_ =	swait.ge [sflag:s18], $0xE00  }
0xd7: {  	[sflag:s18] =	ssyncset.done $0x0  }
0xd8: {  	[sflag:s18] =	ssyncadd.s32 $0xFFFFF200  }
0xd9: {  	_ =	swait.ge [sflag:s19], $0xE00  }
0xda: {  	[sflag:s19] =	ssyncset.done $0x0  }
0xdb: {  	[sflag:s19] =	ssyncadd.s32 $0xFFFFF200  }
0xdc: {  	_ =	swait.ge [sflag:s20], $0xE00  }
0xdd: {  	[sflag:s20] =	ssyncset.done $0x0  }
0xde: {  	[sflag:s20] =	ssyncadd.s32 $0xFFFFF200  }
0xdf: {  	_ =	swait.ge [sflag:s21], $0xE00  }
0xe0: {  	[sflag:s21] =	ssyncset.done $0x0  }
0xe1: {  	[sflag:s21] =	ssyncadd.s32 $0xFFFFF200  }
0xe2: {  	_ =	swait.ge [sflag:s22], $0xE00  }
0xe3: {  	[sflag:s22] =	ssyncset.done $0x0  }
0xe4: {  	[sflag:s22] =	ssyncadd.s32 $0xFFFFF200  }
0xe5: {  	_ =	swait.ge [sflag:s23], $0xE00  }
0xe6: {  	s12 =	simm.s32 $0x720;
	[sflag:s23] =	ssyncset.done $0x0  }
0xe7: {  	s13 =	simm.s32 $0xE40;
	s9 =	simm.s32 $0x0;
	[sflag:s23] =	ssyncadd.s32 $0xFFFFF200  }
.LBB2_11:
0xe8: {  	v3 =	vld [tilespmem:s12+$0x0]  }
0xe9: {  	v4 =	vld [tilespmem:s13+$0xFFFFFF00]  }
0xea: {  	v5 =	vld [tilespmem:s13+$0xFFFFFF10]  }
0xeb: {  	v8 =	vld [tilespmem:s13+$0xFFFFFF20]  }
0xec: {  	v9 =	vld [tilespmem:s13+$0xFFFFFF30]  }
0xed: {  	v12 =	vld [tilespmem:s13+$0xFFFFFF40]  }
0xee: {  	v14 =	vld [tilespmem:s13+$0xFFFFFF50]  }
0xef: {  	v15 =	vld [tilespmem:s13+$0xFFFFFF60]  }
0xf0: {  	v17 =	vld [tilespmem:s13+$0xFFFFFF70];
	v6 =	vbroadcast v3, $0x0;
	v7 =	vunpack.i.l.bf16.f32 v4  }
0xf1: {  	v20 =	vld [tilespmem:s13+$0xFFFFFF80];
	v4 =	vunpack.i.u.bf16.f32 v4;
	v10 =	vunpack.i.l.bf16.f32 v5;
	v5 =	vunpack.i.u.bf16.f32 v5  }
0xf2: {  	v46 =	vld [tilespmem:s13+$0xFFFFFF90];
	v11 =	vbroadcast v3, $0x1;
	v41 =	vunpack.i.l.bf16.f32 v8;
	v8 =	vunpack.i.u.bf16.f32 v8  }
0xf3: {  	v52 =	vld [tilespmem:s13+$0xFFFFFFA0];
	v13 =	vunpack.i.l.bf16.f32 v9;
	v9 =	vunpack.i.u.bf16.f32 v9;
	v42 =	vbroadcast v3, $0x2  }
0xf4: {  	v26 =	vld [tilespmem:s13+$0xFFFFFFE0];
	v16 =	vunpack.i.u.bf16.f32 v12;
	v12 =	vunpack.i.l.bf16.f32 v12;
	v18 =	vunpack.i.u.bf16.f32 v14  }
0xf5: {  	v14 =	vunpack.i.l.bf16.f32 v14;
	v19 =	vbroadcast v3, $0x3;
	v43 =	vunpack.i.l.bf16.f32 v15  }
0xf6: {  	v45 =	vunpack.i.u.bf16.f32 v15;
	v47 =	vunpack.i.l.bf16.f32 v17;
	v48 =	vunpack.i.u.bf16.f32 v17  }
0xf7: {  	v56 =	vld [tilespmem:s13+$0xFFFFFFB0];
	v49 =	vbroadcast v3, $0x4;
	v51 =	vunpack.i.l.bf16.f32 v20;
	v53 =	vunpack.i.u.bf16.f32 v20  }
0xf8: {  	v57 =	vld [tilespmem:s13+$0xFFFFFFC0];
	v55 =	vunpack.i.l.bf16.f32 v46;
	v59 =	vbroadcast v3, $0x5;
	v60 =	vunpack.i.u.bf16.f32 v52  }
0xf9: {  	v24 =	vbroadcast v3, $0x6;
	v33 =	vbroadcast v3, $0x7;
	v35 =	vunpack.i.l.bf16.f32 v26  }
0xfa: {  	v63 =	vld [tilespmem:s13+$0xFFFFFFD0];
	v37 =	vunpack.i.u.bf16.f32 v26;
	v26 =	vbroadcast v3, $0xB;
	v7 =	vmul.f32 v7, v6  }
0xfb: {  	v61 =	vunpack.i.l.bf16.f32 v52;
	v4 =	vmul.f32 v4, v6;
	v10 =	vmul.f32 v10, v6  }
0xfc: {  	v29 =	vld [tilespmem:s13+$0xFFFFFFF0];
	v23 =	vunpack.i.u.bf16.f32 v56;
	v5 =	vmul.f32 v5, v6;
	v6 =	vmul.f32 v41, v11  }
0xfd: {  	v25 =	vunpack.i.l.bf16.f32 v57;
	v8 =	vmul.f32 v8, v11;
	v13 =	vmul.f32 v13, v11  }
0xfe: {  	v28 =	vunpack.i.u.bf16.f32 v57;
	v9 =	vmul.f32 v9, v11;
	v12 =	vmul.f32 v12, v42  }
0xff: {  	v31 =	vunpack.i.l.bf16.f32 v63;
	v16 =	vmul.f32 v16, v42;
	v14 =	vmul.f32 v14, v42  }
0x100: {  	v32 =	vunpack.i.u.bf16.f32 v63;
	v11 =	vmul.f32 v18, v42;
	v44 =	vmul.f32 v43, v19  }
0x101: {  	v39 =	vunpack.i.l.bf16.f32 v29;
	v50 =	vmul.f32 v48, v19;
	v15 =	vmul.f32 v51, v49  }
0x102: {  	v40 =	vld [tilespmem:s13+$0x10];
	v54 =	vmul.f32 v53, v49;
	v62 =	vmul.f32 v61, v59;
	v18 =	vunpack.i.l.bf16.f32 v56  }
0x103: {  	v27 =	vmul.f32 v25, v24;
	v30 =	vmul.f32 v28, v24;
	v7 =	vadd.f32 $0.0e+00, v7  }
0x104: {  	v34 =	vmul.f32 v32, v24;
	v4 =	vadd.f32 $0.0e+00, v4;
	v10 =	vadd.f32 $0.0e+00, v10  }
0x105: {  	v36 =	vld [tilespmem:s13+$0x0];
	v38 =	vmul.f32 v37, v33;
	v5 =	vadd.f32 $0.0e+00, v5;
	v6 =	vadd.f32 $0.0e+00, v6  }
0x106: {  	v41 =	vld [tilespmem:s13+$0x20];
	v43 =	vbroadcast v3, $0x8;
	v8 =	vadd.f32 $0.0e+00, v8;
	v13 =	vadd.f32 $0.0e+00, v13  }
0x107: {  	v48 =	vunpack.i.u.bf16.f32 v40;
	v56 =	vld [tilespmem:s13+$0x50];
	v9 =	vadd.f32 $0.0e+00, v9;
	v7 =	vadd.f32 v12, v7  }
0x108: {  	v61 =	vld [tilespmem:s13+$0x60];
	v18 =	vmul.f32 v18, v59;
	v4 =	vadd.f32 v16, v4;
	v10 =	vadd.f32 v14, v10  }
0x109: {  	v37 =	vld [tilespmem:s13+$0xB0];
	v5 =	vadd.f32 v11, v5;
	v6 =	vadd.f32 v44, v6;
	v11 =	vmul.f32 v45, v19  }
0x10a: {  	v12 =	vmul.f32 v47, v19;
	v9 =	vadd.f32 v50, v9;
	v14 =	vunpack.i.u.bf16.f32 v46  }
0x10b: {  	v44 =	vunpack.i.u.bf16.f32 v36;
	v45 =	vunpack.i.l.bf16.f32 v36;
	v58 =	vmul.f32 v14, v49  }
0x10c: {  	v14 =	vmul.f32 v23, v59;
	v46 =	vmul.f32 v45, v43;
	v50 =	vunpack.i.l.bf16.f32 v41  }
0x10d: {  	v53 =	vunpack.i.u.bf16.f32 v41;
	v25 =	vunpack.i.u.bf16.f32 v56;
	v28 =	vunpack.i.u.bf16.f32 v61  }
0x10e: {  	v41 =	vbroadcast v3, $0xD;
	v45 =	vunpack.i.l.bf16.f32 v37;
	v8 =	vadd.f32 v11, v8  }
0x10f: {  	v12 =	vadd.f32 v12, v13;
	v7 =	vadd.f32 v15, v7;
	v13 =	vmul.f32 v55, v49  }
0x110: {  	v4 =	vadd.f32 v54, v4;
	v6 =	vadd.f32 v62, v6;
	v15 =	vmul.f32 v35, v33  }
0x111: {  	v49 =	vbroadcast v3, $0x9;
	v16 =	vmul.f32 v28, v26;
	v5 =	vadd.f32 v58, v5  }
0x112: {  	s15 =	sadd.s32 $0x620, s9;
	v51 =	vld [tilespmem:s13+$0x40];
	v9 =	vadd.f32 v14, v9;
	v14 =	vunpack.i.u.bf16.f32 v29;
	v58 =	vbroadcast v3, $0xA  }
0x113: {  	v63 =	vld [tilespmem:s13+$0x70];
	v29 =	vunpack.i.l.bf16.f32 v61;
	v61 =	vadd.s32 s15, v2;
	v10 =	vadd.f32 v13, v10  }
0x114: {  	v47 =	vld [tilespmem:s13+$0x30];
	v13 =	vmul.f32 v60, v59;
	v12 =	vadd.f32 v18, v12;
	v7 =	vadd.f32 v27, v7  }
0x115: {  	v4 =	vadd.f32 v30, v4;
	v6 =	vadd.f32 v15, v6;
	v42 =	vmul.f32 v14, v33  }
0x116: {  	v18 =	vunpack.i.l.bf16.f32 v40;
	v14 =	vmul.f32 v48, v43;
	v52 =	vmul.f32 v50, v49  }
0x117: {  	v54 =	vmul.f32 v53, v49;
	v59 =	vunpack.i.u.bf16.f32 v51;
	v60 =	vunpack.i.l.bf16.f32 v51  }
0x118: {  	v30 =	vunpack.i.l.bf16.f32 v63;
	v48 =	vbroadcast v3, $0xE;
	v5 =	vadd.f32 v34, v5  }
0x119: {  	v18 =	vmul.f32 v18, v43;
	v55 =	vunpack.i.l.bf16.f32 v47;
	v62 =	vmul.f32 v60, v58  }
0x11a: {  	s14 =	sadd.s32 $0x310, s9;
	v57 =	vunpack.i.u.bf16.f32 v47;
	v17 =	vmul.f32 v59, v58;
	v32 =	vmul.f32 v30, v26  }
0x11b: {  	v34 =	vunpack.i.u.bf16.f32 v63;
	v60 =	vadd.s32 s14, v2;
	v8 =	vadd.f32 v13, v8  }
0x11c: {  	v27 =	vld [tilespmem:s13+$0x80];
	v13 =	vmul.f32 v31, v24;
	v9 =	vadd.f32 v42, v9;
	v7 =	vadd.f32 v46, v7  }
0x11d: {  	v36 =	vld [tilespmem:s13+$0xA0];
	v6 =	vadd.f32 v52, v6;
	v15 =	vmul.f32 v57, v49;
	v24 =	vunpack.i.l.bf16.f32 v56  }
0x11e: {  	v47 =	vld [tilespmem:s13+$0xE0];
	v5 =	vadd.f32 v14, v5;
	v11 =	vmul.f32 v24, v58;
	v14 =	vmul.f32 v34, v26  }
0x11f: {  	v31 =	vld [tilespmem:s13+$0x90];
	v10 =	vadd.f32 v13, v10;
	v13 =	vmul.f32 v39, v33;
	v8 =	vadd.f32 v38, v8  }
0x120: {  	v42 =	vld [tilespmem:s13+$0xC0];
	v9 =	vadd.f32 v15, v9;
	v7 =	vadd.f32 v62, v7;
	v33 =	vbroadcast v3, $0xC  }
0x121: {  	v46 =	vld [tilespmem:s13+$0xD0];
	v3 =	vbroadcast v3, $0xF;
	v35 =	vunpack.i.l.bf16.f32 v27;
	v15 =	vunpack.i.u.bf16.f32 v27  }
0x122: {  	v52 =	vld [tilespmem:s13+$0xF0];
	v12 =	vadd.f32 v13, v12;
	v13 =	vmul.f32 v44, v43;
	v10 =	vadd.f32 v18, v10  }
0x123: {  	v8 =	vadd.f32 v54, v8;
	v15 =	vmul.f32 v15, v33;
	v9 =	vadd.f32 v14, v9  }
0x124: {  	v43 =	vunpack.i.l.bf16.f32 v36;
	v44 =	vunpack.i.u.bf16.f32 v36;
	v54 =	vunpack.i.l.bf16.f32 v47  }
0x125: {  	v56 =	vunpack.i.u.bf16.f32 v47;
	v38 =	vunpack.i.u.bf16.f32 v31;
	v39 =	vunpack.i.l.bf16.f32 v31  }
0x126: {  	v14 =	vmul.f32 v44, v41;
	v50 =	vunpack.i.u.bf16.f32 v42;
	v51 =	vunpack.i.l.bf16.f32 v46  }
0x127: {  	v53 =	vunpack.i.u.bf16.f32 v46;
	v57 =	vunpack.i.l.bf16.f32 v52;
	v59 =	vunpack.i.u.bf16.f32 v52  }
0x128: {  	v4 =	vadd.f32 v13, v4;
	v13 =	vmul.f32 v55, v49;
	v10 =	vadd.f32 v11, v10  }
0x129: {  	v8 =	vadd.f32 v16, v8;
	v40 =	vmul.f32 v39, v33;
	v16 =	vunpack.i.u.bf16.f32 v37  }
0x12a: {  	v49 =	vunpack.i.l.bf16.f32 v42;
	v55 =	vmul.f32 v54, v3;
	v12 =	vadd.f32 v13, v12  }
0x12b: {  	v4 =	vadd.f32 v17, v4;
	v13 =	vmul.f32 v25, v58;
	v17 =	vmul.f32 v29, v26  }
0x12c: {  	v10 =	vadd.f32 v40, v10;
	v8 =	vadd.f32 v14, v8;
	v14 =	vmul.f32 v49, v48  }
0x12d: {  	v58 =	vadd.s32 s9, v2;
	v11 =	vadd.f32 v32, v12;
	v12 =	vmul.f32 v35, v33  }
0x12e: {  	v5 =	vadd.f32 v13, v5;
	v6 =	vadd.f32 v17, v6;
	v13 =	vmul.f32 v38, v33  }
0x12f: {  	v4 =	vadd.f32 v15, v4;
	v7 =	vadd.f32 v12, v7;
	v12 =	vmul.f32 v16, v41  }
0x130: {  	v17 =	vmul.f32 v45, v41;
	v5 =	vadd.f32 v13, v5;
	v13 =	vmul.f32 v43, v41  }
0x131: {  	v15 =	vmul.f32 v51, v48;
	v9 =	vadd.f32 v12, v9;
	v12 =	vmul.f32 v50, v48  }
0x132: {  	v11 =	vadd.f32 v17, v11;
	v6 =	vadd.f32 v13, v6;
	v13 =	vmul.f32 v53, v48  }
0x133: {  	v7 =	vadd.f32 v14, v7;
	v4 =	vadd.f32 v12, v4;
	v12 =	vmul.f32 v56, v3  }
0x134: {  	v5 =	vadd.f32 v13, v5;
	v6 =	vadd.f32 v55, v6;
	v13 =	vmul.f32 v57, v3  }
0x135: {  	s16 =	sadd.s32 $0x930, s9;
	v10 =	vadd.f32 v15, v10;
	v3 =	vmul.f32 v59, v3;
	v8 =	vadd.f32 v12, v8  }
0x136: {  	p1 =	sne.s32 s9, $0x30;
	v62 =	vadd.s32 s16, v2;
	v11 =	vadd.f32 v13, v11;
	v6 =	vadd.f32 v6, v7  }
.Ltmp4:
0x137: {  	v3 =	vadd.f32 v3, v9;
	v4 =	vadd.f32 v8, v4;
	(pc) =	sbr.rel @p1 .LBB2_11-.Ltmp4, $4  }
0x138: {  	[tilespmem:v58+s24+$0x0] =	vst.idx.msk $0xffff, v6;
	v63 =	vadd.f32 v11, v10  }
0x139: {  	v3 =	vadd.f32 v3, v5;
	[tilespmem:v60+s24+$0x0] =	vst.idx.msk $0xffff, v4  }
0x13a: {  	[tilespmem:v61+s24+$0x0] =	vst.idx.msk $0xffff, v63  }
0x13b: {  	s12 =	sadd.s32 $0x10, s12;
	s13 =	sadd.s32 $0x200, s13;
	s9 =	sadd.s32 $0x1, s9;
	[tilespmem:v62+s24+$0x0] =	vst.idx.msk $0xffff, v3  }
0x13c: {  	p3 =	seq.s32 s2, $0xF  }
.Ltmp5:
0x13d: {  	p1 =	sgt.u32 s7, $0x3E7;
	(pc) =	sbr.rel @p3 .LBB2_18-.Ltmp5, $3  }
0x13e: {  	s9 =	smul.u32 @!p1 $0x188, s7;
	_ =	sdelay $0x1  }
0x13f: {  	s12 =	simm.s32 @!p1 $0x0;
	s13 =	simm.s32 @!p1 $0xD140;
	s9 =	sadd.s32 @!p1 s6, s9  }
0x140: {  	[hbm4b:s9+s12] =	stream.linear.scatter @!p1 [tilespmem:s13], [sflag:$0xF], $0xC40, $0x38;
	[tilespmem:$0xE9C0] =	vst v63  }
0x141: {  	s7 =	sshll.u32 s7, $0x4;
	s9 =	rddreg [dreg:$0x4]  }
0x142: {  	s9 =	sadd.s32 s7, s9;
	s7 =	simm.s32 $0x0  }
0x143: {  	[tilespmem:s7], [sflag:$0x11] =	stream.linear.gather [hbm4b:s9+s7], $0x80, $0x38;
	[tilespmem:$0xE9C0] =	vst v63  }
0x144: {  	_ =	swait.ge [sflag:s10], $0x80  }
0x145: {  	[sflag:s10] =	ssyncset.done $0x0  }
0x146: {  	[sflag:s10] =	ssyncadd.s32 $0xFFFFFF80  }
0x147: {  	v3 =	vld [tilespmem:$0x40]  }
0x148: {  	v4 =	vld [tilespmem:$0x50]  }
0x149: {  	v10 =	vld [tilespmem:$0x60]  }
0x14a: {  	v11 =	vld [tilespmem:$0x70];
	_ =	sdelay $0x3  }
0x14b: {  	v5 =	vld [tilespmem:$0x0];
	v7 =	vtrunc.f32 v3;
	v8 =	vtrunc.f32 v4  }
0x14c: {  	v6 =	vld [tilespmem:$0x10];
	v12 =	vtrunc.f32 v10;
	v13 =	vtrunc.f32 v11  }
0x14d: {  	v9 =	vld [tilespmem:$0x20];
	v7 =	vcvt.f32.s32 v7;
	v8 =	vcvt.f32.s32 v8  }
0x14e: {  	s12 =	simm.s32 $0x100;
	s13 =	simm.s32 $0x0;
	s9 =	simm.s32 $0x720;
	v10 =	vld [tilespmem:$0x30];
	v11 =	vcvt.f32.s32 v12;
	v12 =	vcvt.f32.s32 v13  }
.LBB2_14:
0x14f: {  	v13 =	vmov s13  }
0x150: {  	v13 =	vcvt.s32.f32 v13;
	_ =	sdelay $0x1  }
0x151: {  	v13 =	vbroadcast v13, $0x0;
	_ =	sdelay $0x1  }
0x152: {  	v13 =	vadd.f32 v0, v13  }
0x153: {  	v14 =	vmov s7  }
0x154: {  	v14 =	vcvt.s32.f32 v14;
	v13 =	vmul.f32 v13, v9;
	_ =	sdelay $0x1  }
0x155: {  	v14 =	vbroadcast v14, $0x0;
	v13 =	vadd.f32 v13, v5;
	_ =	sdelay $0x1  }
0x156: {  	v14 =	vadd.f32 v1, v14;
	v13 =	vmax.f32 v13, $0.0e+00  }
0x157: {  	v15 =	vtrunc.f32 v13  }
0x158: {  	v14 =	vmul.f32 v14, v10;
	v15 =	vcvt.f32.s32 v15  }
0x159: {  	s14 =	simm.s32 $0x1  }
0x15a: {  	v17 =	vmov s14;
	v14 =	vadd.f32 v14, v6;
	v15 =	vcvt.s32.f32 v15  }
0x15b: {  	v17 =	vcvt.s32.f32 v17  }
0x15c: {  	v14 =	vmax.f32 v14, $0.0e+00;
	vm2 =	vle.f32 v3, v15;
	v13 =	vsub.f32 v13, v15  }
0x15d: {  	v16 =	vsel vm2, v3, v15;
	v15 =	vbroadcast v17, $0x0;
	v17 =	vtrunc.f32 v14  }
0x15e: {  	v16 =	vtrunc.f32 v16;
	v17 =	vcvt.f32.s32 v17;
	v13 =	vsel vm2, $0x0, v13  }
0x15f: {  	v16 =	vcvt.f32.s32 v16;
	v15 =	vadd.f32 v1, v15;
	v19 =	vsub.f32 $1.000000000e+00, v13  }
0x160: {  	v17 =	vcvt.s32.f32 v17  }
0x161: {  	s15 =	simm.s32 $0x2;
	v18 =	vadd.s32 $0x1, v16;
	v15 =	vmul.f32 v15, v10;
	v13 =	vsel vm0, v19, v13  }
0x162: {  	v19 =	vmov s15;
	vm2 =	vlt.s32 v18, v7;
	v14 =	vsub.f32 v14, v17  }
0x163: {  	v18 =	vsel vm2, v18, v7;
	vm2 =	vle.f32 v4, v17;
	v15 =	vadd.f32 v15, v6  }
0x164: {  	v20 =	vsel vm2, v4, v17;
	v16 =	vsel vm0, v16, v18;
	v17 =	vcvt.s32.f32 v19  }
0x165: {  	v14 =	vsel vm2, $0x0, v14;
	v18 =	vtrunc.f32 v20;
	v15 =	vmax.f32 v15, $0.0e+00  }
0x166: {  	v20 =	vsub.f32 $1.000000000e+00, v14;
	v18 =	vcvt.f32.s32 v18;
	v19 =	vtrunc.f32 v15  }
0x167: {  	v17 =	vbroadcast v17, $0x0;
	v19 =	vcvt.f32.s32 v19  }
0x168: {  	v16 =	vmul.u32 v11, v16;
	v14 =	vsel vm1, v20, v14;
	v21 =	vadd.s32 $0x1, v18  }
0x169: {  	v17 =	vadd.f32 v1, v17;
	vm2 =	vlt.s32 v21, v8;
	v19 =	vcvt.s32.f32 v19  }
0x16a: {  	v62 =	vmul.f32 v14, v13;
	v14 =	vadd.s32 v12, v16;
	v20 =	vsel vm2, v21, v8  }
0x16b: {  	s16 =	simm.s32 $0x3;
	v16 =	vmul.f32 v17, v10;
	v17 =	vsel vm1, v18, v20;
	vm2 =	vle.f32 v4, v19  }
0x16c: {  	v20 =	vmul.f32 $2.500000000e-01, v62;
	v18 =	vmov s16;
	v17 =	vadd.s32 v17, v14  }
0x16d: {  	v15 =	vsub.f32 v15, v19;
	v16 =	vadd.f32 v16, v6;
	v63 =	vsel vm2, v4, v19;
	[tilespmem:s12+$0x0] =	vst v17  }
0x16e: {  	s14 =	smov.u32 s9;
	s15 =	smov.u32 s12;
	s16 =	simm.s32 $0x4;
	v17 =	vcvt.s32.f32 v18;
	v18 =	vtrunc.f32 v63;
	[tilespmem:s9+$0x0] =	vst v20  }
.LBB2_15:
0x16f: {  	p3 =	sne.s32 s16, $0x6;
	v19 =	vmax.f32 v16, $0.0e+00;
	v16 =	vcvt.f32.s32 v18;
	v15 =	vsel vm2, $0x0, v15  }
0x170: {  	v17 =	vbroadcast v17, $0x0;
	v18 =	vtrunc.f32 v19;
	v20 =	vsub.f32 $1.000000000e+00, v15  }
0x171: {  	v18 =	vcvt.f32.s32 v18;
	v21 =	vadd.s32 $0x1, v16  }
0x172: {  	v17 =	vadd.f32 v1, v17;
	vm2 =	vlt.s32 v21, v8;
	v15 =	vsel vm1, v20, v15  }
.Ltmp6:
0x173: {  	v18 =	vcvt.s32.f32 v18;
	v20 =	vsel vm2, v21, v8;
	v15 =	vmul.f32 v15, v13;
	(pc) =	sbr.rel @p3 .LBB2_15-.Ltmp6, $4  }
0x174: {  	v21 =	vmov s16;
	v17 =	vmul.f32 v17, v10;
	v16 =	vsel vm1, v16, v20  }
0x175: {  	s15 =	sadd.s32 $0x10, s15;
	vm2 =	vle.f32 v4, v18;
	v20 =	vadd.s32 v16, v14;
	v22 =	vmul.f32 $2.500000000e-01, v15  }
0x176: {  	s14 =	sadd.s32 $0x10, s14;
	v15 =	vsub.f32 v19, v18;
	v16 =	vadd.f32 v17, v6;
	v23 =	vsel vm2, v4, v18;
	[tilespmem:s15+$0x0] =	vst v20  }
0x177: {  	s16 =	sadd.s32 $0x1, s16;
	v17 =	vcvt.s32.f32 v21;
	v18 =	vtrunc.f32 v23;
	[tilespmem:s14+$0x0] =	vst v22  }
0x178: {  	_ = 	snop  }
0x179: {  	v17 =	vbroadcast v17, $0x0;
	_ =	sdelay $0x1  }
0x17a: {  	v17 =	vadd.f32 v1, v17;
	_ =	sdelay $0x1  }
0x17b: {  	v17 =	vmul.f32 v17, v10  }
0x17c: {  	v16 =	vmax.f32 v16, $0.0e+00  }
0x17d: {  	v18 =	vcvt.f32.s32 v18;
	v19 =	vtrunc.f32 v16;
	v17 =	vadd.f32 v17, v6  }
0x17e: {  	v15 =	vsel vm2, $0x0, v15;
	v19 =	vcvt.f32.s32 v19  }
0x17f: {  	v20 =	vsub.f32 $1.000000000e+00, v15;
	v21 =	vadd.s32 $0x1, v18;
	v17 =	vmax.f32 v17, $0.0e+00  }
0x180: {  	vm2 =	vlt.s32 v21, v8;
	v19 =	vcvt.s32.f32 v19;
	v22 =	vtrunc.f32 v17  }
0x181: {  	v15 =	vsel vm1, v20, v15;
	v21 =	vsel vm2, v21, v8;
	v57 =	vcvt.f32.s32 v22  }
0x182: {  	v15 =	vmul.f32 v15, v13;
	vm2 =	vle.f32 v4, v19;
	v16 =	vsub.f32 v16, v19  }
0x183: {  	v18 =	vsel vm1, v18, v21;
	v19 =	vsel vm2, v4, v19;
	v20 =	vcvt.s32.f32 v57  }
0x184: {  	v18 =	vadd.s32 v18, v14;
	v19 =	vtrunc.f32 v19;
	v16 =	vsel vm2, $0x0, v16  }
0x185: {  	v19 =	vcvt.f32.s32 v19;
	v58 =	vsub.f32 $1.000000000e+00, v16;
	vm2 =	vle.f32 v4, v20  }
0x186: {  	v15 =	vmul.f32 $2.500000000e-01, v15;
	v17 =	vsub.f32 v17, v20;
	v20 =	vsel vm2, v4, v20  }
0x187: {  	v16 =	vsel vm1, v58, v16;
	v59 =	vadd.s32 $0x1, v19;
	v20 =	vtrunc.f32 v20  }
0x188: {  	s15 =	sadd.s32 $0x10, s15;
	v16 =	vmul.f32 v16, v13;
	v17 =	vsel vm2, $0x0, v17;
	v20 =	vcvt.f32.s32 v20  }
0x189: {  	s14 =	sadd.s32 $0x10, s14;
	[tilespmem:s15+$0x0] =	vst v18;
	vm2 =	vlt.s32 v59, v8;
	v60 =	vsub.f32 $1.000000000e+00, v17  }
0x18a: {  	s13 =	sadd.s32 $0x1, s13;
	[tilespmem:s14+$0x0] =	vst v15;
	v15 =	vmul.f32 $2.500000000e-01, v16;
	v21 =	vsel vm2, v59, v8;
	v61 =	vadd.s32 $0x1, v20  }
0x18b: {  	p3 =	sne.s32 s13, $0x7;
	v19 =	vsel vm1, v19, v21;
	v17 =	vsel vm1, v60, v17;
	vm2 =	vlt.s32 v61, v8  }
.Ltmp7:
0x18c: {  	s15 =	sadd.s32 $0x10, s15;
	v62 =	vadd.s32 v19, v14;
	v13 =	vmul.f32 v17, v13;
	v63 =	vsel vm2, v61, v8;
	(pc) =	sbr.rel @p3 .LBB2_14-.Ltmp7, $4  }
0x18d: {  	s14 =	sadd.s32 $0x10, s14;
	[tilespmem:s15+$0x0] =	vst v62;
	v16 =	vsel vm1, v20, v63  }
0x18e: {  	s15 =	sadd.s32 $0x10, s15;
	[tilespmem:s14+$0x0] =	vst v15;
	v13 =	vmul.f32 $2.500000000e-01, v13;
	v14 =	vadd.s32 v16, v14  }
0x18f: {  	s14 =	sadd.s32 $0x10, s14;
	[tilespmem:s15+$0x0] =	vst v14  }
0x190: {  	s9 =	sadd.s32 $0x70, s9;
	s12 =	sadd.s32 $0x70, s12;
	[tilespmem:s14+$0x0] =	vst v13  }
0x191: {  	s7 =	simm.s32 $0x100;
	s9 =	simm.s32 $0xD40  }
0x192: {  	[tilespmem:s9], [sflag:$0x1] =	stream.indirect.gather [hbm4b:s1+s11], $0x20, s7, s11, $0xb8;
	[tilespmem:$0xE9C0] =	vst v63  }
0x193: {  	s12 =	simm.s32 $0x1B40;
	s9 =	simm.s32 $0x170  }
0x194: {  	[tilespmem:s12], [sflag:$0x2] =	stream.indirect.gather [hbm4b:s1+s11], $0x20, s9, s11, $0xb8;
	[tilespmem:$0xE9C0] =	vst v63  }
0x195: {  	s13 =	simm.s32 $0x1E0;
	s14 =	simm.s32 $0x2940  }
0x196: {  	[tilespmem:s14], [sflag:$0x3] =	stream.indirect.gather [hbm4b:s1+s11], $0x20, s13, s11, $0xb8;
	[tilespmem:$0xE9C0] =	vst v63  }
0x197: {  	s15 =	simm.s32 $0x250;
	s16 =	simm.s32 $0x3740  }
0x198: {  	[tilespmem:s16], [sflag:$0x4] =	stream.indirect.gather [hbm4b:s1+s11], $0x20, s15, s11, $0xb8;
	[tilespmem:$0xE9C0] =	vst v63  }
0x199: {  	s9 =	simm.s32 $0x2C0;
	s12 =	simm.s32 $0x4540  }
0x19a: {  	[tilespmem:s12], [sflag:$0x5] =	stream.indirect.gather [hbm4b:s1+s11], $0x20, s9, s11, $0xb8;
	[tilespmem:$0xE9C0] =	vst v63  }
0x19b: {  	s13 =	simm.s32 $0x330;
	s14 =	simm.s32 $0x5340  }
0x19c: {  	[tilespmem:s14], [sflag:$0x6] =	stream.indirect.gather [hbm4b:s1+s11], $0x20, s13, s11, $0xb8;
	[tilespmem:$0xE9C0] =	vst v63  }
0x19d: {  	s15 =	simm.s32 $0x3A0;
	s16 =	simm.s32 $0x6140  }
0x19e: {  	[tilespmem:s16], [sflag:$0x7] =	stream.indirect.gather [hbm4b:s1+s11], $0x20, s15, s11, $0xb8;
	[tilespmem:$0xE9C0] =	vst v63  }
.LBB2_18:
0x19f: {  	s7 =	simm.s32 @p2 $0x10  }
0x1a0: {  	_ =	swait.ge @p2 [sflag:s7], $0xC40  }
0x1a1: {  	[sflag:s7] =	ssyncset.done @p2 $0x0  }
0x1a2: {  	[sflag:s7] =	ssyncadd.s32 @p2 $0xFFFFF3C0  }
0x1a3: {  	_ =	swait.ge [sflag:s25], $0xE00  }
0x1a4: {  	[sflag:s25] =	ssyncset.done $0x0  }
0x1a5: {  	[sflag:s25] =	ssyncadd.s32 $0xFFFFF200  }
0x1a6: {  	_ =	swait.ge [sflag:s8], $0xE00  }
0x1a7: {  	[sflag:s8] =	ssyncset.done $0x0  }
0x1a8: {  	[sflag:s8] =	ssyncadd.s32 $0xFFFFF200  }
0x1a9: {  	_ =	swait.ge [sflag:s26], $0xE00  }
0x1aa: {  	[sflag:s26] =	ssyncset.done $0x0  }
0x1ab: {  	[sflag:s26] =	ssyncadd.s32 $0xFFFFF200  }
0x1ac: {  	_ =	swait.ge [sflag:s28], $0xE00  }
0x1ad: {  	[sflag:s28] =	ssyncset.done $0x0  }
0x1ae: {  	[sflag:s28] =	ssyncadd.s32 $0xFFFFF200  }
0x1af: {  	_ =	swait.ge [sflag:s29], $0xE00  }
0x1b0: {  	[sflag:s29] =	ssyncset.done $0x0  }
0x1b1: {  	[sflag:s29] =	ssyncadd.s32 $0xFFFFF200  }
0x1b2: {  	_ =	swait.ge [sflag:s30], $0xE00  }
0x1b3: {  	[sflag:s30] =	ssyncset.done $0x0  }
0x1b4: {  	[sflag:s30] =	ssyncadd.s32 $0xFFFFF200  }
0x1b5: {  	_ =	swait.ge [sflag:s31], $0xE00  }
0x1b6: {  	s9 =	simm.s32 $0xA30;
	[sflag:s31] =	ssyncset.done $0x0  }
0x1b7: {  	s12 =	simm.s32 $0x6F40;
	s7 =	simm.s32 $0x0;
	[sflag:s31] =	ssyncadd.s32 $0xFFFFF200  }
.LBB2_19:
0x1b8: {  	v3 =	vld [tilespmem:s9+$0x0]  }
0x1b9: {  	v4 =	vld [tilespmem:s12+$0x0]  }
0x1ba: {  	v5 =	vld [tilespmem:s12+$0x10]  }
0x1bb: {  	v8 =	vld [tilespmem:s12+$0x20]  }
0x1bc: {  	v10 =	vld [tilespmem:s12+$0x30]  }
0x1bd: {  	v11 =	vld [tilespmem:s12+$0x40]  }
0x1be: {  	v13 =	vld [tilespmem:s12+$0x50]  }
0x1bf: {  	v16 =	vld [tilespmem:s12+$0x60];
	v6 =	vbroadcast v3, $0x0  }
0x1c0: {  	v17 =	vld [tilespmem:s12+$0x70];
	v7 =	vunpack.i.l.bf16.f32 v4;
	v4 =	vunpack.i.u.bf16.f32 v4;
	v9 =	vunpack.i.l.bf16.f32 v5  }
0x1c1: {  	v44 =	vld [tilespmem:s12+$0x80];
	v5 =	vunpack.i.u.bf16.f32 v5;
	v39 =	vbroadcast v3, $0x1;
	v12 =	vunpack.i.u.bf16.f32 v8  }
0x1c2: {  	v48 =	vld [tilespmem:s12+$0x90];
	v8 =	vunpack.i.l.bf16.f32 v8;
	v14 =	vunpack.i.u.bf16.f32 v10;
	v10 =	vunpack.i.l.bf16.f32 v10  }
0x1c3: {  	v15 =	vbroadcast v3, $0x2;
	v40 =	vunpack.i.l.bf16.f32 v11;
	v11 =	vunpack.i.u.bf16.f32 v11  }
0x1c4: {  	v50 =	vld [tilespmem:s12+$0xA0];
	v41 =	vunpack.i.l.bf16.f32 v13;
	v13 =	vunpack.i.u.bf16.f32 v13;
	v18 =	vbroadcast v3, $0x3  }
0x1c5: {  	v43 =	vunpack.i.l.bf16.f32 v16;
	v45 =	vunpack.i.u.bf16.f32 v16;
	v47 =	vunpack.i.l.bf16.f32 v17  }
0x1c6: {  	v55 =	vld [tilespmem:s12+$0xB0];
	v49 =	vunpack.i.u.bf16.f32 v17;
	v52 =	vbroadcast v3, $0x4;
	v53 =	vunpack.i.u.bf16.f32 v44  }
0x1c7: {  	v20 =	vld [tilespmem:s12+$0xC0];
	v56 =	vunpack.i.u.bf16.f32 v48;
	v19 =	vbroadcast v3, $0x5;
	v63 =	vbroadcast v3, $0x6  }
0x1c8: {  	v16 =	vunpack.i.l.bf16.f32 v48;
	v30 =	vbroadcast v3, $0x7;
	v36 =	vbroadcast v3, $0x8  }
0x1c9: {  	v60 =	vld [tilespmem:s12+$0xD0];
	v57 =	vunpack.i.l.bf16.f32 v50;
	v7 =	vmul.f32 v7, v6;
	v4 =	vmul.f32 v4, v6  }
0x1ca: {  	v23 =	vld [tilespmem:s12+$0xE0];
	v59 =	vunpack.i.u.bf16.f32 v50;
	v9 =	vmul.f32 v9, v6;
	v5 =	vmul.f32 v5, v6  }
0x1cb: {  	v62 =	vunpack.i.l.bf16.f32 v55;
	v8 =	vmul.f32 v8, v39;
	v12 =	vmul.f32 v12, v39  }
0x1cc: {  	v28 =	vld [tilespmem:s12+$0x100];
	v22 =	vunpack.i.l.bf16.f32 v20;
	v10 =	vmul.f32 v10, v39;
	v6 =	vmul.f32 v14, v39  }
0x1cd: {  	v27 =	vld [tilespmem:s12+$0xF0];
	v24 =	vunpack.i.u.bf16.f32 v20;
	v14 =	vmul.f32 v40, v15;
	v11 =	vmul.f32 v11, v15  }
0x1ce: {  	v26 =	vunpack.i.l.bf16.f32 v60;
	v42 =	vmul.f32 v13, v15;
	v13 =	vmul.f32 v43, v18  }
0x1cf: {  	v34 =	vld [tilespmem:s12+$0x110];
	v31 =	vunpack.i.u.bf16.f32 v23;
	v46 =	vmul.f32 v45, v18;
	v51 =	vmul.f32 v49, v18  }
0x1d0: {  	v32 =	vunpack.i.l.bf16.f32 v23;
	v16 =	vmul.f32 v16, v52;
	v58 =	vmul.f32 v57, v19  }
0x1d1: {  	v38 =	vld [tilespmem:s12+$0x120];
	v37 =	vunpack.i.l.bf16.f32 v28;
	v61 =	vmul.f32 v59, v19;
	v25 =	vmul.f32 v24, v63  }
0x1d2: {  	v35 =	vunpack.i.u.bf16.f32 v27;
	v48 =	vld [tilespmem:s12+$0x140];
	v33 =	vmul.f32 v32, v30;
	v39 =	vmul.f32 v37, v36  }
0x1d3: {  	v40 =	vunpack.i.u.bf16.f32 v28;
	v7 =	vadd.f32 $0.0e+00, v7;
	v4 =	vadd.f32 $0.0e+00, v4  }
0x1d4: {  	v43 =	vunpack.i.l.bf16.f32 v34;
	v9 =	vadd.f32 $0.0e+00, v9;
	v5 =	vadd.f32 $0.0e+00, v5  }
0x1d5: {  	v45 =	vbroadcast v3, $0x9;
	v8 =	vadd.f32 $0.0e+00, v8;
	v12 =	vadd.f32 $0.0e+00, v12  }
0x1d6: {  	v49 =	vunpack.i.u.bf16.f32 v38;
	v10 =	vadd.f32 $0.0e+00, v10;
	v6 =	vadd.f32 $0.0e+00, v6  }
0x1d7: {  	v50 =	vmul.f32 v49, v45;
	v57 =	vunpack.i.l.bf16.f32 v48;
	v7 =	vadd.f32 v14, v7  }
0x1d8: {  	v59 =	vld [tilespmem:s12+$0x170];
	v14 =	vmul.f32 v41, v15;
	v4 =	vadd.f32 v11, v4;
	v5 =	vadd.f32 v42, v5  }
0x1d9: {  	v8 =	vadd.f32 v13, v8;
	v11 =	vadd.f32 v46, v12;
	v15 =	vunpack.i.l.bf16.f32 v44  }
0x1da: {  	v6 =	vadd.f32 v51, v6;
	v13 =	vmul.f32 v56, v52;
	v42 =	vmul.f32 v40, v36  }
0x1db: {  	v44 =	vunpack.i.u.bf16.f32 v34;
	v56 =	vunpack.i.u.bf16.f32 v48;
	v54 =	vmul.f32 v15, v52  }
0x1dc: {  	v15 =	vunpack.i.u.bf16.f32 v55;
	v46 =	vmul.f32 v44, v36;
	v55 =	vbroadcast v3, $0xA  }
0x1dd: {  	v24 =	vunpack.i.l.bf16.f32 v59;
	v9 =	vadd.f32 v14, v9;
	v14 =	vmul.f32 v47, v18  }
0x1de: {  	v5 =	vadd.f32 v13, v5;
	v8 =	vadd.f32 v58, v8;
	v13 =	vmul.f32 v62, v19  }
0x1df: {  	v41 =	vld [tilespmem:s12+$0x130];
	v11 =	vadd.f32 v61, v11;
	v21 =	vmul.f32 v15, v19;
	v15 =	vmul.f32 v22, v63  }
0x1e0: {  	v40 =	vld [tilespmem:s12+$0x1D0];
	v18 =	vunpack.i.l.bf16.f32 v27;
	v47 =	vunpack.i.l.bf16.f32 v38;
	v61 =	vbroadcast v3, $0xB  }
0x1e1: {  	s13 =	sadd.s32 $0x310, s7;
	v7 =	vadd.f32 v54, v7;
	v18 =	vmul.f32 v18, v30;
	v58 =	vmul.f32 v57, v55  }
0x1e2: {  	v57 =	vadd.s32 s13, v2;
	v10 =	vadd.f32 v14, v10;
	v9 =	vadd.f32 v16, v9  }
0x1e3: {  	v22 =	vld [tilespmem:s12+$0x190];
	v14 =	vmul.f32 v53, v52;
	v6 =	vadd.f32 v21, v6;
	v8 =	vadd.f32 v33, v8  }
0x1e4: {  	v7 =	vadd.f32 v15, v7;
	v15 =	vmul.f32 v47, v45;
	v51 =	vunpack.i.l.bf16.f32 v41  }
0x1e5: {  	v48 =	vunpack.i.l.bf16.f32 v40;
	v4 =	vadd.f32 v14, v4;
	v10 =	vadd.f32 v13, v10  }
0x1e6: {  	v52 =	vld [tilespmem:s12+$0x150];
	v14 =	vunpack.i.u.bf16.f32 v60;
	v13 =	vmul.f32 v26, v63;
	v26 =	vbroadcast v3, $0xC  }
0x1e7: {  	v53 =	vld [tilespmem:s12+$0x160];
	v49 =	vunpack.i.u.bf16.f32 v40;
	v29 =	vmul.f32 v14, v63;
	v14 =	vmul.f32 v35, v30  }
0x1e8: {  	v7 =	vadd.f32 v39, v7;
	v8 =	vadd.f32 v15, v8;
	v32 =	vunpack.i.l.bf16.f32 v22  }
0x1e9: {  	s16 =	sadd.s32 $0x930, s7;
	v33 =	vld [tilespmem:s12+$0x1B0];
	v4 =	vadd.f32 v25, v4;
	v9 =	vadd.f32 v13, v9;
	v13 =	vmul.f32 v31, v30  }
0x1ea: {  	v44 =	vld [tilespmem:s12+$0x1E0];
	v10 =	vadd.f32 v18, v10;
	v25 =	vunpack.i.u.bf16.f32 v59;
	v59 =	vadd.s32 s16, v2  }
0x1eb: {  	v5 =	vadd.f32 v29, v5;
	v6 =	vadd.f32 v14, v6;
	v14 =	vunpack.i.u.bf16.f32 v41  }
0x1ec: {  	v60 =	vunpack.i.u.bf16.f32 v52;
	v18 =	vunpack.i.l.bf16.f32 v52;
	v62 =	vunpack.i.l.bf16.f32 v53  }
0x1ed: {  	v34 =	vld [tilespmem:s12+$0x1C0];
	v7 =	vadd.f32 v58, v7;
	v21 =	vunpack.i.u.bf16.f32 v53;
	v27 =	vmul.f32 v25, v61  }
0x1ee: {  	v41 =	vunpack.i.u.bf16.f32 v33;
	v11 =	vadd.f32 v13, v11;
	v13 =	vmul.f32 v43, v36  }
0x1ef: {  	s15 =	sadd.s32 $0x620, s7;
	v52 =	vunpack.i.l.bf16.f32 v44;
	v54 =	vmul.f32 v14, v45;
	v18 =	vmul.f32 v18, v55  }
0x1f0: {  	v63 =	vld [tilespmem:s12+$0x180];
	v58 =	vadd.s32 s15, v2;
	v14 =	vmul.f32 v60, v55;
	v17 =	vmul.f32 v62, v61  }
0x1f1: {  	v4 =	vadd.f32 v42, v4;
	v23 =	vmul.f32 v21, v61;
	v36 =	vbroadcast v3, $0xD  }
0x1f2: {  	v42 =	vbroadcast v3, $0xE;
	v43 =	vunpack.i.l.bf16.f32 v34;
	v3 =	vbroadcast v3, $0xF  }
0x1f3: {  	v5 =	vadd.f32 v46, v5;
	v46 =	vunpack.i.u.bf16.f32 v34;
	v9 =	vadd.f32 v13, v9  }
0x1f4: {  	v13 =	vmul.f32 v51, v45;
	v11 =	vadd.f32 v50, v11;
	v6 =	vadd.f32 v54, v6  }
0x1f5: {  	v8 =	vadd.f32 v17, v8;
	v28 =	vunpack.i.l.bf16.f32 v63;
	v30 =	vunpack.i.u.bf16.f32 v63  }
0x1f6: {  	v29 =	vld [tilespmem:s12+$0x1A0];
	v45 =	vmul.f32 v43, v42;
	v47 =	vmul.f32 v46, v42;
	v51 =	vunpack.i.u.bf16.f32 v44  }
0x1f7: {  	v53 =	vmul.f32 v52, v3;
	v5 =	vadd.f32 v14, v5;
	v15 =	vmul.f32 v28, v26  }
0x1f8: {  	v31 =	vmul.f32 v30, v26;
	v14 =	vunpack.i.u.bf16.f32 v22;
	v16 =	vmul.f32 v51, v3  }
0x1f9: {  	v10 =	vadd.f32 v13, v10;
	v13 =	vmul.f32 v56, v55;
	v9 =	vadd.f32 v18, v9  }
0x1fa: {  	v11 =	vadd.f32 v23, v11;
	v6 =	vadd.f32 v27, v6;
	v35 =	vmul.f32 v14, v26  }
0x1fb: {  	v37 =	vunpack.i.u.bf16.f32 v29;
	v38 =	vunpack.i.l.bf16.f32 v29;
	v18 =	vunpack.i.l.bf16.f32 v33  }
0x1fc: {  	v14 =	vmul.f32 v41, v36;
	v56 =	vadd.s32 s7, v2;
	v7 =	vadd.f32 v15, v7  }
0x1fd: {  	v50 =	vld [tilespmem:s12+$0x1F0];
	v39 =	vmul.f32 v38, v36;
	v4 =	vadd.f32 v13, v4;
	v13 =	vmul.f32 v24, v61  }
0x1fe: {  	v18 =	vmul.f32 v18, v36;
	v15 =	vand.u32 $0x7FF, v57;
	v5 =	vadd.f32 v35, v5  }
0x1ff: {  	v6 =	vadd.f32 v14, v6;
	v10 =	vadd.f32 v13, v10;
	v13 =	vmul.f32 v32, v26  }
0x200: {  	v14 =	vmul.f32 v49, v42;
	v15 =	vadd.s32 $0xC40, v15;
	v61 =	vand.u32 $0xFFF, v59  }
0x201: {  	v8 =	vadd.f32 v39, v8;
	v9 =	vadd.f32 v13, v9;
	v13 =	vmul.f32 v37, v36  }
0x202: {  	v7 =	vadd.f32 v45, v7;
	v54 =	vunpack.i.u.bf16.f32 v50;
	v55 =	vunpack.i.l.bf16.f32 v50  }
0x203: {  	v4 =	vadd.f32 v31, v4;
	v11 =	vadd.f32 v13, v11;
	v13 =	vmul.f32 v48, v42  }
0x204: {  	v5 =	vadd.f32 v14, v5;
	v14 =	vand.u32 $0x7FF, v56;
	v8 =	vadd.f32 v53, v8  }
0x205: {  	v14 =	vadd.s32 $0xC40, v14;
	v10 =	vadd.f32 v18, v10;
	v9 =	vadd.f32 v13, v9  }
0x206: {  	v11 =	vadd.f32 v16, v11;
	v13 =	vmul.f32 v55, v3;
	v16 =	vand.u32 $0xFFF, v58  }
0x207: {  	v4 =	vadd.f32 v47, v4;
	v3 =	vmul.f32 v54, v3;
	v60 =	vadd.s32 $0xC40, v16  }
0x208: {  	p2 =	sne.s32 s7, $0x30;
	v62 =	vadd.s32 $0xC40, v61;
	v7 =	vadd.f32 v8, v7;
	v10 =	vadd.f32 v13, v10  }
.Ltmp8:
0x209: {  	v3 =	vadd.f32 v3, v6;
	v4 =	vadd.f32 v11, v4;
	(pc) =	sbr.rel @p2 .LBB2_19-.Ltmp8, $4  }
0x20a: {  	[tilespmem:v14+s24+$0x0] =	vst.idx.msk $0xffff, v7;
	v63 =	vadd.f32 v10, v9  }
0x20b: {  	[tilespmem:v15+s24+$0x0] =	vst.idx.msk $0xffff, v4;
	v3 =	vadd.f32 v3, v5  }
0x20c: {  	[tilespmem:v60+s24+$0x0] =	vst.idx.msk $0xffff, v63  }
0x20d: {  	s9 =	sadd.s32 $0x10, s9;
	s12 =	sadd.s32 $0x200, s12;
	s7 =	sadd.s32 $0x1, s7;
	[tilespmem:v62+s24+$0x0] =	vst.idx.msk $0xffff, v3  }
0x20e: {  	s3 =	smul.u32 @!p1 $0x188, s3  }
0x20f: {  	s7 =	simm.s32 @!p1 $0x0  }
0x210: {  	s9 =	simm.s32 @!p1 $0xDD80;
	s2 =	sadd.s32 $0x1, s2;
	s3 =	sadd.s32 @!p1 s6, s3  }
0x211: {  	[hbm4b:s3+s7] =	stream.linear.scatter @!p1 [tilespmem:s9], [sflag:$0x10], $0xC40, $0x38;
	[tilespmem:$0xE9C0] =	vst v63  }
0x212: {  	p1 =	sne.s32 s2, $0x10  }
.Ltmp9:
0x213: {  	_ = 	snop;
	(pc) =	sbr.rel @p1 .LBB2_6-.Ltmp9, $1  }
0x214: {  	_ =	sdelay $0x3  }
0x215: {  	s0 =	simm.s32 @!p0 $0xF  }
0x216: {  	_ =	swait.ge @!p0 [sflag:s0], $0xC40  }
0x217: {  	[sflag:s0] =	ssyncset.done @!p0 $0x0  }
0x218: {  	[sflag:s0] =	ssyncadd.s32 @!p0 $0xFFFFF3C0;
	s0 =	simm.s32 @!p0 $0x10  }
0x219: {  	_ =	swait.ge @!p0 [sflag:s0], $0xC40  }
0x21a: {  	s3 =	rddreg [dreg:$0x6]  }
0x21b: {  	s2 =	rddreg [dreg:$0x5];
	s3 =	sadd.s32 $0x1, s3  }
0x21c: {  	p1 =	sne.s32 s3, s2  }
.Ltmp10:
0x21d: {  	_ = 	snop;
	(pc) =	sbr.rel @p1 .LBB2_1-.Ltmp10, $3  }
0x21e: {  	_ =	sdelay $0x1  }
0x21f: {  	[sflag:s0] =	ssyncset.done @!p0 $0x0  }
0x220: {  	[sflag:s0] =	ssyncadd.s32 @!p0 $0xFFFFF3C0  }
0x221: {  	_ =	sfence.sel $0x180000  }
0x222: {  	[bflag:$0x0] =	sbarrier.arrive $0xFFFF  }
0x223: {  	_ =	strace $0x90000047  }
0x224: {  	s0 =	stileid.u32;
	[bflag:$0x2] =	sbarrier.arrive $0xFFFF  }
0x225: {  	p0 =	sne.s32 s0, $0x0;
	s0 =	rddreg [dreg:$0x2]  }
0x226: {  	s0 =	sadd.s32 @!p0 $0x100000, s0  }
0x227: {  	[sflag:s0] =	ssyncadd.tile.s32 @!p0 $0x1;
	_ =	shalt  }
.Lfunc_end2:
_tile_overlayer_lowered:
.L_overlay_start_2:
0x228: {  	(tag) =	ssettag $0x2  }
0x229: {  	s0 =	rddreg [dreg:$0x0];
	s2 =	stileid.u32  }
0x22a: {  	s1 =	rddreg [dreg:$0x1];
	p0 =	sne.s32 s2, $0x0  }
0x22b: {  	s3 =	rddreg [dreg:$0x2];
	[bflag:$0x3] =	sbarrier.arrive $0xFFFF;
	s2 =	simm.s32 @!p0 $0x1C11  }
0x22c: {  	[timem:s3], [sflag:s2] =	dma.local @!p0 [hbm:s0], s1  }
0x22d: {  	s0 =	simm.s32 @!p0 $0x11  }
0x22e: {  	_ =	swait.ge @!p0 [sflag:s0], s1  }
0x22f: {  	s1 =	ssub.s32 @!p0 $0x0, s1;
	[sflag:s0] =	ssyncset.done @!p0 $0x0  }
0x230: {  	[sflag:s0] =	ssyncadd.s32 @!p0 s1  }
0x231: {  	[bflag:$0x3] =	sbarrier.arrive $0xFFFF  }
0x232: {  	_ =	shalt  }

</sc_bundles>
